<compile_context>
chip_gen: v7x
topology: tpu7x:2x2x1
jax: 0.10.2.dev20260603
libtpu: 0.0.44.dev20260713+nightly
codegen_flags: <defaults>
</compile_context>

<pallas_src>
import functools

import jax
import jax.numpy as jnp
import ml_dtypes
import numpy as np
from jax import lax
from jax.experimental import pallas as pl
from jax.experimental.pallas import tpu as pltpu
from jax.experimental.pallas import tpu_sc as plsc

_POLAR = (64, 1024)
_CART = (512, 512)
_CDGS = 3.0
_B, _C = 4, 32

_PLANES = _B * _C
_QN = 256 * 256
_WW = 264
_WEDGE = _POLAR[0] * _WW
_BOXW = 16
_BOX = _BOXW * _BOXW
_PAD = 272
_TW = _WEDGE + _BOX + _PAD
_WC0 = (760, 504, 0, 256)

_K = 2048
_ROWS = _K // 256
_NCHUNK = _QN // _K
_PPASS = 4
_NPASS = 4


def _build_static():
    yy_org, xx_org = np.meshgrid(np.arange(_CART[0]), np.arange(_CART[1]),
                                 indexing='ij')
    yy = (yy_org - _CART[0] / 2.0 + 0.5).astype(np.float32)
    xx = (xx_org - _CART[1] / 2.0 + 0.5).astype(np.float32)
    depth = np.sqrt(xx ** 2 + yy ** 2)
    phi = np.pi - np.arctan2(yy, xx)
    index_y = depth / (_CART[0] / 2.0 * np.sqrt(2.0)) * (_POLAR[0] + _CDGS) - _CDGS
    index_x = phi / np.pi / 2.0 * _POLAR[1]
    mask = index_y > 0
    gx = (index_x / _POLAR[1] * 2.0 - 1.0).astype(np.float32)
    gy = (-(index_y / _POLAR[0] * 2.0 - 1.0)).astype(np.float32)
    ix = ((gx + np.float32(1.0)) * np.float32(0.5) * np.float32(_POLAR[1] - 1))
    iy = ((gy + np.float32(1.0)) * np.float32(0.5) * np.float32(_POLAR[0] - 1))
    ix0 = np.floor(ix)
    iy0 = np.floor(iy)
    wx0 = (np.float32(1.0) - (ix - ix0)).astype(np.float32)
    wy0 = (np.float32(1.0) - (iy - iy0)).astype(np.float32)

    stream = np.empty((4, _NCHUNK, 2, _K), np.int32)
    for q in range(4):
        r0, c0 = (q // 2) * 256, (q % 2) * 256
        sl = (slice(r0, r0 + 256), slice(c0, c0 + 256))
        wix0 = ix0[sl] - _WC0[q]
        m = mask[sl]
        assert wix0[m].min() >= 0 and wix0[m].max() + 1 < _WW
        idx = (iy0[sl].astype(np.int64) * _WW + wix0.astype(np.int64)).astype(np.int32)
        by0, bx0 = 240 if q < 2 else 256, 240 if q % 2 == 0 else 256
        box_idx = (_WEDGE + (yy_org[sl] - by0) * _BOXW
                   + (xx_org[sl] - bx0)).astype(np.int32)
        idx = np.where(m, idx, box_idx).reshape(-1)
        wxq = np.where(m, wx0[sl], np.float32(1.0)).reshape(-1).astype(np.float32)
        wyq = np.where(m, wy0[sl], np.float32(1.0)).reshape(-1).astype(np.float32)
        wxb = wxq.astype(ml_dtypes.bfloat16).view(np.uint16).astype(np.uint32)
        wyb = wyq.astype(ml_dtypes.bfloat16).view(np.uint16).astype(np.uint32)
        w = ((wxb << 16) | wyb).view(np.int32)
        stream[q, :, 0, :] = idx.reshape(-1, _K)
        stream[q, :, 1, :] = w.reshape(-1, _K)
    return stream.reshape(4 * _NCHUNK, 2 * _K)


_STREAM_NP = _build_static()


@functools.cache
def _make_sc_resample():
    mesh = plsc.VectorSubcoreMesh(core_axis_name="c", subcore_axis_name="s")
    return functools.partial(
        pl.kernel,
        mesh=mesh,
        out_type=jax.ShapeDtypeStruct((_PLANES, _CART[0], _CART[1]), jnp.float32),
        scratch_types=[
            [pltpu.VMEM((_TW,), jnp.float32) for _ in range(_PPASS)],
            [pltpu.VMEM((2 * _K,), jnp.int32) for _ in range(2)],
            [[pltpu.VMEM((_ROWS, 256), jnp.float32) for _ in range(2)]
             for _ in range(_PPASS)],
            [pltpu.SemaphoreType.DMA for _ in range(2)],
            [pltpu.SemaphoreType.DMA for _ in range(2)],
            pltpu.SemaphoreType.DMA,
        ],
        compiler_params=pltpu.CompilerParams(needs_layout_passes=False),
    )(_sc_resample_body)


def _sc_resample_body(polar_hbm, ref_hbm, stream_hbm, out_hbm,
                      tables_v, inbufs_v, obufs_v, sem_in, sem_out, sem_tab):
    wid = lax.axis_index("s") * 2 + lax.axis_index("c")
    q = wid % 4
    grp = wid // 4
    qr0 = (q // 2) * 256
    qc0 = (q % 2) * 256
    wc0 = jnp.where(q == 0, _WC0[0],
                    jnp.where(q == 1, _WC0[1],
                              jnp.where(q == 2, _WC0[2], _WC0[3])))
    by0 = jnp.where(q < 2, 240, 256)
    bx0 = jnp.where(q % 2 == 0, 240, 256)

    zeros = jnp.zeros((16,), jnp.float32)
    for t in range(_PPASS):
        def zbody(i, carry, t=t):
            tables_v[t][pl.ds(_WEDGE + _BOX + i * 16, 16)] = zeros
            return carry
        lax.fori_loop(0, _PAD // 16, zbody, 0)

    def start_in(cix, b):
        pltpu.async_copy(stream_hbm.at[q * _NCHUNK + cix], inbufs_v[b],
                         sem_in[b])

    def wait_in(b):
        pltpu.make_async_copy(stream_hbm.at[0], inbufs_v[b], sem_in[b]).wait()

    def drain_out(b):
        for t in range(_PPASS):
            pltpu.make_async_copy(
                out_hbm.at[0, pl.ds(0, _ROWS), pl.ds(0, 256)],
                obufs_v[t][b], sem_out[b]).wait()

    def pass_body(ps, carry):
        pbase = grp * (_PPASS * _NPASS) + ps * _PPASS
        for t in range(_PPASS):
            pb = (pbase + t) * (_POLAR[0] * _POLAR[1])
            rb = (pbase + t) * (_CART[0] * _CART[1])

            def trow(r, carry2, t=t, pb=pb):
                pltpu.async_copy(
                    polar_hbm.at[pl.ds(pb + r * _POLAR[1] + wc0, _WW)],
                    tables_v[t].at[pl.ds(r * _WW, _WW)], sem_tab)
                return carry2
            lax.fori_loop(0, _POLAR[0], trow, 0)

            def brow(dy, carry2, t=t, rb=rb):
                pltpu.async_copy(
                    ref_hbm.at[pl.ds(rb + (by0 + dy) * _CART[1] + bx0, _BOXW)],
                    tables_v[t].at[pl.ds(_WEDGE + dy * _BOXW, _BOXW)], sem_tab)
                return carry2
            lax.fori_loop(0, _BOXW, brow, 0)

        start_in(0, 0)
        start_in(1, 1)

        def tdrain(i, carry2):
            pltpu.make_async_copy(polar_hbm.at[pl.ds(0, _WW)],
                                  tables_v[0].at[pl.ds(0, _WW)], sem_tab).wait()
            return carry2
        lax.fori_loop(0, _PPASS * _POLAR[0], tdrain, 0)

        def bdrain(i, carry2):
            pltpu.make_async_copy(ref_hbm.at[pl.ds(0, _BOXW)],
                                  tables_v[0].at[pl.ds(0, _BOXW)], sem_tab).wait()
            return carry2
        lax.fori_loop(0, _PPASS * _BOXW, bdrain, 0)

        def chunk_pair_body(half, carry2):
            for b in range(2):
                cix = half * 2 + b
                wait_in(b)
                pl.when(cix >= 2)(lambda b=b: drain_out(b))
                inbuf = inbufs_v[b]
                y0 = qr0 + cix * _ROWS
                for t in range(_PPASS):
                    table_v = tables_v[t]
                    ob_v = obufs_v[t][b]

                    @plsc.parallel_loop(0, _K, 16, unroll=8)
                    def px_body(o):
                        idx = inbuf[pl.ds(o, 16)]
                        w = inbuf[pl.ds(_K + o, 16)]
                        v00 = plsc.load_gather(table_v, [idx])
                        v01 = plsc.load_gather(table_v, [idx + 1])
                        v10 = plsc.load_gather(table_v, [idx + _WW])
                        v11 = plsc.load_gather(table_v, [idx + (_WW + 1)])
                        wx0 = plsc.bitcast(
                            jnp.bitwise_and(w, jnp.int32(-65536)), jnp.float32)
                        wy0 = plsc.bitcast(lax.shift_left(w, 16), jnp.float32)
                        wx1 = 1.0 - wx0
                        wy1 = 1.0 - wy0
                        r = (wy0 * (wx0 * v00 + wx1 * v01)
                             + wy1 * (wx0 * v10 + wx1 * v11))
                        ob_v[o // 256, pl.ds(o % 256, 16)] = r

                    pltpu.async_copy(
                        ob_v,
                        out_hbm.at[pbase + t, pl.ds(y0, _ROWS), pl.ds(qc0, 256)],
                        sem_out[b])
                pl.when(cix + 2 < _NCHUNK)(lambda cix=cix, b=b: start_in(cix + 2, b))
            return carry2

        lax.fori_loop(0, _NCHUNK // 2, chunk_pair_body, 0)
        drain_out(0)
        drain_out(1)
        return carry

    lax.fori_loop(0, _NPASS, pass_body, 0)


def kernel(polar_feat, ref_feat):
    polar1 = polar_feat.reshape(-1)
    ref1 = ref_feat.reshape(-1)
    stream = jnp.asarray(_STREAM_NP)
    out = _make_sc_resample()(polar1, ref1, stream)
    return out.reshape(_B, _C, _CART[0], _CART[1])

# --- scband reference (transcript-rebuilt; emitter-appended) ---
"""Pipeline reference for scband-polar2-cart-7043746365525 (READ-ONLY COPY).

The authoritative reference and input builder live on the scoring server;
editing this copy changes nothing except your own understanding.
"""

import jax, jax.numpy as jnp
import numpy as np

POLAR = (64, 1024)
CART = (512, 512)
CDGS = 3.0
MAX_BATCH = 8
B, C = 4, 32


def _build_buffers():
    yy_org, xx_org = np.meshgrid(np.arange(CART[0]), np.arange(CART[1]), indexing='ij')
    yy = (yy_org - CART[0] / 2.0 + 0.5).astype(np.float32)
    xx = (xx_org - CART[1] / 2.0 + 0.5).astype(np.float32)
    depth = np.sqrt(xx ** 2 + yy ** 2)
    phi = np.pi - np.arctan2(yy, xx)
    index_y = depth / (CART[0] / 2.0 * np.sqrt(2.0)) * (POLAR[0] + CDGS) - CDGS
    index_x = phi / np.pi / 2.0 * POLAR[1]
    mask = (index_y > 0).reshape(-1)
    index_y = index_y / POLAR[0] * 2.0 - 1.0
    index_x = index_x / POLAR[1] * 2.0 - 1.0
    grid = np.stack((index_x, -index_y), axis=-1).reshape(-1, 2)[mask].astype(np.float32)
    xy = np.stack((yy_org, xx_org), axis=-1).reshape(-1, 2)[mask].astype(np.int64)
    return grid, xy

_GRID, _XY = _build_buffers()


def _grid_sample_1col(im, gx, gy):
    # im: [C, H, W]; gx, gy: [N]; bilinear, padding_mode='zeros', align_corners=True
    Cc, H, W = im.shape
    ix = (gx + 1.0) * 0.5 * (W - 1)
    iy = (gy + 1.0) * 0.5 * (H - 1)
    ix0 = jnp.floor(ix)
    iy0 = jnp.floor(iy)
    ix1 = ix0 + 1.0
    iy1 = iy0 + 1.0
    wx1 = ix - ix0
    wx0 = 1.0 - wx1
    wy1 = iy - iy0
    wy0 = 1.0 - wy1

    def corner(ixq, iyq, w):
        valid = (ixq >= 0) & (ixq <= W - 1) & (iyq >= 0) & (iyq <= H - 1)
        ixc = jnp.clip(ixq, 0, W - 1).astype(jnp.int32)
        iyc = jnp.clip(iyq, 0, H - 1).astype(jnp.int32)
        v = im[:, iyc, ixc]  # [C, N] gather
        return v * (w * valid.astype(im.dtype))[None, :]

    out = (corner(ix0, iy0, wx0 * wy0) + corner(ix1, iy0, wx1 * wy0)
           + corner(ix0, iy1, wx0 * wy1) + corner(ix1, iy1, wx1 * wy1))
    return out  # [C, N]


def setup_inputs(seed: int = 0) -> dict:
    key = jax.random.key(seed)
    k1, k2 = jax.random.split(key)
    polar_feat = jax.random.normal(k1, (B, C, POLAR[0], POLAR[1]), dtype=jnp.float32)
    ref_feat = jax.random.normal(k2, (B, C, CART[0], CART[1]), dtype=jnp.float32)
    return {"polar_feat": polar_feat, "ref_feat": ref_feat}


def reference(polar_feat, ref_feat):
    grid = jnp.asarray(_GRID)
    xy = jnp.asarray(_XY)
    gx = grid[:, 0]
    gy = grid[:, 1]
    bsz = ref_feat.shape[0]
    ch = ref_feat.shape[1]
    # bilinear grid_sample of polar features at masked cartesian locations
    sampled = jax.vmap(lambda im: _grid_sample_1col(im, gx, gy))(polar_feat)  # [B, C, N]
    # matches torch: grid_sample(...)->[B,C,N,1].permute(0,2,1,3).reshape(-1,C)
    vals = jnp.transpose(sampled, (0, 2, 1)).reshape(-1, ch)  # [B*N, C]
    n = xy.shape[0]
    b_idx = jnp.repeat(jnp.arange(bsz), n)
    y_idx = jnp.tile(xy[:, 0], bsz)
    x_idx = jnp.tile(xy[:, 1], bsz)
    # scatter-overwrite into the cartesian feature map
    grid_feat = ref_feat.at[b_idx, :, y_idx, x_idx].set(vals)
    return grid_feat

if __name__ == "__main__":
    import jax
    _d = setup_inputs()
    print(jax.jit(kernel)(*tuple(_d.values())))

</pallas_src>

<mosaic_0001>
#map = affine_map<(d0, d1) -> (0)>
#map1 = affine_map<(d0, d1) -> (0, 0)>
#map2 = affine_map<(d0, d1) -> (0, 0, 0)>
module attributes {stable_mosaic.version = 14 : i64} {
  func.func @_sc_resample_body(%arg0: i32, %arg1: i32, %arg2: memref<8388608xf32, #tpu.memory_space<hbm>>, %arg3: memref<33554432xf32, #tpu.memory_space<hbm>>, %arg4: memref<128x4096xi32, #tpu.memory_space<hbm>>, %arg5: memref<128x512x512xf32, #tpu.memory_space<hbm>>, %arg6: memref<17424xf32, #tpu.memory_space<vmem>>, %arg7: memref<17424xf32, #tpu.memory_space<vmem>>, %arg8: memref<17424xf32, #tpu.memory_space<vmem>>, %arg9: memref<17424xf32, #tpu.memory_space<vmem>>, %arg10: memref<4096xi32, #tpu.memory_space<vmem>>, %arg11: memref<4096xi32, #tpu.memory_space<vmem>>, %arg12: memref<8x256xf32, #tpu.memory_space<vmem>>, %arg13: memref<8x256xf32, #tpu.memory_space<vmem>>, %arg14: memref<8x256xf32, #tpu.memory_space<vmem>>, %arg15: memref<8x256xf32, #tpu.memory_space<vmem>>, %arg16: memref<8x256xf32, #tpu.memory_space<vmem>>, %arg17: memref<8x256xf32, #tpu.memory_space<vmem>>, %arg18: memref<8x256xf32, #tpu.memory_space<vmem>>, %arg19: memref<8x256xf32, #tpu.memory_space<vmem>>, %arg20: memref<!tpu.dma_semaphore, #tpu.memory_space<semaphore_mem>>, %arg21: memref<!tpu.dma_semaphore, #tpu.memory_space<semaphore_mem>>, %arg22: memref<!tpu.dma_semaphore, #tpu.memory_space<semaphore_mem>>, %arg23: memref<!tpu.dma_semaphore, #tpu.memory_space<semaphore_mem>>, %arg24: memref<!tpu.dma_semaphore, #tpu.memory_space<semaphore_mem>>) attributes {dimension_semantics = [#tpu.dimension_semantics<core_parallel>, #tpu.dimension_semantics<subcore_parallel>], iteration_bounds = array<i64: 2, 16>, scalar_prefetch = 0 : i64, scratch_operands = 19 : i64, tpu.core_type = #tpu.core_type<sc_vector_subcore>, window_params = [{transform_indices = #map}, {transform_indices = #map}, {transform_indices = #map1}, {transform_indices = #map2}]} {
    %mul3A = arith.constant 2 : i32
    %mul3A_0 = arith.muli %arg1, %mul3A : i32
    %add3A = arith.addi %mul3A_0, %arg0 : i32
    %jit3A = arith.constant 4 : i32
    %eq3A = arith.constant 0 : i32
    %eq3A_1 = arith.cmpi eq, %jit3A, %eq3A : i32
    %jit3A_2 = arith.constant 1 : i32
    %select_n3A = arith.select %eq3A_1, %jit3A_2, %jit3A : i32
    %rem3A = arith.remsi %add3A, %select_n3A : i32
    %ne3A = arith.constant 0 : i32
    %ne3A_3 = arith.cmpi ne, %rem3A, %ne3A : i32
    %lt3A = arith.constant 0 : i32
    %lt3A_4 = arith.cmpi slt, %rem3A, %lt3A : i32
    %lt3A_5 = arith.constant 0 : i32
    %lt3A_6 = arith.cmpi slt, %select_n3A, %lt3A_5 : i32
    %ne3A_7 = arith.xori %lt3A_4, %lt3A_6 : i1
    %and3A = arith.andi %ne3A_7, %ne3A_3 : i1
    %add3A_8 = arith.addi %rem3A, %select_n3A : i32
    %select_n3A_9 = arith.select %and3A, %add3A_8, %rem3A : i32
    %jit3A_10 = arith.constant 4 : i32
    %div3A = arith.divsi %add3A, %jit3A_10 : i32
    %sign3A = arith.constant 0 : i32
    %sign3A_11 = arith.cmpi sgt, %add3A, %sign3A : i32
    %sign3A_12 = arith.extui %sign3A_11 : i1 to i32
    %sign3A_13 = arith.constant 0 : i32
    %sign3A_14 = arith.cmpi slt, %add3A, %sign3A_13 : i32
    %sign3A_15 = arith.extui %sign3A_14 : i1 to i32
    %sign3A_16 = arith.subi %sign3A_12, %sign3A_15 : i32
    %sign3A_17 = arith.constant 0 : i32
    %sign3A_18 = arith.cmpi sgt, %jit3A_10, %sign3A_17 : i32
    %sign3A_19 = arith.extui %sign3A_18 : i1 to i32
    %sign3A_20 = arith.constant 0 : i32
    %sign3A_21 = arith.cmpi slt, %jit3A_10, %sign3A_20 : i32
    %sign3A_22 = arith.extui %sign3A_21 : i1 to i32
    %sign3A_23 = arith.subi %sign3A_19, %sign3A_22 : i32
    %ne3A_24 = arith.cmpi ne, %sign3A_16, %sign3A_23 : i32
    %rem3A_25 = arith.remsi %add3A, %jit3A_10 : i32
    %ne3A_26 = arith.constant 0 : i32
    %ne3A_27 = arith.cmpi ne, %rem3A_25, %ne3A_26 : i32
    %and3A_28 = arith.andi %ne3A_24, %ne3A_27 : i1
    %sub3A = arith.constant 1 : i32
    %sub3A_29 = arith.subi %div3A, %sub3A : i32
    %select_n3A_30 = arith.select %and3A_28, %sub3A_29, %div3A : i32
    %jit3A_31 = arith.constant 2 : i32
    %div3A_32 = arith.divsi %select_n3A_9, %jit3A_31 : i32
    %sign3A_33 = arith.constant 0 : i32
    %sign3A_34 = arith.cmpi sgt, %select_n3A_9, %sign3A_33 : i32
    %sign3A_35 = arith.extui %sign3A_34 : i1 to i32
    %sign3A_36 = arith.constant 0 : i32
    %sign3A_37 = arith.cmpi slt, %select_n3A_9, %sign3A_36 : i32
    %sign3A_38 = arith.extui %sign3A_37 : i1 to i32
    %sign3A_39 = arith.subi %sign3A_35, %sign3A_38 : i32
    %sign3A_40 = arith.constant 0 : i32
    %sign3A_41 = arith.cmpi sgt, %jit3A_31, %sign3A_40 : i32
    %sign3A_42 = arith.extui %sign3A_41 : i1 to i32
    %sign3A_43 = arith.constant 0 : i32
    %sign3A_44 = arith.cmpi slt, %jit3A_31, %sign3A_43 : i32
    %sign3A_45 = arith.extui %sign3A_44 : i1 to i32
    %sign3A_46 = arith.subi %sign3A_42, %sign3A_45 : i32
    %ne3A_47 = arith.cmpi ne, %sign3A_39, %sign3A_46 : i32
    %rem3A_48 = arith.remsi %select_n3A_9, %jit3A_31 : i32
    %ne3A_49 = arith.constant 0 : i32
    %ne3A_50 = arith.cmpi ne, %rem3A_48, %ne3A_49 : i32
    %and3A_51 = arith.andi %ne3A_47, %ne3A_50 : i1
    %sub3A_52 = arith.constant 1 : i32
    %sub3A_53 = arith.subi %div3A_32, %sub3A_52 : i32
    %select_n3A_54 = arith.select %and3A_51, %sub3A_53, %div3A_32 : i32
    %mul3A_55 = arith.constant 256 : i32
    %mul3A_56 = arith.muli %select_n3A_54, %mul3A_55 : i32
    %jit3A_57 = arith.constant 2 : i32
    %eq3A_58 = arith.constant 0 : i32
    %eq3A_59 = arith.cmpi eq, %jit3A_57, %eq3A_58 : i32
    %jit3A_60 = arith.constant 1 : i32
    %select_n3A_61 = arith.select %eq3A_59, %jit3A_60, %jit3A_57 : i32
    %rem3A_62 = arith.remsi %select_n3A_9, %select_n3A_61 : i32
    %ne3A_63 = arith.constant 0 : i32
    %ne3A_64 = arith.cmpi ne, %rem3A_62, %ne3A_63 : i32
    %lt3A_65 = arith.constant 0 : i32
    %lt3A_66 = arith.cmpi slt, %rem3A_62, %lt3A_65 : i32
    %lt3A_67 = arith.constant 0 : i32
    %lt3A_68 = arith.cmpi slt, %select_n3A_61, %lt3A_67 : i32
    %ne3A_69 = arith.xori %lt3A_66, %lt3A_68 : i1
    %and3A_70 = arith.andi %ne3A_69, %ne3A_64 : i1
    %add3A_71 = arith.addi %rem3A_62, %select_n3A_61 : i32
    %select_n3A_72 = arith.select %and3A_70, %add3A_71, %rem3A_62 : i32
    %mul3A_73 = arith.constant 256 : i32
    %mul3A_74 = arith.muli %select_n3A_72, %mul3A_73 : i32
    %eq3A_75 = arith.constant 0 : i32
    %eq3A_76 = arith.cmpi eq, %select_n3A_9, %eq3A_75 : i32
    %eq3A_77 = arith.constant 1 : i32
    %eq3A_78 = arith.cmpi eq, %select_n3A_9, %eq3A_77 : i32
    %eq3A_79 = arith.constant 2 : i32
    %eq3A_80 = arith.cmpi eq, %select_n3A_9, %eq3A_79 : i32
    %jit3A_81 = arith.constant 0 : i32
    %jit3A_82 = arith.constant 256 : i32
    %select_n3A_83 = arith.select %eq3A_80, %jit3A_81, %jit3A_82 : i32
    %jit3A_84 = arith.constant 504 : i32
    %select_n3A_85 = arith.select %eq3A_78, %jit3A_84, %select_n3A_83 : i32
    %jit3A_86 = arith.constant 760 : i32
    %select_n3A_87 = arith.select %eq3A_76, %jit3A_86, %select_n3A_85 : i32
    %lt3A_88 = arith.constant 2 : i32
    %lt3A_89 = arith.cmpi slt, %select_n3A_9, %lt3A_88 : i32
    %jit3A_90 = arith.constant 240 : i32
    %jit3A_91 = arith.constant 256 : i32
    %select_n3A_92 = arith.select %lt3A_89, %jit3A_90, %jit3A_91 : i32
    %jit3A_93 = arith.constant 2 : i32
    %eq3A_94 = arith.constant 0 : i32
    %eq3A_95 = arith.cmpi eq, %jit3A_93, %eq3A_94 : i32
    %jit3A_96 = arith.constant 1 : i32
    %select_n3A_97 = arith.select %eq3A_95, %jit3A_96, %jit3A_93 : i32
    %rem3A_98 = arith.remsi %select_n3A_9, %select_n3A_97 : i32
    %ne3A_99 = arith.constant 0 : i32
    %ne3A_100 = arith.cmpi ne, %rem3A_98, %ne3A_99 : i32
    %lt3A_101 = arith.constant 0 : i32
    %lt3A_102 = arith.cmpi slt, %rem3A_98, %lt3A_101 : i32
    %lt3A_103 = arith.constant 0 : i32
    %lt3A_104 = arith.cmpi slt, %select_n3A_97, %lt3A_103 : i32
    %ne3A_105 = arith.xori %lt3A_102, %lt3A_104 : i1
    %and3A_106 = arith.andi %ne3A_105, %ne3A_100 : i1
    %add3A_107 = arith.addi %rem3A_98, %select_n3A_97 : i32
    %select_n3A_108 = arith.select %and3A_106, %add3A_107, %rem3A_98 : i32
    %eq3A_109 = arith.constant 0 : i32
    %eq3A_110 = arith.cmpi eq, %select_n3A_108, %eq3A_109 : i32
    %jit3A_111 = arith.constant 240 : i32
    %jit3A_112 = arith.constant 256 : i32
    %select_n3A_113 = arith.select %eq3A_110, %jit3A_111, %jit3A_112 : i32
    %broadcast_in_dim3A = arith.constant 0.000000e+00 : f32
    %broadcast_in_dim3A_114 = vector.broadcast %broadcast_in_dim3A : f32 to vector<16xf32>
    %scan3A = arith.constant 0 : i32
    %scan3A_115 = arith.constant 0 : i32
    %scan3A_116 = arith.constant 17 : i32
    %scan3A_117 = arith.addi %scan3A_115, %scan3A_116 : i32
    %scan3A_118 = arith.constant 1 : i32
    scf.for %scan3A_144 = %scan3A_115 to %scan3A_117 step %scan3A_118  : i32 {
      %mul3A_145 = arith.constant 16 : i32
      %mul3A_146 = arith.muli %scan3A_144, %mul3A_145 : i32
      %add3A_147 = arith.constant 17152 : i32
      %add3A_148 = arith.addi %add3A_147, %mul3A_146 : i32
      %swap3A = arith.index_cast %add3A_148 : i32 to index
      %swap3A_149 = tpu.vector_load %arg6[%swap3A] {strides = array<i32>} : memref<17424xf32, #tpu.memory_space<vmem>>, vector<16xf32>,
      tpu.vector_store %arg6[%swap3A], %broadcast_in_dim3A_114 {strides = array<i32>} : memref<17424xf32, #tpu.memory_space<vmem>>, vector<16xf32>,
    }
    %scan3A_119 = arith.constant 17 : i32
    %scan3A_120 = arith.constant 0 : i32
    %scan3A_121 = arith.constant 0 : i32
    %scan3A_122 = arith.constant 17 : i32
    %scan3A_123 = arith.addi %scan3A_121, %scan3A_122 : i32
    %scan3A_124 = arith.constant 1 : i32
    scf.for %scan3A_144 = %scan3A_121 to %scan3A_123 step %scan3A_124  : i32 {
      %mul3A_145 = arith.constant 16 : i32
      %mul3A_146 = arith.muli %scan3A_144, %mul3A_145 : i32
      %add3A_147 = arith.constant 17152 : i32
      %add3A_148 = arith.addi %add3A_147, %mul3A_146 : i32
      %swap3A = arith.index_cast %add3A_148 : i32 to index
      %swap3A_149 = tpu.vector_load %arg7[%swap3A] {strides = array<i32>} : memref<17424xf32, #tpu.memory_space<vmem>>, vector<16xf32>,
      tpu.vector_store %arg7[%swap3A], %broadcast_in_dim3A_114 {strides = array<i32>} : memref<17424xf32, #tpu.memory_space<vmem>>, vector<16xf32>,
    }
    %scan3A_125 = arith.constant 17 : i32
    %scan3A_126 = arith.constant 0 : i32
    %scan3A_127 = arith.constant 0 : i32
    %scan3A_128 = arith.constant 17 : i32
    %scan3A_129 = arith.addi %scan3A_127, %scan3A_128 : i32
    %scan3A_130 = arith.constant 1 : i32
    scf.for %scan3A_144 = %scan3A_127 to %scan3A_129 step %scan3A_130  : i32 {
      %mul3A_145 = arith.constant 16 : i32
      %mul3A_146 = arith.muli %scan3A_144, %mul3A_145 : i32
      %add3A_147 = arith.constant 17152 : i32
      %add3A_148 = arith.addi %add3A_147, %mul3A_146 : i32
      %swap3A = arith.index_cast %add3A_148 : i32 to index
      %swap3A_149 = tpu.vector_load %arg8[%swap3A] {strides = array<i32>} : memref<17424xf32, #tpu.memory_space<vmem>>, vector<16xf32>,
      tpu.vector_store %arg8[%swap3A], %broadcast_in_dim3A_114 {strides = array<i32>} : memref<17424xf32, #tpu.memory_space<vmem>>, vector<16xf32>,
    }
    %scan3A_131 = arith.constant 17 : i32
    %scan3A_132 = arith.constant 0 : i32
    %scan3A_133 = arith.constant 0 : i32
    %scan3A_134 = arith.constant 17 : i32
    %scan3A_135 = arith.addi %scan3A_133, %scan3A_134 : i32
    %scan3A_136 = arith.constant 1 : i32
    scf.for %scan3A_144 = %scan3A_133 to %scan3A_135 step %scan3A_136  : i32 {
      %mul3A_145 = arith.constant 16 : i32
      %mul3A_146 = arith.muli %scan3A_144, %mul3A_145 : i32
      %add3A_147 = arith.constant 17152 : i32
      %add3A_148 = arith.addi %add3A_147, %mul3A_146 : i32
      %swap3A = arith.index_cast %add3A_148 : i32 to index
      %swap3A_149 = tpu.vector_load %arg9[%swap3A] {strides = array<i32>} : memref<17424xf32, #tpu.memory_space<vmem>>, vector<16xf32>,
      tpu.vector_store %arg9[%swap3A], %broadcast_in_dim3A_114 {strides = array<i32>} : memref<17424xf32, #tpu.memory_space<vmem>>, vector<16xf32>,
    }
    %scan3A_137 = arith.constant 17 : i32
    %scan3A_138 = arith.constant 0 : i32
    %scan3A_139 = arith.constant 0 : i32
    %scan3A_140 = arith.constant 4 : i32
    %scan3A_141 = arith.addi %scan3A_139, %scan3A_140 : i32
    %scan3A_142 = arith.constant 1 : i32
    scf.for %scan3A_144 = %scan3A_139 to %scan3A_141 step %scan3A_142  : i32 {
      %mul3A_145 = arith.constant 16 : i32
      %mul3A_146 = arith.muli %select_n3A_30, %mul3A_145 : i32
      %mul3A_147 = arith.constant 4 : i32
      %mul3A_148 = arith.muli %scan3A_144, %mul3A_147 : i32
      %add3A_149 = arith.addi %mul3A_146, %mul3A_148 : i32
      %add3A_150 = arith.constant 0 : i32
      %add3A_151 = arith.addi %add3A_149, %add3A_150 : i32
      %mul3A_152 = arith.constant 65536 : i32
      %mul3A_153 = arith.muli %add3A_151, %mul3A_152 : i32
      %add3A_154 = arith.constant 0 : i32
      %add3A_155 = arith.addi %add3A_149, %add3A_154 : i32
      %mul3A_156 = arith.constant 262144 : i32
      %mul3A_157 = arith.muli %add3A_155, %mul3A_156 : i32
      %scan3A_158 = arith.constant 0 : i32
      %scan3A_159 = arith.constant 0 : i32
      %scan3A_160 = arith.constant 64 : i32
      %scan3A_161 = arith.addi %scan3A_159, %scan3A_160 : i32
      %scan3A_162 = arith.constant 1 : i32
      scf.for %scan3A_338 = %scan3A_159 to %scan3A_161 step %scan3A_162  : i32 {
        %mul3A_339 = arith.constant 1024 : i32
        %mul3A_340 = arith.muli %scan3A_338, %mul3A_339 : i32
        %add3A_341 = arith.addi %mul3A_153, %mul3A_340 : i32
        %add3A_342 = arith.addi %add3A_341, %select_n3A_87 : i32
        %mul3A_343 = arith.constant 264 : i32
        %mul3A_344 = arith.muli %scan3A_338, %mul3A_343 : i32
        %dma_start3A_345 = tpu.memref_slice %arg6[%mul3A_344] : memref<17424xf32, #tpu.memory_space<vmem>> -> memref<264xf32, #tpu.memory_space<vmem>>
        %dma_start3A_346 = tpu.memref_slice %arg2[%add3A_342] : memref<8388608xf32, #tpu.memory_space<hbm>> -> memref<264xf32, #tpu.memory_space<hbm>>
        %dma_start3A_347 = tpu.memref_slice %arg6[%mul3A_344] : memref<17424xf32, #tpu.memory_space<vmem>> -> memref<264xf32, #tpu.memory_space<vmem>>
        %dma_start3A_348 = tpu.memref_slice %arg2[%add3A_342] : memref<8388608xf32, #tpu.memory_space<hbm>> -> memref<264xf32, #tpu.memory_space<hbm>>
        tpu.enqueue_dma source(%dma_start3A_348 : memref<264xf32, #tpu.memory_space<hbm>>) target(%dma_start3A_347 : memref<264xf32, #tpu.memory_space<vmem>>) target_semaphore(%arg24 : memref<!tpu.dma_semaphore, #tpu.memory_space<semaphore_mem>>)
      }
      %scan3A_163 = arith.constant 64 : i32
      %scan3A_164 = arith.constant 0 : i32
      %scan3A_165 = arith.constant 0 : i32
      %scan3A_166 = arith.constant 16 : i32
      %scan3A_167 = arith.addi %scan3A_165, %scan3A_166 : i32
      %scan3A_168 = arith.constant 1 : i32
      scf.for %scan3A_338 = %scan3A_165 to %scan3A_167 step %scan3A_168  : i32 {
        %add3A_339 = arith.addi %select_n3A_92, %scan3A_338 : i32
        %mul3A_340 = arith.constant 512 : i32
        %mul3A_341 = arith.muli %add3A_339, %mul3A_340 : i32
        %add3A_342 = arith.addi %mul3A_157, %mul3A_341 : i32
        %add3A_343 = arith.addi %add3A_342, %select_n3A_113 : i32
        %mul3A_344 = arith.constant 16 : i32
        %mul3A_345 = arith.muli %scan3A_338, %mul3A_344 : i32
        %add3A_346 = arith.constant 16896 : i32
        %add3A_347 = arith.addi %add3A_346, %mul3A_345 : i32
        %dma_start3A_348 = tpu.memref_slice %arg6[%add3A_347] : memref<17424xf32, #tpu.memory_space<vmem>> -> memref<16xf32, #tpu.memory_space<vmem>>
        %dma_start3A_349 = tpu.memref_slice %arg3[%add3A_343] : memref<33554432xf32, #tpu.memory_space<hbm>> -> memref<16xf32, #tpu.memory_space<hbm>>
        %dma_start3A_350 = tpu.memref_slice %arg6[%add3A_347] : memref<17424xf32, #tpu.memory_space<vmem>> -> memref<16xf32, #tpu.memory_space<vmem>>
        %dma_start3A_351 = tpu.memref_slice %arg3[%add3A_343] : memref<33554432xf32, #tpu.memory_space<hbm>> -> memref<16xf32, #tpu.memory_space<hbm>>
        tpu.enqueue_dma source(%dma_start3A_351 : memref<16xf32, #tpu.memory_space<hbm>>) target(%dma_start3A_350 : memref<16xf32, #tpu.memory_space<vmem>>) target_semaphore(%arg24 : memref<!tpu.dma_semaphore, #tpu.memory_space<semaphore_mem>>)
      }
      %scan3A_169 = arith.constant 16 : i32
      %add3A_170 = arith.constant 1 : i32
      %add3A_171 = arith.addi %add3A_149, %add3A_170 : i32
      %mul3A_172 = arith.constant 65536 : i32
      %mul3A_173 = arith.muli %add3A_171, %mul3A_172 : i32
      %add3A_174 = arith.constant 1 : i32
      %add3A_175 = arith.addi %add3A_149, %add3A_174 : i32
      %mul3A_176 = arith.constant 262144 : i32
      %mul3A_177 = arith.muli %add3A_175, %mul3A_176 : i32
      %scan3A_178 = arith.constant 0 : i32
      %scan3A_179 = arith.constant 0 : i32
      %scan3A_180 = arith.constant 64 : i32
      %scan3A_181 = arith.addi %scan3A_179, %scan3A_180 : i32
      %scan3A_182 = arith.constant 1 : i32
      scf.for %scan3A_338 = %scan3A_179 to %scan3A_181 step %scan3A_182  : i32 {
        %mul3A_339 = arith.constant 1024 : i32
        %mul3A_340 = arith.muli %scan3A_338, %mul3A_339 : i32
        %add3A_341 = arith.addi %mul3A_173, %mul3A_340 : i32
        %add3A_342 = arith.addi %add3A_341, %select_n3A_87 : i32
        %mul3A_343 = arith.constant 264 : i32
        %mul3A_344 = arith.muli %scan3A_338, %mul3A_343 : i32
        %dma_start3A_345 = tpu.memref_slice %arg7[%mul3A_344] : memref<17424xf32, #tpu.memory_space<vmem>> -> memref<264xf32, #tpu.memory_space<vmem>>
        %dma_start3A_346 = tpu.memref_slice %arg2[%add3A_342] : memref<8388608xf32, #tpu.memory_space<hbm>> -> memref<264xf32, #tpu.memory_space<hbm>>
        %dma_start3A_347 = tpu.memref_slice %arg7[%mul3A_344] : memref<17424xf32, #tpu.memory_space<vmem>> -> memref<264xf32, #tpu.memory_space<vmem>>
        %dma_start3A_348 = tpu.memref_slice %arg2[%add3A_342] : memref<8388608xf32, #tpu.memory_space<hbm>> -> memref<264xf32, #tpu.memory_space<hbm>>
        tpu.enqueue_dma source(%dma_start3A_348 : memref<264xf32, #tpu.memory_space<hbm>>) target(%dma_start3A_347 : memref<264xf32, #tpu.memory_space<vmem>>) target_semaphore(%arg24 : memref<!tpu.dma_semaphore, #tpu.memory_space<semaphore_mem>>)
      }
      %scan3A_183 = arith.constant 64 : i32
      %scan3A_184 = arith.constant 0 : i32
      %scan3A_185 = arith.constant 0 : i32
      %scan3A_186 = arith.constant 16 : i32
      %scan3A_187 = arith.addi %scan3A_185, %scan3A_186 : i32
      %scan3A_188 = arith.constant 1 : i32
      scf.for %scan3A_338 = %scan3A_185 to %scan3A_187 step %scan3A_188  : i32 {
        %add3A_339 = arith.addi %select_n3A_92, %scan3A_338 : i32
        %mul3A_340 = arith.constant 512 : i32
        %mul3A_341 = arith.muli %add3A_339, %mul3A_340 : i32
        %add3A_342 = arith.addi %mul3A_177, %mul3A_341 : i32
        %add3A_343 = arith.addi %add3A_342, %select_n3A_113 : i32
        %mul3A_344 = arith.constant 16 : i32
        %mul3A_345 = arith.muli %scan3A_338, %mul3A_344 : i32
        %add3A_346 = arith.constant 16896 : i32
        %add3A_347 = arith.addi %add3A_346, %mul3A_345 : i32
        %dma_start3A_348 = tpu.memref_slice %arg7[%add3A_347] : memref<17424xf32, #tpu.memory_space<vmem>> -> memref<16xf32, #tpu.memory_space<vmem>>
        %dma_start3A_349 = tpu.memref_slice %arg3[%add3A_343] : memref<33554432xf32, #tpu.memory_space<hbm>> -> memref<16xf32, #tpu.memory_space<hbm>>
        %dma_start3A_350 = tpu.memref_slice %arg7[%add3A_347] : memref<17424xf32, #tpu.memory_space<vmem>> -> memref<16xf32, #tpu.memory_space<vmem>>
        %dma_start3A_351 = tpu.memref_slice %arg3[%add3A_343] : memref<33554432xf32, #tpu.memory_space<hbm>> -> memref<16xf32, #tpu.memory_space<hbm>>
        tpu.enqueue_dma source(%dma_start3A_351 : memref<16xf32, #tpu.memory_space<hbm>>) target(%dma_start3A_350 : memref<16xf32, #tpu.memory_space<vmem>>) target_semaphore(%arg24 : memref<!tpu.dma_semaphore, #tpu.memory_space<semaphore_mem>>)
      }
      %scan3A_189 = arith.constant 16 : i32
      %add3A_190 = arith.constant 2 : i32
      %add3A_191 = arith.addi %add3A_149, %add3A_190 : i32
      %mul3A_192 = arith.constant 65536 : i32
      %mul3A_193 = arith.muli %add3A_191, %mul3A_192 : i32
      %add3A_194 = arith.constant 2 : i32
      %add3A_195 = arith.addi %add3A_149, %add3A_194 : i32
      %mul3A_196 = arith.constant 262144 : i32
      %mul3A_197 = arith.muli %add3A_195, %mul3A_196 : i32
      %scan3A_198 = arith.constant 0 : i32
      %scan3A_199 = arith.constant 0 : i32
      %scan3A_200 = arith.constant 64 : i32
      %scan3A_201 = arith.addi %scan3A_199, %scan3A_200 : i32
      %scan3A_202 = arith.constant 1 : i32
      scf.for %scan3A_338 = %scan3A_199 to %scan3A_201 step %scan3A_202  : i32 {
        %mul3A_339 = arith.constant 1024 : i32
        %mul3A_340 = arith.muli %scan3A_338, %mul3A_339 : i32
        %add3A_341 = arith.addi %mul3A_193, %mul3A_340 : i32
        %add3A_342 = arith.addi %add3A_341, %select_n3A_87 : i32
        %mul3A_343 = arith.constant 264 : i32
        %mul3A_344 = arith.muli %scan3A_338, %mul3A_343 : i32
        %dma_start3A_345 = tpu.memref_slice %arg8[%mul3A_344] : memref<17424xf32, #tpu.memory_space<vmem>> -> memref<264xf32, #tpu.memory_space<vmem>>
        %dma_start3A_346 = tpu.memref_slice %arg2[%add3A_342] : memref<8388608xf32, #tpu.memory_space<hbm>> -> memref<264xf32, #tpu.memory_space<hbm>>
        %dma_start3A_347 = tpu.memref_slice %arg8[%mul3A_344] : memref<17424xf32, #tpu.memory_space<vmem>> -> memref<264xf32, #tpu.memory_space<vmem>>
        %dma_start3A_348 = tpu.memref_slice %arg2[%add3A_342] : memref<8388608xf32, #tpu.memory_space<hbm>> -> memref<264xf32, #tpu.memory_space<hbm>>
        tpu.enqueue_dma source(%dma_start3A_348 : memref<264xf32, #tpu.memory_space<hbm>>) target(%dma_start3A_347 : memref<264xf32, #tpu.memory_space<vmem>>) target_semaphore(%arg24 : memref<!tpu.dma_semaphore, #tpu.memory_space<semaphore_mem>>)
      }
      %scan3A_203 = arith.constant 64 : i32
      %scan3A_204 = arith.constant 0 : i32
      %scan3A_205 = arith.constant 0 : i32
      %scan3A_206 = arith.constant 16 : i32
      %scan3A_207 = arith.addi %scan3A_205, %scan3A_206 : i32
      %scan3A_208 = arith.constant 1 : i32
      scf.for %scan3A_338 = %scan3A_205 to %scan3A_207 step %scan3A_208  : i32 {
        %add3A_339 = arith.addi %select_n3A_92, %scan3A_338 : i32
        %mul3A_340 = arith.constant 512 : i32
        %mul3A_341 = arith.muli %add3A_339, %mul3A_340 : i32
        %add3A_342 = arith.addi %mul3A_197, %mul3A_341 : i32
        %add3A_343 = arith.addi %add3A_342, %select_n3A_113 : i32
        %mul3A_344 = arith.constant 16 : i32
        %mul3A_345 = arith.muli %scan3A_338, %mul3A_344 : i32
        %add3A_346 = arith.constant 16896 : i32
        %add3A_347 = arith.addi %add3A_346, %mul3A_345 : i32
        %dma_start3A_348 = tpu.memref_slice %arg8[%add3A_347] : memref<17424xf32, #tpu.memory_space<vmem>> -> memref<16xf32, #tpu.memory_space<vmem>>
        %dma_start3A_349 = tpu.memref_slice %arg3[%add3A_343] : memref<33554432xf32, #tpu.memory_space<hbm>> -> memref<16xf32, #tpu.memory_space<hbm>>
        %dma_start3A_350 = tpu.memref_slice %arg8[%add3A_347] : memref<17424xf32, #tpu.memory_space<vmem>> -> memref<16xf32, #tpu.memory_space<vmem>>
        %dma_start3A_351 = tpu.memref_slice %arg3[%add3A_343] : memref<33554432xf32, #tpu.memory_space<hbm>> -> memref<16xf32, #tpu.memory_space<hbm>>
        tpu.enqueue_dma source(%dma_start3A_351 : memref<16xf32, #tpu.memory_space<hbm>>) target(%dma_start3A_350 : memref<16xf32, #tpu.memory_space<vmem>>) target_semaphore(%arg24 : memref<!tpu.dma_semaphore, #tpu.memory_space<semaphore_mem>>)
      }
      %scan3A_209 = arith.constant 16 : i32
      %add3A_210 = arith.constant 3 : i32
      %add3A_211 = arith.addi %add3A_149, %add3A_210 : i32
      %mul3A_212 = arith.constant 65536 : i32
      %mul3A_213 = arith.muli %add3A_211, %mul3A_212 : i32
      %add3A_214 = arith.constant 3 : i32
      %add3A_215 = arith.addi %add3A_149, %add3A_214 : i32
      %mul3A_216 = arith.constant 262144 : i32
      %mul3A_217 = arith.muli %add3A_215, %mul3A_216 : i32
      %scan3A_218 = arith.constant 0 : i32
      %scan3A_219 = arith.constant 0 : i32
      %scan3A_220 = arith.constant 64 : i32
      %scan3A_221 = arith.addi %scan3A_219, %scan3A_220 : i32
      %scan3A_222 = arith.constant 1 : i32
      scf.for %scan3A_338 = %scan3A_219 to %scan3A_221 step %scan3A_222  : i32 {
        %mul3A_339 = arith.constant 1024 : i32
        %mul3A_340 = arith.muli %scan3A_338, %mul3A_339 : i32
        %add3A_341 = arith.addi %mul3A_213, %mul3A_340 : i32
        %add3A_342 = arith.addi %add3A_341, %select_n3A_87 : i32
        %mul3A_343 = arith.constant 264 : i32
        %mul3A_344 = arith.muli %scan3A_338, %mul3A_343 : i32
        %dma_start3A_345 = tpu.memref_slice %arg9[%mul3A_344] : memref<17424xf32, #tpu.memory_space<vmem>> -> memref<264xf32, #tpu.memory_space<vmem>>
        %dma_start3A_346 = tpu.memref_slice %arg2[%add3A_342] : memref<8388608xf32, #tpu.memory_space<hbm>> -> memref<264xf32, #tpu.memory_space<hbm>>
        %dma_start3A_347 = tpu.memref_slice %arg9[%mul3A_344] : memref<17424xf32, #tpu.memory_space<vmem>> -> memref<264xf32, #tpu.memory_space<vmem>>
        %dma_start3A_348 = tpu.memref_slice %arg2[%add3A_342] : memref<8388608xf32, #tpu.memory_space<hbm>> -> memref<264xf32, #tpu.memory_space<hbm>>
        tpu.enqueue_dma source(%dma_start3A_348 : memref<264xf32, #tpu.memory_space<hbm>>) target(%dma_start3A_347 : memref<264xf32, #tpu.memory_space<vmem>>) target_semaphore(%arg24 : memref<!tpu.dma_semaphore, #tpu.memory_space<semaphore_mem>>)
      }
      %scan3A_223 = arith.constant 64 : i32
      %scan3A_224 = arith.constant 0 : i32
      %scan3A_225 = arith.constant 0 : i32
      %scan3A_226 = arith.constant 16 : i32
      %scan3A_227 = arith.addi %scan3A_225, %scan3A_226 : i32
      %scan3A_228 = arith.constant 1 : i32
      scf.for %scan3A_338 = %scan3A_225 to %scan3A_227 step %scan3A_228  : i32 {
        %add3A_339 = arith.addi %select_n3A_92, %scan3A_338 : i32
        %mul3A_340 = arith.constant 512 : i32
        %mul3A_341 = arith.muli %add3A_339, %mul3A_340 : i32
        %add3A_342 = arith.addi %mul3A_217, %mul3A_341 : i32
        %add3A_343 = arith.addi %add3A_342, %select_n3A_113 : i32
        %mul3A_344 = arith.constant 16 : i32
        %mul3A_345 = arith.muli %scan3A_338, %mul3A_344 : i32
        %add3A_346 = arith.constant 16896 : i32
        %add3A_347 = arith.addi %add3A_346, %mul3A_345 : i32
        %dma_start3A_348 = tpu.memref_slice %arg9[%add3A_347] : memref<17424xf32, #tpu.memory_space<vmem>> -> memref<16xf32, #tpu.memory_space<vmem>>
        %dma_start3A_349 = tpu.memref_slice %arg3[%add3A_343] : memref<33554432xf32, #tpu.memory_space<hbm>> -> memref<16xf32, #tpu.memory_space<hbm>>
        %dma_start3A_350 = tpu.memref_slice %arg9[%add3A_347] : memref<17424xf32, #tpu.memory_space<vmem>> -> memref<16xf32, #tpu.memory_space<vmem>>
        %dma_start3A_351 = tpu.memref_slice %arg3[%add3A_343] : memref<33554432xf32, #tpu.memory_space<hbm>> -> memref<16xf32, #tpu.memory_space<hbm>>
        tpu.enqueue_dma source(%dma_start3A_351 : memref<16xf32, #tpu.memory_space<hbm>>) target(%dma_start3A_350 : memref<16xf32, #tpu.memory_space<vmem>>) target_semaphore(%arg24 : memref<!tpu.dma_semaphore, #tpu.memory_space<semaphore_mem>>)
      }
      %scan3A_229 = arith.constant 16 : i32
      %mul3A_230 = arith.constant 32 : i32
      %mul3A_231 = arith.muli %select_n3A_9, %mul3A_230 : i32
      %add3A_232 = arith.constant 0 : i32
      %add3A_233 = arith.addi %mul3A_231, %add3A_232 : i32
      %dma_start3A = arith.constant 0 : i32
      %dma_start3A_234 = tpu.memref_slice %arg4[%add3A_233, %dma_start3A] : memref<128x4096xi32, #tpu.memory_space<hbm>> -> memref<1x4096xi32, #tpu.memory_space<hbm>>
      %dma_start3A_235 = tpu.memref_squeeze %dma_start3A_234 : memref<1x4096xi32, #tpu.memory_space<hbm>> -> memref<4096xi32, #tpu.memory_space<hbm>>
      %dma_start3A_236 = arith.constant 0 : i32
      %dma_start3A_237 = tpu.memref_slice %arg4[%add3A_233, %dma_start3A_236] : memref<128x4096xi32, #tpu.memory_space<hbm>> -> memref<1x4096xi32, #tpu.memory_space<hbm>>
      %dma_start3A_238 = tpu.memref_squeeze %dma_start3A_237 : memref<1x4096xi32, #tpu.memory_space<hbm>> -> memref<4096xi32, #tpu.memory_space<hbm>>
      tpu.enqueue_dma source(%dma_start3A_238 : memref<4096xi32, #tpu.memory_space<hbm>>) target(%arg10 : memref<4096xi32, #tpu.memory_space<vmem>>) target_semaphore(%arg20 : memref<!tpu.dma_semaphore, #tpu.memory_space<semaphore_mem>>)
      %mul3A_239 = arith.constant 32 : i32
      %mul3A_240 = arith.muli %select_n3A_9, %mul3A_239 : i32
      %add3A_241 = arith.constant 1 : i32
      %add3A_242 = arith.addi %mul3A_240, %add3A_241 : i32
      %dma_start3A_243 = arith.constant 0 : i32
      %dma_start3A_244 = tpu.memref_slice %arg4[%add3A_242, %dma_start3A_243] : memref<128x4096xi32, #tpu.memory_space<hbm>> -> memref<1x4096xi32, #tpu.memory_space<hbm>>
      %dma_start3A_245 = tpu.memref_squeeze %dma_start3A_244 : memref<1x4096xi32, #tpu.memory_space<hbm>> -> memref<4096xi32, #tpu.memory_space<hbm>>
      %dma_start3A_246 = arith.constant 0 : i32
      %dma_start3A_247 = tpu.memref_slice %arg4[%add3A_242, %dma_start3A_246] : memref<128x4096xi32, #tpu.memory_space<hbm>> -> memref<1x4096xi32, #tpu.memory_space<hbm>>
      %dma_start3A_248 = tpu.memref_squeeze %dma_start3A_247 : memref<1x4096xi32, #tpu.memory_space<hbm>> -> memref<4096xi32, #tpu.memory_space<hbm>>
      tpu.enqueue_dma source(%dma_start3A_248 : memref<4096xi32, #tpu.memory_space<hbm>>) target(%arg11 : memref<4096xi32, #tpu.memory_space<vmem>>) target_semaphore(%arg21 : memref<!tpu.dma_semaphore, #tpu.memory_space<semaphore_mem>>)
      %scan3A_249 = arith.constant 0 : i32
      %scan3A_250 = arith.constant 0 : i32
      %scan3A_251 = arith.constant 256 : i32
      %scan3A_252 = arith.addi %scan3A_250, %scan3A_251 : i32
      %scan3A_253 = arith.constant 1 : i32
      scf.for %scan3A_338 = %scan3A_250 to %scan3A_252 step %scan3A_253  : i32 {
        %dma_wait3A_339 = arith.constant 0 : i32
        %dma_wait3A_340 = tpu.memref_slice %arg6[%dma_wait3A_339] : memref<17424xf32, #tpu.memory_space<vmem>> -> memref<264xf32, #tpu.memory_space<vmem>>
        %dma_wait3A_341 = arith.constant 0 : i32
        %dma_wait3A_342 = tpu.memref_slice %arg2[%dma_wait3A_341] : memref<8388608xf32, #tpu.memory_space<hbm>> -> memref<264xf32, #tpu.memory_space<hbm>>
        %dma_wait3A_343 = arith.constant 0 : i32
        %dma_wait3A_344 = tpu.memref_slice %arg6[%dma_wait3A_343] : memref<17424xf32, #tpu.memory_space<vmem>> -> memref<264xf32, #tpu.memory_space<vmem>>
        %dma_wait3A_345 = arith.constant 0 : i32
        %dma_wait3A_346 = tpu.memref_slice %arg2[%dma_wait3A_345] : memref<8388608xf32, #tpu.memory_space<hbm>> -> memref<264xf32, #tpu.memory_space<hbm>>
        tpu.wait_dma2 semaphore(%arg24 : memref<!tpu.dma_semaphore, #tpu.memory_space<semaphore_mem>>) src(%dma_wait3A_346 : memref<264xf32, #tpu.memory_space<hbm>>) dst(%dma_wait3A_344 : memref<264xf32, #tpu.memory_space<vmem>>)
      }
      %scan3A_254 = arith.constant 256 : i32
      %scan3A_255 = arith.constant 0 : i32
      %scan3A_256 = arith.constant 0 : i32
      %scan3A_257 = arith.constant 64 : i32
      %scan3A_258 = arith.addi %scan3A_256, %scan3A_257 : i32
      %scan3A_259 = arith.constant 1 : i32
      scf.for %scan3A_338 = %scan3A_256 to %scan3A_258 step %scan3A_259  : i32 {
        %dma_wait3A_339 = arith.constant 0 : i32
        %dma_wait3A_340 = tpu.memref_slice %arg6[%dma_wait3A_339] : memref<17424xf32, #tpu.memory_space<vmem>> -> memref<16xf32, #tpu.memory_space<vmem>>
        %dma_wait3A_341 = arith.constant 0 : i32
        %dma_wait3A_342 = tpu.memref_slice %arg3[%dma_wait3A_341] : memref<33554432xf32, #tpu.memory_space<hbm>> -> memref<16xf32, #tpu.memory_space<hbm>>
        %dma_wait3A_343 = arith.constant 0 : i32
        %dma_wait3A_344 = tpu.memref_slice %arg6[%dma_wait3A_343] : memref<17424xf32, #tpu.memory_space<vmem>> -> memref<16xf32, #tpu.memory_space<vmem>>
        %dma_wait3A_345 = arith.constant 0 : i32
        %dma_wait3A_346 = tpu.memref_slice %arg3[%dma_wait3A_345] : memref<33554432xf32, #tpu.memory_space<hbm>> -> memref<16xf32, #tpu.memory_space<hbm>>
        tpu.wait_dma2 semaphore(%arg24 : memref<!tpu.dma_semaphore, #tpu.memory_space<semaphore_mem>>) src(%dma_wait3A_346 : memref<16xf32, #tpu.memory_space<hbm>>) dst(%dma_wait3A_344 : memref<16xf32, #tpu.memory_space<vmem>>)
      }
      %scan3A_260 = arith.constant 64 : i32
      %scan3A_261 = arith.constant 0 : i32
      %scan3A_262 = arith.constant 0 : i32
      %scan3A_263 = arith.constant 16 : i32
      %scan3A_264 = arith.addi %scan3A_262, %scan3A_263 : i32
      %scan3A_265 = arith.constant 1 : i32
      scf.for %scan3A_338 = %scan3A_262 to %scan3A_264 step %scan3A_265  : i32 {
        %mul3A_339 = arith.constant 2 : i32
        %mul3A_340 = arith.muli %scan3A_338, %mul3A_339 : i32
        %add3A_341 = arith.constant 0 : i32
        %add3A_342 = arith.addi %mul3A_340, %add3A_341 : i32
        %dma_wait3A_343 = arith.constant 0 : i32
        %dma_wait3A_344 = arith.constant 0 : i32
        %dma_wait3A_345 = tpu.memref_slice %arg4[%dma_wait3A_343, %dma_wait3A_344] : memref<128x4096xi32, #tpu.memory_space<hbm>> -> memref<1x4096xi32, #tpu.memory_space<hbm>>
        %dma_wait3A_346 = tpu.memref_squeeze %dma_wait3A_345 : memref<1x4096xi32, #tpu.memory_space<hbm>> -> memref<4096xi32, #tpu.memory_space<hbm>>
        %dma_wait3A_347 = arith.constant 0 : i32
        %dma_wait3A_348 = tpu.memref_slice %arg4[%dma_wait3A_343, %dma_wait3A_347] : memref<128x4096xi32, #tpu.memory_space<hbm>> -> memref<1x4096xi32, #tpu.memory_space<hbm>>
        %dma_wait3A_349 = tpu.memref_squeeze %dma_wait3A_348 : memref<1x4096xi32, #tpu.memory_space<hbm>> -> memref<4096xi32, #tpu.memory_space<hbm>>
        tpu.wait_dma2 semaphore(%arg20 : memref<!tpu.dma_semaphore, #tpu.memory_space<semaphore_mem>>) src(%dma_wait3A_349 : memref<4096xi32, #tpu.memory_space<hbm>>) dst(%arg10 : memref<4096xi32, #tpu.memory_space<vmem>>)
        %ge3A = arith.constant 2 : i32
        %ge3A_350 = arith.cmpi sge, %add3A_342, %ge3A : i32
        %convert_element_type3A = arith.extui %ge3A_350 : i1 to i32
        %cond3A = arith.constant 0 : i32
        %cond3A_351 = arith.cmpi ne, %convert_element_type3A, %cond3A : i32
        scf.if %cond3A_351 {
          %dma_wait3A_459 = arith.constant 0 : i32
          %dma_wait3A_460 = arith.constant 0 : i32
          %dma_wait3A_461 = arith.constant 0 : i32
          %dma_wait3A_462 = tpu.memref_slice %arg5[%dma_wait3A_459, %dma_wait3A_460, %dma_wait3A_461] : memref<128x512x512xf32, #tpu.memory_space<hbm>> -> memref<1x8x256xf32, #tpu.memory_space<hbm>>
          %dma_wait3A_463 = tpu.memref_squeeze %dma_wait3A_462 : memref<1x8x256xf32, #tpu.memory_space<hbm>> -> memref<8x256xf32, #tpu.memory_space<hbm>>
          %dma_wait3A_464 = arith.constant 0 : i32
          %dma_wait3A_465 = arith.constant 0 : i32
          %dma_wait3A_466 = tpu.memref_slice %arg5[%dma_wait3A_459, %dma_wait3A_464, %dma_wait3A_465] : memref<128x512x512xf32, #tpu.memory_space<hbm>> -> memref<1x8x256xf32, #tpu.memory_space<hbm>>
          %dma_wait3A_467 = tpu.memref_squeeze %dma_wait3A_466 : memref<1x8x256xf32, #tpu.memory_space<hbm>> -> memref<8x256xf32, #tpu.memory_space<hbm>>
          tpu.wait_dma2 semaphore(%arg22 : memref<!tpu.dma_semaphore, #tpu.memory_space<semaphore_mem>>) src(%dma_wait3A_467 : memref<8x256xf32, #tpu.memory_space<hbm>>) dst(%arg12 : memref<8x256xf32, #tpu.memory_space<vmem>>)
          %dma_wait3A_468 = arith.constant 0 : i32
          %dma_wait3A_469 = arith.constant 0 : i32
          %dma_wait3A_470 = arith.constant 0 : i32
          %dma_wait3A_471 = tpu.memref_slice %arg5[%dma_wait3A_468, %dma_wait3A_469, %dma_wait3A_470] : memref<128x512x512xf32, #tpu.memory_space<hbm>> -> memref<1x8x256xf32, #tpu.memory_space<hbm>>
          %dma_wait3A_472 = tpu.memref_squeeze %dma_wait3A_471 : memref<1x8x256xf32, #tpu.memory_space<hbm>> -> memref<8x256xf32, #tpu.memory_space<hbm>>
          %dma_wait3A_473 = arith.constant 0 : i32
          %dma_wait3A_474 = arith.constant 0 : i32
          %dma_wait3A_475 = tpu.memref_slice %arg5[%dma_wait3A_468, %dma_wait3A_473, %dma_wait3A_474] : memref<128x512x512xf32, #tpu.memory_space<hbm>> -> memref<1x8x256xf32, #tpu.memory_space<hbm>>
          %dma_wait3A_476 = tpu.memref_squeeze %dma_wait3A_475 : memref<1x8x256xf32, #tpu.memory_space<hbm>> -> memref<8x256xf32, #tpu.memory_space<hbm>>
          tpu.wait_dma2 semaphore(%arg22 : memref<!tpu.dma_semaphore, #tpu.memory_space<semaphore_mem>>) src(%dma_wait3A_476 : memref<8x256xf32, #tpu.memory_space<hbm>>) dst(%arg14 : memref<8x256xf32, #tpu.memory_space<vmem>>)
          %dma_wait3A_477 = arith.constant 0 : i32
          %dma_wait3A_478 = arith.constant 0 : i32
          %dma_wait3A_479 = arith.constant 0 : i32
          %dma_wait3A_480 = tpu.memref_slice %arg5[%dma_wait3A_477, %dma_wait3A_478, %dma_wait3A_479] : memref<128x512x512xf32, #tpu.memory_space<hbm>> -> memref<1x8x256xf32, #tpu.memory_space<hbm>>
          %dma_wait3A_481 = tpu.memref_squeeze %dma_wait3A_480 : memref<1x8x256xf32, #tpu.memory_space<hbm>> -> memref<8x256xf32, #tpu.memory_space<hbm>>
          %dma_wait3A_482 = arith.constant 0 : i32
          %dma_wait3A_483 = arith.constant 0 : i32
          %dma_wait3A_484 = tpu.memref_slice %arg5[%dma_wait3A_477, %dma_wait3A_482, %dma_wait3A_483] : memref<128x512x512xf32, #tpu.memory_space<hbm>> -> memref<1x8x256xf32, #tpu.memory_space<hbm>>
          %dma_wait3A_485 = tpu.memref_squeeze %dma_wait3A_484 : memref<1x8x256xf32, #tpu.memory_space<hbm>> -> memref<8x256xf32, #tpu.memory_space<hbm>>
          tpu.wait_dma2 semaphore(%arg22 : memref<!tpu.dma_semaphore, #tpu.memory_space<semaphore_mem>>) src(%dma_wait3A_485 : memref<8x256xf32, #tpu.memory_space<hbm>>) dst(%arg16 : memref<8x256xf32, #tpu.memory_space<vmem>>)
          %dma_wait3A_486 = arith.constant 0 : i32
          %dma_wait3A_487 = arith.constant 0 : i32
          %dma_wait3A_488 = arith.constant 0 : i32
          %dma_wait3A_489 = tpu.memref_slice %arg5[%dma_wait3A_486, %dma_wait3A_487, %dma_wait3A_488] : memref<128x512x512xf32, #tpu.memory_space<hbm>> -> memref<1x8x256xf32, #tpu.memory_space<hbm>>
          %dma_wait3A_490 = tpu.memref_squeeze %dma_wait3A_489 : memref<1x8x256xf32, #tpu.memory_space<hbm>> -> memref<8x256xf32, #tpu.memory_space<hbm>>
          %dma_wait3A_491 = arith.constant 0 : i32
          %dma_wait3A_492 = arith.constant 0 : i32
          %dma_wait3A_493 = tpu.memref_slice %arg5[%dma_wait3A_486, %dma_wait3A_491, %dma_wait3A_492] : memref<128x512x512xf32, #tpu.memory_space<hbm>> -> memref<1x8x256xf32, #tpu.memory_space<hbm>>
          %dma_wait3A_494 = tpu.memref_squeeze %dma_wait3A_493 : memref<1x8x256xf32, #tpu.memory_space<hbm>> -> memref<8x256xf32, #tpu.memory_space<hbm>>
          tpu.wait_dma2 semaphore(%arg22 : memref<!tpu.dma_semaphore, #tpu.memory_space<semaphore_mem>>) src(%dma_wait3A_494 : memref<8x256xf32, #tpu.memory_space<hbm>>) dst(%arg18 : memref<8x256xf32, #tpu.memory_space<vmem>>)
        } else {
        }
        %mul3A_352 = arith.constant 8 : i32
        %mul3A_353 = arith.muli %add3A_342, %mul3A_352 : i32
        %add3A_354 = arith.addi %mul3A_56, %mul3A_353 : i32
        %parallel_loop3A = arith.constant 0 : i32
        %parallel_loop3A_355 = arith.constant 2048 : i32
        %parallel_loop3A_356 = arith.constant 16 : i32
        scf.for %parallel_loop3A_459 = %parallel_loop3A to %parallel_loop3A_355 step %parallel_loop3A_356  : i32 {
          %parallel_loop3A_460 = arith.index_cast %parallel_loop3A_459 : i32 to index
          %parallel_loop3A_461 = tpu.vector_load %arg10[%parallel_loop3A_460] {strides = array<i32>} : memref<4096xi32, #tpu.memory_space<vmem>>, vector<16xi32>,
          %parallel_loop3A_462 = arith.constant 2048 : i32
          %parallel_loop3A_463 = arith.addi %parallel_loop3A_462, %parallel_loop3A_459 : i32
          %parallel_loop3A_464 = arith.index_cast %parallel_loop3A_463 : i32 to index
          %parallel_loop3A_465 = tpu.vector_load %arg10[%parallel_loop3A_464] {strides = array<i32>} : memref<4096xi32, #tpu.memory_space<vmem>>, vector<16xi32>,
          %parallel_loop3A_466 = tpu.vector_load_idx %arg6[%parallel_loop3A_461] : memref<17424xf32, #tpu.memory_space<vmem>>[vector<16xi32>], vector<16xf32>,
          %parallel_loop3A_467 = arith.constant 1 : i32
          %parallel_loop3A_468 = vector.broadcast %parallel_loop3A_467 : i32 to vector<16xi32>
          %parallel_loop3A_469 = arith.addi %parallel_loop3A_461, %parallel_loop3A_468 : vector<16xi32>
          %parallel_loop3A_470 = tpu.vector_load_idx %arg6[%parallel_loop3A_469] : memref<17424xf32, #tpu.memory_space<vmem>>[vector<16xi32>], vector<16xf32>,
          %parallel_loop3A_471 = arith.constant 264 : i32
          %parallel_loop3A_472 = vector.broadcast %parallel_loop3A_471 : i32 to vector<16xi32>
          %parallel_loop3A_473 = arith.addi %parallel_loop3A_461, %parallel_loop3A_472 : vector<16xi32>
          %parallel_loop3A_474 = tpu.vector_load_idx %arg6[%parallel_loop3A_473] : memref<17424xf32, #tpu.memory_space<vmem>>[vector<16xi32>], vector<16xf32>,
          %parallel_loop3A_475 = arith.constant 265 : i32
          %parallel_loop3A_476 = vector.broadcast %parallel_loop3A_475 : i32 to vector<16xi32>
          %parallel_loop3A_477 = arith.addi %parallel_loop3A_461, %parallel_loop3A_476 : vector<16xi32>
          %parallel_loop3A_478 = tpu.vector_load_idx %arg6[%parallel_loop3A_477] : memref<17424xf32, #tpu.memory_space<vmem>>[vector<16xi32>], vector<16xf32>,
          %parallel_loop3A_479 = arith.constant -65536 : i32
          %parallel_loop3A_480 = vector.broadcast %parallel_loop3A_479 : i32 to vector<16xi32>
          %parallel_loop3A_481 = arith.andi %parallel_loop3A_465, %parallel_loop3A_480 : vector<16xi32>
          %parallel_loop3A_482 = vector.bitcast %parallel_loop3A_481 : vector<16xi32> to vector<16xf32>
          %parallel_loop3A_483 = arith.constant 16 : i32
          %parallel_loop3A_484 = vector.broadcast %parallel_loop3A_483 : i32 to vector<16xi32>
          %parallel_loop3A_485 = arith.shli %parallel_loop3A_465, %parallel_loop3A_484 : vector<16xi32>
          %parallel_loop3A_486 = vector.bitcast %parallel_loop3A_485 : vector<16xi32> to vector<16xf32>
          %parallel_loop3A_487 = arith.constant 1.000000e+00 : f32
          %parallel_loop3A_488 = vector.broadcast %parallel_loop3A_487 : f32 to vector<16xf32>
          %parallel_loop3A_489 = arith.subf %parallel_loop3A_488, %parallel_loop3A_482 : vector<16xf32>
          %parallel_loop3A_490 = arith.constant 1.000000e+00 : f32
          %parallel_loop3A_491 = vector.broadcast %parallel_loop3A_490 : f32 to vector<16xf32>
          %parallel_loop3A_492 = arith.subf %parallel_loop3A_491, %parallel_loop3A_486 : vector<16xf32>
          %parallel_loop3A_493 = arith.mulf %parallel_loop3A_482, %parallel_loop3A_466 : vector<16xf32>
          %parallel_loop3A_494 = arith.mulf %parallel_loop3A_489, %parallel_loop3A_470 : vector<16xf32>
          %parallel_loop3A_495 = arith.addf %parallel_loop3A_493, %parallel_loop3A_494 : vector<16xf32>
          %parallel_loop3A_496 = arith.mulf %parallel_loop3A_486, %parallel_loop3A_495 : vector<16xf32>
          %parallel_loop3A_497 = arith.mulf %parallel_loop3A_482, %parallel_loop3A_474 : vector<16xf32>
          %parallel_loop3A_498 = arith.mulf %parallel_loop3A_489, %parallel_loop3A_478 : vector<16xf32>
          %parallel_loop3A_499 = arith.addf %parallel_loop3A_497, %parallel_loop3A_498 : vector<16xf32>
          %parallel_loop3A_500 = arith.mulf %parallel_loop3A_492, %parallel_loop3A_499 : vector<16xf32>
          %parallel_loop3A_501 = arith.addf %parallel_loop3A_496, %parallel_loop3A_500 : vector<16xf32>
          %parallel_loop3A_502 = arith.constant 256 : i32
          %parallel_loop3A_503 = arith.divsi %parallel_loop3A_459, %parallel_loop3A_502 : i32
          %parallel_loop3A_504 = arith.constant 0 : i32
          %parallel_loop3A_505 = arith.cmpi sgt, %parallel_loop3A_459, %parallel_loop3A_504 : i32
          %parallel_loop3A_506 = arith.extui %parallel_loop3A_505 : i1 to i32
          %parallel_loop3A_507 = arith.constant 0 : i32
          %parallel_loop3A_508 = arith.cmpi slt, %parallel_loop3A_459, %parallel_loop3A_507 : i32
          %parallel_loop3A_509 = arith.extui %parallel_loop3A_508 : i1 to i32
          %parallel_loop3A_510 = arith.subi %parallel_loop3A_506, %parallel_loop3A_509 : i32
          %parallel_loop3A_511 = arith.constant 0 : i32
          %parallel_loop3A_512 = arith.cmpi sgt, %parallel_loop3A_502, %parallel_loop3A_511 : i32
          %parallel_loop3A_513 = arith.extui %parallel_loop3A_512 : i1 to i32
          %parallel_loop3A_514 = arith.constant 0 : i32
          %parallel_loop3A_515 = arith.cmpi slt, %parallel_loop3A_502, %parallel_loop3A_514 : i32
          %parallel_loop3A_516 = arith.extui %parallel_loop3A_515 : i1 to i32
          %parallel_loop3A_517 = arith.subi %parallel_loop3A_513, %parallel_loop3A_516 : i32
          %parallel_loop3A_518 = arith.cmpi ne, %parallel_loop3A_510, %parallel_loop3A_517 : i32
          %parallel_loop3A_519 = arith.remsi %parallel_loop3A_459, %parallel_loop3A_502 : i32
          %parallel_loop3A_520 = arith.constant 0 : i32
          %parallel_loop3A_521 = arith.cmpi ne, %parallel_loop3A_519, %parallel_loop3A_520 : i32
          %parallel_loop3A_522 = arith.andi %parallel_loop3A_518, %parallel_loop3A_521 : i1
          %parallel_loop3A_523 = arith.constant 1 : i32
          %parallel_loop3A_524 = arith.subi %parallel_loop3A_503, %parallel_loop3A_523 : i32
          %parallel_loop3A_525 = arith.select %parallel_loop3A_522, %parallel_loop3A_524, %parallel_loop3A_503 : i32
          %parallel_loop3A_526 = arith.constant 256 : i32
          %parallel_loop3A_527 = arith.constant 0 : i32
          %parallel_loop3A_528 = arith.cmpi eq, %parallel_loop3A_526, %parallel_loop3A_527 : i32
          %parallel_loop3A_529 = arith.constant 1 : i32
          %parallel_loop3A_530 = arith.select %parallel_loop3A_528, %parallel_loop3A_529, %parallel_loop3A_526 : i32
          %parallel_loop3A_531 = arith.remsi %parallel_loop3A_459, %parallel_loop3A_530 : i32
          %parallel_loop3A_532 = arith.constant 0 : i32
          %parallel_loop3A_533 = arith.cmpi ne, %parallel_loop3A_531, %parallel_loop3A_532 : i32
          %parallel_loop3A_534 = arith.constant 0 : i32
          %parallel_loop3A_535 = arith.cmpi slt, %parallel_loop3A_531, %parallel_loop3A_534 : i32
          %parallel_loop3A_536 = arith.constant 0 : i32
          %parallel_loop3A_537 = arith.cmpi slt, %parallel_loop3A_530, %parallel_loop3A_536 : i32
          %parallel_loop3A_538 = arith.xori %parallel_loop3A_535, %parallel_loop3A_537 : i1
          %parallel_loop3A_539 = arith.andi %parallel_loop3A_538, %parallel_loop3A_533 : i1
          %parallel_loop3A_540 = arith.addi %parallel_loop3A_531, %parallel_loop3A_530 : i32
          %parallel_loop3A_541 = arith.select %parallel_loop3A_539, %parallel_loop3A_540, %parallel_loop3A_531 : i32
          %parallel_loop3A_542 = arith.index_cast %parallel_loop3A_525 : i32 to index
          %parallel_loop3A_543 = arith.index_cast %parallel_loop3A_541 : i32 to index
          %parallel_loop3A_544 = tpu.vector_load %arg12[%parallel_loop3A_542, %parallel_loop3A_543] {strides = array<i32>} : memref<8x256xf32, #tpu.memory_space<vmem>>, vector<16xf32>,
          tpu.vector_store %arg12[%parallel_loop3A_542, %parallel_loop3A_543], %parallel_loop3A_501 {strides = array<i32>} : memref<8x256xf32, #tpu.memory_space<vmem>>, vector<16xf32>,
        } {sc.loop_unroll_factor = 8 : i64, sc.parallel_access}
        %add3A_357 = arith.constant 0 : i32
        %add3A_358 = arith.addi %add3A_149, %add3A_357 : i32
        %dma_start3A_359 = tpu.memref_slice %arg5[%add3A_358, %add3A_354, %mul3A_74] : memref<128x512x512xf32, #tpu.memory_space<hbm>> -> memref<1x8x256xf32, #tpu.memory_space<hbm>>
        %dma_start3A_360 = tpu.memref_squeeze %dma_start3A_359 : memref<1x8x256xf32, #tpu.memory_space<hbm>> -> memref<8x256xf32, #tpu.memory_space<hbm>>
        %dma_start3A_361 = tpu.memref_slice %arg5[%add3A_358, %add3A_354, %mul3A_74] : memref<128x512x512xf32, #tpu.memory_space<hbm>> -> memref<1x8x256xf32, #tpu.memory_space<hbm>>
        %dma_start3A_362 = tpu.memref_squeeze %dma_start3A_361 : memref<1x8x256xf32, #tpu.memory_space<hbm>> -> memref<8x256xf32, #tpu.memory_space<hbm>>
        tpu.enqueue_dma source(%arg12 : memref<8x256xf32, #tpu.memory_space<vmem>>) target(%dma_start3A_362 : memref<8x256xf32, #tpu.memory_space<hbm>>) target_semaphore(%arg22 : memref<!tpu.dma_semaphore, #tpu.memory_space<semaphore_mem>>)
        %parallel_loop3A_363 = arith.constant 0 : i32
        %parallel_loop3A_364 = arith.constant 2048 : i32
        %parallel_loop3A_365 = arith.constant 16 : i32
        scf.for %parallel_loop3A_459 = %parallel_loop3A_363 to %parallel_loop3A_364 step %parallel_loop3A_365  : i32 {
          %parallel_loop3A_460 = arith.index_cast %parallel_loop3A_459 : i32 to index
          %parallel_loop3A_461 = tpu.vector_load %arg10[%parallel_loop3A_460] {strides = array<i32>} : memref<4096xi32, #tpu.memory_space<vmem>>, vector<16xi32>,
          %parallel_loop3A_462 = arith.constant 2048 : i32
          %parallel_loop3A_463 = arith.addi %parallel_loop3A_462, %parallel_loop3A_459 : i32
          %parallel_loop3A_464 = arith.index_cast %parallel_loop3A_463 : i32 to index
          %parallel_loop3A_465 = tpu.vector_load %arg10[%parallel_loop3A_464] {strides = array<i32>} : memref<4096xi32, #tpu.memory_space<vmem>>, vector<16xi32>,
          %parallel_loop3A_466 = tpu.vector_load_idx %arg7[%parallel_loop3A_461] : memref<17424xf32, #tpu.memory_space<vmem>>[vector<16xi32>], vector<16xf32>,
          %parallel_loop3A_467 = arith.constant 1 : i32
          %parallel_loop3A_468 = vector.broadcast %parallel_loop3A_467 : i32 to vector<16xi32>
          %parallel_loop3A_469 = arith.addi %parallel_loop3A_461, %parallel_loop3A_468 : vector<16xi32>
          %parallel_loop3A_470 = tpu.vector_load_idx %arg7[%parallel_loop3A_469] : memref<17424xf32, #tpu.memory_space<vmem>>[vector<16xi32>], vector<16xf32>,
          %parallel_loop3A_471 = arith.constant 264 : i32
          %parallel_loop3A_472 = vector.broadcast %parallel_loop3A_471 : i32 to vector<16xi32>
          %parallel_loop3A_473 = arith.addi %parallel_loop3A_461, %parallel_loop3A_472 : vector<16xi32>
          %parallel_loop3A_474 = tpu.vector_load_idx %arg7[%parallel_loop3A_473] : memref<17424xf32, #tpu.memory_space<vmem>>[vector<16xi32>], vector<16xf32>,
          %parallel_loop3A_475 = arith.constant 265 : i32
          %parallel_loop3A_476 = vector.broadcast %parallel_loop3A_475 : i32 to vector<16xi32>
          %parallel_loop3A_477 = arith.addi %parallel_loop3A_461, %parallel_loop3A_476 : vector<16xi32>
          %parallel_loop3A_478 = tpu.vector_load_idx %arg7[%parallel_loop3A_477] : memref<17424xf32, #tpu.memory_space<vmem>>[vector<16xi32>], vector<16xf32>,
          %parallel_loop3A_479 = arith.constant -65536 : i32
          %parallel_loop3A_480 = vector.broadcast %parallel_loop3A_479 : i32 to vector<16xi32>
          %parallel_loop3A_481 = arith.andi %parallel_loop3A_465, %parallel_loop3A_480 : vector<16xi32>
          %parallel_loop3A_482 = vector.bitcast %parallel_loop3A_481 : vector<16xi32> to vector<16xf32>
          %parallel_loop3A_483 = arith.constant 16 : i32
          %parallel_loop3A_484 = vector.broadcast %parallel_loop3A_483 : i32 to vector<16xi32>
          %parallel_loop3A_485 = arith.shli %parallel_loop3A_465, %parallel_loop3A_484 : vector<16xi32>
          %parallel_loop3A_486 = vector.bitcast %parallel_loop3A_485 : vector<16xi32> to vector<16xf32>
          %parallel_loop3A_487 = arith.constant 1.000000e+00 : f32
          %parallel_loop3A_488 = vector.broadcast %parallel_loop3A_487 : f32 to vector<16xf32>
          %parallel_loop3A_489 = arith.subf %parallel_loop3A_488, %parallel_loop3A_482 : vector<16xf32>
          %parallel_loop3A_490 = arith.constant 1.000000e+00 : f32
          %parallel_loop3A_491 = vector.broadcast %parallel_loop3A_490 : f32 to vector<16xf32>
          %parallel_loop3A_492 = arith.subf %parallel_loop3A_491, %parallel_loop3A_486 : vector<16xf32>
          %parallel_loop3A_493 = arith.mulf %parallel_loop3A_482, %parallel_loop3A_466 : vector<16xf32>
          %parallel_loop3A_494 = arith.mulf %parallel_loop3A_489, %parallel_loop3A_470 : vector<16xf32>
          %parallel_loop3A_495 = arith.addf %parallel_loop3A_493, %parallel_loop3A_494 : vector<16xf32>
          %parallel_loop3A_496 = arith.mulf %parallel_loop3A_486, %parallel_loop3A_495 : vector<16xf32>
          %parallel_loop3A_497 = arith.mulf %parallel_loop3A_482, %parallel_loop3A_474 : vector<16xf32>
          %parallel_loop3A_498 = arith.mulf %parallel_loop3A_489, %parallel_loop3A_478 : vector<16xf32>
          %parallel_loop3A_499 = arith.addf %parallel_loop3A_497, %parallel_loop3A_498 : vector<16xf32>
          %parallel_loop3A_500 = arith.mulf %parallel_loop3A_492, %parallel_loop3A_499 : vector<16xf32>
          %parallel_loop3A_501 = arith.addf %parallel_loop3A_496, %parallel_loop3A_500 : vector<16xf32>
          %parallel_loop3A_502 = arith.constant 256 : i32
          %parallel_loop3A_503 = arith.divsi %parallel_loop3A_459, %parallel_loop3A_502 : i32
          %parallel_loop3A_504 = arith.constant 0 : i32
          %parallel_loop3A_505 = arith.cmpi sgt, %parallel_loop3A_459, %parallel_loop3A_504 : i32
          %parallel_loop3A_506 = arith.extui %parallel_loop3A_505 : i1 to i32
          %parallel_loop3A_507 = arith.constant 0 : i32
          %parallel_loop3A_508 = arith.cmpi slt, %parallel_loop3A_459, %parallel_loop3A_507 : i32
          %parallel_loop3A_509 = arith.extui %parallel_loop3A_508 : i1 to i32
          %parallel_loop3A_510 = arith.subi %parallel_loop3A_506, %parallel_loop3A_509 : i32
          %parallel_loop3A_511 = arith.constant 0 : i32
          %parallel_loop3A_512 = arith.cmpi sgt, %parallel_loop3A_502, %parallel_loop3A_511 : i32
          %parallel_loop3A_513 = arith.extui %parallel_loop3A_512 : i1 to i32
          %parallel_loop3A_514 = arith.constant 0 : i32
          %parallel_loop3A_515 = arith.cmpi slt, %parallel_loop3A_502, %parallel_loop3A_514 : i32
          %parallel_loop3A_516 = arith.extui %parallel_loop3A_515 : i1 to i32
          %parallel_loop3A_517 = arith.subi %parallel_loop3A_513, %parallel_loop3A_516 : i32
          %parallel_loop3A_518 = arith.cmpi ne, %parallel_loop3A_510, %parallel_loop3A_517 : i32
          %parallel_loop3A_519 = arith.remsi %parallel_loop3A_459, %parallel_loop3A_502 : i32
          %parallel_loop3A_520 = arith.constant 0 : i32
          %parallel_loop3A_521 = arith.cmpi ne, %parallel_loop3A_519, %parallel_loop3A_520 : i32
          %parallel_loop3A_522 = arith.andi %parallel_loop3A_518, %parallel_loop3A_521 : i1
          %parallel_loop3A_523 = arith.constant 1 : i32
          %parallel_loop3A_524 = arith.subi %parallel_loop3A_503, %parallel_loop3A_523 : i32
          %parallel_loop3A_525 = arith.select %parallel_loop3A_522, %parallel_loop3A_524, %parallel_loop3A_503 : i32
          %parallel_loop3A_526 = arith.constant 256 : i32
          %parallel_loop3A_527 = arith.constant 0 : i32
          %parallel_loop3A_528 = arith.cmpi eq, %parallel_loop3A_526, %parallel_loop3A_527 : i32
          %parallel_loop3A_529 = arith.constant 1 : i32
          %parallel_loop3A_530 = arith.select %parallel_loop3A_528, %parallel_loop3A_529, %parallel_loop3A_526 : i32
          %parallel_loop3A_531 = arith.remsi %parallel_loop3A_459, %parallel_loop3A_530 : i32
          %parallel_loop3A_532 = arith.constant 0 : i32
          %parallel_loop3A_533 = arith.cmpi ne, %parallel_loop3A_531, %parallel_loop3A_532 : i32
          %parallel_loop3A_534 = arith.constant 0 : i32
          %parallel_loop3A_535 = arith.cmpi slt, %parallel_loop3A_531, %parallel_loop3A_534 : i32
          %parallel_loop3A_536 = arith.constant 0 : i32
          %parallel_loop3A_537 = arith.cmpi slt, %parallel_loop3A_530, %parallel_loop3A_536 : i32
          %parallel_loop3A_538 = arith.xori %parallel_loop3A_535, %parallel_loop3A_537 : i1
          %parallel_loop3A_539 = arith.andi %parallel_loop3A_538, %parallel_loop3A_533 : i1
          %parallel_loop3A_540 = arith.addi %parallel_loop3A_531, %parallel_loop3A_530 : i32
          %parallel_loop3A_541 = arith.select %parallel_loop3A_539, %parallel_loop3A_540, %parallel_loop3A_531 : i32
          %parallel_loop3A_542 = arith.index_cast %parallel_loop3A_525 : i32 to index
          %parallel_loop3A_543 = arith.index_cast %parallel_loop3A_541 : i32 to index
          %parallel_loop3A_544 = tpu.vector_load %arg14[%parallel_loop3A_542, %parallel_loop3A_543] {strides = array<i32>} : memref<8x256xf32, #tpu.memory_space<vmem>>, vector<16xf32>,
          tpu.vector_store %arg14[%parallel_loop3A_542, %parallel_loop3A_543], %parallel_loop3A_501 {strides = array<i32>} : memref<8x256xf32, #tpu.memory_space<vmem>>, vector<16xf32>,
        } {sc.loop_unroll_factor = 8 : i64, sc.parallel_access}
        %add3A_366 = arith.constant 1 : i32
        %add3A_367 = arith.addi %add3A_149, %add3A_366 : i32
        %dma_start3A_368 = tpu.memref_slice %arg5[%add3A_367, %add3A_354, %mul3A_74] : memref<128x512x512xf32, #tpu.memory_space<hbm>> -> memref<1x8x256xf32, #tpu.memory_space<hbm>>
        %dma_start3A_369 = tpu.memref_squeeze %dma_start3A_368 : memref<1x8x256xf32, #tpu.memory_space<hbm>> -> memref<8x256xf32, #tpu.memory_space<hbm>>
        %dma_start3A_370 = tpu.memref_slice %arg5[%add3A_367, %add3A_354, %mul3A_74] : memref<128x512x512xf32, #tpu.memory_space<hbm>> -> memref<1x8x256xf32, #tpu.memory_space<hbm>>
        %dma_start3A_371 = tpu.memref_squeeze %dma_start3A_370 : memref<1x8x256xf32, #tpu.memory_space<hbm>> -> memref<8x256xf32, #tpu.memory_space<hbm>>
        tpu.enqueue_dma source(%arg14 : memref<8x256xf32, #tpu.memory_space<vmem>>) target(%dma_start3A_371 : memref<8x256xf32, #tpu.memory_space<hbm>>) target_semaphore(%arg22 : memref<!tpu.dma_semaphore, #tpu.memory_space<semaphore_mem>>)
        %parallel_loop3A_372 = arith.constant 0 : i32
        %parallel_loop3A_373 = arith.constant 2048 : i32
        %parallel_loop3A_374 = arith.constant 16 : i32
        scf.for %parallel_loop3A_459 = %parallel_loop3A_372 to %parallel_loop3A_373 step %parallel_loop3A_374  : i32 {
          %parallel_loop3A_460 = arith.index_cast %parallel_loop3A_459 : i32 to index
          %parallel_loop3A_461 = tpu.vector_load %arg10[%parallel_loop3A_460] {strides = array<i32>} : memref<4096xi32, #tpu.memory_space<vmem>>, vector<16xi32>,
          %parallel_loop3A_462 = arith.constant 2048 : i32
          %parallel_loop3A_463 = arith.addi %parallel_loop3A_462, %parallel_loop3A_459 : i32
          %parallel_loop3A_464 = arith.index_cast %parallel_loop3A_463 : i32 to index
          %parallel_loop3A_465 = tpu.vector_load %arg10[%parallel_loop3A_464] {strides = array<i32>} : memref<4096xi32, #tpu.memory_space<vmem>>, vector<16xi32>,
          %parallel_loop3A_466 = tpu.vector_load_idx %arg8[%parallel_loop3A_461] : memref<17424xf32, #tpu.memory_space<vmem>>[vector<16xi32>], vector<16xf32>,
          %parallel_loop3A_467 = arith.constant 1 : i32
          %parallel_loop3A_468 = vector.broadcast %parallel_loop3A_467 : i32 to vector<16xi32>
          %parallel_loop3A_469 = arith.addi %parallel_loop3A_461, %parallel_loop3A_468 : vector<16xi32>
          %parallel_loop3A_470 = tpu.vector_load_idx %arg8[%parallel_loop3A_469] : memref<17424xf32, #tpu.memory_space<vmem>>[vector<16xi32>], vector<16xf32>,
          %parallel_loop3A_471 = arith.constant 264 : i32
          %parallel_loop3A_472 = vector.broadcast %parallel_loop3A_471 : i32 to vector<16xi32>
          %parallel_loop3A_473 = arith.addi %parallel_loop3A_461, %parallel_loop3A_472 : vector<16xi32>
          %parallel_loop3A_474 = tpu.vector_load_idx %arg8[%parallel_loop3A_473] : memref<17424xf32, #tpu.memory_space<vmem>>[vector<16xi32>], vector<16xf32>,
          %parallel_loop3A_475 = arith.constant 265 : i32
          %parallel_loop3A_476 = vector.broadcast %parallel_loop3A_475 : i32 to vector<16xi32>
          %parallel_loop3A_477 = arith.addi %parallel_loop3A_461, %parallel_loop3A_476 : vector<16xi32>
          %parallel_loop3A_478 = tpu.vector_load_idx %arg8[%parallel_loop3A_477] : memref<17424xf32, #tpu.memory_space<vmem>>[vector<16xi32>], vector<16xf32>,
          %parallel_loop3A_479 = arith.constant -65536 : i32
          %parallel_loop3A_480 = vector.broadcast %parallel_loop3A_479 : i32 to vector<16xi32>
          %parallel_loop3A_481 = arith.andi %parallel_loop3A_465, %parallel_loop3A_480 : vector<16xi32>
          %parallel_loop3A_482 = vector.bitcast %parallel_loop3A_481 : vector<16xi32> to vector<16xf32>
          %parallel_loop3A_483 = arith.constant 16 : i32
          %parallel_loop3A_484 = vector.broadcast %parallel_loop3A_483 : i32 to vector<16xi32>
          %parallel_loop3A_485 = arith.shli %parallel_loop3A_465, %parallel_loop3A_484 : vector<16xi32>
          %parallel_loop3A_486 = vector.bitcast %parallel_loop3A_485 : vector<16xi32> to vector<16xf32>
          %parallel_loop3A_487 = arith.constant 1.000000e+00 : f32
          %parallel_loop3A_488 = vector.broadcast %parallel_loop3A_487 : f32 to vector<16xf32>
          %parallel_loop3A_489 = arith.subf %parallel_loop3A_488, %parallel_loop3A_482 : vector<16xf32>
          %parallel_loop3A_490 = arith.constant 1.000000e+00 : f32
          %parallel_loop3A_491 = vector.broadcast %parallel_loop3A_490 : f32 to vector<16xf32>
          %parallel_loop3A_492 = arith.subf %parallel_loop3A_491, %parallel_loop3A_486 : vector<16xf32>
          %parallel_loop3A_493 = arith.mulf %parallel_loop3A_482, %parallel_loop3A_466 : vector<16xf32>
          %parallel_loop3A_494 = arith.mulf %parallel_loop3A_489, %parallel_loop3A_470 : vector<16xf32>
          %parallel_loop3A_495 = arith.addf %parallel_loop3A_493, %parallel_loop3A_494 : vector<16xf32>
          %parallel_loop3A_496 = arith.mulf %parallel_loop3A_486, %parallel_loop3A_495 : vector<16xf32>
          %parallel_loop3A_497 = arith.mulf %parallel_loop3A_482, %parallel_loop3A_474 : vector<16xf32>
          %parallel_loop3A_498 = arith.mulf %parallel_loop3A_489, %parallel_loop3A_478 : vector<16xf32>
          %parallel_loop3A_499 = arith.addf %parallel_loop3A_497, %parallel_loop3A_498 : vector<16xf32>
          %parallel_loop3A_500 = arith.mulf %parallel_loop3A_492, %parallel_loop3A_499 : vector<16xf32>
          %parallel_loop3A_501 = arith.addf %parallel_loop3A_496, %parallel_loop3A_500 : vector<16xf32>
          %parallel_loop3A_502 = arith.constant 256 : i32
          %parallel_loop3A_503 = arith.divsi %parallel_loop3A_459, %parallel_loop3A_502 : i32
          %parallel_loop3A_504 = arith.constant 0 : i32
          %parallel_loop3A_505 = arith.cmpi sgt, %parallel_loop3A_459, %parallel_loop3A_504 : i32
          %parallel_loop3A_506 = arith.extui %parallel_loop3A_505 : i1 to i32
          %parallel_loop3A_507 = arith.constant 0 : i32
          %parallel_loop3A_508 = arith.cmpi slt, %parallel_loop3A_459, %parallel_loop3A_507 : i32
          %parallel_loop3A_509 = arith.extui %parallel_loop3A_508 : i1 to i32
          %parallel_loop3A_510 = arith.subi %parallel_loop3A_506, %parallel_loop3A_509 : i32
          %parallel_loop3A_511 = arith.constant 0 : i32
          %parallel_loop3A_512 = arith.cmpi sgt, %parallel_loop3A_502, %parallel_loop3A_511 : i32
          %parallel_loop3A_513 = arith.extui %parallel_loop3A_512 : i1 to i32
          %parallel_loop3A_514 = arith.constant 0 : i32
          %parallel_loop3A_515 = arith.cmpi slt, %parallel_loop3A_502, %parallel_loop3A_514 : i32
          %parallel_loop3A_516 = arith.extui %parallel_loop3A_515 : i1 to i32
          %parallel_loop3A_517 = arith.subi %parallel_loop3A_513, %parallel_loop3A_516 : i32
          %parallel_loop3A_518 = arith.cmpi ne, %parallel_loop3A_510, %parallel_loop3A_517 : i32
          %parallel_loop3A_519 = arith.remsi %parallel_loop3A_459, %parallel_loop3A_502 : i32
          %parallel_loop3A_520 = arith.constant 0 : i32
          %parallel_loop3A_521 = arith.cmpi ne, %parallel_loop3A_519, %parallel_loop3A_520 : i32
          %parallel_loop3A_522 = arith.andi %parallel_loop3A_518, %parallel_loop3A_521 : i1
          %parallel_loop3A_523 = arith.constant 1 : i32
          %parallel_loop3A_524 = arith.subi %parallel_loop3A_503, %parallel_loop3A_523 : i32
          %parallel_loop3A_525 = arith.select %parallel_loop3A_522, %parallel_loop3A_524, %parallel_loop3A_503 : i32
          %parallel_loop3A_526 = arith.constant 256 : i32
          %parallel_loop3A_527 = arith.constant 0 : i32
          %parallel_loop3A_528 = arith.cmpi eq, %parallel_loop3A_526, %parallel_loop3A_527 : i32
          %parallel_loop3A_529 = arith.constant 1 : i32
          %parallel_loop3A_530 = arith.select %parallel_loop3A_528, %parallel_loop3A_529, %parallel_loop3A_526 : i32
          %parallel_loop3A_531 = arith.remsi %parallel_loop3A_459, %parallel_loop3A_530 : i32
          %parallel_loop3A_532 = arith.constant 0 : i32
          %parallel_loop3A_533 = arith.cmpi ne, %parallel_loop3A_531, %parallel_loop3A_532 : i32
          %parallel_loop3A_534 = arith.constant 0 : i32
          %parallel_loop3A_535 = arith.cmpi slt, %parallel_loop3A_531, %parallel_loop3A_534 : i32
          %parallel_loop3A_536 = arith.constant 0 : i32
          %parallel_loop3A_537 = arith.cmpi slt, %parallel_loop3A_530, %parallel_loop3A_536 : i32
          %parallel_loop3A_538 = arith.xori %parallel_loop3A_535, %parallel_loop3A_537 : i1
          %parallel_loop3A_539 = arith.andi %parallel_loop3A_538, %parallel_loop3A_533 : i1
          %parallel_loop3A_540 = arith.addi %parallel_loop3A_531, %parallel_loop3A_530 : i32
          %parallel_loop3A_541 = arith.select %parallel_loop3A_539, %parallel_loop3A_540, %parallel_loop3A_531 : i32
          %parallel_loop3A_542 = arith.index_cast %parallel_loop3A_525 : i32 to index
          %parallel_loop3A_543 = arith.index_cast %parallel_loop3A_541 : i32 to index
          %parallel_loop3A_544 = tpu.vector_load %arg16[%parallel_loop3A_542, %parallel_loop3A_543] {strides = array<i32>} : memref<8x256xf32, #tpu.memory_space<vmem>>, vector<16xf32>,
          tpu.vector_store %arg16[%parallel_loop3A_542, %parallel_loop3A_543], %parallel_loop3A_501 {strides = array<i32>} : memref<8x256xf32, #tpu.memory_space<vmem>>, vector<16xf32>,
        } {sc.loop_unroll_factor = 8 : i64, sc.parallel_access}
        %add3A_375 = arith.constant 2 : i32
        %add3A_376 = arith.addi %add3A_149, %add3A_375 : i32
        %dma_start3A_377 = tpu.memref_slice %arg5[%add3A_376, %add3A_354, %mul3A_74] : memref<128x512x512xf32, #tpu.memory_space<hbm>> -> memref<1x8x256xf32, #tpu.memory_space<hbm>>
        %dma_start3A_378 = tpu.memref_squeeze %dma_start3A_377 : memref<1x8x256xf32, #tpu.memory_space<hbm>> -> memref<8x256xf32, #tpu.memory_space<hbm>>
        %dma_start3A_379 = tpu.memref_slice %arg5[%add3A_376, %add3A_354, %mul3A_74] : memref<128x512x512xf32, #tpu.memory_space<hbm>> -> memref<1x8x256xf32, #tpu.memory_space<hbm>>
        %dma_start3A_380 = tpu.memref_squeeze %dma_start3A_379 : memref<1x8x256xf32, #tpu.memory_space<hbm>> -> memref<8x256xf32, #tpu.memory_space<hbm>>
        tpu.enqueue_dma source(%arg16 : memref<8x256xf32, #tpu.memory_space<vmem>>) target(%dma_start3A_380 : memref<8x256xf32, #tpu.memory_space<hbm>>) target_semaphore(%arg22 : memref<!tpu.dma_semaphore, #tpu.memory_space<semaphore_mem>>)
        %parallel_loop3A_381 = arith.constant 0 : i32
        %parallel_loop3A_382 = arith.constant 2048 : i32
        %parallel_loop3A_383 = arith.constant 16 : i32
        scf.for %parallel_loop3A_459 = %parallel_loop3A_381 to %parallel_loop3A_382 step %parallel_loop3A_383  : i32 {
          %parallel_loop3A_460 = arith.index_cast %parallel_loop3A_459 : i32 to index
          %parallel_loop3A_461 = tpu.vector_load %arg10[%parallel_loop3A_460] {strides = array<i32>} : memref<4096xi32, #tpu.memory_space<vmem>>, vector<16xi32>,
          %parallel_loop3A_462 = arith.constant 2048 : i32
          %parallel_loop3A_463 = arith.addi %parallel_loop3A_462, %parallel_loop3A_459 : i32
          %parallel_loop3A_464 = arith.index_cast %parallel_loop3A_463 : i32 to index
          %parallel_loop3A_465 = tpu.vector_load %arg10[%parallel_loop3A_464] {strides = array<i32>} : memref<4096xi32, #tpu.memory_space<vmem>>, vector<16xi32>,
          %parallel_loop3A_466 = tpu.vector_load_idx %arg9[%parallel_loop3A_461] : memref<17424xf32, #tpu.memory_space<vmem>>[vector<16xi32>], vector<16xf32>,
          %parallel_loop3A_467 = arith.constant 1 : i32
          %parallel_loop3A_468 = vector.broadcast %parallel_loop3A_467 : i32 to vector<16xi32>
          %parallel_loop3A_469 = arith.addi %parallel_loop3A_461, %parallel_loop3A_468 : vector<16xi32>
          %parallel_loop3A_470 = tpu.vector_load_idx %arg9[%parallel_loop3A_469] : memref<17424xf32, #tpu.memory_space<vmem>>[vector<16xi32>], vector<16xf32>,
          %parallel_loop3A_471 = arith.constant 264 : i32
          %parallel_loop3A_472 = vector.broadcast %parallel_loop3A_471 : i32 to vector<16xi32>
          %parallel_loop3A_473 = arith.addi %parallel_loop3A_461, %parallel_loop3A_472 : vector<16xi32>
          %parallel_loop3A_474 = tpu.vector_load_idx %arg9[%parallel_loop3A_473] : memref<17424xf32, #tpu.memory_space<vmem>>[vector<16xi32>], vector<16xf32>,
          %parallel_loop3A_475 = arith.constant 265 : i32
          %parallel_loop3A_476 = vector.broadcast %parallel_loop3A_475 : i32 to vector<16xi32>
          %parallel_loop3A_477 = arith.addi %parallel_loop3A_461, %parallel_loop3A_476 : vector<16xi32>
          %parallel_loop3A_478 = tpu.vector_load_idx %arg9[%parallel_loop3A_477] : memref<17424xf32, #tpu.memory_space<vmem>>[vector<16xi32>], vector<16xf32>,
          %parallel_loop3A_479 = arith.constant -65536 : i32
          %parallel_loop3A_480 = vector.broadcast %parallel_loop3A_479 : i32 to vector<16xi32>
          %parallel_loop3A_481 = arith.andi %parallel_loop3A_465, %parallel_loop3A_480 : vector<16xi32>
          %parallel_loop3A_482 = vector.bitcast %parallel_loop3A_481 : vector<16xi32> to vector<16xf32>
          %parallel_loop3A_483 = arith.constant 16 : i32
          %parallel_loop3A_484 = vector.broadcast %parallel_loop3A_483 : i32 to vector<16xi32>
          %parallel_loop3A_485 = arith.shli %parallel_loop3A_465, %parallel_loop3A_484 : vector<16xi32>
          %parallel_loop3A_486 = vector.bitcast %parallel_loop3A_485 : vector<16xi32> to vector<16xf32>
          %parallel_loop3A_487 = arith.constant 1.000000e+00 : f32
          %parallel_loop3A_488 = vector.broadcast %parallel_loop3A_487 : f32 to vector<16xf32>
          %parallel_loop3A_489 = arith.subf %parallel_loop3A_488, %parallel_loop3A_482 : vector<16xf32>
          %parallel_loop3A_490 = arith.constant 1.000000e+00 : f32
          %parallel_loop3A_491 = vector.broadcast %parallel_loop3A_490 : f32 to vector<16xf32>
          %parallel_loop3A_492 = arith.subf %parallel_loop3A_491, %parallel_loop3A_486 : vector<16xf32>
          %parallel_loop3A_493 = arith.mulf %parallel_loop3A_482, %parallel_loop3A_466 : vector<16xf32>
          %parallel_loop3A_494 = arith.mulf %parallel_loop3A_489, %parallel_loop3A_470 : vector<16xf32>
          %parallel_loop3A_495 = arith.addf %parallel_loop3A_493, %parallel_loop3A_494 : vector<16xf32>
          %parallel_loop3A_496 = arith.mulf %parallel_loop3A_486, %parallel_loop3A_495 : vector<16xf32>
          %parallel_loop3A_497 = arith.mulf %parallel_loop3A_482, %parallel_loop3A_474 : vector<16xf32>
          %parallel_loop3A_498 = arith.mulf %parallel_loop3A_489, %parallel_loop3A_478 : vector<16xf32>
          %parallel_loop3A_499 = arith.addf %parallel_loop3A_497, %parallel_loop3A_498 : vector<16xf32>
          %parallel_loop3A_500 = arith.mulf %parallel_loop3A_492, %parallel_loop3A_499 : vector<16xf32>
          %parallel_loop3A_501 = arith.addf %parallel_loop3A_496, %parallel_loop3A_500 : vector<16xf32>
          %parallel_loop3A_502 = arith.constant 256 : i32
          %parallel_loop3A_503 = arith.divsi %parallel_loop3A_459, %parallel_loop3A_502 : i32
          %parallel_loop3A_504 = arith.constant 0 : i32
          %parallel_loop3A_505 = arith.cmpi sgt, %parallel_loop3A_459, %parallel_loop3A_504 : i32
          %parallel_loop3A_506 = arith.extui %parallel_loop3A_505 : i1 to i32
          %parallel_loop3A_507 = arith.constant 0 : i32
          %parallel_loop3A_508 = arith.cmpi slt, %parallel_loop3A_459, %parallel_loop3A_507 : i32
          %parallel_loop3A_509 = arith.extui %parallel_loop3A_508 : i1 to i32
          %parallel_loop3A_510 = arith.subi %parallel_loop3A_506, %parallel_loop3A_509 : i32
          %parallel_loop3A_511 = arith.constant 0 : i32
          %parallel_loop3A_512 = arith.cmpi sgt, %parallel_loop3A_502, %parallel_loop3A_511 : i32
          %parallel_loop3A_513 = arith.extui %parallel_loop3A_512 : i1 to i32
          %parallel_loop3A_514 = arith.constant 0 : i32
          %parallel_loop3A_515 = arith.cmpi slt, %parallel_loop3A_502, %parallel_loop3A_514 : i32
          %parallel_loop3A_516 = arith.extui %parallel_loop3A_515 : i1 to i32
          %parallel_loop3A_517 = arith.subi %parallel_loop3A_513, %parallel_loop3A_516 : i32
          %parallel_loop3A_518 = arith.cmpi ne, %parallel_loop3A_510, %parallel_loop3A_517 : i32
          %parallel_loop3A_519 = arith.remsi %parallel_loop3A_459, %parallel_loop3A_502 : i32
          %parallel_loop3A_520 = arith.constant 0 : i32
          %parallel_loop3A_521 = arith.cmpi ne, %parallel_loop3A_519, %parallel_loop3A_520 : i32
          %parallel_loop3A_522 = arith.andi %parallel_loop3A_518, %parallel_loop3A_521 : i1
          %parallel_loop3A_523 = arith.constant 1 : i32
          %parallel_loop3A_524 = arith.subi %parallel_loop3A_503, %parallel_loop3A_523 : i32
          %parallel_loop3A_525 = arith.select %parallel_loop3A_522, %parallel_loop3A_524, %parallel_loop3A_503 : i32
          %parallel_loop3A_526 = arith.constant 256 : i32
          %parallel_loop3A_527 = arith.constant 0 : i32
          %parallel_loop3A_528 = arith.cmpi eq, %parallel_loop3A_526, %parallel_loop3A_527 : i32
          %parallel_loop3A_529 = arith.constant 1 : i32
          %parallel_loop3A_530 = arith.select %parallel_loop3A_528, %parallel_loop3A_529, %parallel_loop3A_526 : i32
          %parallel_loop3A_531 = arith.remsi %parallel_loop3A_459, %parallel_loop3A_530 : i32
          %parallel_loop3A_532 = arith.constant 0 : i32
          %parallel_loop3A_533 = arith.cmpi ne, %parallel_loop3A_531, %parallel_loop3A_532 : i32
          %parallel_loop3A_534 = arith.constant 0 : i32
          %parallel_loop3A_535 = arith.cmpi slt, %parallel_loop3A_531, %parallel_loop3A_534 : i32
          %parallel_loop3A_536 = arith.constant 0 : i32
          %parallel_loop3A_537 = arith.cmpi slt, %parallel_loop3A_530, %parallel_loop3A_536 : i32
          %parallel_loop3A_538 = arith.xori %parallel_loop3A_535, %parallel_loop3A_537 : i1
          %parallel_loop3A_539 = arith.andi %parallel_loop3A_538, %parallel_loop3A_533 : i1
          %parallel_loop3A_540 = arith.addi %parallel_loop3A_531, %parallel_loop3A_530 : i32
          %parallel_loop3A_541 = arith.select %parallel_loop3A_539, %parallel_loop3A_540, %parallel_loop3A_531 : i32
          %parallel_loop3A_542 = arith.index_cast %parallel_loop3A_525 : i32 to index
          %parallel_loop3A_543 = arith.index_cast %parallel_loop3A_541 : i32 to index
          %parallel_loop3A_544 = tpu.vector_load %arg18[%parallel_loop3A_542, %parallel_loop3A_543] {strides = array<i32>} : memref<8x256xf32, #tpu.memory_space<vmem>>, vector<16xf32>,
          tpu.vector_store %arg18[%parallel_loop3A_542, %parallel_loop3A_543], %parallel_loop3A_501 {strides = array<i32>} : memref<8x256xf32, #tpu.memory_space<vmem>>, vector<16xf32>,
        } {sc.loop_unroll_factor = 8 : i64, sc.parallel_access}
        %add3A_384 = arith.constant 3 : i32
        %add3A_385 = arith.addi %add3A_149, %add3A_384 : i32
        %dma_start3A_386 = tpu.memref_slice %arg5[%add3A_385, %add3A_354, %mul3A_74] : memref<128x512x512xf32, #tpu.memory_space<hbm>> -> memref<1x8x256xf32, #tpu.memory_space<hbm>>
        %dma_start3A_387 = tpu.memref_squeeze %dma_start3A_386 : memref<1x8x256xf32, #tpu.memory_space<hbm>> -> memref<8x256xf32, #tpu.memory_space<hbm>>
        %dma_start3A_388 = tpu.memref_slice %arg5[%add3A_385, %add3A_354, %mul3A_74] : memref<128x512x512xf32, #tpu.memory_space<hbm>> -> memref<1x8x256xf32, #tpu.memory_space<hbm>>
        %dma_start3A_389 = tpu.memref_squeeze %dma_start3A_388 : memref<1x8x256xf32, #tpu.memory_space<hbm>> -> memref<8x256xf32, #tpu.memory_space<hbm>>
        tpu.enqueue_dma source(%arg18 : memref<8x256xf32, #tpu.memory_space<vmem>>) target(%dma_start3A_389 : memref<8x256xf32, #tpu.memory_space<hbm>>) target_semaphore(%arg22 : memref<!tpu.dma_semaphore, #tpu.memory_space<semaphore_mem>>)
        %add3A_390 = arith.constant 2 : i32
        %add3A_391 = arith.addi %add3A_342, %add3A_390 : i32
        %lt3A_392 = arith.constant 32 : i32
        %lt3A_393 = arith.cmpi slt, %add3A_391, %lt3A_392 : i32
        %convert_element_type3A_394 = arith.extui %lt3A_393 : i1 to i32
        %cond3A_395 = arith.constant 0 : i32
        %cond3A_396 = arith.cmpi ne, %convert_element_type3A_394, %cond3A_395 : i32
        scf.if %cond3A_396 {
          %add3A_459 = arith.constant 2 : i32
          %add3A_460 = arith.addi %add3A_342, %add3A_459 : i32
          %mul3A_461 = arith.constant 32 : i32
          %mul3A_462 = arith.muli %select_n3A_9, %mul3A_461 : i32
          %add3A_463 = arith.addi %mul3A_462, %add3A_460 : i32
          %dma_start3A_464 = arith.constant 0 : i32
          %dma_start3A_465 = tpu.memref_slice %arg4[%add3A_463, %dma_start3A_464] : memref<128x4096xi32, #tpu.memory_space<hbm>> -> memref<1x4096xi32, #tpu.memory_space<hbm>>
          %dma_start3A_466 = tpu.memref_squeeze %dma_start3A_465 : memref<1x4096xi32, #tpu.memory_space<hbm>> -> memref<4096xi32, #tpu.memory_space<hbm>>
          %dma_start3A_467 = arith.constant 0 : i32
          %dma_start3A_468 = tpu.memref_slice %arg4[%add3A_463, %dma_start3A_467] : memref<128x4096xi32, #tpu.memory_space<hbm>> -> memref<1x4096xi32, #tpu.memory_space<hbm>>
          %dma_start3A_469 = tpu.memref_squeeze %dma_start3A_468 : memref<1x4096xi32, #tpu.memory_space<hbm>> -> memref<4096xi32, #tpu.memory_space<hbm>>
          tpu.enqueue_dma source(%dma_start3A_469 : memref<4096xi32, #tpu.memory_space<hbm>>) target(%arg10 : memref<4096xi32, #tpu.memory_space<vmem>>) target_semaphore(%arg20 : memref<!tpu.dma_semaphore, #tpu.memory_space<semaphore_mem>>)
        } else {
        }
        %mul3A_397 = arith.constant 2 : i32
        %mul3A_398 = arith.muli %scan3A_338, %mul3A_397 : i32
        %add3A_399 = arith.constant 1 : i32
        %add3A_400 = arith.addi %mul3A_398, %add3A_399 : i32
        %dma_wait3A_401 = arith.constant 0 : i32
        %dma_wait3A_402 = arith.constant 0 : i32
        %dma_wait3A_403 = tpu.memref_slice %arg4[%dma_wait3A_401, %dma_wait3A_402] : memref<128x4096xi32, #tpu.memory_space<hbm>> -> memref<1x4096xi32, #tpu.memory_space<hbm>>
        %dma_wait3A_404 = tpu.memref_squeeze %dma_wait3A_403 : memref<1x4096xi32, #tpu.memory_space<hbm>> -> memref<4096xi32, #tpu.memory_space<hbm>>
        %dma_wait3A_405 = arith.constant 0 : i32
        %dma_wait3A_406 = tpu.memref_slice %arg4[%dma_wait3A_401, %dma_wait3A_405] : memref<128x4096xi32, #tpu.memory_space<hbm>> -> memref<1x4096xi32, #tpu.memory_space<hbm>>
        %dma_wait3A_407 = tpu.memref_squeeze %dma_wait3A_406 : memref<1x4096xi32, #tpu.memory_space<hbm>> -> memref<4096xi32, #tpu.memory_space<hbm>>
        tpu.wait_dma2 semaphore(%arg21 : memref<!tpu.dma_semaphore, #tpu.memory_space<semaphore_mem>>) src(%dma_wait3A_407 : memref<4096xi32, #tpu.memory_space<hbm>>) dst(%arg11 : memref<4096xi32, #tpu.memory_space<vmem>>)
        %ge3A_408 = arith.constant 2 : i32
        %ge3A_409 = arith.cmpi sge, %add3A_400, %ge3A_408 : i32
        %convert_element_type3A_410 = arith.extui %ge3A_409 : i1 to i32
        %cond3A_411 = arith.constant 0 : i32
        %cond3A_412 = arith.cmpi ne, %convert_element_type3A_410, %cond3A_411 : i32
        scf.if %cond3A_412 {
          %dma_wait3A_459 = arith.constant 0 : i32
          %dma_wait3A_460 = arith.constant 0 : i32
          %dma_wait3A_461 = arith.constant 0 : i32
          %dma_wait3A_462 = tpu.memref_slice %arg5[%dma_wait3A_459, %dma_wait3A_460, %dma_wait3A_461] : memref<128x512x512xf32, #tpu.memory_space<hbm>> -> memref<1x8x256xf32, #tpu.memory_space<hbm>>
          %dma_wait3A_463 = tpu.memref_squeeze %dma_wait3A_462 : memref<1x8x256xf32, #tpu.memory_space<hbm>> -> memref<8x256xf32, #tpu.memory_space<hbm>>
          %dma_wait3A_464 = arith.constant 0 : i32
          %dma_wait3A_465 = arith.constant 0 : i32
          %dma_wait3A_466 = tpu.memref_slice %arg5[%dma_wait3A_459, %dma_wait3A_464, %dma_wait3A_465] : memref<128x512x512xf32, #tpu.memory_space<hbm>> -> memref<1x8x256xf32, #tpu.memory_space<hbm>>
          %dma_wait3A_467 = tpu.memref_squeeze %dma_wait3A_466 : memref<1x8x256xf32, #tpu.memory_space<hbm>> -> memref<8x256xf32, #tpu.memory_space<hbm>>
          tpu.wait_dma2 semaphore(%arg23 : memref<!tpu.dma_semaphore, #tpu.memory_space<semaphore_mem>>) src(%dma_wait3A_467 : memref<8x256xf32, #tpu.memory_space<hbm>>) dst(%arg13 : memref<8x256xf32, #tpu.memory_space<vmem>>)
          %dma_wait3A_468 = arith.constant 0 : i32
          %dma_wait3A_469 = arith.constant 0 : i32
          %dma_wait3A_470 = arith.constant 0 : i32
          %dma_wait3A_471 = tpu.memref_slice %arg5[%dma_wait3A_468, %dma_wait3A_469, %dma_wait3A_470] : memref<128x512x512xf32, #tpu.memory_space<hbm>> -> memref<1x8x256xf32, #tpu.memory_space<hbm>>
          %dma_wait3A_472 = tpu.memref_squeeze %dma_wait3A_471 : memref<1x8x256xf32, #tpu.memory_space<hbm>> -> memref<8x256xf32, #tpu.memory_space<hbm>>
          %dma_wait3A_473 = arith.constant 0 : i32
          %dma_wait3A_474 = arith.constant 0 : i32
          %dma_wait3A_475 = tpu.memref_slice %arg5[%dma_wait3A_468, %dma_wait3A_473, %dma_wait3A_474] : memref<128x512x512xf32, #tpu.memory_space<hbm>> -> memref<1x8x256xf32, #tpu.memory_space<hbm>>
          %dma_wait3A_476 = tpu.memref_squeeze %dma_wait3A_475 : memref<1x8x256xf32, #tpu.memory_space<hbm>> -> memref<8x256xf32, #tpu.memory_space<hbm>>
          tpu.wait_dma2 semaphore(%arg23 : memref<!tpu.dma_semaphore, #tpu.memory_space<semaphore_mem>>) src(%dma_wait3A_476 : memref<8x256xf32, #tpu.memory_space<hbm>>) dst(%arg15 : memref<8x256xf32, #tpu.memory_space<vmem>>)
          %dma_wait3A_477 = arith.constant 0 : i32
          %dma_wait3A_478 = arith.constant 0 : i32
          %dma_wait3A_479 = arith.constant 0 : i32
          %dma_wait3A_480 = tpu.memref_slice %arg5[%dma_wait3A_477, %dma_wait3A_478, %dma_wait3A_479] : memref<128x512x512xf32, #tpu.memory_space<hbm>> -> memref<1x8x256xf32, #tpu.memory_space<hbm>>
          %dma_wait3A_481 = tpu.memref_squeeze %dma_wait3A_480 : memref<1x8x256xf32, #tpu.memory_space<hbm>> -> memref<8x256xf32, #tpu.memory_space<hbm>>
          %dma_wait3A_482 = arith.constant 0 : i32
          %dma_wait3A_483 = arith.constant 0 : i32
          %dma_wait3A_484 = tpu.memref_slice %arg5[%dma_wait3A_477, %dma_wait3A_482, %dma_wait3A_483] : memref<128x512x512xf32, #tpu.memory_space<hbm>> -> memref<1x8x256xf32, #tpu.memory_space<hbm>>
          %dma_wait3A_485 = tpu.memref_squeeze %dma_wait3A_484 : memref<1x8x256xf32, #tpu.memory_space<hbm>> -> memref<8x256xf32, #tpu.memory_space<hbm>>
          tpu.wait_dma2 semaphore(%arg23 : memref<!tpu.dma_semaphore, #tpu.memory_space<semaphore_mem>>) src(%dma_wait3A_485 : memref<8x256xf32, #tpu.memory_space<hbm>>) dst(%arg17 : memref<8x256xf32, #tpu.memory_space<vmem>>)
          %dma_wait3A_486 = arith.constant 0 : i32
          %dma_wait3A_487 = arith.constant 0 : i32
          %dma_wait3A_488 = arith.constant 0 : i32
          %dma_wait3A_489 = tpu.memref_slice %arg5[%dma_wait3A_486, %dma_wait3A_487, %dma_wait3A_488] : memref<128x512x512xf32, #tpu.memory_space<hbm>> -> memref<1x8x256xf32, #tpu.memory_space<hbm>>
          %dma_wait3A_490 = tpu.memref_squeeze %dma_wait3A_489 : memref<1x8x256xf32, #tpu.memory_space<hbm>> -> memref<8x256xf32, #tpu.memory_space<hbm>>
          %dma_wait3A_491 = arith.constant 0 : i32
          %dma_wait3A_492 = arith.constant 0 : i32
          %dma_wait3A_493 = tpu.memref_slice %arg5[%dma_wait3A_486, %dma_wait3A_491, %dma_wait3A_492] : memref<128x512x512xf32, #tpu.memory_space<hbm>> -> memref<1x8x256xf32, #tpu.memory_space<hbm>>
          %dma_wait3A_494 = tpu.memref_squeeze %dma_wait3A_493 : memref<1x8x256xf32, #tpu.memory_space<hbm>> -> memref<8x256xf32, #tpu.memory_space<hbm>>
          tpu.wait_dma2 semaphore(%arg23 : memref<!tpu.dma_semaphore, #tpu.memory_space<semaphore_mem>>) src(%dma_wait3A_494 : memref<8x256xf32, #tpu.memory_space<hbm>>) dst(%arg19 : memref<8x256xf32, #tpu.memory_space<vmem>>)
        } else {
        }
        %mul3A_413 = arith.constant 8 : i32
        %mul3A_414 = arith.muli %add3A_400, %mul3A_413 : i32
        %add3A_415 = arith.addi %mul3A_56, %mul3A_414 : i32
        %parallel_loop3A_416 = arith.constant 0 : i32
        %parallel_loop3A_417 = arith.constant 2048 : i32
        %parallel_loop3A_418 = arith.constant 16 : i32
        scf.for %parallel_loop3A_459 = %parallel_loop3A_416 to %parallel_loop3A_417 step %parallel_loop3A_418  : i32 {
          %parallel_loop3A_460 = arith.index_cast %parallel_loop3A_459 : i32 to index
          %parallel_loop3A_461 = tpu.vector_load %arg11[%parallel_loop3A_460] {strides = array<i32>} : memref<4096xi32, #tpu.memory_space<vmem>>, vector<16xi32>,
          %parallel_loop3A_462 = arith.constant 2048 : i32
          %parallel_loop3A_463 = arith.addi %parallel_loop3A_462, %parallel_loop3A_459 : i32
          %parallel_loop3A_464 = arith.index_cast %parallel_loop3A_463 : i32 to index
          %parallel_loop3A_465 = tpu.vector_load %arg11[%parallel_loop3A_464] {strides = array<i32>} : memref<4096xi32, #tpu.memory_space<vmem>>, vector<16xi32>,
          %parallel_loop3A_466 = tpu.vector_load_idx %arg6[%parallel_loop3A_461] : memref<17424xf32, #tpu.memory_space<vmem>>[vector<16xi32>], vector<16xf32>,
          %parallel_loop3A_467 = arith.constant 1 : i32
          %parallel_loop3A_468 = vector.broadcast %parallel_loop3A_467 : i32 to vector<16xi32>
          %parallel_loop3A_469 = arith.addi %parallel_loop3A_461, %parallel_loop3A_468 : vector<16xi32>
          %parallel_loop3A_470 = tpu.vector_load_idx %arg6[%parallel_loop3A_469] : memref<17424xf32, #tpu.memory_space<vmem>>[vector<16xi32>], vector<16xf32>,
          %parallel_loop3A_471 = arith.constant 264 : i32
          %parallel_loop3A_472 = vector.broadcast %parallel_loop3A_471 : i32 to vector<16xi32>
          %parallel_loop3A_473 = arith.addi %parallel_loop3A_461, %parallel_loop3A_472 : vector<16xi32>
          %parallel_loop3A_474 = tpu.vector_load_idx %arg6[%parallel_loop3A_473] : memref<17424xf32, #tpu.memory_space<vmem>>[vector<16xi32>], vector<16xf32>,
          %parallel_loop3A_475 = arith.constant 265 : i32
          %parallel_loop3A_476 = vector.broadcast %parallel_loop3A_475 : i32 to vector<16xi32>
          %parallel_loop3A_477 = arith.addi %parallel_loop3A_461, %parallel_loop3A_476 : vector<16xi32>
          %parallel_loop3A_478 = tpu.vector_load_idx %arg6[%parallel_loop3A_477] : memref<17424xf32, #tpu.memory_space<vmem>>[vector<16xi32>], vector<16xf32>,
          %parallel_loop3A_479 = arith.constant -65536 : i32
          %parallel_loop3A_480 = vector.broadcast %parallel_loop3A_479 : i32 to vector<16xi32>
          %parallel_loop3A_481 = arith.andi %parallel_loop3A_465, %parallel_loop3A_480 : vector<16xi32>
          %parallel_loop3A_482 = vector.bitcast %parallel_loop3A_481 : vector<16xi32> to vector<16xf32>
          %parallel_loop3A_483 = arith.constant 16 : i32
          %parallel_loop3A_484 = vector.broadcast %parallel_loop3A_483 : i32 to vector<16xi32>
          %parallel_loop3A_485 = arith.shli %parallel_loop3A_465, %parallel_loop3A_484 : vector<16xi32>
          %parallel_loop3A_486 = vector.bitcast %parallel_loop3A_485 : vector<16xi32> to vector<16xf32>
          %parallel_loop3A_487 = arith.constant 1.000000e+00 : f32
          %parallel_loop3A_488 = vector.broadcast %parallel_loop3A_487 : f32 to vector<16xf32>
          %parallel_loop3A_489 = arith.subf %parallel_loop3A_488, %parallel_loop3A_482 : vector<16xf32>
          %parallel_loop3A_490 = arith.constant 1.000000e+00 : f32
          %parallel_loop3A_491 = vector.broadcast %parallel_loop3A_490 : f32 to vector<16xf32>
          %parallel_loop3A_492 = arith.subf %parallel_loop3A_491, %parallel_loop3A_486 : vector<16xf32>
          %parallel_loop3A_493 = arith.mulf %parallel_loop3A_482, %parallel_loop3A_466 : vector<16xf32>
          %parallel_loop3A_494 = arith.mulf %parallel_loop3A_489, %parallel_loop3A_470 : vector<16xf32>
          %parallel_loop3A_495 = arith.addf %parallel_loop3A_493, %parallel_loop3A_494 : vector<16xf32>
          %parallel_loop3A_496 = arith.mulf %parallel_loop3A_486, %parallel_loop3A_495 : vector<16xf32>
          %parallel_loop3A_497 = arith.mulf %parallel_loop3A_482, %parallel_loop3A_474 : vector<16xf32>
          %parallel_loop3A_498 = arith.mulf %parallel_loop3A_489, %parallel_loop3A_478 : vector<16xf32>
          %parallel_loop3A_499 = arith.addf %parallel_loop3A_497, %parallel_loop3A_498 : vector<16xf32>
          %parallel_loop3A_500 = arith.mulf %parallel_loop3A_492, %parallel_loop3A_499 : vector<16xf32>
          %parallel_loop3A_501 = arith.addf %parallel_loop3A_496, %parallel_loop3A_500 : vector<16xf32>
          %parallel_loop3A_502 = arith.constant 256 : i32
          %parallel_loop3A_503 = arith.divsi %parallel_loop3A_459, %parallel_loop3A_502 : i32
          %parallel_loop3A_504 = arith.constant 0 : i32
          %parallel_loop3A_505 = arith.cmpi sgt, %parallel_loop3A_459, %parallel_loop3A_504 : i32
          %parallel_loop3A_506 = arith.extui %parallel_loop3A_505 : i1 to i32
          %parallel_loop3A_507 = arith.constant 0 : i32
          %parallel_loop3A_508 = arith.cmpi slt, %parallel_loop3A_459, %parallel_loop3A_507 : i32
          %parallel_loop3A_509 = arith.extui %parallel_loop3A_508 : i1 to i32
          %parallel_loop3A_510 = arith.subi %parallel_loop3A_506, %parallel_loop3A_509 : i32
          %parallel_loop3A_511 = arith.constant 0 : i32
          %parallel_loop3A_512 = arith.cmpi sgt, %parallel_loop3A_502, %parallel_loop3A_511 : i32
          %parallel_loop3A_513 = arith.extui %parallel_loop3A_512 : i1 to i32
          %parallel_loop3A_514 = arith.constant 0 : i32
          %parallel_loop3A_515 = arith.cmpi slt, %parallel_loop3A_502, %parallel_loop3A_514 : i32
          %parallel_loop3A_516 = arith.extui %parallel_loop3A_515 : i1 to i32
          %parallel_loop3A_517 = arith.subi %parallel_loop3A_513, %parallel_loop3A_516 : i32
          %parallel_loop3A_518 = arith.cmpi ne, %parallel_loop3A_510, %parallel_loop3A_517 : i32
          %parallel_loop3A_519 = arith.remsi %parallel_loop3A_459, %parallel_loop3A_502 : i32
          %parallel_loop3A_520 = arith.constant 0 : i32
          %parallel_loop3A_521 = arith.cmpi ne, %parallel_loop3A_519, %parallel_loop3A_520 : i32
          %parallel_loop3A_522 = arith.andi %parallel_loop3A_518, %parallel_loop3A_521 : i1
          %parallel_loop3A_523 = arith.constant 1 : i32
          %parallel_loop3A_524 = arith.subi %parallel_loop3A_503, %parallel_loop3A_523 : i32
          %parallel_loop3A_525 = arith.select %parallel_loop3A_522, %parallel_loop3A_524, %parallel_loop3A_503 : i32
          %parallel_loop3A_526 = arith.constant 256 : i32
          %parallel_loop3A_527 = arith.constant 0 : i32
          %parallel_loop3A_528 = arith.cmpi eq, %parallel_loop3A_526, %parallel_loop3A_527 : i32
          %parallel_loop3A_529 = arith.constant 1 : i32
          %parallel_loop3A_530 = arith.select %parallel_loop3A_528, %parallel_loop3A_529, %parallel_loop3A_526 : i32
          %parallel_loop3A_531 = arith.remsi %parallel_loop3A_459, %parallel_loop3A_530 : i32
          %parallel_loop3A_532 = arith.constant 0 : i32
          %parallel_loop3A_533 = arith.cmpi ne, %parallel_loop3A_531, %parallel_loop3A_532 : i32
          %parallel_loop3A_534 = arith.constant 0 : i32
          %parallel_loop3A_535 = arith.cmpi slt, %parallel_loop3A_531, %parallel_loop3A_534 : i32
          %parallel_loop3A_536 = arith.constant 0 : i32
          %parallel_loop3A_537 = arith.cmpi slt, %parallel_loop3A_530, %parallel_loop3A_536 : i32
          %parallel_loop3A_538 = arith.xori %parallel_loop3A_535, %parallel_loop3A_537 : i1
          %parallel_loop3A_539 = arith.andi %parallel_loop3A_538, %parallel_loop3A_533 : i1
          %parallel_loop3A_540 = arith.addi %parallel_loop3A_531, %parallel_loop3A_530 : i32
          %parallel_loop3A_541 = arith.select %parallel_loop3A_539, %parallel_loop3A_540, %parallel_loop3A_531 : i32
          %parallel_loop3A_542 = arith.index_cast %parallel_loop3A_525 : i32 to index
          %parallel_loop3A_543 = arith.index_cast %parallel_loop3A_541 : i32 to index
          %parallel_loop3A_544 = tpu.vector_load %arg13[%parallel_loop3A_542, %parallel_loop3A_543] {strides = array<i32>} : memref<8x256xf32, #tpu.memory_space<vmem>>, vector<16xf32>,
          tpu.vector_store %arg13[%parallel_loop3A_542, %parallel_loop3A_543], %parallel_loop3A_501 {strides = array<i32>} : memref<8x256xf32, #tpu.memory_space<vmem>>, vector<16xf32>,
        } {sc.loop_unroll_factor = 8 : i64, sc.parallel_access}
        %add3A_419 = arith.constant 0 : i32
        %add3A_420 = arith.addi %add3A_149, %add3A_419 : i32
        %dma_start3A_421 = tpu.memref_slice %arg5[%add3A_420, %add3A_415, %mul3A_74] : memref<128x512x512xf32, #tpu.memory_space<hbm>> -> memref<1x8x256xf32, #tpu.memory_space<hbm>>
        %dma_start3A_422 = tpu.memref_squeeze %dma_start3A_421 : memref<1x8x256xf32, #tpu.memory_space<hbm>> -> memref<8x256xf32, #tpu.memory_space<hbm>>
        %dma_start3A_423 = tpu.memref_slice %arg5[%add3A_420, %add3A_415, %mul3A_74] : memref<128x512x512xf32, #tpu.memory_space<hbm>> -> memref<1x8x256xf32, #tpu.memory_space<hbm>>
        %dma_start3A_424 = tpu.memref_squeeze %dma_start3A_423 : memref<1x8x256xf32, #tpu.memory_space<hbm>> -> memref<8x256xf32, #tpu.memory_space<hbm>>
        tpu.enqueue_dma source(%arg13 : memref<8x256xf32, #tpu.memory_space<vmem>>) target(%dma_start3A_424 : memref<8x256xf32, #tpu.memory_space<hbm>>) target_semaphore(%arg23 : memref<!tpu.dma_semaphore, #tpu.memory_space<semaphore_mem>>)
        %parallel_loop3A_425 = arith.constant 0 : i32
        %parallel_loop3A_426 = arith.constant 2048 : i32
        %parallel_loop3A_427 = arith.constant 16 : i32
        scf.for %parallel_loop3A_459 = %parallel_loop3A_425 to %parallel_loop3A_426 step %parallel_loop3A_427  : i32 {
          %parallel_loop3A_460 = arith.index_cast %parallel_loop3A_459 : i32 to index
          %parallel_loop3A_461 = tpu.vector_load %arg11[%parallel_loop3A_460] {strides = array<i32>} : memref<4096xi32, #tpu.memory_space<vmem>>, vector<16xi32>,
          %parallel_loop3A_462 = arith.constant 2048 : i32
          %parallel_loop3A_463 = arith.addi %parallel_loop3A_462, %parallel_loop3A_459 : i32
          %parallel_loop3A_464 = arith.index_cast %parallel_loop3A_463 : i32 to index
          %parallel_loop3A_465 = tpu.vector_load %arg11[%parallel_loop3A_464] {strides = array<i32>} : memref<4096xi32, #tpu.memory_space<vmem>>, vector<16xi32>,
          %parallel_loop3A_466 = tpu.vector_load_idx %arg7[%parallel_loop3A_461] : memref<17424xf32, #tpu.memory_space<vmem>>[vector<16xi32>], vector<16xf32>,
          %parallel_loop3A_467 = arith.constant 1 : i32
          %parallel_loop3A_468 = vector.broadcast %parallel_loop3A_467 : i32 to vector<16xi32>
          %parallel_loop3A_469 = arith.addi %parallel_loop3A_461, %parallel_loop3A_468 : vector<16xi32>
          %parallel_loop3A_470 = tpu.vector_load_idx %arg7[%parallel_loop3A_469] : memref<17424xf32, #tpu.memory_space<vmem>>[vector<16xi32>], vector<16xf32>,
          %parallel_loop3A_471 = arith.constant 264 : i32
          %parallel_loop3A_472 = vector.broadcast %parallel_loop3A_471 : i32 to vector<16xi32>
          %parallel_loop3A_473 = arith.addi %parallel_loop3A_461, %parallel_loop3A_472 : vector<16xi32>
          %parallel_loop3A_474 = tpu.vector_load_idx %arg7[%parallel_loop3A_473] : memref<17424xf32, #tpu.memory_space<vmem>>[vector<16xi32>], vector<16xf32>,
          %parallel_loop3A_475 = arith.constant 265 : i32
          %parallel_loop3A_476 = vector.broadcast %parallel_loop3A_475 : i32 to vector<16xi32>
          %parallel_loop3A_477 = arith.addi %parallel_loop3A_461, %parallel_loop3A_476 : vector<16xi32>
          %parallel_loop3A_478 = tpu.vector_load_idx %arg7[%parallel_loop3A_477] : memref<17424xf32, #tpu.memory_space<vmem>>[vector<16xi32>], vector<16xf32>,
          %parallel_loop3A_479 = arith.constant -65536 : i32
          %parallel_loop3A_480 = vector.broadcast %parallel_loop3A_479 : i32 to vector<16xi32>
          %parallel_loop3A_481 = arith.andi %parallel_loop3A_465, %parallel_loop3A_480 : vector<16xi32>
          %parallel_loop3A_482 = vector.bitcast %parallel_loop3A_481 : vector<16xi32> to vector<16xf32>
          %parallel_loop3A_483 = arith.constant 16 : i32
          %parallel_loop3A_484 = vector.broadcast %parallel_loop3A_483 : i32 to vector<16xi32>
          %parallel_loop3A_485 = arith.shli %parallel_loop3A_465, %parallel_loop3A_484 : vector<16xi32>
          %parallel_loop3A_486 = vector.bitcast %parallel_loop3A_485 : vector<16xi32> to vector<16xf32>
          %parallel_loop3A_487 = arith.constant 1.000000e+00 : f32
          %parallel_loop3A_488 = vector.broadcast %parallel_loop3A_487 : f32 to vector<16xf32>
          %parallel_loop3A_489 = arith.subf %parallel_loop3A_488, %parallel_loop3A_482 : vector<16xf32>
          %parallel_loop3A_490 = arith.constant 1.000000e+00 : f32
          %parallel_loop3A_491 = vector.broadcast %parallel_loop3A_490 : f32 to vector<16xf32>
          %parallel_loop3A_492 = arith.subf %parallel_loop3A_491, %parallel_loop3A_486 : vector<16xf32>
          %parallel_loop3A_493 = arith.mulf %parallel_loop3A_482, %parallel_loop3A_466 : vector<16xf32>
          %parallel_loop3A_494 = arith.mulf %parallel_loop3A_489, %parallel_loop3A_470 : vector<16xf32>
          %parallel_loop3A_495 = arith.addf %parallel_loop3A_493, %parallel_loop3A_494 : vector<16xf32>
          %parallel_loop3A_496 = arith.mulf %parallel_loop3A_486, %parallel_loop3A_495 : vector<16xf32>
          %parallel_loop3A_497 = arith.mulf %parallel_loop3A_482, %parallel_loop3A_474 : vector<16xf32>
          %parallel_loop3A_498 = arith.mulf %parallel_loop3A_489, %parallel_loop3A_478 : vector<16xf32>
          %parallel_loop3A_499 = arith.addf %parallel_loop3A_497, %parallel_loop3A_498 : vector<16xf32>
          %parallel_loop3A_500 = arith.mulf %parallel_loop3A_492, %parallel_loop3A_499 : vector<16xf32>
          %parallel_loop3A_501 = arith.addf %parallel_loop3A_496, %parallel_loop3A_500 : vector<16xf32>
          %parallel_loop3A_502 = arith.constant 256 : i32
          %parallel_loop3A_503 = arith.divsi %parallel_loop3A_459, %parallel_loop3A_502 : i32
          %parallel_loop3A_504 = arith.constant 0 : i32
          %parallel_loop3A_505 = arith.cmpi sgt, %parallel_loop3A_459, %parallel_loop3A_504 : i32
          %parallel_loop3A_506 = arith.extui %parallel_loop3A_505 : i1 to i32
          %parallel_loop3A_507 = arith.constant 0 : i32
          %parallel_loop3A_508 = arith.cmpi slt, %parallel_loop3A_459, %parallel_loop3A_507 : i32
          %parallel_loop3A_509 = arith.extui %parallel_loop3A_508 : i1 to i32
          %parallel_loop3A_510 = arith.subi %parallel_loop3A_506, %parallel_loop3A_509 : i32
          %parallel_loop3A_511 = arith.constant 0 : i32
          %parallel_loop3A_512 = arith.cmpi sgt, %parallel_loop3A_502, %parallel_loop3A_511 : i32
          %parallel_loop3A_513 = arith.extui %parallel_loop3A_512 : i1 to i32
          %parallel_loop3A_514 = arith.constant 0 : i32
          %parallel_loop3A_515 = arith.cmpi slt, %parallel_loop3A_502, %parallel_loop3A_514 : i32
          %parallel_loop3A_516 = arith.extui %parallel_loop3A_515 : i1 to i32
          %parallel_loop3A_517 = arith.subi %parallel_loop3A_513, %parallel_loop3A_516 : i32
          %parallel_loop3A_518 = arith.cmpi ne, %parallel_loop3A_510, %parallel_loop3A_517 : i32
          %parallel_loop3A_519 = arith.remsi %parallel_loop3A_459, %parallel_loop3A_502 : i32
          %parallel_loop3A_520 = arith.constant 0 : i32
          %parallel_loop3A_521 = arith.cmpi ne, %parallel_loop3A_519, %parallel_loop3A_520 : i32
          %parallel_loop3A_522 = arith.andi %parallel_loop3A_518, %parallel_loop3A_521 : i1
          %parallel_loop3A_523 = arith.constant 1 : i32
          %parallel_loop3A_524 = arith.subi %parallel_loop3A_503, %parallel_loop3A_523 : i32
          %parallel_loop3A_525 = arith.select %parallel_loop3A_522, %parallel_loop3A_524, %parallel_loop3A_503 : i32
          %parallel_loop3A_526 = arith.constant 256 : i32
          %parallel_loop3A_527 = arith.constant 0 : i32
          %parallel_loop3A_528 = arith.cmpi eq, %parallel_loop3A_526, %parallel_loop3A_527 : i32
          %parallel_loop3A_529 = arith.constant 1 : i32
          %parallel_loop3A_530 = arith.select %parallel_loop3A_528, %parallel_loop3A_529, %parallel_loop3A_526 : i32
          %parallel_loop3A_531 = arith.remsi %parallel_loop3A_459, %parallel_loop3A_530 : i32
          %parallel_loop3A_532 = arith.constant 0 : i32
          %parallel_loop3A_533 = arith.cmpi ne, %parallel_loop3A_531, %parallel_loop3A_532 : i32
          %parallel_loop3A_534 = arith.constant 0 : i32
          %parallel_loop3A_535 = arith.cmpi slt, %parallel_loop3A_531, %parallel_loop3A_534 : i32
          %parallel_loop3A_536 = arith.constant 0 : i32
          %parallel_loop3A_537 = arith.cmpi slt, %parallel_loop3A_530, %parallel_loop3A_536 : i32
          %parallel_loop3A_538 = arith.xori %parallel_loop3A_535, %parallel_loop3A_537 : i1
          %parallel_loop3A_539 = arith.andi %parallel_loop3A_538, %parallel_loop3A_533 : i1
          %parallel_loop3A_540 = arith.addi %parallel_loop3A_531, %parallel_loop3A_530 : i32
          %parallel_loop3A_541 = arith.select %parallel_loop3A_539, %parallel_loop3A_540, %parallel_loop3A_531 : i32
          %parallel_loop3A_542 = arith.index_cast %parallel_loop3A_525 : i32 to index
          %parallel_loop3A_543 = arith.index_cast %parallel_loop3A_541 : i32 to index
          %parallel_loop3A_544 = tpu.vector_load %arg15[%parallel_loop3A_542, %parallel_loop3A_543] {strides = array<i32>} : memref<8x256xf32, #tpu.memory_space<vmem>>, vector<16xf32>,
          tpu.vector_store %arg15[%parallel_loop3A_542, %parallel_loop3A_543], %parallel_loop3A_501 {strides = array<i32>} : memref<8x256xf32, #tpu.memory_space<vmem>>, vector<16xf32>,
        } {sc.loop_unroll_factor = 8 : i64, sc.parallel_access}
        %add3A_428 = arith.constant 1 : i32
        %add3A_429 = arith.addi %add3A_149, %add3A_428 : i32
        %dma_start3A_430 = tpu.memref_slice %arg5[%add3A_429, %add3A_415, %mul3A_74] : memref<128x512x512xf32, #tpu.memory_space<hbm>> -> memref<1x8x256xf32, #tpu.memory_space<hbm>>
        %dma_start3A_431 = tpu.memref_squeeze %dma_start3A_430 : memref<1x8x256xf32, #tpu.memory_space<hbm>> -> memref<8x256xf32, #tpu.memory_space<hbm>>
        %dma_start3A_432 = tpu.memref_slice %arg5[%add3A_429, %add3A_415, %mul3A_74] : memref<128x512x512xf32, #tpu.memory_space<hbm>> -> memref<1x8x256xf32, #tpu.memory_space<hbm>>
        %dma_start3A_433 = tpu.memref_squeeze %dma_start3A_432 : memref<1x8x256xf32, #tpu.memory_space<hbm>> -> memref<8x256xf32, #tpu.memory_space<hbm>>
        tpu.enqueue_dma source(%arg15 : memref<8x256xf32, #tpu.memory_space<vmem>>) target(%dma_start3A_433 : memref<8x256xf32, #tpu.memory_space<hbm>>) target_semaphore(%arg23 : memref<!tpu.dma_semaphore, #tpu.memory_space<semaphore_mem>>)
        %parallel_loop3A_434 = arith.constant 0 : i32
        %parallel_loop3A_435 = arith.constant 2048 : i32
        %parallel_loop3A_436 = arith.constant 16 : i32
        scf.for %parallel_loop3A_459 = %parallel_loop3A_434 to %parallel_loop3A_435 step %parallel_loop3A_436  : i32 {
          %parallel_loop3A_460 = arith.index_cast %parallel_loop3A_459 : i32 to index
          %parallel_loop3A_461 = tpu.vector_load %arg11[%parallel_loop3A_460] {strides = array<i32>} : memref<4096xi32, #tpu.memory_space<vmem>>, vector<16xi32>,
          %parallel_loop3A_462 = arith.constant 2048 : i32
          %parallel_loop3A_463 = arith.addi %parallel_loop3A_462, %parallel_loop3A_459 : i32
          %parallel_loop3A_464 = arith.index_cast %parallel_loop3A_463 : i32 to index
          %parallel_loop3A_465 = tpu.vector_load %arg11[%parallel_loop3A_464] {strides = array<i32>} : memref<4096xi32, #tpu.memory_space<vmem>>, vector<16xi32>,
          %parallel_loop3A_466 = tpu.vector_load_idx %arg8[%parallel_loop3A_461] : memref<17424xf32, #tpu.memory_space<vmem>>[vector<16xi32>], vector<16xf32>,
          %parallel_loop3A_467 = arith.constant 1 : i32
          %parallel_loop3A_468 = vector.broadcast %parallel_loop3A_467 : i32 to vector<16xi32>
          %parallel_loop3A_469 = arith.addi %parallel_loop3A_461, %parallel_loop3A_468 : vector<16xi32>
          %parallel_loop3A_470 = tpu.vector_load_idx %arg8[%parallel_loop3A_469] : memref<17424xf32, #tpu.memory_space<vmem>>[vector<16xi32>], vector<16xf32>,
          %parallel_loop3A_471 = arith.constant 264 : i32
          %parallel_loop3A_472 = vector.broadcast %parallel_loop3A_471 : i32 to vector<16xi32>
          %parallel_loop3A_473 = arith.addi %parallel_loop3A_461, %parallel_loop3A_472 : vector<16xi32>
          %parallel_loop3A_474 = tpu.vector_load_idx %arg8[%parallel_loop3A_473] : memref<17424xf32, #tpu.memory_space<vmem>>[vector<16xi32>], vector<16xf32>,
          %parallel_loop3A_475 = arith.constant 265 : i32
          %parallel_loop3A_476 = vector.broadcast %parallel_loop3A_475 : i32 to vector<16xi32>
          %parallel_loop3A_477 = arith.addi %parallel_loop3A_461, %parallel_loop3A_476 : vector<16xi32>
          %parallel_loop3A_478 = tpu.vector_load_idx %arg8[%parallel_loop3A_477] : memref<17424xf32, #tpu.memory_space<vmem>>[vector<16xi32>], vector<16xf32>,
          %parallel_loop3A_479 = arith.constant -65536 : i32
          %parallel_loop3A_480 = vector.broadcast %parallel_loop3A_479 : i32 to vector<16xi32>
          %parallel_loop3A_481 = arith.andi %parallel_loop3A_465, %parallel_loop3A_480 : vector<16xi32>
          %parallel_loop3A_482 = vector.bitcast %parallel_loop3A_481 : vector<16xi32> to vector<16xf32>
          %parallel_loop3A_483 = arith.constant 16 : i32
          %parallel_loop3A_484 = vector.broadcast %parallel_loop3A_483 : i32 to vector<16xi32>
          %parallel_loop3A_485 = arith.shli %parallel_loop3A_465, %parallel_loop3A_484 : vector<16xi32>
          %parallel_loop3A_486 = vector.bitcast %parallel_loop3A_485 : vector<16xi32> to vector<16xf32>
          %parallel_loop3A_487 = arith.constant 1.000000e+00 : f32
          %parallel_loop3A_488 = vector.broadcast %parallel_loop3A_487 : f32 to vector<16xf32>
          %parallel_loop3A_489 = arith.subf %parallel_loop3A_488, %parallel_loop3A_482 : vector<16xf32>
          %parallel_loop3A_490 = arith.constant 1.000000e+00 : f32
          %parallel_loop3A_491 = vector.broadcast %parallel_loop3A_490 : f32 to vector<16xf32>
          %parallel_loop3A_492 = arith.subf %parallel_loop3A_491, %parallel_loop3A_486 : vector<16xf32>
          %parallel_loop3A_493 = arith.mulf %parallel_loop3A_482, %parallel_loop3A_466 : vector<16xf32>
          %parallel_loop3A_494 = arith.mulf %parallel_loop3A_489, %parallel_loop3A_470 : vector<16xf32>
          %parallel_loop3A_495 = arith.addf %parallel_loop3A_493, %parallel_loop3A_494 : vector<16xf32>
          %parallel_loop3A_496 = arith.mulf %parallel_loop3A_486, %parallel_loop3A_495 : vector<16xf32>
          %parallel_loop3A_497 = arith.mulf %parallel_loop3A_482, %parallel_loop3A_474 : vector<16xf32>
          %parallel_loop3A_498 = arith.mulf %parallel_loop3A_489, %parallel_loop3A_478 : vector<16xf32>
          %parallel_loop3A_499 = arith.addf %parallel_loop3A_497, %parallel_loop3A_498 : vector<16xf32>
          %parallel_loop3A_500 = arith.mulf %parallel_loop3A_492, %parallel_loop3A_499 : vector<16xf32>
          %parallel_loop3A_501 = arith.addf %parallel_loop3A_496, %parallel_loop3A_500 : vector<16xf32>
          %parallel_loop3A_502 = arith.constant 256 : i32
          %parallel_loop3A_503 = arith.divsi %parallel_loop3A_459, %parallel_loop3A_502 : i32
          %parallel_loop3A_504 = arith.constant 0 : i32
          %parallel_loop3A_505 = arith.cmpi sgt, %parallel_loop3A_459, %parallel_loop3A_504 : i32
          %parallel_loop3A_506 = arith.extui %parallel_loop3A_505 : i1 to i32
          %parallel_loop3A_507 = arith.constant 0 : i32
          %parallel_loop3A_508 = arith.cmpi slt, %parallel_loop3A_459, %parallel_loop3A_507 : i32
          %parallel_loop3A_509 = arith.extui %parallel_loop3A_508 : i1 to i32
          %parallel_loop3A_510 = arith.subi %parallel_loop3A_506, %parallel_loop3A_509 : i32
          %parallel_loop3A_511 = arith.constant 0 : i32
          %parallel_loop3A_512 = arith.cmpi sgt, %parallel_loop3A_502, %parallel_loop3A_511 : i32
          %parallel_loop3A_513 = arith.extui %parallel_loop3A_512 : i1 to i32
          %parallel_loop3A_514 = arith.constant 0 : i32
          %parallel_loop3A_515 = arith.cmpi slt, %parallel_loop3A_502, %parallel_loop3A_514 : i32
          %parallel_loop3A_516 = arith.extui %parallel_loop3A_515 : i1 to i32
          %parallel_loop3A_517 = arith.subi %parallel_loop3A_513, %parallel_loop3A_516 : i32
          %parallel_loop3A_518 = arith.cmpi ne, %parallel_loop3A_510, %parallel_loop3A_517 : i32
          %parallel_loop3A_519 = arith.remsi %parallel_loop3A_459, %parallel_loop3A_502 : i32
          %parallel_loop3A_520 = arith.constant 0 : i32
          %parallel_loop3A_521 = arith.cmpi ne, %parallel_loop3A_519, %parallel_loop3A_520 : i32
          %parallel_loop3A_522 = arith.andi %parallel_loop3A_518, %parallel_loop3A_521 : i1
          %parallel_loop3A_523 = arith.constant 1 : i32
          %parallel_loop3A_524 = arith.subi %parallel_loop3A_503, %parallel_loop3A_523 : i32
          %parallel_loop3A_525 = arith.select %parallel_loop3A_522, %parallel_loop3A_524, %parallel_loop3A_503 : i32
          %parallel_loop3A_526 = arith.constant 256 : i32
          %parallel_loop3A_527 = arith.constant 0 : i32
          %parallel_loop3A_528 = arith.cmpi eq, %parallel_loop3A_526, %parallel_loop3A_527 : i32
          %parallel_loop3A_529 = arith.constant 1 : i32
          %parallel_loop3A_530 = arith.select %parallel_loop3A_528, %parallel_loop3A_529, %parallel_loop3A_526 : i32
          %parallel_loop3A_531 = arith.remsi %parallel_loop3A_459, %parallel_loop3A_530 : i32
          %parallel_loop3A_532 = arith.constant 0 : i32
          %parallel_loop3A_533 = arith.cmpi ne, %parallel_loop3A_531, %parallel_loop3A_532 : i32
          %parallel_loop3A_534 = arith.constant 0 : i32
          %parallel_loop3A_535 = arith.cmpi slt, %parallel_loop3A_531, %parallel_loop3A_534 : i32
          %parallel_loop3A_536 = arith.constant 0 : i32
          %parallel_loop3A_537 = arith.cmpi slt, %parallel_loop3A_530, %parallel_loop3A_536 : i32
          %parallel_loop3A_538 = arith.xori %parallel_loop3A_535, %parallel_loop3A_537 : i1
          %parallel_loop3A_539 = arith.andi %parallel_loop3A_538, %parallel_loop3A_533 : i1
          %parallel_loop3A_540 = arith.addi %parallel_loop3A_531, %parallel_loop3A_530 : i32
          %parallel_loop3A_541 = arith.select %parallel_loop3A_539, %parallel_loop3A_540, %parallel_loop3A_531 : i32
          %parallel_loop3A_542 = arith.index_cast %parallel_loop3A_525 : i32 to index
          %parallel_loop3A_543 = arith.index_cast %parallel_loop3A_541 : i32 to index
          %parallel_loop3A_544 = tpu.vector_load %arg17[%parallel_loop3A_542, %parallel_loop3A_543] {strides = array<i32>} : memref<8x256xf32, #tpu.memory_space<vmem>>, vector<16xf32>,
          tpu.vector_store %arg17[%parallel_loop3A_542, %parallel_loop3A_543], %parallel_loop3A_501 {strides = array<i32>} : memref<8x256xf32, #tpu.memory_space<vmem>>, vector<16xf32>,
        } {sc.loop_unroll_factor = 8 : i64, sc.parallel_access}
        %add3A_437 = arith.constant 2 : i32
        %add3A_438 = arith.addi %add3A_149, %add3A_437 : i32
        %dma_start3A_439 = tpu.memref_slice %arg5[%add3A_438, %add3A_415, %mul3A_74] : memref<128x512x512xf32, #tpu.memory_space<hbm>> -> memref<1x8x256xf32, #tpu.memory_space<hbm>>
        %dma_start3A_440 = tpu.memref_squeeze %dma_start3A_439 : memref<1x8x256xf32, #tpu.memory_space<hbm>> -> memref<8x256xf32, #tpu.memory_space<hbm>>
        %dma_start3A_441 = tpu.memref_slice %arg5[%add3A_438, %add3A_415, %mul3A_74] : memref<128x512x512xf32, #tpu.memory_space<hbm>> -> memref<1x8x256xf32, #tpu.memory_space<hbm>>
        %dma_start3A_442 = tpu.memref_squeeze %dma_start3A_441 : memref<1x8x256xf32, #tpu.memory_space<hbm>> -> memref<8x256xf32, #tpu.memory_space<hbm>>
        tpu.enqueue_dma source(%arg17 : memref<8x256xf32, #tpu.memory_space<vmem>>) target(%dma_start3A_442 : memref<8x256xf32, #tpu.memory_space<hbm>>) target_semaphore(%arg23 : memref<!tpu.dma_semaphore, #tpu.memory_space<semaphore_mem>>)
        %parallel_loop3A_443 = arith.constant 0 : i32
        %parallel_loop3A_444 = arith.constant 2048 : i32
        %parallel_loop3A_445 = arith.constant 16 : i32
        scf.for %parallel_loop3A_459 = %parallel_loop3A_443 to %parallel_loop3A_444 step %parallel_loop3A_445  : i32 {
          %parallel_loop3A_460 = arith.index_cast %parallel_loop3A_459 : i32 to index
          %parallel_loop3A_461 = tpu.vector_load %arg11[%parallel_loop3A_460] {strides = array<i32>} : memref<4096xi32, #tpu.memory_space<vmem>>, vector<16xi32>,
          %parallel_loop3A_462 = arith.constant 2048 : i32
          %parallel_loop3A_463 = arith.addi %parallel_loop3A_462, %parallel_loop3A_459 : i32
          %parallel_loop3A_464 = arith.index_cast %parallel_loop3A_463 : i32 to index
          %parallel_loop3A_465 = tpu.vector_load %arg11[%parallel_loop3A_464] {strides = array<i32>} : memref<4096xi32, #tpu.memory_space<vmem>>, vector<16xi32>,
          %parallel_loop3A_466 = tpu.vector_load_idx %arg9[%parallel_loop3A_461] : memref<17424xf32, #tpu.memory_space<vmem>>[vector<16xi32>], vector<16xf32>,
          %parallel_loop3A_467 = arith.constant 1 : i32
          %parallel_loop3A_468 = vector.broadcast %parallel_loop3A_467 : i32 to vector<16xi32>
          %parallel_loop3A_469 = arith.addi %parallel_loop3A_461, %parallel_loop3A_468 : vector<16xi32>
          %parallel_loop3A_470 = tpu.vector_load_idx %arg9[%parallel_loop3A_469] : memref<17424xf32, #tpu.memory_space<vmem>>[vector<16xi32>], vector<16xf32>,
          %parallel_loop3A_471 = arith.constant 264 : i32
          %parallel_loop3A_472 = vector.broadcast %parallel_loop3A_471 : i32 to vector<16xi32>
          %parallel_loop3A_473 = arith.addi %parallel_loop3A_461, %parallel_loop3A_472 : vector<16xi32>
          %parallel_loop3A_474 = tpu.vector_load_idx %arg9[%parallel_loop3A_473] : memref<17424xf32, #tpu.memory_space<vmem>>[vector<16xi32>], vector<16xf32>,
          %parallel_loop3A_475 = arith.constant 265 : i32
          %parallel_loop3A_476 = vector.broadcast %parallel_loop3A_475 : i32 to vector<16xi32>
          %parallel_loop3A_477 = arith.addi %parallel_loop3A_461, %parallel_loop3A_476 : vector<16xi32>
          %parallel_loop3A_478 = tpu.vector_load_idx %arg9[%parallel_loop3A_477] : memref<17424xf32, #tpu.memory_space<vmem>>[vector<16xi32>], vector<16xf32>,
          %parallel_loop3A_479 = arith.constant -65536 : i32
          %parallel_loop3A_480 = vector.broadcast %parallel_loop3A_479 : i32 to vector<16xi32>
          %parallel_loop3A_481 = arith.andi %parallel_loop3A_465, %parallel_loop3A_480 : vector<16xi32>
          %parallel_loop3A_482 = vector.bitcast %parallel_loop3A_481 : vector<16xi32> to vector<16xf32>
          %parallel_loop3A_483 = arith.constant 16 : i32
          %parallel_loop3A_484 = vector.broadcast %parallel_loop3A_483 : i32 to vector<16xi32>
          %parallel_loop3A_485 = arith.shli %parallel_loop3A_465, %parallel_loop3A_484 : vector<16xi32>
          %parallel_loop3A_486 = vector.bitcast %parallel_loop3A_485 : vector<16xi32> to vector<16xf32>
          %parallel_loop3A_487 = arith.constant 1.000000e+00 : f32
          %parallel_loop3A_488 = vector.broadcast %parallel_loop3A_487 : f32 to vector<16xf32>
          %parallel_loop3A_489 = arith.subf %parallel_loop3A_488, %parallel_loop3A_482 : vector<16xf32>
          %parallel_loop3A_490 = arith.constant 1.000000e+00 : f32
          %parallel_loop3A_491 = vector.broadcast %parallel_loop3A_490 : f32 to vector<16xf32>
          %parallel_loop3A_492 = arith.subf %parallel_loop3A_491, %parallel_loop3A_486 : vector<16xf32>
          %parallel_loop3A_493 = arith.mulf %parallel_loop3A_482, %parallel_loop3A_466 : vector<16xf32>
          %parallel_loop3A_494 = arith.mulf %parallel_loop3A_489, %parallel_loop3A_470 : vector<16xf32>
          %parallel_loop3A_495 = arith.addf %parallel_loop3A_493, %parallel_loop3A_494 : vector<16xf32>
          %parallel_loop3A_496 = arith.mulf %parallel_loop3A_486, %parallel_loop3A_495 : vector<16xf32>
          %parallel_loop3A_497 = arith.mulf %parallel_loop3A_482, %parallel_loop3A_474 : vector<16xf32>
          %parallel_loop3A_498 = arith.mulf %parallel_loop3A_489, %parallel_loop3A_478 : vector<16xf32>
          %parallel_loop3A_499 = arith.addf %parallel_loop3A_497, %parallel_loop3A_498 : vector<16xf32>
          %parallel_loop3A_500 = arith.mulf %parallel_loop3A_492, %parallel_loop3A_499 : vector<16xf32>
          %parallel_loop3A_501 = arith.addf %parallel_loop3A_496, %parallel_loop3A_500 : vector<16xf32>
          %parallel_loop3A_502 = arith.constant 256 : i32
          %parallel_loop3A_503 = arith.divsi %parallel_loop3A_459, %parallel_loop3A_502 : i32
          %parallel_loop3A_504 = arith.constant 0 : i32
          %parallel_loop3A_505 = arith.cmpi sgt, %parallel_loop3A_459, %parallel_loop3A_504 : i32
          %parallel_loop3A_506 = arith.extui %parallel_loop3A_505 : i1 to i32
          %parallel_loop3A_507 = arith.constant 0 : i32
          %parallel_loop3A_508 = arith.cmpi slt, %parallel_loop3A_459, %parallel_loop3A_507 : i32
          %parallel_loop3A_509 = arith.extui %parallel_loop3A_508 : i1 to i32
          %parallel_loop3A_510 = arith.subi %parallel_loop3A_506, %parallel_loop3A_509 : i32
          %parallel_loop3A_511 = arith.constant 0 : i32
          %parallel_loop3A_512 = arith.cmpi sgt, %parallel_loop3A_502, %parallel_loop3A_511 : i32
          %parallel_loop3A_513 = arith.extui %parallel_loop3A_512 : i1 to i32
          %parallel_loop3A_514 = arith.constant 0 : i32
          %parallel_loop3A_515 = arith.cmpi slt, %parallel_loop3A_502, %parallel_loop3A_514 : i32
          %parallel_loop3A_516 = arith.extui %parallel_loop3A_515 : i1 to i32
          %parallel_loop3A_517 = arith.subi %parallel_loop3A_513, %parallel_loop3A_516 : i32
          %parallel_loop3A_518 = arith.cmpi ne, %parallel_loop3A_510, %parallel_loop3A_517 : i32
          %parallel_loop3A_519 = arith.remsi %parallel_loop3A_459, %parallel_loop3A_502 : i32
          %parallel_loop3A_520 = arith.constant 0 : i32
          %parallel_loop3A_521 = arith.cmpi ne, %parallel_loop3A_519, %parallel_loop3A_520 : i32
          %parallel_loop3A_522 = arith.andi %parallel_loop3A_518, %parallel_loop3A_521 : i1
          %parallel_loop3A_523 = arith.constant 1 : i32
          %parallel_loop3A_524 = arith.subi %parallel_loop3A_503, %parallel_loop3A_523 : i32
          %parallel_loop3A_525 = arith.select %parallel_loop3A_522, %parallel_loop3A_524, %parallel_loop3A_503 : i32
          %parallel_loop3A_526 = arith.constant 256 : i32
          %parallel_loop3A_527 = arith.constant 0 : i32
          %parallel_loop3A_528 = arith.cmpi eq, %parallel_loop3A_526, %parallel_loop3A_527 : i32
          %parallel_loop3A_529 = arith.constant 1 : i32
          %parallel_loop3A_530 = arith.select %parallel_loop3A_528, %parallel_loop3A_529, %parallel_loop3A_526 : i32
          %parallel_loop3A_531 = arith.remsi %parallel_loop3A_459, %parallel_loop3A_530 : i32
          %parallel_loop3A_532 = arith.constant 0 : i32
          %parallel_loop3A_533 = arith.cmpi ne, %parallel_loop3A_531, %parallel_loop3A_532 : i32
          %parallel_loop3A_534 = arith.constant 0 : i32
          %parallel_loop3A_535 = arith.cmpi slt, %parallel_loop3A_531, %parallel_loop3A_534 : i32
          %parallel_loop3A_536 = arith.constant 0 : i32
          %parallel_loop3A_537 = arith.cmpi slt, %parallel_loop3A_530, %parallel_loop3A_536 : i32
          %parallel_loop3A_538 = arith.xori %parallel_loop3A_535, %parallel_loop3A_537 : i1
          %parallel_loop3A_539 = arith.andi %parallel_loop3A_538, %parallel_loop3A_533 : i1
          %parallel_loop3A_540 = arith.addi %parallel_loop3A_531, %parallel_loop3A_530 : i32
          %parallel_loop3A_541 = arith.select %parallel_loop3A_539, %parallel_loop3A_540, %parallel_loop3A_531 : i32
          %parallel_loop3A_542 = arith.index_cast %parallel_loop3A_525 : i32 to index
          %parallel_loop3A_543 = arith.index_cast %parallel_loop3A_541 : i32 to index
          %parallel_loop3A_544 = tpu.vector_load %arg19[%parallel_loop3A_542, %parallel_loop3A_543] {strides = array<i32>} : memref<8x256xf32, #tpu.memory_space<vmem>>, vector<16xf32>,
          tpu.vector_store %arg19[%parallel_loop3A_542, %parallel_loop3A_543], %parallel_loop3A_501 {strides = array<i32>} : memref<8x256xf32, #tpu.memory_space<vmem>>, vector<16xf32>,
        } {sc.loop_unroll_factor = 8 : i64, sc.parallel_access}
        %add3A_446 = arith.constant 3 : i32
        %add3A_447 = arith.addi %add3A_149, %add3A_446 : i32
        %dma_start3A_448 = tpu.memref_slice %arg5[%add3A_447, %add3A_415, %mul3A_74] : memref<128x512x512xf32, #tpu.memory_space<hbm>> -> memref<1x8x256xf32, #tpu.memory_space<hbm>>
        %dma_start3A_449 = tpu.memref_squeeze %dma_start3A_448 : memref<1x8x256xf32, #tpu.memory_space<hbm>> -> memref<8x256xf32, #tpu.memory_space<hbm>>
        %dma_start3A_450 = tpu.memref_slice %arg5[%add3A_447, %add3A_415, %mul3A_74] : memref<128x512x512xf32, #tpu.memory_space<hbm>> -> memref<1x8x256xf32, #tpu.memory_space<hbm>>
        %dma_start3A_451 = tpu.memref_squeeze %dma_start3A_450 : memref<1x8x256xf32, #tpu.memory_space<hbm>> -> memref<8x256xf32, #tpu.memory_space<hbm>>
        tpu.enqueue_dma source(%arg19 : memref<8x256xf32, #tpu.memory_space<vmem>>) target(%dma_start3A_451 : memref<8x256xf32, #tpu.memory_space<hbm>>) target_semaphore(%arg23 : memref<!tpu.dma_semaphore, #tpu.memory_space<semaphore_mem>>)
        %add3A_452 = arith.constant 2 : i32
        %add3A_453 = arith.addi %add3A_400, %add3A_452 : i32
        %lt3A_454 = arith.constant 32 : i32
        %lt3A_455 = arith.cmpi slt, %add3A_453, %lt3A_454 : i32
        %convert_element_type3A_456 = arith.extui %lt3A_455 : i1 to i32
        %cond3A_457 = arith.constant 0 : i32
        %cond3A_458 = arith.cmpi ne, %convert_element_type3A_456, %cond3A_457 : i32
        scf.if %cond3A_458 {
          %add3A_459 = arith.constant 2 : i32
          %add3A_460 = arith.addi %add3A_400, %add3A_459 : i32
          %mul3A_461 = arith.constant 32 : i32
          %mul3A_462 = arith.muli %select_n3A_9, %mul3A_461 : i32
          %add3A_463 = arith.addi %mul3A_462, %add3A_460 : i32
          %dma_start3A_464 = arith.constant 0 : i32
          %dma_start3A_465 = tpu.memref_slice %arg4[%add3A_463, %dma_start3A_464] : memref<128x4096xi32, #tpu.memory_space<hbm>> -> memref<1x4096xi32, #tpu.memory_space<hbm>>
          %dma_start3A_466 = tpu.memref_squeeze %dma_start3A_465 : memref<1x4096xi32, #tpu.memory_space<hbm>> -> memref<4096xi32, #tpu.memory_space<hbm>>
          %dma_start3A_467 = arith.constant 0 : i32
          %dma_start3A_468 = tpu.memref_slice %arg4[%add3A_463, %dma_start3A_467] : memref<128x4096xi32, #tpu.memory_space<hbm>> -> memref<1x4096xi32, #tpu.memory_space<hbm>>
          %dma_start3A_469 = tpu.memref_squeeze %dma_start3A_468 : memref<1x4096xi32, #tpu.memory_space<hbm>> -> memref<4096xi32, #tpu.memory_space<hbm>>
          tpu.enqueue_dma source(%dma_start3A_469 : memref<4096xi32, #tpu.memory_space<hbm>>) target(%arg11 : memref<4096xi32, #tpu.memory_space<vmem>>) target_semaphore(%arg21 : memref<!tpu.dma_semaphore, #tpu.memory_space<semaphore_mem>>)
        } else {
        }
      }
      %scan3A_266 = arith.constant 16 : i32
      %dma_wait3A = arith.constant 0 : i32
      %dma_wait3A_267 = arith.constant 0 : i32
      %dma_wait3A_268 = arith.constant 0 : i32
      %dma_wait3A_269 = tpu.memref_slice %arg5[%dma_wait3A, %dma_wait3A_267, %dma_wait3A_268] : memref<128x512x512xf32, #tpu.memory_space<hbm>> -> memref<1x8x256xf32, #tpu.memory_space<hbm>>
      %dma_wait3A_270 = tpu.memref_squeeze %dma_wait3A_269 : memref<1x8x256xf32, #tpu.memory_space<hbm>> -> memref<8x256xf32, #tpu.memory_space<hbm>>
      %dma_wait3A_271 = arith.constant 0 : i32
      %dma_wait3A_272 = arith.constant 0 : i32
      %dma_wait3A_273 = tpu.memref_slice %arg5[%dma_wait3A, %dma_wait3A_271, %dma_wait3A_272] : memref<128x512x512xf32, #tpu.memory_space<hbm>> -> memref<1x8x256xf32, #tpu.memory_space<hbm>>
      %dma_wait3A_274 = tpu.memref_squeeze %dma_wait3A_273 : memref<1x8x256xf32, #tpu.memory_space<hbm>> -> memref<8x256xf32, #tpu.memory_space<hbm>>
      tpu.wait_dma2 semaphore(%arg22 : memref<!tpu.dma_semaphore, #tpu.memory_space<semaphore_mem>>) src(%dma_wait3A_274 : memref<8x256xf32, #tpu.memory_space<hbm>>) dst(%arg12 : memref<8x256xf32, #tpu.memory_space<vmem>>)
      %dma_wait3A_275 = arith.constant 0 : i32
      %dma_wait3A_276 = arith.constant 0 : i32
      %dma_wait3A_277 = arith.constant 0 : i32
      %dma_wait3A_278 = tpu.memref_slice %arg5[%dma_wait3A_275, %dma_wait3A_276, %dma_wait3A_277] : memref<128x512x512xf32, #tpu.memory_space<hbm>> -> memref<1x8x256xf32, #tpu.memory_space<hbm>>
      %dma_wait3A_279 = tpu.memref_squeeze %dma_wait3A_278 : memref<1x8x256xf32, #tpu.memory_space<hbm>> -> memref<8x256xf32, #tpu.memory_space<hbm>>
      %dma_wait3A_280 = arith.constant 0 : i32
      %dma_wait3A_281 = arith.constant 0 : i32
      %dma_wait3A_282 = tpu.memref_slice %arg5[%dma_wait3A_275, %dma_wait3A_280, %dma_wait3A_281] : memref<128x512x512xf32, #tpu.memory_space<hbm>> -> memref<1x8x256xf32, #tpu.memory_space<hbm>>
      %dma_wait3A_283 = tpu.memref_squeeze %dma_wait3A_282 : memref<1x8x256xf32, #tpu.memory_space<hbm>> -> memref<8x256xf32, #tpu.memory_space<hbm>>
      tpu.wait_dma2 semaphore(%arg22 : memref<!tpu.dma_semaphore, #tpu.memory_space<semaphore_mem>>) src(%dma_wait3A_283 : memref<8x256xf32, #tpu.memory_space<hbm>>) dst(%arg14 : memref<8x256xf32, #tpu.memory_space<vmem>>)
      %dma_wait3A_284 = arith.constant 0 : i32
      %dma_wait3A_285 = arith.constant 0 : i32
      %dma_wait3A_286 = arith.constant 0 : i32
      %dma_wait3A_287 = tpu.memref_slice %arg5[%dma_wait3A_284, %dma_wait3A_285, %dma_wait3A_286] : memref<128x512x512xf32, #tpu.memory_space<hbm>> -> memref<1x8x256xf32, #tpu.memory_space<hbm>>
      %dma_wait3A_288 = tpu.memref_squeeze %dma_wait3A_287 : memref<1x8x256xf32, #tpu.memory_space<hbm>> -> memref<8x256xf32, #tpu.memory_space<hbm>>
      %dma_wait3A_289 = arith.constant 0 : i32
      %dma_wait3A_290 = arith.constant 0 : i32
      %dma_wait3A_291 = tpu.memref_slice %arg5[%dma_wait3A_284, %dma_wait3A_289, %dma_wait3A_290] : memref<128x512x512xf32, #tpu.memory_space<hbm>> -> memref<1x8x256xf32, #tpu.memory_space<hbm>>
      %dma_wait3A_292 = tpu.memref_squeeze %dma_wait3A_291 : memref<1x8x256xf32, #tpu.memory_space<hbm>> -> memref<8x256xf32, #tpu.memory_space<hbm>>
      tpu.wait_dma2 semaphore(%arg22 : memref<!tpu.dma_semaphore, #tpu.memory_space<semaphore_mem>>) src(%dma_wait3A_292 : memref<8x256xf32, #tpu.memory_space<hbm>>) dst(%arg16 : memref<8x256xf32, #tpu.memory_space<vmem>>)
      %dma_wait3A_293 = arith.constant 0 : i32
      %dma_wait3A_294 = arith.constant 0 : i32
      %dma_wait3A_295 = arith.constant 0 : i32
      %dma_wait3A_296 = tpu.memref_slice %arg5[%dma_wait3A_293, %dma_wait3A_294, %dma_wait3A_295] : memref<128x512x512xf32, #tpu.memory_space<hbm>> -> memref<1x8x256xf32, #tpu.memory_space<hbm>>
      %dma_wait3A_297 = tpu.memref_squeeze %dma_wait3A_296 : memref<1x8x256xf32, #tpu.memory_space<hbm>> -> memref<8x256xf32, #tpu.memory_space<hbm>>
      %dma_wait3A_298 = arith.constant 0 : i32
      %dma_wait3A_299 = arith.constant 0 : i32
      %dma_wait3A_300 = tpu.memref_slice %arg5[%dma_wait3A_293, %dma_wait3A_298, %dma_wait3A_299] : memref<128x512x512xf32, #tpu.memory_space<hbm>> -> memref<1x8x256xf32, #tpu.memory_space<hbm>>
      %dma_wait3A_301 = tpu.memref_squeeze %dma_wait3A_300 : memref<1x8x256xf32, #tpu.memory_space<hbm>> -> memref<8x256xf32, #tpu.memory_space<hbm>>
      tpu.wait_dma2 semaphore(%arg22 : memref<!tpu.dma_semaphore, #tpu.memory_space<semaphore_mem>>) src(%dma_wait3A_301 : memref<8x256xf32, #tpu.memory_space<hbm>>) dst(%arg18 : memref<8x256xf32, #tpu.memory_space<vmem>>)
      %dma_wait3A_302 = arith.constant 0 : i32
      %dma_wait3A_303 = arith.constant 0 : i32
      %dma_wait3A_304 = arith.constant 0 : i32
      %dma_wait3A_305 = tpu.memref_slice %arg5[%dma_wait3A_302, %dma_wait3A_303, %dma_wait3A_304] : memref<128x512x512xf32, #tpu.memory_space<hbm>> -> memref<1x8x256xf32, #tpu.memory_space<hbm>>
      %dma_wait3A_306 = tpu.memref_squeeze %dma_wait3A_305 : memref<1x8x256xf32, #tpu.memory_space<hbm>> -> memref<8x256xf32, #tpu.memory_space<hbm>>
      %dma_wait3A_307 = arith.constant 0 : i32
      %dma_wait3A_308 = arith.constant 0 : i32
      %dma_wait3A_309 = tpu.memref_slice %arg5[%dma_wait3A_302, %dma_wait3A_307, %dma_wait3A_308] : memref<128x512x512xf32, #tpu.memory_space<hbm>> -> memref<1x8x256xf32, #tpu.memory_space<hbm>>
      %dma_wait3A_310 = tpu.memref_squeeze %dma_wait3A_309 : memref<1x8x256xf32, #tpu.memory_space<hbm>> -> memref<8x256xf32, #tpu.memory_space<hbm>>
      tpu.wait_dma2 semaphore(%arg23 : memref<!tpu.dma_semaphore, #tpu.memory_space<semaphore_mem>>) src(%dma_wait3A_310 : memref<8x256xf32, #tpu.memory_space<hbm>>) dst(%arg13 : memref<8x256xf32, #tpu.memory_space<vmem>>)
      %dma_wait3A_311 = arith.constant 0 : i32
      %dma_wait3A_312 = arith.constant 0 : i32
      %dma_wait3A_313 = arith.constant 0 : i32
      %dma_wait3A_314 = tpu.memref_slice %arg5[%dma_wait3A_311, %dma_wait3A_312, %dma_wait3A_313] : memref<128x512x512xf32, #tpu.memory_space<hbm>> -> memref<1x8x256xf32, #tpu.memory_space<hbm>>
      %dma_wait3A_315 = tpu.memref_squeeze %dma_wait3A_314 : memref<1x8x256xf32, #tpu.memory_space<hbm>> -> memref<8x256xf32, #tpu.memory_space<hbm>>
      %dma_wait3A_316 = arith.constant 0 : i32
      %dma_wait3A_317 = arith.constant 0 : i32
      %dma_wait3A_318 = tpu.memref_slice %arg5[%dma_wait3A_311, %dma_wait3A_316, %dma_wait3A_317] : memref<128x512x512xf32, #tpu.memory_space<hbm>> -> memref<1x8x256xf32, #tpu.memory_space<hbm>>
      %dma_wait3A_319 = tpu.memref_squeeze %dma_wait3A_318 : memref<1x8x256xf32, #tpu.memory_space<hbm>> -> memref<8x256xf32, #tpu.memory_space<hbm>>
      tpu.wait_dma2 semaphore(%arg23 : memref<!tpu.dma_semaphore, #tpu.memory_space<semaphore_mem>>) src(%dma_wait3A_319 : memref<8x256xf32, #tpu.memory_space<hbm>>) dst(%arg15 : memref<8x256xf32, #tpu.memory_space<vmem>>)
      %dma_wait3A_320 = arith.constant 0 : i32
      %dma_wait3A_321 = arith.constant 0 : i32
      %dma_wait3A_322 = arith.constant 0 : i32
      %dma_wait3A_323 = tpu.memref_slice %arg5[%dma_wait3A_320, %dma_wait3A_321, %dma_wait3A_322] : memref<128x512x512xf32, #tpu.memory_space<hbm>> -> memref<1x8x256xf32, #tpu.memory_space<hbm>>
      %dma_wait3A_324 = tpu.memref_squeeze %dma_wait3A_323 : memref<1x8x256xf32, #tpu.memory_space<hbm>> -> memref<8x256xf32, #tpu.memory_space<hbm>>
      %dma_wait3A_325 = arith.constant 0 : i32
      %dma_wait3A_326 = arith.constant 0 : i32
      %dma_wait3A_327 = tpu.memref_slice %arg5[%dma_wait3A_320, %dma_wait3A_325, %dma_wait3A_326] : memref<128x512x512xf32, #tpu.memory_space<hbm>> -> memref<1x8x256xf32, #tpu.memory_space<hbm>>
      %dma_wait3A_328 = tpu.memref_squeeze %dma_wait3A_327 : memref<1x8x256xf32, #tpu.memory_space<hbm>> -> memref<8x256xf32, #tpu.memory_space<hbm>>
      tpu.wait_dma2 semaphore(%arg23 : memref<!tpu.dma_semaphore, #tpu.memory_space<semaphore_mem>>) src(%dma_wait3A_328 : memref<8x256xf32, #tpu.memory_space<hbm>>) dst(%arg17 : memref<8x256xf32, #tpu.memory_space<vmem>>)
      %dma_wait3A_329 = arith.constant 0 : i32
      %dma_wait3A_330 = arith.constant 0 : i32
      %dma_wait3A_331 = arith.constant 0 : i32
      %dma_wait3A_332 = tpu.memref_slice %arg5[%dma_wait3A_329, %dma_wait3A_330, %dma_wait3A_331] : memref<128x512x512xf32, #tpu.memory_space<hbm>> -> memref<1x8x256xf32, #tpu.memory_space<hbm>>
      %dma_wait3A_333 = tpu.memref_squeeze %dma_wait3A_332 : memref<1x8x256xf32, #tpu.memory_space<hbm>> -> memref<8x256xf32, #tpu.memory_space<hbm>>
      %dma_wait3A_334 = arith.constant 0 : i32
      %dma_wait3A_335 = arith.constant 0 : i32
      %dma_wait3A_336 = tpu.memref_slice %arg5[%dma_wait3A_329, %dma_wait3A_334, %dma_wait3A_335] : memref<128x512x512xf32, #tpu.memory_space<hbm>> -> memref<1x8x256xf32, #tpu.memory_space<hbm>>
      %dma_wait3A_337 = tpu.memref_squeeze %dma_wait3A_336 : memref<1x8x256xf32, #tpu.memory_space<hbm>> -> memref<8x256xf32, #tpu.memory_space<hbm>>
      tpu.wait_dma2 semaphore(%arg23 : memref<!tpu.dma_semaphore, #tpu.memory_space<semaphore_mem>>) src(%dma_wait3A_337 : memref<8x256xf32, #tpu.memory_space<hbm>>) dst(%arg19 : memref<8x256xf32, #tpu.memory_space<vmem>>)
    }
    %scan3A_143 = arith.constant 4 : i32
    return
  }
}

</mosaic_0001>

<sc_bundles>
// kernel: kernel.3.cloned.1.call-start
scs
__scs_entry_jumppad:
0x0: {  	(pc) =	sbr.rel $0x88, $3  }
0x1: {  	(tag) =	ssettag $0x0;
	lr =	simm.s32 $0x1  }
0x2: {  	[smem:$0x3F9F] =	sst lr;
	_ =	strace $0xD0000000  }
0x3: {  	_ = 	snop  }
0x4: {  	_ = 	snop  }
0x5: {  	_ = 	snop  }
0x6: {  	_ = 	snop  }
0x7: {  	_ = 	snop  }
__scs_overlays_trampoline_lowered:
0x8: {  	[smem:$0x3FAE] =	sst s0  }
0x9: {  	[smem:$0x3FAF] =	sst s1  }
0xa: {  	[smem:$0x3FB0] =	sst s2  }
0xb: {  	[smem:$0x3FB1] =	sst s3  }
0xc: {  	[smem:$0x3FB2] =	sst s4  }
0xd: {  	[smem:$0x3FB3] =	sst s5  }
0xe: {  	[smem:$0x3FB4] =	sst s6  }
0xf: {  	[smem:$0x3FB5] =	sst s7  }
0x10: {  	[smem:$0x3FB6] =	sst s8  }
0x11: {  	[smem:$0x3FB7] =	sst s9;
	s0 =	simm.s32 @!p0 $0x0  }
0x12: {  	s1 =	sld [smem:$0x3F9D];
	s0 =	simm.s32 @p0 $0x1  }
0x13: {  	[smem:$0x3FB8] =	sst s0;
	s0 =	simm.s32 @!p1 $0x0  }
0x14: {  	s2 =	sld [smem:$0x3F9C];
	s0 =	simm.s32 @p1 $0x1  }
0x15: {  	[smem:$0x3FB9] =	sst s0;
	s0 =	simm.s32 @!p2 $0x0  }
0x16: {  	s3 =	sld [smem:$0x3FDB];
	s0 =	simm.s32 @p2 $0x1  }
0x17: {  	s4 =	simm.s32 $0x1BF5;
	[smem:$0x3FBB] =	sst s0  }
0x18: {  	s0 =	sld [smem:$0x3F9E];
	_ =	swait.ge [sflag:s4], $0x0  }
0x19: {  	s7 =	sld [smem:$0x3F9F]  }
0x1a: {  	s8 =	sadd.s32 $0xFFFFE003, lr  }
0x1b: {  	s9 =	sadd.s32 $0xFFFFFEF7, lr;
	s5 =	simm.s32 $0xFFFFFFFF;
	p2 =	slt.u32 s8, $0xFFFFF086  }
0x1c: {  	p1 =	slt.u32 s9, $0xF7A;
	s5 =	simm.s32 @!p2 $0x0  }
0x1d: {  	s5 =	simm.s32 @p1 $0x1;
	p0 =	seq.s32 s7, s2  }
0x1e: {  	s7 =	smul.u32 @!p0 $0xF7A, s2;
	p2 =	seq.s32 @!p0 s5, $0x0  }
0x1f: {  	s9 =	smul.u32 $0xF7A, s1;
	s8 =	simm.s32 @!p0 $0x1BF5;
	p2 =	por !p2, p0  }
0x20: {  	[sflag:s8] =	ssyncset.s32 @!p0 $0xFFFFF086;
	s6 =	sadd.s32 @!p0 s3, s7;
	s7 =	simm.s32 @!p0 $0x108  }
0x21: {  	s3 =	sadd.s32 s3, s9;
	s6 =	sadd.s32 @!p0 $0x88, s6;
	s7 =	simm.s32 @p2 $0x1082  }
0x22: {  	[simem:s7], [sflag:s8] =	dma.local @!p0 [hbm:s6], $0xF7A  }
0x23: {  	s9 =	sor.u32 $0xD0000000, s2;
	s6 =	simm.s32 $0x108;
	_ =	swait.ge @!p0 [sflag:s8], $0x0  }
0x24: {  	s3 =	sadd.s32 $0x88, s3;
	s6 =	simm.s32 @!p1 $0x1082;
	[sflag:s4] =	ssyncset.s32 $0xFFFFF086  }
0x25: {  	[simem:s6], [sflag:s4] =	dma.local [hbm:s3], $0xF7A  }
0x26: {  	[smem:$0x3F9F] =	sst s1;
	(tag) =	ssettag s2;
	_ =	strace s9  }
0x27: {  	s1 =	sld [smem:$0x3FAF]  }
0x28: {  	s2 =	sld [smem:$0x3FB0]  }
0x29: {  	s4 =	sld [smem:$0x3FB2]  }
0x2a: {  	p0 =	seq.s32 s5, $0x0;
	s5 =	sld [smem:$0x3FB3]  }
0x2b: {  	s6 =	sld [smem:$0x3FB4]  }
0x2c: {  	s7 =	sld [smem:$0x3FB5]  }
0x2d: {  	s3 =	simm.s32 $0x108;
	s8 =	sld [smem:$0x3FB6]  }
0x2e: {  	s3 =	simm.s32 @!p0 $0x1082;
	s9 =	sld [smem:$0x3FB7]  }
0x2f: {  	lr =	sadd.s32 s0, s3;
	s0 =	sld [smem:$0x3FAE]  }
0x30: {  	s3 =	sld [smem:$0x3FB1]  }
0x31: {  	[smem:$0x3FBA] =	sst s10  }
0x32: {  	s10 =	sld [smem:$0x3FB8];
	_ =	sdelay $0x3  }
0x33: {  	p0 =	seq.s32 s10, $0x1;
	s10 =	sld [smem:$0x3FBA];
	_ =	sdelay $0x3  }
0x34: {  	[smem:$0x3FBA] =	sst s10  }
0x35: {  	s10 =	sld [smem:$0x3FB9];
	_ =	sdelay $0x3  }
0x36: {  	p1 =	seq.s32 s10, $0x1;
	s10 =	sld [smem:$0x3FBA];
	_ =	sdelay $0x3  }
0x37: {  	[smem:$0x3FBA] =	sst s10  }
0x38: {  	s10 =	sld [smem:$0x3FBB]  }
0x39: {  	_ = 	snop;
	(pc) =	sbr.ind lr, $3  }
0x3a: {  	_ = 	snop  }
0x3b: {  	_ = 	snop  }
0x3c: {  	p2 =	seq.s32 s10, $0x1;
	s10 =	sld [smem:$0x3FBA]  }
0x3d: {  	_ =	shalt  }
0x3e: {  	_ =	shalt  }
0x3f: {  	_ =	shalt  }
0x40: {  	_ =	shalt  }
0x41: {  	_ =	shalt  }
0x42: {  	_ =	shalt  }
0x43: {  	_ =	shalt  }
0x44: {  	_ =	shalt  }
0x45: {  	_ =	shalt  }
0x46: {  	_ =	shalt  }
0x47: {  	_ =	shalt  }
0x48: {  	_ =	shalt  }
0x49: {  	_ =	shalt  }
0x4a: {  	_ =	shalt  }
0x4b: {  	_ =	shalt  }
0x4c: {  	_ =	shalt  }
0x4d: {  	_ =	shalt  }
0x4e: {  	_ =	shalt  }
0x4f: {  	_ =	shalt  }
0x50: {  	_ =	shalt  }
0x51: {  	_ =	shalt  }
0x52: {  	_ =	shalt  }
0x53: {  	_ =	shalt  }
0x54: {  	_ =	shalt  }
0x55: {  	_ =	shalt  }
0x56: {  	_ =	shalt  }
0x57: {  	_ =	shalt  }
0x58: {  	_ =	shalt  }
0x59: {  	_ =	shalt  }
0x5a: {  	_ =	shalt  }
0x5b: {  	_ =	shalt  }
0x5c: {  	_ =	shalt  }
0x5d: {  	_ =	shalt  }
0x5e: {  	_ =	shalt  }
0x5f: {  	_ =	shalt  }
0x60: {  	_ =	shalt  }
0x61: {  	_ =	shalt  }
0x62: {  	_ =	shalt  }
0x63: {  	_ =	shalt  }
0x64: {  	_ =	shalt  }
0x65: {  	_ =	shalt  }
0x66: {  	_ =	shalt  }
0x67: {  	_ =	shalt  }
0x68: {  	_ =	shalt  }
0x69: {  	_ =	shalt  }
0x6a: {  	_ =	shalt  }
0x6b: {  	_ =	shalt  }
0x6c: {  	_ =	shalt  }
0x6d: {  	_ =	shalt  }
0x6e: {  	_ =	shalt  }
0x6f: {  	_ =	shalt  }
0x70: {  	_ =	shalt  }
0x71: {  	_ =	shalt  }
0x72: {  	_ =	shalt  }
0x73: {  	_ =	shalt  }
0x74: {  	_ =	shalt  }
0x75: {  	_ =	shalt  }
0x76: {  	_ =	shalt  }
0x77: {  	_ =	shalt  }
0x78: {  	_ =	shalt  }
0x79: {  	_ =	shalt  }
0x7a: {  	_ =	shalt  }
0x7b: {  	_ =	shalt  }
0x7c: {  	_ =	shalt  }
0x7d: {  	_ =	shalt  }
0x7e: {  	_ =	shalt  }
0x7f: {  	_ =	shalt  }
0x80: {  	_ =	shalt  }
0x81: {  	_ =	shalt  }
0x82: {  	_ =	shalt  }
0x83: {  	_ =	shalt  }
0x84: {  	_ =	shalt  }
0x85: {  	_ =	shalt  }
0x86: {  	_ =	shalt  }
0x87: {  	_ =	shalt  }
.Lfunc_end0:
.L_simem_size_0:
called_computation.2_lowered:
.L_overlay_start_0:
0x88: {  	s2 =	sld [smem:$0x3FD9]  }
0x89: {  	s3 =	sld [smem:$0x3FFE];
	_ =	sdelay $0x1  }
0x8a: {  	s1 =	srdreg.scid  }
0x8b: {  	s0 =	sand.u32 $0x1, s1  }
0x8c: {  	s17 =	sshll.u32 s0, $0xA;
	s2 =	sadd.s32 s3, s2  }
0x8d: {  	s2 =	sadd.s32 s2, s17  }
0x8e: {  	[smem:$0x3FC6] =	sst s2  }
0x8f: {  	_ = 	snop  }
0x90: {  	s2 =	sld [smem:$0x3FD0];
	(tm) =	ssettm $0x1  }
0x91: {  	s18 =	sld [smem:$0x3FFB];
	_ =	sdelay $0x3  }
0x92: {  	_ =	strace s18  }
0x93: {  	s3 =	sld [smem:$0x3FFC];
	_ =	sdelay $0x3  }
0x94: {  	_ =	strace s3  }
0x95: {  	s3 =	sld [smem:$0x3FFD];
	_ =	sdelay $0x3  }
0x96: {  	_ =	strace s3  }
0x97: {  	_ =	strace $0x8FFFFFFF  }
0x98: {  	s19 =	sld [smem:$0x3FDB];
	_ =	sdelay $0x1  }
0x99: {  	s4 =	simm.s32 $_scs_section_size  }
0x9a: {  	s5 =	simm.s32 $_size__tile_overlayer_lowered;
	s6 =	simm.s32 $_tile_overlayer_lowered  }
0x9b: {  	s22 =	simm.s32 $0x1BFF;
	s21 =	sshll.u32 s6, $0x1;
	s3 =	sadd.s32 s4, s19  }
0x9c: {  	s7 =	simm.s32 $0x0;
	s20 =	sshll.u32 s5, $0x1;
	s5 =	sadd.s32 s21, s3  }
0x9d: {  	[timem:s7], [sflag:s22] =	dma.local [hbm:s5], s20  }
0x9e: {  	_ =	swait.ge [sflag:s22], s20  }
0x9f: {  	s4 =	ssub.s32 $0x0, s20;
	[sflag:s22] =	ssyncset.done $0x0  }
0xa0: {  	[sflag:s22] =	ssyncadd.s32 s4;
	_ =	sdelay $0x1  }
0xa1: {  	s23 =	simm.s32 $0x1B8B  }
0xa2: {  	_ =	swait.ge [sflag:s23], $0x1  }
0xa3: {  	[sflag:s23] =	ssyncset.done $0x0  }
0xa4: {  	s25 =	simm.s32 $0x1B8E;
	s24 =	sld [smem:$0x3FFE];
	[sflag:s23] =	ssyncadd.s32 $0xFFFFFFFF  }
0xa5: {  	s26 =	simm.s32 $execute0_lowered;
	[smem:$0x3FD2] =	sst s25  }
0xa6: {  	s5 =	sshll.u32 s26, $0x1;
	_ =	strace $0x8000004C;
	[dreg:$0x1] =	wrdreg $0xFFFFFFFF  }
0xa7: {  	s28 =	simm.s32 $_size_execute0_lowered;
	s3 =	sadd.s32 s3, s5;
	[dreg:$0x0] =	wrdreg $0x0  }
0xa8: {  	s5 =	sshll.u32 s28, $0x1;
	[dreg:$0x2] =	wrdreg s3  }
0xa9: {  	[dreg:$0x3] =	wrdreg s5  }
0xaa: {  	[dreg:$0x4] =	wrdreg $0xC0  }
0xab: {  	_ =	task [dreg:s7], $0x5FFFF  }
0xac: {  	[dreg:$0x1] =	wrdreg $0xFFFFFFFF  }
0xad: {  	[dreg:$0x0] =	wrdreg $0x60  }
0xae: {  	[dreg:$0x2] =	wrdreg s24  }
0xaf: {  	[dreg:$0x3] =	wrdreg s2  }
0xb0: {  	[dreg:$0x4] =	wrdreg $0x9  }
0xb1: {  	_ =	task.clear_ibuf [dreg:s7], $0x5FFFF;
	_ =	strace $0x9000004C  }
0xb2: {  	s29 =	simm.s32 $0x9;
	_ =	strace $0x8000004E  }
0xb3: {  	_ =	swait.ge [sflag:s29], $0x1  }
0xb4: {  	[sflag:s29] =	ssyncadd.s32 $0xFFFFFFFF  }
0xb5: {  	_ =	strace $0x9000004E  }
0xb6: {  	_ =	sfence  }
0xb7: {  	s30 =	sld [smem:$0x0];
	_ =	sdelay $0x2  }
0xb8: {  	s31 =	sshll.u32 s1, $0xD;
	s1 =	sshrl.u32 s1, $0x2  }
0xb9: {  	s3 =	sand.u32 $0x4000, s31;
	s1 =	sadd.s32 s1, s30  }
0xba: {  	s0 =	sor.u32 s3, s0;
	s1 =	sshll.u32 s1, $0x11  }
0xbb: {  	s0 =	sor.u32 s1, s0  }
0xbc: {  	s0 =	sadd.s32 $0x8F2B, s0  }
0xbd: {  	[sflag:s0] =	ssyncadd.remote.s32 $0x1  }
0xbe: {  	_ =	sfence.sel $0xFFFF  }
0xbf: {  	[dreg:$0x0] =	wrdreg $0xFFFFFFFF;
	(pc) =	sbr.abs _section_cstart, $3  }
0xc0: {  	[dreg:$0x1] =	wrdreg $0xFFFFFFFF  }
0xc1: {  	_ =	task.clear_ibuf [dreg:s7], $0x2FFFF;
	_ =	strace $0x9FFFFFFF  }
0xc2: {  	(tm) =	ssettm $0x7FFFFFFF  }
0xc3: {  	_ =	shalt  }
tec
execute0_lowered:
.L_overlay_start_1:
0x0: {  	(tag) =	ssettag $0x1  }
0x1: {  	s0 =	rddreg [dreg:$0x0]  }
0x2: {  	s1 =	rddreg [dreg:$0x1];
	s3 =	simm.s32 $0x0;
	s11 =	stileid.u32  }
0x3: {  	s4 =	srdreg.scid;
	s9 =	simm.s32 $0x0;
	s29 =	simm.s32 $0x4480  }
0x4: {  	s31 =	simm.s32 $0x8900;
	[smem:$0x7FF] =	sst s3;
	s2 =	sadd.s32 $0xE00, s0  }
0x5: {  	s5 =	sshll.u32 s11, $0x1;
	s6 =	sadd.s32 $0x100E00, s0;
	s12 =	sadd.s32 $0x500E00, s0  }
0x6: {  	s4 =	sand.u32 $0x1, s4;
	s13 =	sshll.u32 s11, $0x11;
	_ =	strace $0x8000004D  }
0x7: {  	s5 =	sand.u32 $0x2, s5;
	s10 =	ssub.s32 $0x2, s4;
	s13 =	sand.u32 $0x20000, s13  }
0x8: {  	[dreg:$0x3] =	wrdreg s12;
	s7 =	sor.u32 s4, s5;
	s8 =	sshrl.u32 s10, $0x1  }
0x9: {  	[dreg:$0x4] =	wrdreg s13;
	s19 =	sor.u32 $0x1000, s13;
	s13 =	simm.s32 $0x2  }
0xa: {  	p0 =	seq.s32 s7, $0x2;
	s0 =	ssub.s32 s10, s8;
	p1 =	seq.s32 s7, $0x1  }
0xb: {  	s8 =	simm.s32 $0xF0;
	s10 =	sshll.u32 s11, $0x3;
	s14 =	sshll.u32 s7, $0xE  }
0xc: {  	s11 =	sshrl.u32 s11, $0x1;
	[dreg:$0xb] =	wrdreg s19;
	s9 =	simm.s32 @!p0 $0x100  }
0xd: {  	p0 =	seq.s32 s7, $0x0;
	s10 =	sand.u32 $0x70, s10;
	s7 =	sshll.u32 s7, $0x5  }
0xe: {  	s15 =	sshll.u32 s11, $0x16;
	s16 =	sshll.u32 s11, $0x14;
	s0 =	smax.u32 s0, $0x1  }
0xf: {  	s9 =	simm.s32 @p1 $0x1F8;
	p1 =	seq.s32 s4, $0x0;
	[dreg:$0x5] =	wrdreg s10  }
0x10: {  	[dreg:$0x6] =	wrdreg s7;
	s10 =	sadd.s32 s12, s14;
	s4 =	sshll.u32 s4, $0xB  }
0x11: {  	[dreg:$0xa] =	wrdreg s0;
	s14 =	simm.s32 $0x4;
	s9 =	simm.s32 @p0 $0x2F8  }
0x12: {  	p0 =	seq.s32 s5, $0x0;
	s5 =	simm.s32 $0x1E000;
	[dreg:$0x7] =	wrdreg s10  }
0x13: {  	s8 =	simm.s32 @!p1 $0x100;
	s10 =	sadd.s32 $0x10, s10;
	[dreg:$0x9] =	wrdreg s4  }
0x14: {  	s5 =	simm.s32 @!p0 $0x20000;
	s7 =	sor.u32 s15, s8;
	s17 =	sor.u32 s16, s9  }
0x15: {  	[dreg:$0x8] =	wrdreg s10;
	s5 =	sor.u32 s5, s7;
	s18 =	sshrl.u32 s17, $0x3  }
0x16: {  	s21 =	sor.u32 $0x10000, s17;
	s23 =	sor.u32 $0x20000, s17;
	s4 =	sor.u32 $0x30000, s17  }
0x17: {  	s7 =	sshrl.u32 s5, $0x3;
	s0 =	sadd.s32 s18, s2;
	s22 =	sor.u32 $0x40000, s5  }
0x18: {  	s8 =	sshrl.u32 s23, $0x3;
	s26 =	sor.u32 $0x80000, s5;
	s5 =	sor.u32 $0xC0000, s5  }
0x19: {  	s4 =	sshrl.u32 s4, $0x3;
	[dreg:$0xc] =	wrdreg s0;
	s20 =	sadd.s32 s7, s6  }
0x1a: {  	s0 =	sshrl.u32 s21, $0x3;
	s25 =	sadd.s32 s8, s2;
	[dreg:$0xd] =	wrdreg s20  }
0x1b: {  	s7 =	sshrl.u32 s22, $0x3;
	s28 =	sadd.s32 s4, s2;
	[dreg:$0x10] =	wrdreg s25  }
.Ltmp0:
0x1c: {  	s0 =	sadd.s32 s0, s2;
	[dreg:$0x12] =	wrdreg s28;
	(pc) =	sbr.rel .LBB2_1-.Ltmp0, $4  }
0x1d: {  	s5 =	sshrl.u32 s5, $0x3;
	s24 =	sadd.s32 s7, s6;
	[dreg:$0xe] =	wrdreg s0  }
0x1e: {  	s30 =	sadd.s32 s5, s6;
	[dreg:$0xf] =	wrdreg s24;
	s0 =	sshrl.u32 s26, $0x3  }
0x1f: {  	s4 =	simm.s32 $0x0;
	[dreg:$0x13] =	wrdreg s30;
	s0 =	sadd.s32 s0, s6  }
0x20: {  	v0 =	vimm.f32 $0.0e+00;
	s25 =	simm.s32 $0x5;
	s2 =	simm.s32 $0xCD80;
	[dreg:$0x11] =	wrdreg s0  }
.LBB2_46:
0x21: {  	s4 =	rddreg [dreg:$0x14]  }
0x22: {  	s0 =	rddreg [dreg:$0xa];
	s4 =	sadd.s32 $0x1, s4  }
0x23: {  	p0 =	sne.s32 s4, s0  }
.Ltmp1:
0x24: {  	_ = 	snop;
	(pc) =	sbr.rel @!p0 .LBB2_47-.Ltmp1, $1  }
0x25: {  	_ =	sdelay $0x3  }
.LBB2_1:
0x26: {  	[tilespmem:$0x4300] =	vst v0  }
0x27: {  	[tilespmem:$0x4310] =	vst v0  }
0x28: {  	[tilespmem:$0x4320] =	vst v0  }
0x29: {  	[tilespmem:$0x4330] =	vst v0  }
0x2a: {  	[tilespmem:$0x4340] =	vst v0  }
0x2b: {  	[tilespmem:$0x4350] =	vst v0  }
0x2c: {  	[tilespmem:$0x4360] =	vst v0  }
0x2d: {  	[tilespmem:$0x4370] =	vst v0  }
0x2e: {  	[tilespmem:$0x4380] =	vst v0  }
0x2f: {  	[tilespmem:$0x4390] =	vst v0  }
0x30: {  	[tilespmem:$0x43A0] =	vst v0  }
0x31: {  	[tilespmem:$0x43B0] =	vst v0  }
0x32: {  	[tilespmem:$0x43C0] =	vst v0  }
0x33: {  	[tilespmem:$0x43D0] =	vst v0  }
0x34: {  	[tilespmem:$0x43E0] =	vst v0  }
0x35: {  	[tilespmem:$0x43F0] =	vst v0  }
0x36: {  	[tilespmem:$0x4400] =	vst v0  }
0x37: {  	[tilespmem:$0x8780] =	vst v0  }
0x38: {  	[tilespmem:$0x8790] =	vst v0  }
0x39: {  	[tilespmem:$0x87A0] =	vst v0  }
0x3a: {  	[tilespmem:$0x87B0] =	vst v0  }
0x3b: {  	[tilespmem:$0x87C0] =	vst v0  }
0x3c: {  	[tilespmem:$0x87D0] =	vst v0  }
0x3d: {  	[tilespmem:$0x87E0] =	vst v0  }
0x3e: {  	[tilespmem:$0x87F0] =	vst v0  }
0x3f: {  	[tilespmem:$0x8800] =	vst v0  }
0x40: {  	[tilespmem:$0x8810] =	vst v0  }
0x41: {  	[tilespmem:$0x8820] =	vst v0  }
0x42: {  	[tilespmem:$0x8830] =	vst v0  }
0x43: {  	[tilespmem:$0x8840] =	vst v0  }
0x44: {  	[tilespmem:$0x8850] =	vst v0  }
0x45: {  	[tilespmem:$0x8860] =	vst v0  }
0x46: {  	[tilespmem:$0x8870] =	vst v0  }
0x47: {  	[tilespmem:$0x8880] =	vst v0  }
0x48: {  	[tilespmem:$0xCC00] =	vst v0  }
0x49: {  	[tilespmem:$0xCC10] =	vst v0  }
0x4a: {  	[tilespmem:$0xCC20] =	vst v0  }
0x4b: {  	[tilespmem:$0xCC30] =	vst v0  }
0x4c: {  	[tilespmem:$0xCC40] =	vst v0  }
0x4d: {  	[tilespmem:$0xCC50] =	vst v0  }
0x4e: {  	[tilespmem:$0xCC60] =	vst v0  }
0x4f: {  	[tilespmem:$0xCC70] =	vst v0  }
0x50: {  	[tilespmem:$0xCC80] =	vst v0  }
0x51: {  	[tilespmem:$0xCC90] =	vst v0  }
0x52: {  	[tilespmem:$0xCCA0] =	vst v0  }
0x53: {  	[tilespmem:$0xCCB0] =	vst v0  }
0x54: {  	[tilespmem:$0xCCC0] =	vst v0  }
0x55: {  	[tilespmem:$0xCCD0] =	vst v0  }
0x56: {  	[tilespmem:$0xCCE0] =	vst v0  }
0x57: {  	[tilespmem:$0xCCF0] =	vst v0  }
0x58: {  	[tilespmem:$0xCD00] =	vst v0  }
0x59: {  	[tilespmem:$0x11080] =	vst v0  }
0x5a: {  	[tilespmem:$0x11090] =	vst v0  }
0x5b: {  	[tilespmem:$0x110A0] =	vst v0  }
0x5c: {  	[tilespmem:$0x110B0] =	vst v0  }
0x5d: {  	[tilespmem:$0x110C0] =	vst v0  }
0x5e: {  	[tilespmem:$0x110D0] =	vst v0  }
0x5f: {  	[tilespmem:$0x110E0] =	vst v0  }
0x60: {  	[tilespmem:$0x110F0] =	vst v0  }
0x61: {  	[dreg:$0x14] =	wrdreg s4;
	[tilespmem:$0x11100] =	vst v0  }
0x62: {  	[tilespmem:$0x11110] =	vst v0;
	s20 =	rddreg [dreg:$0x13]  }
0x63: {  	[tilespmem:$0x11120] =	vst v0;
	s6 =	rddreg [dreg:$0x12]  }
0x64: {  	[tilespmem:$0x11130] =	vst v0;
	s9 =	rddreg [dreg:$0x11]  }
.Ltmp2:
0x65: {  	[tilespmem:$0x11140] =	vst v0;
	s8 =	rddreg [dreg:$0x10];
	(pc) =	sbr.rel .LBB2_2-.Ltmp2, $4  }
0x66: {  	[tilespmem:$0x11150] =	vst v0;
	s10 =	rddreg [dreg:$0xf]  }
0x67: {  	[tilespmem:$0x11160] =	vst v0;
	s19 =	rddreg [dreg:$0xe]  }
0x68: {  	[tilespmem:$0x11170] =	vst v0;
	s23 =	rddreg [dreg:$0xd]  }
0x69: {  	[tilespmem:$0x11180] =	vst v0;
	s24 =	rddreg [dreg:$0xc];
	s0 =	simm.s32 $0x0  }
.LBB2_45:
0x6a: {  	s0 =	simm.s32 $0x3  }
0x6b: {  	_ =	swait.ge [sflag:s0], $0x800  }
0x6c: {  	[sflag:s0] =	ssyncset.done $0x0  }
0x6d: {  	[sflag:s0] =	ssyncadd.s32 $0xFFFFF800  }
0x6e: {  	_ =	swait.ge [sflag:s0], $0x800  }
0x6f: {  	[sflag:s0] =	ssyncset.done $0x0  }
0x70: {  	[sflag:s0] =	ssyncadd.s32 $0xFFFFF800  }
0x71: {  	_ =	swait.ge [sflag:s0], $0x800  }
0x72: {  	[sflag:s0] =	ssyncset.done $0x0  }
0x73: {  	[sflag:s0] =	ssyncadd.s32 $0xFFFFF800  }
0x74: {  	_ =	swait.ge [sflag:s0], $0x800  }
0x75: {  	[sflag:s0] =	ssyncset.done $0x0  }
0x76: {  	[sflag:s0] =	ssyncadd.s32 $0xFFFFF800  }
0x77: {  	_ =	swait.ge [sflag:s14], $0x800  }
0x78: {  	[sflag:s14] =	ssyncset.done $0x0  }
0x79: {  	[sflag:s14] =	ssyncadd.s32 $0xFFFFF800  }
0x7a: {  	_ =	swait.ge [sflag:s14], $0x800  }
0x7b: {  	[sflag:s14] =	ssyncset.done $0x0  }
0x7c: {  	[sflag:s14] =	ssyncadd.s32 $0xFFFFF800  }
0x7d: {  	_ =	swait.ge [sflag:s14], $0x800  }
0x7e: {  	[sflag:s14] =	ssyncset.done $0x0  }
0x7f: {  	[sflag:s14] =	ssyncadd.s32 $0xFFFFF800  }
0x80: {  	_ =	swait.ge [sflag:s14], $0x800  }
0x81: {  	s30 =	rddreg [dreg:$0x15]  }
0x82: {  	s0 =	sadd.s32 $0x1, s30  }
0x83: {  	p0 =	sne.s32 s0, $0x4  }
.Ltmp3:
0x84: {  	_ = 	snop;
	(pc) =	sbr.rel @!p0 .LBB2_46-.Ltmp3, $4  }
0x85: {  	s24 =	sadd.s32 $0x8000, s24  }
0x86: {  	s23 =	sadd.s32 $0x20000, s23;
	s19 =	sadd.s32 $0x8000, s19;
	s10 =	sadd.s32 $0x20000, s10  }
0x87: {  	s8 =	sadd.s32 $0x8000, s8;
	s9 =	sadd.s32 $0x20000, s9;
	[sflag:s14] =	ssyncset.done $0x0  }
0x88: {  	s6 =	sadd.s32 $0x8000, s6;
	s20 =	sadd.s32 $0x20000, s20;
	[sflag:s14] =	ssyncadd.s32 $0xFFFFF800  }
.LBB2_2:
0x89: {  	[dreg:$0x15] =	wrdreg s0;
	s30 =	sshll.u32 s0, $0x2  }
0x8a: {  	s4 =	rddreg [dreg:$0x5];
	s0 =	simm.s32 $0x0;
	s11 =	sadd.s32 $0x0, s24  }
0x8b: {  	s7 =	simm.s32 $0x108;
	s5 =	sadd.s32 s4, s30;
	s4 =	simm.s32 $0x80  }
.LBB2_3:
0x8c: {  	[tilespmem:s0], [sflag:$0x5] =	stream.linear.gather [hbm4b:s11+s3], $0x108, $0x38;
	[tilespmem:$0x17200] =	vst v63  }
0x8d: {  	s11 =	smov.u32 s4;
	s0 =	smov.u32 s7;
	p0 =	seq.s32 s4, $0x1F80  }
.Ltmp4:
0x8e: {  	s4 =	sadd.s32 $0x80, s4;
	(pc) =	sbr.rel @!p0 .LBB2_3-.Ltmp4, $2  }
0x8f: {  	_ =	sdelay $0x2  }
0x90: {  	s7 =	sadd.s32 $0x108, s7;
	s11 =	sadd.s32 s11, s24  }
0x91: {  	[tilespmem:s0], [sflag:$0x5] =	stream.linear.gather [hbm4b:s11+s3], $0x108, $0x38;
	[tilespmem:$0x17200] =	vst v63  }
0x92: {  	s0 =	sshll.u32 s5, $0x12  }
0x93: {  	s4 =	simm.s32 $0x40;
	s7 =	simm.s32 $0x4200;
	s11 =	sadd.s32 $0x0, s23  }
.LBB2_5:
0x94: {  	[tilespmem:s7], [sflag:$0x5] =	stream.linear.gather [hbm4b:s11+s3], $0x10, $0x38;
	[tilespmem:$0x17200] =	vst v63  }
0x95: {  	s11 =	smov.u32 s4;
	p0 =	sne.s32 s4, $0x3C0  }
.Ltmp5:
0x96: {  	s4 =	sadd.s32 $0x40, s4;
	(pc) =	sbr.rel @p0 .LBB2_5-.Ltmp5, $3  }
0x97: {  	_ =	sdelay $0x1  }
0x98: {  	s7 =	sshra.s32 s11, $0x2  }
0x99: {  	s11 =	sadd.s32 s11, s23;
	s7 =	sadd.s32 $0x4200, s7  }
0x9a: {  	[tilespmem:s7], [sflag:$0x5] =	stream.linear.gather [hbm4b:s11+s3], $0x10, $0x38;
	[tilespmem:$0x17200] =	vst v63  }
0x9b: {  	s4 =	sor.u32 $0x1, s5;
	s7 =	simm.s32 $0x4480  }
0x9c: {  	s11 =	simm.s32 $0x80;
	s15 =	sadd.s32 $0x0, s19;
	s12 =	simm.s32 $0x4588  }
.LBB2_7:
0x9d: {  	[tilespmem:s7], [sflag:$0x5] =	stream.linear.gather [hbm4b:s15+s3], $0x108, $0x38;
	[tilespmem:$0x17200] =	vst v63  }
0x9e: {  	s15 =	smov.u32 s11;
	s7 =	smov.u32 s12;
	p0 =	seq.s32 s11, $0x1F80  }
.Ltmp6:
0x9f: {  	s11 =	sadd.s32 $0x80, s11;
	(pc) =	sbr.rel @!p0 .LBB2_7-.Ltmp6, $2  }
0xa0: {  	_ =	sdelay $0x2  }
0xa1: {  	s12 =	sadd.s32 $0x108, s12;
	s15 =	sadd.s32 s15, s19  }
0xa2: {  	[tilespmem:s7], [sflag:$0x5] =	stream.linear.gather [hbm4b:s15+s3], $0x108, $0x38;
	[tilespmem:$0x17200] =	vst v63  }
0xa3: {  	s4 =	sshll.u32 s4, $0x12  }
0xa4: {  	s7 =	simm.s32 $0x40;
	s11 =	simm.s32 $0x8680;
	s12 =	sadd.s32 $0x0, s10  }
.LBB2_9:
0xa5: {  	[tilespmem:s11], [sflag:$0x5] =	stream.linear.gather [hbm4b:s12+s3], $0x10, $0x38;
	[tilespmem:$0x17200] =	vst v63  }
0xa6: {  	s12 =	smov.u32 s7;
	p0 =	sne.s32 s7, $0x3C0  }
.Ltmp7:
0xa7: {  	s7 =	sadd.s32 $0x40, s7;
	(pc) =	sbr.rel @p0 .LBB2_9-.Ltmp7, $3  }
0xa8: {  	_ =	sdelay $0x1  }
0xa9: {  	s11 =	sshra.s32 s12, $0x2  }
0xaa: {  	s12 =	sadd.s32 s12, s10;
	s11 =	sadd.s32 $0x8680, s11  }
0xab: {  	[tilespmem:s11], [sflag:$0x5] =	stream.linear.gather [hbm4b:s12+s3], $0x10, $0x38;
	[tilespmem:$0x17200] =	vst v63  }
0xac: {  	s7 =	sor.u32 $0x2, s5;
	s11 =	simm.s32 $0x8900  }
0xad: {  	s12 =	simm.s32 $0x80;
	s16 =	sadd.s32 $0x0, s8;
	s15 =	simm.s32 $0x8A08  }
.LBB2_11:
0xae: {  	[tilespmem:s11], [sflag:$0x5] =	stream.linear.gather [hbm4b:s16+s3], $0x108, $0x38;
	[tilespmem:$0x17200] =	vst v63  }
0xaf: {  	s16 =	smov.u32 s12;
	s11 =	smov.u32 s15;
	p0 =	seq.s32 s12, $0x1F80  }
.Ltmp8:
0xb0: {  	s12 =	sadd.s32 $0x80, s12;
	(pc) =	sbr.rel @!p0 .LBB2_11-.Ltmp8, $2  }
0xb1: {  	_ =	sdelay $0x2  }
0xb2: {  	s15 =	sadd.s32 $0x108, s15;
	s16 =	sadd.s32 s16, s8  }
0xb3: {  	[tilespmem:s11], [sflag:$0x5] =	stream.linear.gather [hbm4b:s16+s3], $0x108, $0x38;
	[tilespmem:$0x17200] =	vst v63  }
0xb4: {  	s7 =	sshll.u32 s7, $0x12  }
0xb5: {  	s11 =	simm.s32 $0x40;
	s12 =	simm.s32 $0xCB00;
	s15 =	sadd.s32 $0x0, s9  }
.LBB2_13:
0xb6: {  	[tilespmem:s12], [sflag:$0x5] =	stream.linear.gather [hbm4b:s15+s3], $0x10, $0x38;
	[tilespmem:$0x17200] =	vst v63  }
0xb7: {  	s15 =	smov.u32 s11;
	p0 =	sne.s32 s11, $0x3C0  }
.Ltmp9:
0xb8: {  	s11 =	sadd.s32 $0x40, s11;
	(pc) =	sbr.rel @p0 .LBB2_13-.Ltmp9, $3  }
0xb9: {  	_ =	sdelay $0x1  }
0xba: {  	s12 =	sshra.s32 s15, $0x2  }
0xbb: {  	s15 =	sadd.s32 s15, s9;
	s12 =	sadd.s32 $0xCB00, s12  }
0xbc: {  	[tilespmem:s12], [sflag:$0x5] =	stream.linear.gather [hbm4b:s15+s3], $0x10, $0x38;
	[tilespmem:$0x17200] =	vst v63  }
0xbd: {  	s5 =	sor.u32 $0x3, s5;
	s11 =	simm.s32 $0xCD80  }
0xbe: {  	s12 =	simm.s32 $0x80;
	s16 =	sadd.s32 $0x0, s6;
	s15 =	simm.s32 $0xCE88  }
.LBB2_15:
0xbf: {  	[tilespmem:s11], [sflag:$0x5] =	stream.linear.gather [hbm4b:s16+s3], $0x108, $0x38;
	[tilespmem:$0x17200] =	vst v63  }
0xc0: {  	s16 =	smov.u32 s12;
	s11 =	smov.u32 s15;
	p0 =	seq.s32 s12, $0x1F80  }
.Ltmp10:
0xc1: {  	s12 =	sadd.s32 $0x80, s12;
	(pc) =	sbr.rel @!p0 .LBB2_15-.Ltmp10, $2  }
0xc2: {  	_ =	sdelay $0x2  }
0xc3: {  	s15 =	sadd.s32 $0x108, s15;
	s16 =	sadd.s32 s16, s6  }
0xc4: {  	[tilespmem:s11], [sflag:$0x5] =	stream.linear.gather [hbm4b:s16+s3], $0x108, $0x38;
	[tilespmem:$0x17200] =	vst v63  }
0xc5: {  	s5 =	sshll.u32 s5, $0x12  }
0xc6: {  	s11 =	simm.s32 $0x40;
	s12 =	simm.s32 $0x10F80;
	s15 =	sadd.s32 $0x0, s20  }
.LBB2_17:
0xc7: {  	[tilespmem:s12], [sflag:$0x5] =	stream.linear.gather [hbm4b:s15+s3], $0x10, $0x38;
	[tilespmem:$0x17200] =	vst v63  }
0xc8: {  	s15 =	smov.u32 s11;
	p0 =	sne.s32 s11, $0x3C0  }
.Ltmp11:
0xc9: {  	s11 =	sadd.s32 $0x40, s11;
	(pc) =	sbr.rel @p0 .LBB2_17-.Ltmp11, $3  }
0xca: {  	_ =	sdelay $0x1  }
0xcb: {  	s12 =	sshra.s32 s15, $0x2  }
0xcc: {  	s15 =	sadd.s32 s15, s20;
	s12 =	sadd.s32 $0x10F80, s12  }
0xcd: {  	[tilespmem:s12], [sflag:$0x5] =	stream.linear.gather [hbm4b:s15+s3], $0x10, $0x38;
	[tilespmem:$0x17200] =	vst v63  }
0xce: {  	s11 =	rddreg [dreg:$0x7]  }
0xcf: {  	s22 =	simm.s32 $0x80;
	s26 =	simm.s32 $0x400;
	s16 =	simm.s32 $0x11200  }
0xd0: {  	[tilespmem:s16], [sflag:$0x1] =	stream.strided.gather [hbm4b:s11+s22], $0x1000, s26, s22, $0x38;
	[tilespmem:$0x17200] =	vst v63  }
0xd1: {  	s28 =	rddreg [dreg:$0x8];
	s30 =	simm.s32 $0x12200;
	s11 =	simm.s32 $0x100  }
0xd2: {  	[tilespmem:s30], [sflag:$0x2] =	stream.strided.gather [hbm4b:s28+s22], $0x1000, s26, s22, $0x38;
	[tilespmem:$0x17200] =	vst v63  }
.LBB2_19:
0xd3: {  	p0 =	seq.s32 s11, $0x1  }
.Ltmp12:
0xd4: {  	_ = 	snop;
	(pc) =	sbr.rel @!p0 .LBB2_19-.Ltmp12, $4  }
0xd5: {  	_ = 	snop  }
0xd6: {  	_ =	swait.ge [sflag:s25], $0x108  }
0xd7: {  	[sflag:s25] =	ssyncset.done $0x0  }
0xd8: {  	s11 =	sadd.s32 $0xFFFFFFFF, s11;
	[sflag:s25] =	ssyncadd.s32 $0xFFFFFEF8  }
0xd9: {  	_ =	swait.ge [sflag:s25], $0x10  }
0xda: {  	s11 =	simm.s32 $0x3F;
	[sflag:s25] =	ssyncset.done $0x0  }
.LBB2_21:
0xdb: {  	p0 =	seq.s32 s11, $0x1;
	s11 =	sadd.s32 $0xFFFFFFFF, s11;
	[sflag:s25] =	ssyncadd.s32 $0xFFFFFFF0  }
.Ltmp13:
0xdc: {  	(pc) =	sbr.rel @!p0 .LBB2_21-.Ltmp13, $3  }
0xdd: {  	_ =	sdelay $0x1  }
0xde: {  	_ =	swait.ge [sflag:s25], $0x10  }
0xdf: {  	[sflag:s25] =	ssyncset.done $0x0  }
0xe0: {  	s11 =	rddreg [dreg:$0x9]  }
0xe1: {  	[sflag:s25] =	ssyncadd.s32 $0xFFFFFFF0;
	s16 =	simm.s32 $0x0;
	s28 =	sor.u32 s11, s0  }
0xe2: {  	s30 =	sor.u32 s11, s4;
	s0 =	sor.u32 s11, s7;
	s11 =	sor.u32 s11, s5  }
.LBB2_23:
0xe3: {  	s4 =	simm.s32 $0x1  }
0xe4: {  	_ =	swait.ge [sflag:s4], $0x1000  }
0xe5: {  	p0 =	seq.s32 s16, $0x0;
	[sflag:s4] =	ssyncset.done $0x0  }
0xe6: {  	[sflag:s4] =	ssyncadd.s32 $0xFFFFF000;
	s4 =	simm.s32 @!p0 $0x3  }
0xe7: {  	_ =	swait.ge @!p0 [sflag:s4], $0x800  }
0xe8: {  	[sflag:s4] =	ssyncset.done @!p0 $0x0  }
0xe9: {  	[sflag:s4] =	ssyncadd.s32 @!p0 $0xFFFFF800  }
0xea: {  	_ =	swait.ge @!p0 [sflag:s4], $0x800  }
0xeb: {  	[sflag:s4] =	ssyncset.done @!p0 $0x0  }
0xec: {  	[sflag:s4] =	ssyncadd.s32 @!p0 $0xFFFFF800  }
0xed: {  	_ =	swait.ge @!p0 [sflag:s4], $0x800  }
0xee: {  	[sflag:s4] =	ssyncset.done @!p0 $0x0  }
0xef: {  	[sflag:s4] =	ssyncadd.s32 @!p0 $0xFFFFF800  }
0xf0: {  	_ =	swait.ge @!p0 [sflag:s4], $0x800  }
0xf1: {  	[sflag:s4] =	ssyncset.done @!p0 $0x0  }
0xf2: {  	s22 =	simm.s32 $0x11A00;
	[sflag:s4] =	ssyncadd.s32 @!p0 $0xFFFFF800  }
0xf3: {  	v1 =	vld [tilespmem:s22+$0xFFFFF870]  }
0xf4: {  	v3 =	vld [tilespmem:s22+$0xFFFFF810]  }
0xf5: {  	v18 =	vld [tilespmem:s22+$0xFFFFF820]  }
0xf6: {  	v7 =	vld [tilespmem:s22+$0xFFFFF830]  }
0xf7: {  	v16 =	vld [tilespmem:s22+$0xFFFFF840]  }
0xf8: {  	v14 =	vld [tilespmem:s22+$0xFFFFF850]  }
0xf9: {  	v17 =	vld [tilespmem:s22+$0xFFFFF860]  }
0xfa: {  	v21 =	vld [tilespmem:s22+$0xFFFFF800]  }
0xfb: {  	v6 =	vld [tilespmem:s22+$0x70]  }
0xfc: {  	v15 =	vld [tilespmem:s22+$0x0]  }
0xfd: {  	v20 =	vld [tilespmem:s22+$0x10]  }
0xfe: {  	v22 =	vld [tilespmem:s22+$0x20];
	v2 =	vadd.s32 $0x1, v1  }
0xff: {  	v23 =	vld [tilespmem:s22+$0x30];
	v4 =	vadd.s32 $0x108, v1  }
0x100: {  	v25 =	vld [tilespmem:s22+$0x40];
	v5 =	vadd.s32 $0x109, v1  }
0x101: {  	v27 =	vld [tilespmem:s22+$0x50];
	v8 =	vadd.s32 $0x1, v21  }
0x102: {  	v10 =	vadd.s32 $0x108, v21;
	v1 =	vld.idx.msk [tilespmem:v1+s3+$0x0], $0xffff  }
0x103: {  	v13 =	vadd.s32 $0x109, v21;
	v2 =	vld.idx.msk [tilespmem:v2+s3+$0x0], $0xffff  }
0x104: {  	v9 =	vadd.s32 $0x1, v3;
	v4 =	vld.idx.msk [tilespmem:v4+s3+$0x0], $0xffff  }
0x105: {  	v11 =	vadd.s32 $0x108, v3;
	v12 =	vadd.s32 $0x109, v3;
	v19 =	vadd.s32 $0x1, v18;
	v5 =	vld.idx.msk [tilespmem:v5+s3+$0x0], $0xffff  }
0x106: {  	v24 =	vadd.s32 $0x108, v18;
	v26 =	vadd.s32 $0x109, v18;
	v28 =	vadd.s32 $0x1, v7;
	v35 =	vld.idx.msk [tilespmem:v8+s3+$0x0], $0xffff  }
0x107: {  	v29 =	vadd.s32 $0x108, v7;
	v30 =	vadd.s32 $0x109, v7;
	v32 =	vadd.s32 $0x1, v16;
	v38 =	vld.idx.msk [tilespmem:v10+s3+$0x0], $0xffff  }
0x108: {  	v33 =	vadd.s32 $0x108, v16;
	v34 =	vand.u32 $0xFFFF0000, v6;
	v36 =	vadd.s32 $0x109, v16;
	v42 =	vld.idx.msk [tilespmem:v13+s3+$0x0], $0xffff  }
0x109: {  	v37 =	vadd.s32 $0x1, v14;
	v39 =	vadd.s32 $0x108, v14;
	v40 =	vadd.s32 $0x109, v14;
	v44 =	vld.idx.msk [tilespmem:v9+s3+$0x0], $0xffff  }
0x10a: {  	v41 =	vadd.s32 $0x1, v17;
	v43 =	vadd.s32 $0x108, v17;
	v6 =	vshll.u32 v6, $0x10;
	v61 =	vld.idx.msk [tilespmem:v11+s3+$0x0], $0xffff  }
0x10b: {  	v45 =	vadd.s32 $0x109, v17;
	v46 =	vand.u32 $0xFFFF0000, v15;
	v8 =	vsub.f32 $1.000000000e+00, v34;
	v47 =	vld.idx.msk [tilespmem:v12+s3+$0x0], $0xffff  }
0x10c: {  	v13 =	vsub.f32 $1.000000000e+00, v6;
	v10 =	vand.u32 $0xFFFF0000, v22;
	v11 =	vand.u32 $0xFFFF0000, v23;
	v55 =	vld.idx.msk [tilespmem:v29+s3+$0x0], $0xffff  }
0x10d: {  	v48 =	vld.idx.msk [tilespmem:v19+s3+$0x0], $0xffff;
	v9 =	vand.u32 $0xFFFF0000, v25;
	v12 =	vand.u32 $0xFFFF0000, v27;
	v19 =	vshll.u32 v15, $0x10  }
0x10e: {  	v50 =	vld.idx.msk [tilespmem:v24+s3+$0x0], $0xffff;
	v24 =	vshll.u32 v20, $0x10;
	v52 =	vsub.f32 $1.000000000e+00, v10;
	v53 =	vsub.f32 $1.000000000e+00, v11  }
0x10f: {  	v51 =	vld.idx.msk [tilespmem:v26+s3+$0x0], $0xffff;
	v2 =	vmul.f32 v8, v2;
	v5 =	vmul.f32 v5, v8;
	v8 =	vand.u32 $0xFFFF0000, v20  }
0x110: {  	v1 =	vmul.f32 v34, v1;
	v4 =	vmul.f32 v34, v4;
	v49 =	vsub.f32 $1.000000000e+00, v8  }
0x111: {  	v31 =	vld [tilespmem:s22+$0x60];
	v54 =	vsub.f32 $1.000000000e+00, v9;
	v57 =	vsub.f32 $1.000000000e+00, v12;
	v55 =	vmul.f32 v11, v55  }
0x112: {  	v28 =	vld.idx.msk [tilespmem:v28+s3+$0x0], $0xffff;
	v1 =	vadd.f32 v2, v1;
	v2 =	vadd.f32 v5, v4;
	v62 =	vmul.f32 v47, v49  }
0x113: {  	v32 =	vld.idx.msk [tilespmem:v32+s3+$0x0], $0xffff;
	v5 =	vsub.f32 $1.000000000e+00, v46;
	v29 =	vmul.f32 v49, v44;
	v49 =	vmul.f32 v10, v50  }
0x114: {  	v20 =	vsub.f32 $1.000000000e+00, v19;
	v34 =	vld.idx.msk [tilespmem:v37+s3+$0x0], $0xffff;
	v50 =	vmul.f32 v51, v52;
	v1 =	vmul.f32 v6, v1  }
0x115: {  	v4 =	vshll.u32 v22, $0x10;
	v22 =	vld.idx.msk [tilespmem:v33+s3+$0x0], $0xffff;
	v2 =	vmul.f32 v2, v13;
	v26 =	vmul.f32 v5, v35  }
0x116: {  	v6 =	vmul.f32 v46, v38;
	v15 =	vmul.f32 v42, v5;
	v5 =	vshll.u32 v23, $0x10;
	v23 =	vld.idx.msk [tilespmem:v36+s3+$0x0], $0xffff  }
0x117: {  	v13 =	vand.u32 $0xFFFF0000, v31;
	v36 =	vmul.f32 v53, v28;
	v56 =	vadd.f32 v2, v1;
	v1 =	vld.idx.msk [tilespmem:v30+s3+$0x0], $0xffff  }
0x118: {  	v18 =	vld.idx.msk [tilespmem:v18+s3+$0x0], $0xffff;
	v2 =	vshll.u32 v25, $0x10;
	v15 =	vadd.f32 v15, v6;
	v25 =	vmul.f32 v8, v61  }
0x119: {  	v63 =	vld.idx.msk [tilespmem:v39+s3+$0x0], $0xffff;
	v35 =	vmul.f32 v54, v32;
	v58 =	vsub.f32 $1.000000000e+00, v13;
	v37 =	vmul.f32 v57, v34  }
0x11a: {  	v6 =	vshll.u32 v27, $0x10;
	v15 =	vmul.f32 v15, v20;
	v20 =	vadd.f32 v62, v25;
	v25 =	vld.idx.msk [tilespmem:v40+s3+$0x0], $0xffff  }
0x11b: {  	v51 =	vld.idx.msk [tilespmem:v41+s3+$0x0], $0xffff;
	v27 =	vsub.f32 $1.000000000e+00, v24;
	v30 =	vmul.f32 v52, v48;
	v22 =	vmul.f32 v9, v22  }
0x11c: {  	v60 =	vld.idx.msk [tilespmem:v45+s3+$0x0], $0xffff;
	v48 =	vsub.f32 $1.000000000e+00, v4;
	v23 =	vmul.f32 v23, v54;
	v59 =	vmul.f32 v1, v53  }
0x11d: {  	v28 =	vld.idx.msk [tilespmem:v43+s3+$0x0], $0xffff;
	v52 =	vsub.f32 $1.000000000e+00, v5;
	v20 =	vmul.f32 v20, v27;
	v27 =	vadd.f32 v50, v49  }
0x11e: {  	v62 =	vld.idx.msk [tilespmem:v21+s3+$0x0], $0xffff;
	v22 =	vadd.f32 v23, v22;
	v23 =	vmul.f32 v12, v63;
	v21 =	vadd.f32 v59, v55  }
0x11f: {  	s5 =	simm.s32 $0x0;
	v61 =	vsub.f32 $1.000000000e+00, v2;
	v1 =	vmul.f32 v27, v48;
	v27 =	vld.idx.msk [tilespmem:v3+s3+$0x0], $0xffff;
	v25 =	vmul.f32 v25, v57  }
0x120: {  	s26 =	sand.u32 $0x400, s5;
	s5 =	sand.u32 $0x380, s5;
	v40 =	vmul.f32 v58, v51;
	v3 =	vmul.f32 v21, v52;
	v21 =	vld.idx.msk [tilespmem:v7+s3+$0x0], $0xffff  }
0x121: {  	s18 =	sor.u32 s5, s26;
	v63 =	vsub.f32 $1.000000000e+00, v6;
	v7 =	vmul.f32 v22, v61;
	v22 =	vld.idx.msk [tilespmem:v16+s3+$0x0], $0xffff;
	v25 =	vadd.f32 v25, v23  }
0x122: {  	s17 =	sshll.u32 s16, $0x1;
	s12 =	simm.s32 $0x11A80;
	s22 =	sadd.s32 $0x13200, s18;
	v28 =	vmul.f32 v13, v28;
	v16 =	vshll.u32 v31, $0x10;
	v23 =	vld.idx.msk [tilespmem:v14+s3+$0x0], $0xffff;
	v31 =	vmul.f32 v60, v58  }
0x123: {  	s15 =	simm.s32 $0x0;
	s5 =	simm.s32 $0x0;
	s4 =	simm.s32 $0x0;
	[tilespmem:s22+$0x70] =	vst v56;
	v32 =	vmul.f32 v46, v62;
	v41 =	vsub.f32 $1.000000000e+00, v16;
	v14 =	vmul.f32 v25, v63;
	v25 =	vld.idx.msk [tilespmem:v17+s3+$0x0], $0xffff  }
.LBB2_24:
0x124: {  	v33 =	vld [tilespmem:s12+$0xFFFFF870];
	v8 =	vmul.f32 v8, v27;
	v27 =	vadd.f32 v31, v28  }
0x125: {  	v10 =	vmul.f32 v10, v18;
	v17 =	vld [tilespmem:s12+$0xFFFFF810];
	v26 =	vadd.f32 v26, v32  }
0x126: {  	s5 =	sadd.s32 $0x80, s5;
	v11 =	vmul.f32 v11, v21;
	v18 =	vld [tilespmem:s12+$0xFFFFF820];
	v8 =	vadd.f32 v29, v8;
	v27 =	vmul.f32 v27, v41  }
0x127: {  	p1 =	slt.u32 s5, $0x780;
	v10 =	vadd.f32 v30, v10;
	v9 =	vmul.f32 v9, v22;
	v21 =	vld [tilespmem:s12+$0xFFFFF830];
	v19 =	vmul.f32 v19, v26  }
0x128: {  	v11 =	vadd.f32 v36, v11;
	v12 =	vmul.f32 v12, v23;
	v22 =	vld [tilespmem:s12+$0xFFFFF840];
	v8 =	vmul.f32 v24, v8  }
0x129: {  	v9 =	vadd.f32 v35, v9;
	v13 =	vmul.f32 v13, v25;
	v23 =	vld [tilespmem:s12+$0xFFFFF850];
	v24 =	vadd.s32 $0x1, v33  }
0x12a: {  	v30 =	vadd.s32 $0x108, v33;
	v26 =	vadd.s32 $0x1, v17;
	v29 =	vadd.s32 $0x108, v17;
	v25 =	vld [tilespmem:s12+$0xFFFFF860]  }
0x12b: {  	v32 =	vadd.s32 $0x109, v33;
	v41 =	vadd.s32 $0x109, v17;
	v28 =	vld [tilespmem:s12+$0xFFFFF800];
	v42 =	vadd.s32 $0x1, v18  }
0x12c: {  	v43 =	vadd.s32 $0x108, v18;
	v44 =	vadd.s32 $0x109, v18;
	v45 =	vadd.s32 $0x1, v21;
	v46 =	vld [tilespmem:s12+$0x70]  }
0x12d: {  	v47 =	vadd.s32 $0x108, v21;
	v48 =	vadd.s32 $0x109, v21;
	v49 =	vadd.s32 $0x1, v22;
	v33 =	vld.idx.msk [tilespmem:v33+s3+$0x0], $0xffff  }
0x12e: {  	v50 =	vadd.s32 $0x108, v22;
	v36 =	vadd.s32 $0x109, v22;
	v39 =	vadd.s32 $0x1, v23;
	v24 =	vld.idx.msk [tilespmem:v24+s3+$0x0], $0xffff  }
0x12f: {  	v38 =	vadd.s32 $0x108, v23;
	v35 =	vadd.s32 $0x109, v23;
	v31 =	vadd.s32 $0x1, v25;
	v30 =	vld.idx.msk [tilespmem:v30+s3+$0x0], $0xffff  }
0x130: {  	v51 =	vadd.s32 $0x1, v28;
	v52 =	vadd.s32 $0x108, v28;
	v53 =	vadd.s32 $0x109, v28;
	v54 =	vld.idx.msk [tilespmem:v32+s3+$0x0], $0xffff  }
0x131: {  	v12 =	vadd.f32 v37, v12;
	v34 =	vadd.s32 $0x108, v25;
	v32 =	vadd.s32 $0x109, v25;
	v55 =	vld [tilespmem:s12+$0x0]  }
0x132: {  	v57 =	vmul.f32 v4, v10;
	v4 =	vadd.f32 v40, v13;
	v56 =	vand.u32 $0xFFFF0000, v46;
	v37 =	vld [tilespmem:s12+$0x10]  }
0x133: {  	v58 =	vmul.f32 v5, v11;
	v59 =	vmul.f32 v2, v9;
	v10 =	vsub.f32 $1.000000000e+00, v56;
	v40 =	vld [tilespmem:s12+$0x20]  }
0x134: {  	v5 =	vadd.f32 v15, v19;
	v60 =	vmul.f32 v6, v12;
	v61 =	vmul.f32 v16, v4;
	v2 =	vld [tilespmem:s12+$0x30]  }
0x135: {  	v11 =	vadd.f32 v20, v8;
	v4 =	vmul.f32 v56, v33;
	v9 =	vmul.f32 v10, v24;
	v6 =	vld [tilespmem:s12+$0x40]  }
0x136: {  	v12 =	vshll.u32 v46, $0x10;
	v13 =	vmul.f32 v56, v30;
	v16 =	vmul.f32 v54, v10;
	v15 =	vld [tilespmem:s12+$0x50];
	[tilespmem:s18+$0x13200] =	vst v5  }
0x137: {  	v33 =	vand.u32 $0xFFFF0000, v55;
	v5 =	vsub.f32 $1.000000000e+00, v12;
	v8 =	vand.u32 $0xFFFF0000, v37;
	v20 =	vld [tilespmem:s12+$0x60];
	[tilespmem:s22+$0x10] =	vst v11  }
0x138: {  	v4 =	vadd.f32 v9, v4;
	v13 =	vadd.f32 v16, v13;
	v24 =	vld.idx.msk [tilespmem:v51+s3+$0x0], $0xffff;
	v10 =	vand.u32 $0xFFFF0000, v40  }
0x139: {  	v30 =	vsub.f32 $1.000000000e+00, v33;
	v46 =	vsub.f32 $1.000000000e+00, v8;
	v16 =	vld.idx.msk [tilespmem:v52+s3+$0x0], $0xffff;
	v11 =	vand.u32 $0xFFFF0000, v2  }
0x13a: {  	s15 =	sadd.s32 $0x40, s15;
	s4 =	sadd.s32 $0x400, s4;
	v4 =	vmul.f32 v12, v4;
	v5 =	vmul.f32 v13, v5;
	v51 =	vld.idx.msk [tilespmem:v53+s3+$0x0], $0xffff;
	v9 =	vand.u32 $0xFFFF0000, v6  }
0x13b: {  	s7 =	sand.u32 $0x400, s4;
	s18 =	sand.u32 $0x380, s15;
	v53 =	vsub.f32 $1.000000000e+00, v10;
	v54 =	vsub.f32 $1.000000000e+00, v11;
	v52 =	vld.idx.msk [tilespmem:v26+s3+$0x0], $0xffff;
	v12 =	vand.u32 $0xFFFF0000, v15  }
0x13c: {  	s18 =	sor.u32 s18, s7;
	v62 =	vsub.f32 $1.000000000e+00, v9;
	v5 =	vadd.f32 v5, v4;
	v56 =	vld.idx.msk [tilespmem:v29+s3+$0x0], $0xffff;
	v13 =	vand.u32 $0xFFFF0000, v20  }
0x13d: {  	v19 =	vshll.u32 v55, $0x10;
	s7 =	sadd.s32 $0x13200, s18;
	v55 =	vsub.f32 $1.000000000e+00, v12;
	v41 =	vld.idx.msk [tilespmem:v41+s3+$0x0], $0xffff;
	v63 =	vsub.f32 $1.000000000e+00, v13  }
0x13e: {  	v4 =	vshll.u32 v40, $0x10;
	v26 =	vmul.f32 v30, v24;
	v24 =	vshll.u32 v37, $0x10;
	v37 =	vld.idx.msk [tilespmem:v42+s3+$0x0], $0xffff;
	[tilespmem:s7+$0x70] =	vst v5  }
0x13f: {  	v40 =	vmul.f32 v33, v16;
	v5 =	vshll.u32 v2, $0x10;
	v2 =	vshll.u32 v6, $0x10;
	v42 =	vld.idx.msk [tilespmem:v43+s3+$0x0], $0xffff  }
0x140: {  	v6 =	vshll.u32 v15, $0x10;
	v16 =	vshll.u32 v20, $0x10;
	v30 =	vmul.f32 v51, v30;
	v43 =	vld.idx.msk [tilespmem:v44+s3+$0x0], $0xffff  }
0x141: {  	v15 =	vsub.f32 $1.000000000e+00, v19;
	v20 =	vsub.f32 $1.000000000e+00, v24;
	v29 =	vmul.f32 v46, v52;
	v44 =	vld.idx.msk [tilespmem:v45+s3+$0x0], $0xffff  }
0x142: {  	v51 =	vsub.f32 $1.000000000e+00, v4;
	v40 =	vadd.f32 v30, v40;
	v45 =	vmul.f32 v8, v56;
	v47 =	vld.idx.msk [tilespmem:v47+s3+$0x0], $0xffff  }
0x143: {  	v52 =	vsub.f32 $1.000000000e+00, v5;
	v56 =	vsub.f32 $1.000000000e+00, v2;
	v46 =	vmul.f32 v41, v46;
	v48 =	vld.idx.msk [tilespmem:v48+s3+$0x0], $0xffff  }
0x144: {  	v41 =	vsub.f32 $1.000000000e+00, v16;
	v30 =	vmul.f32 v53, v37;
	v37 =	vld.idx.msk [tilespmem:v49+s3+$0x0], $0xffff;
	v49 =	vsub.f32 $1.000000000e+00, v6  }
0x145: {  	v15 =	vmul.f32 v40, v15;
	v40 =	vadd.f32 v46, v45;
	v42 =	vmul.f32 v10, v42;
	v45 =	vld.idx.msk [tilespmem:v50+s3+$0x0], $0xffff  }
0x146: {  	v1 =	vadd.f32 v1, v57;
	v3 =	vadd.f32 v3, v58;
	v43 =	vmul.f32 v43, v53;
	v46 =	vld.idx.msk [tilespmem:v36+s3+$0x0], $0xffff  }
0x147: {  	v7 =	vadd.f32 v7, v59;
	v20 =	vmul.f32 v40, v20;
	v36 =	vmul.f32 v54, v44;
	v39 =	vld.idx.msk [tilespmem:v39+s3+$0x0], $0xffff  }
0x148: {  	v14 =	vadd.f32 v14, v60;
	v40 =	vadd.f32 v43, v42;
	v42 =	vmul.f32 v11, v47;
	v38 =	vld.idx.msk [tilespmem:v38+s3+$0x0], $0xffff  }
0x149: {  	v27 =	vadd.f32 v27, v61;
	v43 =	vmul.f32 v48, v54;
	v44 =	vld.idx.msk [tilespmem:v35+s3+$0x0], $0xffff;
	[tilespmem:s22+$0x20] =	vst v1  }
0x14a: {  	v1 =	vmul.f32 v40, v51;
	v35 =	vmul.f32 v62, v37;
	v31 =	vld.idx.msk [tilespmem:v31+s3+$0x0], $0xffff;
	[tilespmem:s22+$0x30] =	vst v3  }
0x14b: {  	v3 =	vadd.f32 v43, v42;
	v40 =	vmul.f32 v9, v45;
	v34 =	vld.idx.msk [tilespmem:v34+s3+$0x0], $0xffff;
	[tilespmem:s22+$0x40] =	vst v7  }
0x14c: {  	v7 =	vmul.f32 v46, v62;
	v32 =	vld.idx.msk [tilespmem:v32+s3+$0x0], $0xffff;
	[tilespmem:s22+$0x50] =	vst v14  }
0x14d: {  	v3 =	vmul.f32 v3, v52;
	v37 =	vmul.f32 v55, v39;
	v14 =	vld.idx.msk [tilespmem:v28+s3+$0x0], $0xffff;
	[tilespmem:s22+$0x60] =	vst v27;
	s22 =	smov.u32 s7  }
0x14e: {  	v7 =	vadd.f32 v7, v40;
	v27 =	vld.idx.msk [tilespmem:v17+s3+$0x0], $0xffff;
	v17 =	vmul.f32 v12, v38  }
.Ltmp14:
0x14f: {  	v28 =	vmul.f32 v44, v55;
	v18 =	vld.idx.msk [tilespmem:v18+s3+$0x0], $0xffff;
	(pc) =	sbr.rel @p1 .LBB2_24-.Ltmp14, $4  }
0x150: {  	v7 =	vmul.f32 v7, v56;
	v40 =	vmul.f32 v63, v31;
	v21 =	vld.idx.msk [tilespmem:v21+s3+$0x0], $0xffff  }
0x151: {  	v17 =	vadd.f32 v28, v17;
	v28 =	vmul.f32 v13, v34;
	v22 =	vld.idx.msk [tilespmem:v22+s3+$0x0], $0xffff  }
0x152: {  	v31 =	vmul.f32 v32, v63;
	v23 =	vld.idx.msk [tilespmem:v23+s3+$0x0], $0xffff  }
0x153: {  	s12 =	sadd.s32 $0x80, s12;
	v32 =	vmul.f32 v33, v14;
	v14 =	vmul.f32 v17, v49;
	v25 =	vld.idx.msk [tilespmem:v25+s3+$0x0], $0xffff  }
0x154: {  	v8 =	vmul.f32 v8, v27  }
0x155: {  	v10 =	vmul.f32 v10, v18;
	v17 =	vadd.f32 v26, v32  }
0x156: {  	v11 =	vmul.f32 v11, v21;
	v8 =	vadd.f32 v29, v8  }
0x157: {  	v10 =	vadd.f32 v30, v10;
	v17 =	vmul.f32 v19, v17  }
0x158: {  	v11 =	vadd.f32 v36, v11;
	v8 =	vmul.f32 v24, v8  }
0x159: {  	v9 =	vmul.f32 v9, v22;
	v4 =	vmul.f32 v4, v10;
	v10 =	vadd.f32 v15, v17  }
0x15a: {  	v12 =	vmul.f32 v12, v23;
	v5 =	vmul.f32 v5, v11;
	v8 =	vadd.f32 v20, v8  }
0x15b: {  	v9 =	vadd.f32 v35, v9;
	v13 =	vmul.f32 v13, v25;
	v1 =	vadd.f32 v1, v4;
	[tilespmem:s18+$0x13200] =	vst v10  }
0x15c: {  	v12 =	vadd.f32 v37, v12;
	v3 =	vadd.f32 v3, v5;
	[tilespmem:s22+$0x10] =	vst v8  }
0x15d: {  	v18 =	vadd.f32 v31, v28;
	v11 =	vadd.f32 v40, v13;
	v2 =	vmul.f32 v2, v9;
	[tilespmem:s22+$0x20] =	vst v1  }
0x15e: {  	v4 =	vmul.f32 v6, v12;
	[tilespmem:s22+$0x30] =	vst v3  }
0x15f: {  	v5 =	vmul.f32 v18, v41;
	s18 =	sshll.u32 s16, $0xD;
	v6 =	vmul.f32 v16, v11;
	v2 =	vadd.f32 v7, v2;
	s4 =	rddreg [dreg:$0x4]  }
0x160: {  	v1 =	vadd.f32 v14, v4;
	s21 =	sadd.s32 s4, s18  }
0x161: {  	v3 =	vadd.f32 v5, v6;
	[tilespmem:s22+$0x40] =	vst v2;
	s4 =	sor.u32 s21, s28  }
0x162: {  	s5 =	simm.s32 $0x13200;
	[tilespmem:s22+$0x50] =	vst v1;
	s4 =	sshrl.u32 s4, $0x3  }
0x163: {  	s12 =	simm.s32 $0x11A00;
	[tilespmem:s22+$0x60] =	vst v3;
	s22 =	simm.s32 $0x0;
	s4 =	sadd.s32 s1, s4  }
0x164: {  	[hbm4b:s4+s22] =	stream.linear.scatter [tilespmem:s5], [sflag:$0x3], $0x800, $0x38;
	[tilespmem:$0x17200] =	vst v63  }
0x165: {  	v1 =	vld [tilespmem:s12+$0xFFFFF870]  }
0x166: {  	v3 =	vld [tilespmem:s12+$0xFFFFF810]  }
0x167: {  	v18 =	vld [tilespmem:s12+$0xFFFFF820]  }
0x168: {  	v7 =	vld [tilespmem:s12+$0xFFFFF830]  }
0x169: {  	v16 =	vld [tilespmem:s12+$0xFFFFF840]  }
0x16a: {  	v14 =	vld [tilespmem:s12+$0xFFFFF850]  }
0x16b: {  	v17 =	vld [tilespmem:s12+$0xFFFFF860]  }
0x16c: {  	v19 =	vld [tilespmem:s12+$0xFFFFF800]  }
0x16d: {  	v6 =	vld [tilespmem:s12+$0x70]  }
0x16e: {  	v15 =	vld [tilespmem:s12+$0x0]  }
0x16f: {  	v21 =	vld [tilespmem:s12+$0x10]  }
0x170: {  	v22 =	vld [tilespmem:s12+$0x20];
	v2 =	vadd.s32 $0x1, v1  }
0x171: {  	v23 =	vld [tilespmem:s12+$0x30];
	v4 =	vadd.s32 $0x108, v1  }
0x172: {  	v24 =	vld [tilespmem:s12+$0x40];
	v5 =	vadd.s32 $0x109, v1  }
0x173: {  	v28 =	vld [tilespmem:s12+$0x50];
	v8 =	vadd.s32 $0x1, v19  }
0x174: {  	v10 =	vadd.s32 $0x108, v19;
	v1 =	vld.idx.msk [tilespmem:v1+s29+$0x0], $0xffff  }
0x175: {  	v13 =	vadd.s32 $0x109, v19;
	v2 =	vld.idx.msk [tilespmem:v2+s29+$0x0], $0xffff  }
0x176: {  	v9 =	vadd.s32 $0x1, v3;
	v4 =	vld.idx.msk [tilespmem:v4+s29+$0x0], $0xffff  }
0x177: {  	v11 =	vadd.s32 $0x108, v3;
	v5 =	vld.idx.msk [tilespmem:v5+s29+$0x0], $0xffff  }
0x178: {  	v12 =	vadd.s32 $0x109, v3;
	v35 =	vld.idx.msk [tilespmem:v8+s29+$0x0], $0xffff  }
0x179: {  	v20 =	vadd.s32 $0x1, v18;
	v38 =	vld.idx.msk [tilespmem:v10+s29+$0x0], $0xffff  }
0x17a: {  	v25 =	vadd.s32 $0x108, v18;
	v26 =	vadd.s32 $0x109, v18;
	v27 =	vadd.s32 $0x1, v7;
	v42 =	vld.idx.msk [tilespmem:v13+s29+$0x0], $0xffff  }
0x17b: {  	v29 =	vadd.s32 $0x108, v7;
	v30 =	vadd.s32 $0x109, v7;
	v32 =	vadd.s32 $0x1, v16;
	v44 =	vld.idx.msk [tilespmem:v9+s29+$0x0], $0xffff  }
0x17c: {  	v33 =	vadd.s32 $0x108, v16;
	v34 =	vand.u32 $0xFFFF0000, v6;
	v62 =	vadd.s32 $0x109, v16;
	v61 =	vld.idx.msk [tilespmem:v11+s29+$0x0], $0xffff  }
0x17d: {  	v63 =	vadd.s32 $0x1, v14;
	v39 =	vadd.s32 $0x108, v14;
	v40 =	vadd.s32 $0x109, v14;
	v47 =	vld.idx.msk [tilespmem:v12+s29+$0x0], $0xffff  }
0x17e: {  	v60 =	vadd.s32 $0x1, v17;
	v43 =	vadd.s32 $0x108, v17;
	v6 =	vshll.u32 v6, $0x10;
	v48 =	vld.idx.msk [tilespmem:v20+s29+$0x0], $0xffff  }
0x17f: {  	v45 =	vadd.s32 $0x109, v17;
	v46 =	vand.u32 $0xFFFF0000, v15;
	v8 =	vsub.f32 $1.000000000e+00, v34;
	v50 =	vld.idx.msk [tilespmem:v25+s29+$0x0], $0xffff  }
0x180: {  	v13 =	vsub.f32 $1.000000000e+00, v6;
	v10 =	vand.u32 $0xFFFF0000, v22;
	v11 =	vand.u32 $0xFFFF0000, v23;
	v26 =	vld.idx.msk [tilespmem:v26+s29+$0x0], $0xffff  }
0x181: {  	v9 =	vand.u32 $0xFFFF0000, v24;
	v53 =	vld.idx.msk [tilespmem:v27+s29+$0x0], $0xffff;
	v12 =	vand.u32 $0xFFFF0000, v28;
	v20 =	vshll.u32 v15, $0x10  }
0x182: {  	v55 =	vld.idx.msk [tilespmem:v29+s29+$0x0], $0xffff;
	v25 =	vshll.u32 v21, $0x10;
	v51 =	vsub.f32 $1.000000000e+00, v10;
	v52 =	vsub.f32 $1.000000000e+00, v11  }
0x183: {  	v54 =	vsub.f32 $1.000000000e+00, v9;
	v1 =	vmul.f32 v34, v1;
	v2 =	vmul.f32 v8, v2  }
0x184: {  	v31 =	vld [tilespmem:s12+$0x60];
	v57 =	vsub.f32 $1.000000000e+00, v12;
	v4 =	vmul.f32 v34, v4;
	v5 =	vmul.f32 v5, v8  }
0x185: {  	v8 =	vand.u32 $0xFFFF0000, v21;
	v21 =	vsub.f32 $1.000000000e+00, v20;
	v26 =	vmul.f32 v26, v51  }
0x186: {  	v37 =	vmul.f32 v52, v53;
	v49 =	vsub.f32 $1.000000000e+00, v8;
	v1 =	vadd.f32 v2, v1  }
0x187: {  	v32 =	vld.idx.msk [tilespmem:v32+s29+$0x0], $0xffff;
	v55 =	vmul.f32 v11, v55;
	v2 =	vadd.f32 v5, v4;
	v5 =	vsub.f32 $1.000000000e+00, v46  }
0x188: {  	v34 =	vld.idx.msk [tilespmem:v63+s29+$0x0], $0xffff;
	v4 =	vshll.u32 v22, $0x10;
	v29 =	vmul.f32 v49, v44;
	v1 =	vmul.f32 v6, v1  }
0x189: {  	v22 =	vld.idx.msk [tilespmem:v33+s29+$0x0], $0xffff;
	v2 =	vmul.f32 v2, v13;
	v13 =	vand.u32 $0xFFFF0000, v31;
	v27 =	vmul.f32 v5, v35  }
0x18a: {  	v6 =	vmul.f32 v46, v38;
	v15 =	vmul.f32 v42, v5;
	v5 =	vshll.u32 v23, $0x10;
	v23 =	vld.idx.msk [tilespmem:v62+s29+$0x0], $0xffff  }
0x18b: {  	v62 =	vmul.f32 v47, v49;
	v49 =	vmul.f32 v10, v50;
	v56 =	vadd.f32 v2, v1;
	v1 =	vld.idx.msk [tilespmem:v30+s29+$0x0], $0xffff  }
0x18c: {  	v18 =	vld.idx.msk [tilespmem:v18+s29+$0x0], $0xffff;
	v2 =	vshll.u32 v24, $0x10;
	v15 =	vadd.f32 v15, v6;
	v24 =	vmul.f32 v8, v61  }
0x18d: {  	v63 =	vld.idx.msk [tilespmem:v39+s29+$0x0], $0xffff;
	v35 =	vmul.f32 v54, v32;
	v58 =	vsub.f32 $1.000000000e+00, v13;
	v38 =	vmul.f32 v57, v34  }
0x18e: {  	v6 =	vshll.u32 v28, $0x10;
	v15 =	vmul.f32 v15, v21;
	v21 =	vadd.f32 v62, v24;
	v24 =	vld.idx.msk [tilespmem:v40+s29+$0x0], $0xffff  }
0x18f: {  	v50 =	vld.idx.msk [tilespmem:v60+s29+$0x0], $0xffff;
	v28 =	vsub.f32 $1.000000000e+00, v25;
	v30 =	vmul.f32 v51, v48;
	v48 =	vsub.f32 $1.000000000e+00, v4  }
0x190: {  	v60 =	vld.idx.msk [tilespmem:v45+s29+$0x0], $0xffff;
	v26 =	vadd.f32 v26, v49;
	v22 =	vmul.f32 v9, v22;
	v59 =	vmul.f32 v1, v52  }
0x191: {  	v51 =	vsub.f32 $1.000000000e+00, v5;
	v23 =	vmul.f32 v23, v54;
	v21 =	vmul.f32 v21, v28;
	v28 =	vld.idx.msk [tilespmem:v43+s29+$0x0], $0xffff  }
0x192: {  	v61 =	vsub.f32 $1.000000000e+00, v2;
	v62 =	vld.idx.msk [tilespmem:v19+s29+$0x0], $0xffff;
	v1 =	vmul.f32 v26, v48;
	v19 =	vadd.f32 v59, v55  }
0x193: {  	v26 =	vld.idx.msk [tilespmem:v3+s29+$0x0], $0xffff;
	v22 =	vadd.f32 v23, v22;
	v23 =	vmul.f32 v12, v63;
	v24 =	vmul.f32 v24, v57  }
0x194: {  	s15 =	sand.u32 $0x400, s22;
	s26 =	sand.u32 $0x380, s22;
	v40 =	vmul.f32 v58, v50;
	v3 =	vmul.f32 v19, v51;
	v19 =	vld.idx.msk [tilespmem:v7+s29+$0x0], $0xffff  }
0x195: {  	s12 =	sor.u32 s26, s15;
	v63 =	vsub.f32 $1.000000000e+00, v6;
	v7 =	vmul.f32 v22, v61;
	v22 =	vld.idx.msk [tilespmem:v16+s29+$0x0], $0xffff;
	v24 =	vadd.f32 v24, v23  }
0x196: {  	s5 =	sadd.s32 $0x14200, s12;
	v16 =	vshll.u32 v31, $0x10;
	v28 =	vmul.f32 v13, v28;
	v23 =	vld.idx.msk [tilespmem:v14+s29+$0x0], $0xffff;
	v31 =	vmul.f32 v60, v58  }
0x197: {  	s7 =	simm.s32 $0x0;
	s4 =	simm.s32 $0x11A80;
	s15 =	simm.s32 $0x0;
	[tilespmem:s5+$0x70] =	vst v56;
	v32 =	vmul.f32 v46, v62;
	v41 =	vsub.f32 $1.000000000e+00, v16;
	v14 =	vmul.f32 v24, v63;
	v24 =	vld.idx.msk [tilespmem:v17+s29+$0x0], $0xffff  }
.LBB2_26:
0x198: {  	v33 =	vld [tilespmem:s4+$0xFFFFF870];
	v8 =	vmul.f32 v8, v26;
	v26 =	vadd.f32 v31, v28  }
0x199: {  	v10 =	vmul.f32 v10, v18;
	v17 =	vld [tilespmem:s4+$0xFFFFF810];
	v27 =	vadd.f32 v27, v32  }
0x19a: {  	s15 =	sadd.s32 $0x80, s15;
	v11 =	vmul.f32 v11, v19;
	v18 =	vld [tilespmem:s4+$0xFFFFF820];
	v8 =	vadd.f32 v29, v8;
	v26 =	vmul.f32 v26, v41  }
0x19b: {  	p1 =	slt.u32 s15, $0x780;
	v10 =	vadd.f32 v30, v10;
	v9 =	vmul.f32 v9, v22;
	v19 =	vld [tilespmem:s4+$0xFFFFF830];
	v20 =	vmul.f32 v20, v27  }
0x19c: {  	v11 =	vadd.f32 v37, v11;
	v12 =	vmul.f32 v12, v23;
	v22 =	vld [tilespmem:s4+$0xFFFFF840];
	v8 =	vmul.f32 v25, v8  }
0x19d: {  	v9 =	vadd.f32 v35, v9;
	v13 =	vmul.f32 v13, v24;
	v23 =	vld [tilespmem:s4+$0xFFFFF850];
	v25 =	vadd.s32 $0x1, v33  }
0x19e: {  	v30 =	vadd.s32 $0x108, v33;
	v27 =	vadd.s32 $0x1, v17;
	v29 =	vadd.s32 $0x108, v17;
	v24 =	vld [tilespmem:s4+$0xFFFFF860]  }
0x19f: {  	v32 =	vadd.s32 $0x109, v33;
	v41 =	vadd.s32 $0x109, v17;
	v28 =	vld [tilespmem:s4+$0xFFFFF800];
	v42 =	vadd.s32 $0x1, v18  }
0x1a0: {  	v43 =	vadd.s32 $0x108, v18;
	v44 =	vadd.s32 $0x109, v18;
	v45 =	vadd.s32 $0x1, v19;
	v46 =	vld [tilespmem:s4+$0x70]  }
0x1a1: {  	v47 =	vadd.s32 $0x108, v19;
	v48 =	vadd.s32 $0x109, v19;
	v49 =	vadd.s32 $0x1, v22;
	v33 =	vld.idx.msk [tilespmem:v33+s29+$0x0], $0xffff  }
0x1a2: {  	v50 =	vadd.s32 $0x108, v22;
	v37 =	vadd.s32 $0x109, v22;
	v39 =	vadd.s32 $0x1, v23;
	v25 =	vld.idx.msk [tilespmem:v25+s29+$0x0], $0xffff  }
0x1a3: {  	v36 =	vadd.s32 $0x108, v23;
	v35 =	vadd.s32 $0x109, v23;
	v31 =	vadd.s32 $0x1, v24;
	v30 =	vld.idx.msk [tilespmem:v30+s29+$0x0], $0xffff  }
0x1a4: {  	v51 =	vadd.s32 $0x1, v28;
	v52 =	vadd.s32 $0x108, v28;
	v53 =	vadd.s32 $0x109, v28;
	v54 =	vld.idx.msk [tilespmem:v32+s29+$0x0], $0xffff  }
0x1a5: {  	v12 =	vadd.f32 v38, v12;
	v34 =	vadd.s32 $0x108, v24;
	v32 =	vadd.s32 $0x109, v24;
	v55 =	vld [tilespmem:s4+$0x0]  }
0x1a6: {  	v57 =	vmul.f32 v4, v10;
	v4 =	vadd.f32 v40, v13;
	v56 =	vand.u32 $0xFFFF0000, v46;
	v38 =	vld [tilespmem:s4+$0x10]  }
0x1a7: {  	v58 =	vmul.f32 v5, v11;
	v59 =	vmul.f32 v2, v9;
	v10 =	vsub.f32 $1.000000000e+00, v56;
	v40 =	vld [tilespmem:s4+$0x20]  }
0x1a8: {  	v5 =	vadd.f32 v15, v20;
	v60 =	vmul.f32 v6, v12;
	v61 =	vmul.f32 v16, v4;
	v2 =	vld [tilespmem:s4+$0x30]  }
0x1a9: {  	v11 =	vadd.f32 v21, v8;
	v4 =	vmul.f32 v56, v33;
	v9 =	vmul.f32 v10, v25;
	v6 =	vld [tilespmem:s4+$0x40]  }
0x1aa: {  	v12 =	vshll.u32 v46, $0x10;
	v13 =	vmul.f32 v56, v30;
	v16 =	vmul.f32 v54, v10;
	v15 =	vld [tilespmem:s4+$0x50];
	[tilespmem:s12+$0x14200] =	vst v5  }
0x1ab: {  	v33 =	vand.u32 $0xFFFF0000, v55;
	v5 =	vsub.f32 $1.000000000e+00, v12;
	v8 =	vand.u32 $0xFFFF0000, v38;
	v21 =	vld [tilespmem:s4+$0x60];
	[tilespmem:s5+$0x10] =	vst v11  }
0x1ac: {  	v4 =	vadd.f32 v9, v4;
	v13 =	vadd.f32 v16, v13;
	v25 =	vld.idx.msk [tilespmem:v51+s29+$0x0], $0xffff;
	v10 =	vand.u32 $0xFFFF0000, v40  }
0x1ad: {  	v30 =	vsub.f32 $1.000000000e+00, v33;
	v46 =	vsub.f32 $1.000000000e+00, v8;
	v16 =	vld.idx.msk [tilespmem:v52+s29+$0x0], $0xffff;
	v11 =	vand.u32 $0xFFFF0000, v2  }
0x1ae: {  	s22 =	sadd.s32 $0x40, s22;
	s7 =	sadd.s32 $0x400, s7;
	v4 =	vmul.f32 v12, v4;
	v5 =	vmul.f32 v13, v5;
	v51 =	vld.idx.msk [tilespmem:v53+s29+$0x0], $0xffff;
	v9 =	vand.u32 $0xFFFF0000, v6  }
0x1af: {  	s26 =	sand.u32 $0x380, s22;
	s12 =	sand.u32 $0x400, s7;
	v53 =	vsub.f32 $1.000000000e+00, v10;
	v54 =	vsub.f32 $1.000000000e+00, v11;
	v52 =	vld.idx.msk [tilespmem:v27+s29+$0x0], $0xffff;
	v12 =	vand.u32 $0xFFFF0000, v15  }
0x1b0: {  	s12 =	sor.u32 s26, s12;
	v62 =	vsub.f32 $1.000000000e+00, v9;
	v5 =	vadd.f32 v5, v4;
	v56 =	vld.idx.msk [tilespmem:v29+s29+$0x0], $0xffff;
	v13 =	vand.u32 $0xFFFF0000, v21  }
0x1b1: {  	v20 =	vshll.u32 v55, $0x10;
	s26 =	sadd.s32 $0x14200, s12;
	v55 =	vsub.f32 $1.000000000e+00, v12;
	v41 =	vld.idx.msk [tilespmem:v41+s29+$0x0], $0xffff;
	v63 =	vsub.f32 $1.000000000e+00, v13  }
0x1b2: {  	v4 =	vshll.u32 v40, $0x10;
	v27 =	vmul.f32 v30, v25;
	v25 =	vshll.u32 v38, $0x10;
	v38 =	vld.idx.msk [tilespmem:v42+s29+$0x0], $0xffff;
	[tilespmem:s26+$0x70] =	vst v5  }
0x1b3: {  	v40 =	vmul.f32 v33, v16;
	v5 =	vshll.u32 v2, $0x10;
	v2 =	vshll.u32 v6, $0x10;
	v42 =	vld.idx.msk [tilespmem:v43+s29+$0x0], $0xffff  }
0x1b4: {  	v6 =	vshll.u32 v15, $0x10;
	v16 =	vshll.u32 v21, $0x10;
	v30 =	vmul.f32 v51, v30;
	v43 =	vld.idx.msk [tilespmem:v44+s29+$0x0], $0xffff  }
0x1b5: {  	v15 =	vsub.f32 $1.000000000e+00, v20;
	v21 =	vsub.f32 $1.000000000e+00, v25;
	v29 =	vmul.f32 v46, v52;
	v44 =	vld.idx.msk [tilespmem:v45+s29+$0x0], $0xffff  }
0x1b6: {  	v51 =	vsub.f32 $1.000000000e+00, v4;
	v40 =	vadd.f32 v30, v40;
	v45 =	vmul.f32 v8, v56;
	v47 =	vld.idx.msk [tilespmem:v47+s29+$0x0], $0xffff  }
0x1b7: {  	v52 =	vsub.f32 $1.000000000e+00, v5;
	v56 =	vsub.f32 $1.000000000e+00, v2;
	v46 =	vmul.f32 v41, v46;
	v48 =	vld.idx.msk [tilespmem:v48+s29+$0x0], $0xffff  }
0x1b8: {  	v41 =	vsub.f32 $1.000000000e+00, v16;
	v30 =	vmul.f32 v53, v38;
	v38 =	vld.idx.msk [tilespmem:v49+s29+$0x0], $0xffff;
	v49 =	vsub.f32 $1.000000000e+00, v6  }
0x1b9: {  	v15 =	vmul.f32 v40, v15;
	v40 =	vadd.f32 v46, v45;
	v42 =	vmul.f32 v10, v42;
	v45 =	vld.idx.msk [tilespmem:v50+s29+$0x0], $0xffff  }
0x1ba: {  	v1 =	vadd.f32 v1, v57;
	v3 =	vadd.f32 v3, v58;
	v43 =	vmul.f32 v43, v53;
	v46 =	vld.idx.msk [tilespmem:v37+s29+$0x0], $0xffff  }
0x1bb: {  	v7 =	vadd.f32 v7, v59;
	v21 =	vmul.f32 v40, v21;
	v37 =	vmul.f32 v54, v44;
	v39 =	vld.idx.msk [tilespmem:v39+s29+$0x0], $0xffff  }
0x1bc: {  	v14 =	vadd.f32 v14, v60;
	v40 =	vadd.f32 v43, v42;
	v42 =	vmul.f32 v11, v47;
	v36 =	vld.idx.msk [tilespmem:v36+s29+$0x0], $0xffff  }
0x1bd: {  	v26 =	vadd.f32 v26, v61;
	v43 =	vmul.f32 v48, v54;
	v44 =	vld.idx.msk [tilespmem:v35+s29+$0x0], $0xffff;
	[tilespmem:s5+$0x20] =	vst v1  }
0x1be: {  	v1 =	vmul.f32 v40, v51;
	v35 =	vmul.f32 v62, v38;
	v31 =	vld.idx.msk [tilespmem:v31+s29+$0x0], $0xffff;
	[tilespmem:s5+$0x30] =	vst v3  }
0x1bf: {  	v3 =	vadd.f32 v43, v42;
	v40 =	vmul.f32 v9, v45;
	v34 =	vld.idx.msk [tilespmem:v34+s29+$0x0], $0xffff;
	[tilespmem:s5+$0x40] =	vst v7  }
0x1c0: {  	v7 =	vmul.f32 v46, v62;
	v32 =	vld.idx.msk [tilespmem:v32+s29+$0x0], $0xffff;
	[tilespmem:s5+$0x50] =	vst v14  }
0x1c1: {  	v3 =	vmul.f32 v3, v52;
	v38 =	vmul.f32 v55, v39;
	v14 =	vld.idx.msk [tilespmem:v28+s29+$0x0], $0xffff;
	[tilespmem:s5+$0x60] =	vst v26;
	s5 =	smov.u32 s26  }
0x1c2: {  	v7 =	vadd.f32 v7, v40;
	v26 =	vld.idx.msk [tilespmem:v17+s29+$0x0], $0xffff;
	v17 =	vmul.f32 v12, v36  }
.Ltmp15:
0x1c3: {  	v28 =	vmul.f32 v44, v55;
	v18 =	vld.idx.msk [tilespmem:v18+s29+$0x0], $0xffff;
	(pc) =	sbr.rel @p1 .LBB2_26-.Ltmp15, $4  }
0x1c4: {  	v7 =	vmul.f32 v7, v56;
	v40 =	vmul.f32 v63, v31;
	v19 =	vld.idx.msk [tilespmem:v19+s29+$0x0], $0xffff  }
0x1c5: {  	v17 =	vadd.f32 v28, v17;
	v28 =	vmul.f32 v13, v34;
	v22 =	vld.idx.msk [tilespmem:v22+s29+$0x0], $0xffff  }
0x1c6: {  	v31 =	vmul.f32 v32, v63;
	v23 =	vld.idx.msk [tilespmem:v23+s29+$0x0], $0xffff  }
0x1c7: {  	s4 =	sadd.s32 $0x80, s4;
	v32 =	vmul.f32 v33, v14;
	v14 =	vmul.f32 v17, v49;
	v24 =	vld.idx.msk [tilespmem:v24+s29+$0x0], $0xffff  }
0x1c8: {  	v8 =	vmul.f32 v8, v26  }
0x1c9: {  	v10 =	vmul.f32 v10, v18;
	v17 =	vadd.f32 v27, v32;
	v11 =	vmul.f32 v11, v19  }
0x1ca: {  	v18 =	vadd.f32 v31, v28;
	v8 =	vadd.f32 v29, v8;
	v9 =	vmul.f32 v9, v22  }
0x1cb: {  	v10 =	vadd.f32 v30, v10;
	v17 =	vmul.f32 v20, v17;
	v11 =	vadd.f32 v37, v11  }
0x1cc: {  	v12 =	vmul.f32 v12, v23;
	v8 =	vmul.f32 v25, v8;
	v9 =	vadd.f32 v35, v9  }
0x1cd: {  	v13 =	vmul.f32 v13, v24;
	v4 =	vmul.f32 v4, v10;
	v10 =	vadd.f32 v15, v17  }
0x1ce: {  	v12 =	vadd.f32 v38, v12;
	v5 =	vmul.f32 v5, v11;
	v8 =	vadd.f32 v21, v8  }
0x1cf: {  	v11 =	vadd.f32 v40, v13;
	v2 =	vmul.f32 v2, v9;
	v1 =	vadd.f32 v1, v4;
	[tilespmem:s12+$0x14200] =	vst v10  }
0x1d0: {  	v4 =	vmul.f32 v6, v12;
	v3 =	vadd.f32 v3, v5;
	[tilespmem:s5+$0x10] =	vst v8  }
0x1d1: {  	v5 =	vmul.f32 v18, v41;
	v6 =	vmul.f32 v16, v11;
	v2 =	vadd.f32 v7, v2;
	[tilespmem:s5+$0x20] =	vst v1  }
0x1d2: {  	v1 =	vadd.f32 v14, v4;
	[tilespmem:s5+$0x30] =	vst v3  }
0x1d3: {  	s4 =	sor.u32 s21, s30;
	v3 =	vadd.f32 v5, v6;
	[tilespmem:s5+$0x40] =	vst v2  }
0x1d4: {  	s22 =	simm.s32 $0x0;
	s4 =	sshrl.u32 s4, $0x3;
	[tilespmem:s5+$0x50] =	vst v1  }
0x1d5: {  	s7 =	simm.s32 $0x14200;
	s4 =	sadd.s32 s1, s4;
	s12 =	simm.s32 $0x11A00;
	[tilespmem:s5+$0x60] =	vst v3  }
0x1d6: {  	[hbm4b:s4+s22] =	stream.linear.scatter [tilespmem:s7], [sflag:$0x3], $0x800, $0x38;
	[tilespmem:$0x17200] =	vst v63  }
0x1d7: {  	v1 =	vld [tilespmem:s12+$0xFFFFF870]  }
0x1d8: {  	v3 =	vld [tilespmem:s12+$0xFFFFF810]  }
0x1d9: {  	v18 =	vld [tilespmem:s12+$0xFFFFF820]  }
0x1da: {  	v7 =	vld [tilespmem:s12+$0xFFFFF830]  }
0x1db: {  	v16 =	vld [tilespmem:s12+$0xFFFFF840]  }
0x1dc: {  	v14 =	vld [tilespmem:s12+$0xFFFFF850]  }
0x1dd: {  	v17 =	vld [tilespmem:s12+$0xFFFFF860]  }
0x1de: {  	v19 =	vld [tilespmem:s12+$0xFFFFF800]  }
0x1df: {  	v6 =	vld [tilespmem:s12+$0x70]  }
0x1e0: {  	v15 =	vld [tilespmem:s12+$0x0]  }
0x1e1: {  	v21 =	vld [tilespmem:s12+$0x10]  }
0x1e2: {  	v22 =	vld [tilespmem:s12+$0x20];
	v2 =	vadd.s32 $0x1, v1  }
0x1e3: {  	v23 =	vld [tilespmem:s12+$0x30];
	v4 =	vadd.s32 $0x108, v1  }
0x1e4: {  	v24 =	vld [tilespmem:s12+$0x40];
	v5 =	vadd.s32 $0x109, v1  }
0x1e5: {  	v28 =	vld [tilespmem:s12+$0x50];
	v8 =	vadd.s32 $0x1, v19  }
0x1e6: {  	v10 =	vadd.s32 $0x108, v19;
	v1 =	vld.idx.msk [tilespmem:v1+s31+$0x0], $0xffff  }
0x1e7: {  	v13 =	vadd.s32 $0x109, v19;
	v2 =	vld.idx.msk [tilespmem:v2+s31+$0x0], $0xffff  }
0x1e8: {  	v9 =	vadd.s32 $0x1, v3;
	v4 =	vld.idx.msk [tilespmem:v4+s31+$0x0], $0xffff  }
0x1e9: {  	v11 =	vadd.s32 $0x108, v3;
	v5 =	vld.idx.msk [tilespmem:v5+s31+$0x0], $0xffff  }
0x1ea: {  	v12 =	vadd.s32 $0x109, v3;
	v62 =	vld.idx.msk [tilespmem:v8+s31+$0x0], $0xffff  }
0x1eb: {  	v20 =	vadd.s32 $0x1, v18;
	v63 =	vld.idx.msk [tilespmem:v10+s31+$0x0], $0xffff  }
0x1ec: {  	v25 =	vadd.s32 $0x108, v18;
	v42 =	vld.idx.msk [tilespmem:v13+s31+$0x0], $0xffff  }
0x1ed: {  	v26 =	vadd.s32 $0x109, v18;
	v27 =	vadd.s32 $0x1, v7;
	v44 =	vld.idx.msk [tilespmem:v9+s31+$0x0], $0xffff  }
0x1ee: {  	v29 =	vadd.s32 $0x108, v7;
	v30 =	vadd.s32 $0x109, v7;
	v32 =	vadd.s32 $0x1, v16;
	v61 =	vld.idx.msk [tilespmem:v11+s31+$0x0], $0xffff  }
0x1ef: {  	v33 =	vadd.s32 $0x108, v16;
	v34 =	vand.u32 $0xFFFF0000, v6;
	v36 =	vadd.s32 $0x109, v16;
	v47 =	vld.idx.msk [tilespmem:v12+s31+$0x0], $0xffff  }
0x1f0: {  	v37 =	vadd.s32 $0x1, v14;
	v39 =	vadd.s32 $0x108, v14;
	v40 =	vadd.s32 $0x109, v14;
	v48 =	vld.idx.msk [tilespmem:v20+s31+$0x0], $0xffff  }
0x1f1: {  	v60 =	vadd.s32 $0x1, v17;
	v43 =	vadd.s32 $0x108, v17;
	v6 =	vshll.u32 v6, $0x10;
	v50 =	vld.idx.msk [tilespmem:v25+s31+$0x0], $0xffff  }
0x1f2: {  	v45 =	vadd.s32 $0x109, v17;
	v46 =	vand.u32 $0xFFFF0000, v15;
	v8 =	vsub.f32 $1.000000000e+00, v34;
	v26 =	vld.idx.msk [tilespmem:v26+s31+$0x0], $0xffff  }
0x1f3: {  	v13 =	vsub.f32 $1.000000000e+00, v6;
	v10 =	vand.u32 $0xFFFF0000, v22;
	v11 =	vand.u32 $0xFFFF0000, v23;
	v53 =	vld.idx.msk [tilespmem:v27+s31+$0x0], $0xffff  }
0x1f4: {  	v9 =	vand.u32 $0xFFFF0000, v24;
	v12 =	vand.u32 $0xFFFF0000, v28;
	v55 =	vld.idx.msk [tilespmem:v29+s31+$0x0], $0xffff;
	v20 =	vshll.u32 v15, $0x10  }
0x1f5: {  	v25 =	vshll.u32 v21, $0x10;
	v32 =	vld.idx.msk [tilespmem:v32+s31+$0x0], $0xffff;
	v51 =	vsub.f32 $1.000000000e+00, v10;
	v52 =	vsub.f32 $1.000000000e+00, v11  }
0x1f6: {  	v54 =	vsub.f32 $1.000000000e+00, v9;
	v1 =	vmul.f32 v34, v1;
	v2 =	vmul.f32 v8, v2  }
0x1f7: {  	v31 =	vld [tilespmem:s12+$0x60];
	v57 =	vsub.f32 $1.000000000e+00, v12;
	v4 =	vmul.f32 v34, v4;
	v5 =	vmul.f32 v5, v8  }
0x1f8: {  	v8 =	vand.u32 $0xFFFF0000, v21;
	v34 =	vld.idx.msk [tilespmem:v37+s31+$0x0], $0xffff;
	v26 =	vmul.f32 v26, v51;
	v37 =	vmul.f32 v52, v53  }
0x1f9: {  	v55 =	vmul.f32 v11, v55;
	v49 =	vsub.f32 $1.000000000e+00, v8;
	v1 =	vadd.f32 v2, v1  }
0x1fa: {  	v35 =	vmul.f32 v54, v32;
	v2 =	vadd.f32 v5, v4;
	v5 =	vsub.f32 $1.000000000e+00, v46  }
0x1fb: {  	v21 =	vsub.f32 $1.000000000e+00, v20;
	v29 =	vmul.f32 v49, v44;
	v1 =	vmul.f32 v6, v1  }
0x1fc: {  	v18 =	vld.idx.msk [tilespmem:v18+s31+$0x0], $0xffff;
	v4 =	vshll.u32 v22, $0x10;
	v2 =	vmul.f32 v2, v13;
	v27 =	vmul.f32 v5, v62  }
0x1fd: {  	v22 =	vld.idx.msk [tilespmem:v33+s31+$0x0], $0xffff;
	v13 =	vand.u32 $0xFFFF0000, v31;
	v6 =	vmul.f32 v46, v63;
	v15 =	vmul.f32 v42, v5  }
0x1fe: {  	v5 =	vshll.u32 v23, $0x10;
	v62 =	vmul.f32 v47, v49;
	v56 =	vadd.f32 v2, v1;
	v1 =	vld.idx.msk [tilespmem:v30+s31+$0x0], $0xffff  }
0x1ff: {  	v23 =	vld.idx.msk [tilespmem:v36+s31+$0x0], $0xffff;
	v2 =	vshll.u32 v24, $0x10;
	v15 =	vadd.f32 v15, v6;
	v24 =	vmul.f32 v8, v61  }
0x200: {  	v63 =	vld.idx.msk [tilespmem:v39+s31+$0x0], $0xffff;
	v49 =	vmul.f32 v10, v50;
	v58 =	vsub.f32 $1.000000000e+00, v13;
	v38 =	vmul.f32 v57, v34  }
0x201: {  	v6 =	vshll.u32 v28, $0x10;
	v15 =	vmul.f32 v15, v21;
	v21 =	vadd.f32 v62, v24;
	v24 =	vld.idx.msk [tilespmem:v40+s31+$0x0], $0xffff  }
0x202: {  	v50 =	vld.idx.msk [tilespmem:v60+s31+$0x0], $0xffff;
	v28 =	vsub.f32 $1.000000000e+00, v25;
	v30 =	vmul.f32 v51, v48;
	v48 =	vsub.f32 $1.000000000e+00, v4  }
0x203: {  	v60 =	vld.idx.msk [tilespmem:v45+s31+$0x0], $0xffff;
	v26 =	vadd.f32 v26, v49;
	v22 =	vmul.f32 v9, v22;
	v59 =	vmul.f32 v1, v52  }
0x204: {  	v51 =	vsub.f32 $1.000000000e+00, v5;
	v23 =	vmul.f32 v23, v54;
	v21 =	vmul.f32 v21, v28;
	v28 =	vld.idx.msk [tilespmem:v43+s31+$0x0], $0xffff  }
0x205: {  	v61 =	vsub.f32 $1.000000000e+00, v2;
	v62 =	vld.idx.msk [tilespmem:v19+s31+$0x0], $0xffff;
	v1 =	vmul.f32 v26, v48;
	v19 =	vadd.f32 v59, v55  }
0x206: {  	v26 =	vld.idx.msk [tilespmem:v3+s31+$0x0], $0xffff;
	v22 =	vadd.f32 v23, v22;
	v23 =	vmul.f32 v12, v63;
	v24 =	vmul.f32 v24, v57  }
0x207: {  	s15 =	sand.u32 $0x400, s22;
	s26 =	sand.u32 $0x380, s22;
	v40 =	vmul.f32 v58, v50;
	v3 =	vmul.f32 v19, v51;
	v19 =	vld.idx.msk [tilespmem:v7+s31+$0x0], $0xffff  }
0x208: {  	s12 =	sor.u32 s26, s15;
	v63 =	vsub.f32 $1.000000000e+00, v6;
	v7 =	vmul.f32 v22, v61;
	v22 =	vld.idx.msk [tilespmem:v16+s31+$0x0], $0xffff;
	v24 =	vadd.f32 v24, v23  }
0x209: {  	s5 =	sadd.s32 $0x15200, s12;
	v16 =	vshll.u32 v31, $0x10;
	v28 =	vmul.f32 v13, v28;
	v23 =	vld.idx.msk [tilespmem:v14+s31+$0x0], $0xffff;
	v31 =	vmul.f32 v60, v58  }
0x20a: {  	s4 =	simm.s32 $0x11A80;
	s7 =	simm.s32 $0x0;
	s15 =	simm.s32 $0x0;
	[tilespmem:s5+$0x70] =	vst v56;
	v32 =	vmul.f32 v46, v62;
	v41 =	vsub.f32 $1.000000000e+00, v16;
	v14 =	vmul.f32 v24, v63;
	v24 =	vld.idx.msk [tilespmem:v17+s31+$0x0], $0xffff  }
.LBB2_28:
0x20b: {  	v33 =	vld [tilespmem:s4+$0xFFFFF870];
	v8 =	vmul.f32 v8, v26;
	v26 =	vadd.f32 v31, v28  }
0x20c: {  	v10 =	vmul.f32 v10, v18;
	v17 =	vld [tilespmem:s4+$0xFFFFF810];
	v27 =	vadd.f32 v27, v32  }
0x20d: {  	s15 =	sadd.s32 $0x80, s15;
	v11 =	vmul.f32 v11, v19;
	v18 =	vld [tilespmem:s4+$0xFFFFF820];
	v8 =	vadd.f32 v29, v8;
	v26 =	vmul.f32 v26, v41  }
0x20e: {  	p1 =	slt.u32 s15, $0x780;
	v10 =	vadd.f32 v30, v10;
	v9 =	vmul.f32 v9, v22;
	v19 =	vld [tilespmem:s4+$0xFFFFF830];
	v20 =	vmul.f32 v20, v27  }
0x20f: {  	v11 =	vadd.f32 v37, v11;
	v12 =	vmul.f32 v12, v23;
	v22 =	vld [tilespmem:s4+$0xFFFFF840];
	v8 =	vmul.f32 v25, v8  }
0x210: {  	v9 =	vadd.f32 v35, v9;
	v13 =	vmul.f32 v13, v24;
	v23 =	vld [tilespmem:s4+$0xFFFFF850];
	v25 =	vadd.s32 $0x1, v33  }
0x211: {  	v30 =	vadd.s32 $0x108, v33;
	v27 =	vadd.s32 $0x1, v17;
	v29 =	vadd.s32 $0x108, v17;
	v24 =	vld [tilespmem:s4+$0xFFFFF860]  }
0x212: {  	v32 =	vadd.s32 $0x109, v33;
	v41 =	vadd.s32 $0x109, v17;
	v28 =	vld [tilespmem:s4+$0xFFFFF800];
	v42 =	vadd.s32 $0x1, v18  }
0x213: {  	v43 =	vadd.s32 $0x108, v18;
	v44 =	vadd.s32 $0x109, v18;
	v45 =	vadd.s32 $0x1, v19;
	v46 =	vld [tilespmem:s4+$0x70]  }
0x214: {  	v47 =	vadd.s32 $0x108, v19;
	v48 =	vadd.s32 $0x109, v19;
	v49 =	vadd.s32 $0x1, v22;
	v33 =	vld.idx.msk [tilespmem:v33+s31+$0x0], $0xffff  }
0x215: {  	v50 =	vadd.s32 $0x108, v22;
	v37 =	vadd.s32 $0x109, v22;
	v39 =	vadd.s32 $0x1, v23;
	v25 =	vld.idx.msk [tilespmem:v25+s31+$0x0], $0xffff  }
0x216: {  	v36 =	vadd.s32 $0x108, v23;
	v35 =	vadd.s32 $0x109, v23;
	v31 =	vadd.s32 $0x1, v24;
	v30 =	vld.idx.msk [tilespmem:v30+s31+$0x0], $0xffff  }
0x217: {  	v51 =	vadd.s32 $0x1, v28;
	v52 =	vadd.s32 $0x108, v28;
	v53 =	vadd.s32 $0x109, v28;
	v54 =	vld.idx.msk [tilespmem:v32+s31+$0x0], $0xffff  }
0x218: {  	v12 =	vadd.f32 v38, v12;
	v34 =	vadd.s32 $0x108, v24;
	v32 =	vadd.s32 $0x109, v24;
	v55 =	vld [tilespmem:s4+$0x0]  }
0x219: {  	v57 =	vmul.f32 v4, v10;
	v4 =	vadd.f32 v40, v13;
	v56 =	vand.u32 $0xFFFF0000, v46;
	v38 =	vld [tilespmem:s4+$0x10]  }
0x21a: {  	v58 =	vmul.f32 v5, v11;
	v59 =	vmul.f32 v2, v9;
	v10 =	vsub.f32 $1.000000000e+00, v56;
	v40 =	vld [tilespmem:s4+$0x20]  }
0x21b: {  	v5 =	vadd.f32 v15, v20;
	v60 =	vmul.f32 v6, v12;
	v61 =	vmul.f32 v16, v4;
	v2 =	vld [tilespmem:s4+$0x30]  }
0x21c: {  	v11 =	vadd.f32 v21, v8;
	v4 =	vmul.f32 v56, v33;
	v9 =	vmul.f32 v10, v25;
	v6 =	vld [tilespmem:s4+$0x40]  }
0x21d: {  	v12 =	vshll.u32 v46, $0x10;
	v13 =	vmul.f32 v56, v30;
	v16 =	vmul.f32 v54, v10;
	v15 =	vld [tilespmem:s4+$0x50];
	[tilespmem:s12+$0x15200] =	vst v5  }
0x21e: {  	v33 =	vand.u32 $0xFFFF0000, v55;
	v5 =	vsub.f32 $1.000000000e+00, v12;
	v8 =	vand.u32 $0xFFFF0000, v38;
	v21 =	vld [tilespmem:s4+$0x60];
	[tilespmem:s5+$0x10] =	vst v11  }
0x21f: {  	v4 =	vadd.f32 v9, v4;
	v13 =	vadd.f32 v16, v13;
	v25 =	vld.idx.msk [tilespmem:v51+s31+$0x0], $0xffff;
	v10 =	vand.u32 $0xFFFF0000, v40  }
0x220: {  	v30 =	vsub.f32 $1.000000000e+00, v33;
	v46 =	vsub.f32 $1.000000000e+00, v8;
	v16 =	vld.idx.msk [tilespmem:v52+s31+$0x0], $0xffff;
	v11 =	vand.u32 $0xFFFF0000, v2  }
0x221: {  	s22 =	sadd.s32 $0x40, s22;
	s7 =	sadd.s32 $0x400, s7;
	v4 =	vmul.f32 v12, v4;
	v5 =	vmul.f32 v13, v5;
	v51 =	vld.idx.msk [tilespmem:v53+s31+$0x0], $0xffff;
	v9 =	vand.u32 $0xFFFF0000, v6  }
0x222: {  	s26 =	sand.u32 $0x380, s22;
	s12 =	sand.u32 $0x400, s7;
	v53 =	vsub.f32 $1.000000000e+00, v10;
	v54 =	vsub.f32 $1.000000000e+00, v11;
	v52 =	vld.idx.msk [tilespmem:v27+s31+$0x0], $0xffff;
	v12 =	vand.u32 $0xFFFF0000, v15  }
0x223: {  	s12 =	sor.u32 s26, s12;
	v62 =	vsub.f32 $1.000000000e+00, v9;
	v5 =	vadd.f32 v5, v4;
	v56 =	vld.idx.msk [tilespmem:v29+s31+$0x0], $0xffff;
	v13 =	vand.u32 $0xFFFF0000, v21  }
0x224: {  	v20 =	vshll.u32 v55, $0x10;
	s26 =	sadd.s32 $0x15200, s12;
	v55 =	vsub.f32 $1.000000000e+00, v12;
	v41 =	vld.idx.msk [tilespmem:v41+s31+$0x0], $0xffff;
	v63 =	vsub.f32 $1.000000000e+00, v13  }
0x225: {  	v4 =	vshll.u32 v40, $0x10;
	v27 =	vmul.f32 v30, v25;
	v25 =	vshll.u32 v38, $0x10;
	v38 =	vld.idx.msk [tilespmem:v42+s31+$0x0], $0xffff;
	[tilespmem:s26+$0x70] =	vst v5  }
0x226: {  	v40 =	vmul.f32 v33, v16;
	v5 =	vshll.u32 v2, $0x10;
	v2 =	vshll.u32 v6, $0x10;
	v42 =	vld.idx.msk [tilespmem:v43+s31+$0x0], $0xffff  }
0x227: {  	v6 =	vshll.u32 v15, $0x10;
	v16 =	vshll.u32 v21, $0x10;
	v30 =	vmul.f32 v51, v30;
	v43 =	vld.idx.msk [tilespmem:v44+s31+$0x0], $0xffff  }
0x228: {  	v15 =	vsub.f32 $1.000000000e+00, v20;
	v21 =	vsub.f32 $1.000000000e+00, v25;
	v29 =	vmul.f32 v46, v52;
	v44 =	vld.idx.msk [tilespmem:v45+s31+$0x0], $0xffff  }
0x229: {  	v51 =	vsub.f32 $1.000000000e+00, v4;
	v40 =	vadd.f32 v30, v40;
	v45 =	vmul.f32 v8, v56;
	v47 =	vld.idx.msk [tilespmem:v47+s31+$0x0], $0xffff  }
0x22a: {  	v52 =	vsub.f32 $1.000000000e+00, v5;
	v56 =	vsub.f32 $1.000000000e+00, v2;
	v46 =	vmul.f32 v41, v46;
	v48 =	vld.idx.msk [tilespmem:v48+s31+$0x0], $0xffff  }
0x22b: {  	v41 =	vsub.f32 $1.000000000e+00, v16;
	v30 =	vmul.f32 v53, v38;
	v38 =	vld.idx.msk [tilespmem:v49+s31+$0x0], $0xffff;
	v49 =	vsub.f32 $1.000000000e+00, v6  }
0x22c: {  	v15 =	vmul.f32 v40, v15;
	v40 =	vadd.f32 v46, v45;
	v42 =	vmul.f32 v10, v42;
	v45 =	vld.idx.msk [tilespmem:v50+s31+$0x0], $0xffff  }
0x22d: {  	v1 =	vadd.f32 v1, v57;
	v3 =	vadd.f32 v3, v58;
	v43 =	vmul.f32 v43, v53;
	v46 =	vld.idx.msk [tilespmem:v37+s31+$0x0], $0xffff  }
0x22e: {  	v7 =	vadd.f32 v7, v59;
	v21 =	vmul.f32 v40, v21;
	v37 =	vmul.f32 v54, v44;
	v39 =	vld.idx.msk [tilespmem:v39+s31+$0x0], $0xffff  }
0x22f: {  	v14 =	vadd.f32 v14, v60;
	v40 =	vadd.f32 v43, v42;
	v42 =	vmul.f32 v11, v47;
	v36 =	vld.idx.msk [tilespmem:v36+s31+$0x0], $0xffff  }
0x230: {  	v26 =	vadd.f32 v26, v61;
	v43 =	vmul.f32 v48, v54;
	v44 =	vld.idx.msk [tilespmem:v35+s31+$0x0], $0xffff;
	[tilespmem:s5+$0x20] =	vst v1  }
0x231: {  	v1 =	vmul.f32 v40, v51;
	v35 =	vmul.f32 v62, v38;
	v31 =	vld.idx.msk [tilespmem:v31+s31+$0x0], $0xffff;
	[tilespmem:s5+$0x30] =	vst v3  }
0x232: {  	v3 =	vadd.f32 v43, v42;
	v40 =	vmul.f32 v9, v45;
	v34 =	vld.idx.msk [tilespmem:v34+s31+$0x0], $0xffff;
	[tilespmem:s5+$0x40] =	vst v7  }
0x233: {  	v7 =	vmul.f32 v46, v62;
	v32 =	vld.idx.msk [tilespmem:v32+s31+$0x0], $0xffff;
	[tilespmem:s5+$0x50] =	vst v14  }
0x234: {  	v3 =	vmul.f32 v3, v52;
	v38 =	vmul.f32 v55, v39;
	v14 =	vld.idx.msk [tilespmem:v28+s31+$0x0], $0xffff;
	[tilespmem:s5+$0x60] =	vst v26;
	s5 =	smov.u32 s26  }
0x235: {  	v7 =	vadd.f32 v7, v40;
	v26 =	vld.idx.msk [tilespmem:v17+s31+$0x0], $0xffff;
	v17 =	vmul.f32 v12, v36  }
.Ltmp16:
0x236: {  	v28 =	vmul.f32 v44, v55;
	v18 =	vld.idx.msk [tilespmem:v18+s31+$0x0], $0xffff;
	(pc) =	sbr.rel @p1 .LBB2_28-.Ltmp16, $4  }
0x237: {  	v7 =	vmul.f32 v7, v56;
	v40 =	vmul.f32 v63, v31;
	v19 =	vld.idx.msk [tilespmem:v19+s31+$0x0], $0xffff  }
0x238: {  	v17 =	vadd.f32 v28, v17;
	v28 =	vmul.f32 v13, v34;
	v22 =	vld.idx.msk [tilespmem:v22+s31+$0x0], $0xffff  }
0x239: {  	v31 =	vmul.f32 v32, v63;
	v23 =	vld.idx.msk [tilespmem:v23+s31+$0x0], $0xffff  }
0x23a: {  	s4 =	sadd.s32 $0x80, s4;
	v32 =	vmul.f32 v33, v14;
	v14 =	vmul.f32 v17, v49;
	v24 =	vld.idx.msk [tilespmem:v24+s31+$0x0], $0xffff  }
0x23b: {  	v8 =	vmul.f32 v8, v26  }
0x23c: {  	v10 =	vmul.f32 v10, v18;
	v17 =	vadd.f32 v27, v32;
	v11 =	vmul.f32 v11, v19  }
0x23d: {  	v18 =	vadd.f32 v31, v28;
	v8 =	vadd.f32 v29, v8;
	v9 =	vmul.f32 v9, v22  }
0x23e: {  	v10 =	vadd.f32 v30, v10;
	v17 =	vmul.f32 v20, v17;
	v11 =	vadd.f32 v37, v11  }
0x23f: {  	v12 =	vmul.f32 v12, v23;
	v8 =	vmul.f32 v25, v8;
	v9 =	vadd.f32 v35, v9  }
0x240: {  	v13 =	vmul.f32 v13, v24;
	v4 =	vmul.f32 v4, v10;
	v10 =	vadd.f32 v15, v17  }
0x241: {  	v12 =	vadd.f32 v38, v12;
	v5 =	vmul.f32 v5, v11;
	v8 =	vadd.f32 v21, v8  }
0x242: {  	v11 =	vadd.f32 v40, v13;
	v2 =	vmul.f32 v2, v9;
	v1 =	vadd.f32 v1, v4;
	[tilespmem:s12+$0x15200] =	vst v10  }
0x243: {  	v4 =	vmul.f32 v6, v12;
	v3 =	vadd.f32 v3, v5;
	[tilespmem:s5+$0x10] =	vst v8  }
0x244: {  	v5 =	vmul.f32 v18, v41;
	v6 =	vmul.f32 v16, v11;
	v2 =	vadd.f32 v7, v2;
	[tilespmem:s5+$0x20] =	vst v1  }
0x245: {  	v1 =	vadd.f32 v14, v4;
	[tilespmem:s5+$0x30] =	vst v3  }
0x246: {  	s4 =	sor.u32 s21, s0;
	v3 =	vadd.f32 v5, v6;
	[tilespmem:s5+$0x40] =	vst v2  }
0x247: {  	s22 =	simm.s32 $0x0;
	s4 =	sshrl.u32 s4, $0x3;
	[tilespmem:s5+$0x50] =	vst v1  }
0x248: {  	s7 =	simm.s32 $0x15200;
	s4 =	sadd.s32 s1, s4;
	s12 =	simm.s32 $0x11A00;
	[tilespmem:s5+$0x60] =	vst v3  }
0x249: {  	[hbm4b:s4+s22] =	stream.linear.scatter [tilespmem:s7], [sflag:$0x3], $0x800, $0x38;
	[tilespmem:$0x17200] =	vst v63  }
0x24a: {  	v1 =	vld [tilespmem:s12+$0xFFFFF870]  }
0x24b: {  	v3 =	vld [tilespmem:s12+$0xFFFFF810]  }
0x24c: {  	v18 =	vld [tilespmem:s12+$0xFFFFF820]  }
0x24d: {  	v7 =	vld [tilespmem:s12+$0xFFFFF830]  }
0x24e: {  	v16 =	vld [tilespmem:s12+$0xFFFFF840]  }
0x24f: {  	v14 =	vld [tilespmem:s12+$0xFFFFF850]  }
0x250: {  	v17 =	vld [tilespmem:s12+$0xFFFFF860]  }
0x251: {  	v19 =	vld [tilespmem:s12+$0xFFFFF800]  }
0x252: {  	v6 =	vld [tilespmem:s12+$0x70]  }
0x253: {  	v15 =	vld [tilespmem:s12+$0x0]  }
0x254: {  	v21 =	vld [tilespmem:s12+$0x10]  }
0x255: {  	v22 =	vld [tilespmem:s12+$0x20];
	v2 =	vadd.s32 $0x1, v1  }
0x256: {  	v23 =	vld [tilespmem:s12+$0x30];
	v4 =	vadd.s32 $0x108, v1  }
0x257: {  	v24 =	vld [tilespmem:s12+$0x40];
	v5 =	vadd.s32 $0x109, v1  }
0x258: {  	v28 =	vld [tilespmem:s12+$0x50];
	v8 =	vadd.s32 $0x1, v19  }
0x259: {  	v10 =	vadd.s32 $0x108, v19;
	v1 =	vld.idx.msk [tilespmem:v1+s2+$0x0], $0xffff  }
0x25a: {  	v13 =	vadd.s32 $0x109, v19;
	v2 =	vld.idx.msk [tilespmem:v2+s2+$0x0], $0xffff  }
0x25b: {  	v9 =	vadd.s32 $0x1, v3;
	v4 =	vld.idx.msk [tilespmem:v4+s2+$0x0], $0xffff  }
0x25c: {  	v11 =	vadd.s32 $0x108, v3;
	v5 =	vld.idx.msk [tilespmem:v5+s2+$0x0], $0xffff  }
0x25d: {  	v12 =	vadd.s32 $0x109, v3;
	v62 =	vld.idx.msk [tilespmem:v8+s2+$0x0], $0xffff  }
0x25e: {  	v20 =	vadd.s32 $0x1, v18;
	v63 =	vld.idx.msk [tilespmem:v10+s2+$0x0], $0xffff  }
0x25f: {  	v25 =	vadd.s32 $0x108, v18;
	v42 =	vld.idx.msk [tilespmem:v13+s2+$0x0], $0xffff  }
0x260: {  	v26 =	vadd.s32 $0x109, v18;
	v27 =	vadd.s32 $0x1, v7;
	v44 =	vld.idx.msk [tilespmem:v9+s2+$0x0], $0xffff  }
0x261: {  	v29 =	vadd.s32 $0x108, v7;
	v30 =	vadd.s32 $0x109, v7;
	v32 =	vadd.s32 $0x1, v16;
	v61 =	vld.idx.msk [tilespmem:v11+s2+$0x0], $0xffff  }
0x262: {  	v33 =	vadd.s32 $0x108, v16;
	v34 =	vand.u32 $0xFFFF0000, v6;
	v36 =	vadd.s32 $0x109, v16;
	v47 =	vld.idx.msk [tilespmem:v12+s2+$0x0], $0xffff  }
0x263: {  	v37 =	vadd.s32 $0x1, v14;
	v39 =	vadd.s32 $0x108, v14;
	v40 =	vadd.s32 $0x109, v14;
	v48 =	vld.idx.msk [tilespmem:v20+s2+$0x0], $0xffff  }
0x264: {  	v60 =	vadd.s32 $0x1, v17;
	v43 =	vadd.s32 $0x108, v17;
	v6 =	vshll.u32 v6, $0x10;
	v50 =	vld.idx.msk [tilespmem:v25+s2+$0x0], $0xffff  }
0x265: {  	v45 =	vadd.s32 $0x109, v17;
	v46 =	vand.u32 $0xFFFF0000, v15;
	v8 =	vsub.f32 $1.000000000e+00, v34;
	v26 =	vld.idx.msk [tilespmem:v26+s2+$0x0], $0xffff  }
0x266: {  	v13 =	vsub.f32 $1.000000000e+00, v6;
	v10 =	vand.u32 $0xFFFF0000, v22;
	v11 =	vand.u32 $0xFFFF0000, v23;
	v53 =	vld.idx.msk [tilespmem:v27+s2+$0x0], $0xffff  }
0x267: {  	v9 =	vand.u32 $0xFFFF0000, v24;
	v12 =	vand.u32 $0xFFFF0000, v28;
	v55 =	vld.idx.msk [tilespmem:v29+s2+$0x0], $0xffff;
	v20 =	vshll.u32 v15, $0x10  }
0x268: {  	v25 =	vshll.u32 v21, $0x10;
	v32 =	vld.idx.msk [tilespmem:v32+s2+$0x0], $0xffff;
	v51 =	vsub.f32 $1.000000000e+00, v10;
	v52 =	vsub.f32 $1.000000000e+00, v11  }
0x269: {  	v54 =	vsub.f32 $1.000000000e+00, v9;
	v1 =	vmul.f32 v34, v1;
	v2 =	vmul.f32 v8, v2  }
0x26a: {  	v31 =	vld [tilespmem:s12+$0x60];
	v57 =	vsub.f32 $1.000000000e+00, v12;
	v4 =	vmul.f32 v34, v4;
	v5 =	vmul.f32 v5, v8  }
0x26b: {  	v8 =	vand.u32 $0xFFFF0000, v21;
	v34 =	vld.idx.msk [tilespmem:v37+s2+$0x0], $0xffff;
	v26 =	vmul.f32 v26, v51;
	v37 =	vmul.f32 v52, v53  }
0x26c: {  	v55 =	vmul.f32 v11, v55;
	v49 =	vsub.f32 $1.000000000e+00, v8;
	v1 =	vadd.f32 v2, v1  }
0x26d: {  	v35 =	vmul.f32 v54, v32;
	v2 =	vadd.f32 v5, v4;
	v5 =	vsub.f32 $1.000000000e+00, v46  }
0x26e: {  	v21 =	vsub.f32 $1.000000000e+00, v20;
	v29 =	vmul.f32 v49, v44;
	v1 =	vmul.f32 v6, v1  }
0x26f: {  	v18 =	vld.idx.msk [tilespmem:v18+s2+$0x0], $0xffff;
	v4 =	vshll.u32 v22, $0x10;
	v2 =	vmul.f32 v2, v13;
	v27 =	vmul.f32 v5, v62  }
0x270: {  	v22 =	vld.idx.msk [tilespmem:v33+s2+$0x0], $0xffff;
	v13 =	vand.u32 $0xFFFF0000, v31;
	v6 =	vmul.f32 v46, v63;
	v15 =	vmul.f32 v42, v5  }
0x271: {  	v5 =	vshll.u32 v23, $0x10;
	v62 =	vmul.f32 v47, v49;
	v56 =	vadd.f32 v2, v1;
	v1 =	vld.idx.msk [tilespmem:v30+s2+$0x0], $0xffff  }
0x272: {  	v23 =	vld.idx.msk [tilespmem:v36+s2+$0x0], $0xffff;
	v2 =	vshll.u32 v24, $0x10;
	v15 =	vadd.f32 v15, v6;
	v24 =	vmul.f32 v8, v61  }
0x273: {  	v63 =	vld.idx.msk [tilespmem:v39+s2+$0x0], $0xffff;
	v49 =	vmul.f32 v10, v50;
	v58 =	vsub.f32 $1.000000000e+00, v13;
	v38 =	vmul.f32 v57, v34  }
0x274: {  	v6 =	vshll.u32 v28, $0x10;
	v15 =	vmul.f32 v15, v21;
	v21 =	vadd.f32 v62, v24;
	v24 =	vld.idx.msk [tilespmem:v40+s2+$0x0], $0xffff  }
0x275: {  	v50 =	vld.idx.msk [tilespmem:v60+s2+$0x0], $0xffff;
	v28 =	vsub.f32 $1.000000000e+00, v25;
	v30 =	vmul.f32 v51, v48;
	v48 =	vsub.f32 $1.000000000e+00, v4  }
0x276: {  	v60 =	vld.idx.msk [tilespmem:v45+s2+$0x0], $0xffff;
	v26 =	vadd.f32 v26, v49;
	v22 =	vmul.f32 v9, v22;
	v59 =	vmul.f32 v1, v52  }
0x277: {  	v51 =	vsub.f32 $1.000000000e+00, v5;
	v23 =	vmul.f32 v23, v54;
	v21 =	vmul.f32 v21, v28;
	v28 =	vld.idx.msk [tilespmem:v43+s2+$0x0], $0xffff  }
0x278: {  	v61 =	vsub.f32 $1.000000000e+00, v2;
	v62 =	vld.idx.msk [tilespmem:v19+s2+$0x0], $0xffff;
	v1 =	vmul.f32 v26, v48;
	v19 =	vadd.f32 v59, v55  }
0x279: {  	v26 =	vld.idx.msk [tilespmem:v3+s2+$0x0], $0xffff;
	v22 =	vadd.f32 v23, v22;
	v23 =	vmul.f32 v12, v63;
	v24 =	vmul.f32 v24, v57  }
0x27a: {  	s15 =	sand.u32 $0x400, s22;
	s26 =	sand.u32 $0x380, s22;
	v40 =	vmul.f32 v58, v50;
	v3 =	vmul.f32 v19, v51;
	v19 =	vld.idx.msk [tilespmem:v7+s2+$0x0], $0xffff  }
0x27b: {  	s12 =	sor.u32 s26, s15;
	v63 =	vsub.f32 $1.000000000e+00, v6;
	v7 =	vmul.f32 v22, v61;
	v22 =	vld.idx.msk [tilespmem:v16+s2+$0x0], $0xffff;
	v24 =	vadd.f32 v24, v23  }
0x27c: {  	s5 =	sadd.s32 $0x16200, s12;
	v16 =	vshll.u32 v31, $0x10;
	v28 =	vmul.f32 v13, v28;
	v23 =	vld.idx.msk [tilespmem:v14+s2+$0x0], $0xffff;
	v31 =	vmul.f32 v60, v58  }
0x27d: {  	s4 =	simm.s32 $0x11A80;
	s7 =	simm.s32 $0x0;
	s15 =	simm.s32 $0x0;
	[tilespmem:s5+$0x70] =	vst v56;
	v32 =	vmul.f32 v46, v62;
	v41 =	vsub.f32 $1.000000000e+00, v16;
	v14 =	vmul.f32 v24, v63;
	v24 =	vld.idx.msk [tilespmem:v17+s2+$0x0], $0xffff  }
.LBB2_30:
0x27e: {  	v33 =	vld [tilespmem:s4+$0xFFFFF870];
	v8 =	vmul.f32 v8, v26;
	v26 =	vadd.f32 v31, v28  }
0x27f: {  	v10 =	vmul.f32 v10, v18;
	v17 =	vld [tilespmem:s4+$0xFFFFF810];
	v27 =	vadd.f32 v27, v32  }
0x280: {  	s15 =	sadd.s32 $0x80, s15;
	v11 =	vmul.f32 v11, v19;
	v18 =	vld [tilespmem:s4+$0xFFFFF820];
	v8 =	vadd.f32 v29, v8;
	v26 =	vmul.f32 v26, v41  }
0x281: {  	p1 =	slt.u32 s15, $0x780;
	v10 =	vadd.f32 v30, v10;
	v9 =	vmul.f32 v9, v22;
	v19 =	vld [tilespmem:s4+$0xFFFFF830];
	v20 =	vmul.f32 v20, v27  }
0x282: {  	v11 =	vadd.f32 v37, v11;
	v12 =	vmul.f32 v12, v23;
	v22 =	vld [tilespmem:s4+$0xFFFFF840];
	v8 =	vmul.f32 v25, v8  }
0x283: {  	v9 =	vadd.f32 v35, v9;
	v13 =	vmul.f32 v13, v24;
	v23 =	vld [tilespmem:s4+$0xFFFFF850];
	v25 =	vadd.s32 $0x1, v33  }
0x284: {  	v30 =	vadd.s32 $0x108, v33;
	v27 =	vadd.s32 $0x1, v17;
	v29 =	vadd.s32 $0x108, v17;
	v24 =	vld [tilespmem:s4+$0xFFFFF860]  }
0x285: {  	v32 =	vadd.s32 $0x109, v33;
	v41 =	vadd.s32 $0x109, v17;
	v28 =	vld [tilespmem:s4+$0xFFFFF800];
	v42 =	vadd.s32 $0x1, v18  }
0x286: {  	v43 =	vadd.s32 $0x108, v18;
	v44 =	vadd.s32 $0x109, v18;
	v45 =	vadd.s32 $0x1, v19;
	v46 =	vld [tilespmem:s4+$0x70]  }
0x287: {  	v47 =	vadd.s32 $0x108, v19;
	v48 =	vadd.s32 $0x109, v19;
	v49 =	vadd.s32 $0x1, v22;
	v33 =	vld.idx.msk [tilespmem:v33+s2+$0x0], $0xffff  }
0x288: {  	v50 =	vadd.s32 $0x108, v22;
	v37 =	vadd.s32 $0x109, v22;
	v39 =	vadd.s32 $0x1, v23;
	v25 =	vld.idx.msk [tilespmem:v25+s2+$0x0], $0xffff  }
0x289: {  	v36 =	vadd.s32 $0x108, v23;
	v35 =	vadd.s32 $0x109, v23;
	v31 =	vadd.s32 $0x1, v24;
	v30 =	vld.idx.msk [tilespmem:v30+s2+$0x0], $0xffff  }
0x28a: {  	v51 =	vadd.s32 $0x1, v28;
	v52 =	vadd.s32 $0x108, v28;
	v53 =	vadd.s32 $0x109, v28;
	v54 =	vld.idx.msk [tilespmem:v32+s2+$0x0], $0xffff  }
0x28b: {  	v12 =	vadd.f32 v38, v12;
	v34 =	vadd.s32 $0x108, v24;
	v32 =	vadd.s32 $0x109, v24;
	v55 =	vld [tilespmem:s4+$0x0]  }
0x28c: {  	v57 =	vmul.f32 v4, v10;
	v4 =	vadd.f32 v40, v13;
	v56 =	vand.u32 $0xFFFF0000, v46;
	v38 =	vld [tilespmem:s4+$0x10]  }
0x28d: {  	v58 =	vmul.f32 v5, v11;
	v59 =	vmul.f32 v2, v9;
	v10 =	vsub.f32 $1.000000000e+00, v56;
	v40 =	vld [tilespmem:s4+$0x20]  }
0x28e: {  	v5 =	vadd.f32 v15, v20;
	v60 =	vmul.f32 v6, v12;
	v61 =	vmul.f32 v16, v4;
	v2 =	vld [tilespmem:s4+$0x30]  }
0x28f: {  	v11 =	vadd.f32 v21, v8;
	v4 =	vmul.f32 v56, v33;
	v9 =	vmul.f32 v10, v25;
	v6 =	vld [tilespmem:s4+$0x40]  }
0x290: {  	v12 =	vshll.u32 v46, $0x10;
	v13 =	vmul.f32 v56, v30;
	v16 =	vmul.f32 v54, v10;
	v15 =	vld [tilespmem:s4+$0x50];
	[tilespmem:s12+$0x16200] =	vst v5  }
0x291: {  	v33 =	vand.u32 $0xFFFF0000, v55;
	v5 =	vsub.f32 $1.000000000e+00, v12;
	v8 =	vand.u32 $0xFFFF0000, v38;
	v21 =	vld [tilespmem:s4+$0x60];
	[tilespmem:s5+$0x10] =	vst v11  }
0x292: {  	v4 =	vadd.f32 v9, v4;
	v13 =	vadd.f32 v16, v13;
	v25 =	vld.idx.msk [tilespmem:v51+s2+$0x0], $0xffff;
	v10 =	vand.u32 $0xFFFF0000, v40  }
0x293: {  	v30 =	vsub.f32 $1.000000000e+00, v33;
	v46 =	vsub.f32 $1.000000000e+00, v8;
	v16 =	vld.idx.msk [tilespmem:v52+s2+$0x0], $0xffff;
	v11 =	vand.u32 $0xFFFF0000, v2  }
0x294: {  	s22 =	sadd.s32 $0x40, s22;
	s7 =	sadd.s32 $0x400, s7;
	v4 =	vmul.f32 v12, v4;
	v5 =	vmul.f32 v13, v5;
	v51 =	vld.idx.msk [tilespmem:v53+s2+$0x0], $0xffff;
	v9 =	vand.u32 $0xFFFF0000, v6  }
0x295: {  	s26 =	sand.u32 $0x380, s22;
	s12 =	sand.u32 $0x400, s7;
	v53 =	vsub.f32 $1.000000000e+00, v10;
	v54 =	vsub.f32 $1.000000000e+00, v11;
	v52 =	vld.idx.msk [tilespmem:v27+s2+$0x0], $0xffff;
	v12 =	vand.u32 $0xFFFF0000, v15  }
0x296: {  	s12 =	sor.u32 s26, s12;
	v62 =	vsub.f32 $1.000000000e+00, v9;
	v5 =	vadd.f32 v5, v4;
	v56 =	vld.idx.msk [tilespmem:v29+s2+$0x0], $0xffff;
	v13 =	vand.u32 $0xFFFF0000, v21  }
0x297: {  	v20 =	vshll.u32 v55, $0x10;
	s26 =	sadd.s32 $0x16200, s12;
	v55 =	vsub.f32 $1.000000000e+00, v12;
	v41 =	vld.idx.msk [tilespmem:v41+s2+$0x0], $0xffff;
	v63 =	vsub.f32 $1.000000000e+00, v13  }
0x298: {  	v4 =	vshll.u32 v40, $0x10;
	v27 =	vmul.f32 v30, v25;
	v25 =	vshll.u32 v38, $0x10;
	v38 =	vld.idx.msk [tilespmem:v42+s2+$0x0], $0xffff;
	[tilespmem:s26+$0x70] =	vst v5  }
0x299: {  	v40 =	vmul.f32 v33, v16;
	v5 =	vshll.u32 v2, $0x10;
	v2 =	vshll.u32 v6, $0x10;
	v42 =	vld.idx.msk [tilespmem:v43+s2+$0x0], $0xffff  }
0x29a: {  	v6 =	vshll.u32 v15, $0x10;
	v16 =	vshll.u32 v21, $0x10;
	v30 =	vmul.f32 v51, v30;
	v43 =	vld.idx.msk [tilespmem:v44+s2+$0x0], $0xffff  }
0x29b: {  	v15 =	vsub.f32 $1.000000000e+00, v20;
	v21 =	vsub.f32 $1.000000000e+00, v25;
	v29 =	vmul.f32 v46, v52;
	v44 =	vld.idx.msk [tilespmem:v45+s2+$0x0], $0xffff  }
0x29c: {  	v51 =	vsub.f32 $1.000000000e+00, v4;
	v40 =	vadd.f32 v30, v40;
	v45 =	vmul.f32 v8, v56;
	v47 =	vld.idx.msk [tilespmem:v47+s2+$0x0], $0xffff  }
0x29d: {  	v52 =	vsub.f32 $1.000000000e+00, v5;
	v56 =	vsub.f32 $1.000000000e+00, v2;
	v46 =	vmul.f32 v41, v46;
	v48 =	vld.idx.msk [tilespmem:v48+s2+$0x0], $0xffff  }
0x29e: {  	v41 =	vsub.f32 $1.000000000e+00, v16;
	v30 =	vmul.f32 v53, v38;
	v38 =	vld.idx.msk [tilespmem:v49+s2+$0x0], $0xffff;
	v49 =	vsub.f32 $1.000000000e+00, v6  }
0x29f: {  	v15 =	vmul.f32 v40, v15;
	v40 =	vadd.f32 v46, v45;
	v42 =	vmul.f32 v10, v42;
	v45 =	vld.idx.msk [tilespmem:v50+s2+$0x0], $0xffff  }
0x2a0: {  	v1 =	vadd.f32 v1, v57;
	v3 =	vadd.f32 v3, v58;
	v43 =	vmul.f32 v43, v53;
	v46 =	vld.idx.msk [tilespmem:v37+s2+$0x0], $0xffff  }
0x2a1: {  	v7 =	vadd.f32 v7, v59;
	v21 =	vmul.f32 v40, v21;
	v37 =	vmul.f32 v54, v44;
	v39 =	vld.idx.msk [tilespmem:v39+s2+$0x0], $0xffff  }
0x2a2: {  	v14 =	vadd.f32 v14, v60;
	v40 =	vadd.f32 v43, v42;
	v42 =	vmul.f32 v11, v47;
	v36 =	vld.idx.msk [tilespmem:v36+s2+$0x0], $0xffff  }
0x2a3: {  	v26 =	vadd.f32 v26, v61;
	v43 =	vmul.f32 v48, v54;
	v44 =	vld.idx.msk [tilespmem:v35+s2+$0x0], $0xffff;
	[tilespmem:s5+$0x20] =	vst v1  }
0x2a4: {  	v1 =	vmul.f32 v40, v51;
	v35 =	vmul.f32 v62, v38;
	v31 =	vld.idx.msk [tilespmem:v31+s2+$0x0], $0xffff;
	[tilespmem:s5+$0x30] =	vst v3  }
0x2a5: {  	v3 =	vadd.f32 v43, v42;
	v40 =	vmul.f32 v9, v45;
	v34 =	vld.idx.msk [tilespmem:v34+s2+$0x0], $0xffff;
	[tilespmem:s5+$0x40] =	vst v7  }
0x2a6: {  	v7 =	vmul.f32 v46, v62;
	v32 =	vld.idx.msk [tilespmem:v32+s2+$0x0], $0xffff;
	[tilespmem:s5+$0x50] =	vst v14  }
0x2a7: {  	v3 =	vmul.f32 v3, v52;
	v38 =	vmul.f32 v55, v39;
	v14 =	vld.idx.msk [tilespmem:v28+s2+$0x0], $0xffff;
	[tilespmem:s5+$0x60] =	vst v26;
	s5 =	smov.u32 s26  }
0x2a8: {  	v7 =	vadd.f32 v7, v40;
	v26 =	vld.idx.msk [tilespmem:v17+s2+$0x0], $0xffff;
	v17 =	vmul.f32 v12, v36  }
.Ltmp17:
0x2a9: {  	v28 =	vmul.f32 v44, v55;
	v18 =	vld.idx.msk [tilespmem:v18+s2+$0x0], $0xffff;
	(pc) =	sbr.rel @p1 .LBB2_30-.Ltmp17, $4  }
0x2aa: {  	v7 =	vmul.f32 v7, v56;
	v40 =	vmul.f32 v63, v31;
	v19 =	vld.idx.msk [tilespmem:v19+s2+$0x0], $0xffff  }
0x2ab: {  	v17 =	vadd.f32 v28, v17;
	v28 =	vmul.f32 v13, v34;
	v22 =	vld.idx.msk [tilespmem:v22+s2+$0x0], $0xffff  }
0x2ac: {  	v31 =	vmul.f32 v32, v63;
	v23 =	vld.idx.msk [tilespmem:v23+s2+$0x0], $0xffff  }
0x2ad: {  	s4 =	sadd.s32 $0x80, s4;
	v32 =	vmul.f32 v33, v14;
	v14 =	vmul.f32 v17, v49;
	v24 =	vld.idx.msk [tilespmem:v24+s2+$0x0], $0xffff  }
0x2ae: {  	v8 =	vmul.f32 v8, v26  }
0x2af: {  	v10 =	vmul.f32 v10, v18;
	v17 =	vadd.f32 v27, v32;
	v11 =	vmul.f32 v11, v19  }
0x2b0: {  	v58 =	vadd.f32 v31, v28;
	v8 =	vadd.f32 v29, v8;
	v9 =	vmul.f32 v9, v22  }
0x2b1: {  	v10 =	vadd.f32 v30, v10;
	v17 =	vmul.f32 v20, v17;
	v11 =	vadd.f32 v37, v11  }
0x2b2: {  	v12 =	vmul.f32 v12, v23;
	v8 =	vmul.f32 v25, v8;
	v9 =	vadd.f32 v35, v9  }
0x2b3: {  	v13 =	vmul.f32 v13, v24;
	v4 =	vmul.f32 v4, v10;
	v59 =	vadd.f32 v15, v17  }
0x2b4: {  	v12 =	vadd.f32 v38, v12;
	v5 =	vmul.f32 v5, v11;
	v8 =	vadd.f32 v21, v8  }
0x2b5: {  	v60 =	vadd.f32 v40, v13;
	v2 =	vmul.f32 v2, v9;
	v1 =	vadd.f32 v1, v4;
	[tilespmem:s12+$0x16200] =	vst v59  }
0x2b6: {  	v61 =	vmul.f32 v6, v12;
	v3 =	vadd.f32 v3, v5;
	[tilespmem:s5+$0x10] =	vst v8  }
0x2b7: {  	p1 =	sne.s32 s16, $0xF;
	v62 =	vmul.f32 v58, v41;
	v63 =	vmul.f32 v16, v60;
	v2 =	vadd.f32 v7, v2;
	[tilespmem:s5+$0x20] =	vst v1  }
.Ltmp18:
0x2b8: {  	v1 =	vadd.f32 v14, v61;
	[tilespmem:s5+$0x30] =	vst v3;
	(pc) =	sbr.rel @p1 .LBB2_33-.Ltmp18, $4  }
0x2b9: {  	s4 =	sor.u32 s21, s11;
	v3 =	vadd.f32 v62, v63;
	[tilespmem:s5+$0x40] =	vst v2  }
0x2ba: {  	s4 =	sshrl.u32 s4, $0x3;
	[tilespmem:s5+$0x50] =	vst v1  }
0x2bb: {  	s26 =	simm.s32 $0x16200;
	s4 =	sadd.s32 s1, s4;
	[tilespmem:s5+$0x60] =	vst v3  }
0x2bc: {  	[hbm4b:s4+s3] =	stream.linear.scatter [tilespmem:s26], [sflag:$0x3], $0x800, $0x38;
	[tilespmem:$0x17200] =	vst v63  }
.Ltmp19:
0x2bd: {  	(pc) =	sbr.rel .LBB2_34-.Ltmp19, $4  }
0x2be: {  	_ = 	snop  }
0x2bf: {  	_ =	swait.ge [sflag:s13], $0x1000  }
0x2c0: {  	[sflag:s13] =	ssyncset.done $0x0  }
0x2c1: {  	[sflag:s13] =	ssyncadd.s32 $0xFFFFF000  }
.LBB2_33:
0x2c2: {  	s4 =	sadd.s32 $0x2, s17;
	s5 =	rddreg [dreg:$0x6]  }
0x2c3: {  	s7 =	rddreg [dreg:$0x3];
	s5 =	sadd.s32 s5, s4;
	s4 =	sshll.u32 s4, $0x4  }
0x2c4: {  	s22 =	simm.s32 $0x80;
	s5 =	sshll.u32 s5, $0x9;
	s4 =	sand.u32 $0x60, s4  }
0x2c5: {  	s26 =	simm.s32 $0x400;
	s5 =	sand.u32 $0x1F000, s5;
	s4 =	sadd.s32 s7, s4  }
.Ltmp20:
0x2c6: {  	s12 =	simm.s32 $0x11200;
	s4 =	sadd.s32 s5, s4;
	(pc) =	sbr.rel @p0 .LBB2_35-.Ltmp20, $4  }
0x2c7: {  	[tilespmem:s12], [sflag:$0x1] =	stream.strided.gather [hbm4b:s4+s22], $0x1000, s26, s22, $0x38;
	[tilespmem:$0x17200] =	vst v63  }
0x2c8: {  	_ =	swait.ge [sflag:s13], $0x1000  }
0x2c9: {  	[sflag:s13] =	ssyncset.done $0x0  }
0x2ca: {  	[sflag:s13] =	ssyncadd.s32 $0xFFFFF000  }
.LBB2_34:
0x2cb: {  	_ =	swait.ge [sflag:s14], $0x800  }
0x2cc: {  	[sflag:s14] =	ssyncset.done $0x0  }
0x2cd: {  	[sflag:s14] =	ssyncadd.s32 $0xFFFFF800  }
0x2ce: {  	_ =	swait.ge [sflag:s14], $0x800  }
0x2cf: {  	[sflag:s14] =	ssyncset.done $0x0  }
0x2d0: {  	[sflag:s14] =	ssyncadd.s32 $0xFFFFF800  }
0x2d1: {  	_ =	swait.ge [sflag:s14], $0x800  }
0x2d2: {  	[sflag:s14] =	ssyncset.done $0x0  }
0x2d3: {  	[sflag:s14] =	ssyncadd.s32 $0xFFFFF800  }
0x2d4: {  	_ =	swait.ge [sflag:s14], $0x800  }
0x2d5: {  	[sflag:s14] =	ssyncset.done $0x0  }
0x2d6: {  	[sflag:s14] =	ssyncadd.s32 $0xFFFFF800  }
.LBB2_35:
0x2d7: {  	s4 =	simm.s32 $0x12A00  }
0x2d8: {  	v1 =	vld [tilespmem:s4+$0xFFFFF870]  }
0x2d9: {  	v4 =	vld [tilespmem:s4+$0xFFFFF810]  }
0x2da: {  	v18 =	vld [tilespmem:s4+$0xFFFFF820]  }
0x2db: {  	v7 =	vld [tilespmem:s4+$0xFFFFF830]  }
0x2dc: {  	v16 =	vld [tilespmem:s4+$0xFFFFF840]  }
0x2dd: {  	v14 =	vld [tilespmem:s4+$0xFFFFF850]  }
0x2de: {  	v17 =	vld [tilespmem:s4+$0xFFFFF860]  }
0x2df: {  	v20 =	vld [tilespmem:s4+$0xFFFFF800]  }
0x2e0: {  	v6 =	vld [tilespmem:s4+$0x70]  }
0x2e1: {  	v15 =	vld [tilespmem:s4+$0x0]  }
0x2e2: {  	v21 =	vld [tilespmem:s4+$0x10]  }
0x2e3: {  	v22 =	vld [tilespmem:s4+$0x20];
	v2 =	vadd.s32 $0x1, v1  }
0x2e4: {  	v23 =	vld [tilespmem:s4+$0x30];
	v3 =	vadd.s32 $0x108, v1  }
0x2e5: {  	v25 =	vld [tilespmem:s4+$0x40];
	v5 =	vadd.s32 $0x109, v1  }
0x2e6: {  	v27 =	vld [tilespmem:s4+$0x50];
	v8 =	vadd.s32 $0x1, v20  }
0x2e7: {  	v10 =	vadd.s32 $0x108, v20;
	v1 =	vld.idx.msk [tilespmem:v1+s3+$0x0], $0xffff  }
0x2e8: {  	v13 =	vadd.s32 $0x109, v20;
	v2 =	vld.idx.msk [tilespmem:v2+s3+$0x0], $0xffff  }
0x2e9: {  	v9 =	vadd.s32 $0x1, v4;
	v3 =	vld.idx.msk [tilespmem:v3+s3+$0x0], $0xffff  }
0x2ea: {  	v11 =	vadd.s32 $0x108, v4;
	v5 =	vld.idx.msk [tilespmem:v5+s3+$0x0], $0xffff  }
0x2eb: {  	v12 =	vadd.s32 $0x109, v4;
	v35 =	vld.idx.msk [tilespmem:v8+s3+$0x0], $0xffff  }
0x2ec: {  	v19 =	vadd.s32 $0x1, v18;
	v24 =	vadd.s32 $0x108, v18;
	v26 =	vadd.s32 $0x109, v18;
	v38 =	vld.idx.msk [tilespmem:v10+s3+$0x0], $0xffff  }
0x2ed: {  	v28 =	vadd.s32 $0x1, v7;
	v29 =	vadd.s32 $0x108, v7;
	v30 =	vadd.s32 $0x109, v7;
	v42 =	vld.idx.msk [tilespmem:v13+s3+$0x0], $0xffff  }
0x2ee: {  	v32 =	vadd.s32 $0x1, v16;
	v33 =	vadd.s32 $0x108, v16;
	v34 =	vand.u32 $0xFFFF0000, v6;
	v44 =	vld.idx.msk [tilespmem:v9+s3+$0x0], $0xffff  }
0x2ef: {  	v36 =	vadd.s32 $0x109, v16;
	v37 =	vadd.s32 $0x1, v14;
	v39 =	vadd.s32 $0x108, v14;
	v61 =	vld.idx.msk [tilespmem:v11+s3+$0x0], $0xffff  }
0x2f0: {  	v40 =	vadd.s32 $0x109, v14;
	v41 =	vadd.s32 $0x1, v17;
	v43 =	vadd.s32 $0x108, v17;
	v47 =	vld.idx.msk [tilespmem:v12+s3+$0x0], $0xffff  }
0x2f1: {  	v6 =	vshll.u32 v6, $0x10;
	v45 =	vadd.s32 $0x109, v17;
	v46 =	vand.u32 $0xFFFF0000, v15;
	v48 =	vld.idx.msk [tilespmem:v19+s3+$0x0], $0xffff  }
0x2f2: {  	v8 =	vsub.f32 $1.000000000e+00, v34;
	v13 =	vsub.f32 $1.000000000e+00, v6;
	v10 =	vand.u32 $0xFFFF0000, v22;
	v28 =	vld.idx.msk [tilespmem:v28+s3+$0x0], $0xffff  }
0x2f3: {  	v11 =	vand.u32 $0xFFFF0000, v23;
	v9 =	vand.u32 $0xFFFF0000, v25;
	v12 =	vand.u32 $0xFFFF0000, v27;
	v55 =	vld.idx.msk [tilespmem:v29+s3+$0x0], $0xffff  }
0x2f4: {  	v50 =	vld.idx.msk [tilespmem:v24+s3+$0x0], $0xffff;
	v19 =	vshll.u32 v15, $0x10;
	v24 =	vshll.u32 v21, $0x10;
	v52 =	vsub.f32 $1.000000000e+00, v10  }
0x2f5: {  	v53 =	vsub.f32 $1.000000000e+00, v11;
	v54 =	vsub.f32 $1.000000000e+00, v9;
	v1 =	vmul.f32 v34, v1  }
0x2f6: {  	v2 =	vmul.f32 v8, v2;
	v5 =	vmul.f32 v5, v8;
	v8 =	vand.u32 $0xFFFF0000, v21  }
0x2f7: {  	v51 =	vld.idx.msk [tilespmem:v26+s3+$0x0], $0xffff;
	v57 =	vsub.f32 $1.000000000e+00, v12;
	v3 =	vmul.f32 v34, v3;
	v49 =	vsub.f32 $1.000000000e+00, v8  }
0x2f8: {  	v34 =	vld.idx.msk [tilespmem:v37+s3+$0x0], $0xffff;
	v37 =	vmul.f32 v53, v28;
	v55 =	vmul.f32 v11, v55;
	v1 =	vadd.f32 v2, v1  }
0x2f9: {  	v31 =	vld [tilespmem:s4+$0x60];
	v2 =	vadd.f32 v5, v3;
	v5 =	vsub.f32 $1.000000000e+00, v46;
	v62 =	vmul.f32 v47, v49  }
0x2fa: {  	v32 =	vld.idx.msk [tilespmem:v32+s3+$0x0], $0xffff;
	v21 =	vsub.f32 $1.000000000e+00, v19;
	v29 =	vmul.f32 v49, v44;
	v1 =	vmul.f32 v6, v1  }
0x2fb: {  	v3 =	vshll.u32 v22, $0x10;
	v22 =	vld.idx.msk [tilespmem:v33+s3+$0x0], $0xffff;
	v2 =	vmul.f32 v2, v13;
	v26 =	vmul.f32 v5, v35  }
0x2fc: {  	v6 =	vmul.f32 v46, v38;
	v15 =	vmul.f32 v42, v5;
	v5 =	vshll.u32 v23, $0x10;
	v23 =	vld.idx.msk [tilespmem:v36+s3+$0x0], $0xffff  }
0x2fd: {  	v49 =	vmul.f32 v10, v50;
	v50 =	vmul.f32 v51, v52;
	v56 =	vadd.f32 v2, v1;
	v1 =	vld.idx.msk [tilespmem:v30+s3+$0x0], $0xffff  }
0x2fe: {  	v18 =	vld.idx.msk [tilespmem:v18+s3+$0x0], $0xffff;
	v2 =	vshll.u32 v25, $0x10;
	v15 =	vadd.f32 v15, v6;
	v25 =	vmul.f32 v8, v61  }
0x2ff: {  	v63 =	vld.idx.msk [tilespmem:v39+s3+$0x0], $0xffff;
	v13 =	vand.u32 $0xFFFF0000, v31;
	v35 =	vmul.f32 v54, v32;
	v38 =	vmul.f32 v57, v34  }
0x300: {  	v6 =	vshll.u32 v27, $0x10;
	v15 =	vmul.f32 v15, v21;
	v21 =	vadd.f32 v62, v25;
	v25 =	vld.idx.msk [tilespmem:v40+s3+$0x0], $0xffff  }
0x301: {  	v28 =	vld.idx.msk [tilespmem:v43+s3+$0x0], $0xffff;
	v27 =	vsub.f32 $1.000000000e+00, v24;
	v30 =	vmul.f32 v52, v48;
	v22 =	vmul.f32 v9, v22  }
0x302: {  	v60 =	vld.idx.msk [tilespmem:v45+s3+$0x0], $0xffff;
	v48 =	vsub.f32 $1.000000000e+00, v3;
	v23 =	vmul.f32 v23, v54;
	v59 =	vmul.f32 v1, v53  }
0x303: {  	v51 =	vld.idx.msk [tilespmem:v41+s3+$0x0], $0xffff;
	v52 =	vsub.f32 $1.000000000e+00, v5;
	v21 =	vmul.f32 v21, v27;
	v27 =	vadd.f32 v50, v49  }
0x304: {  	v62 =	vld.idx.msk [tilespmem:v20+s3+$0x0], $0xffff;
	v22 =	vadd.f32 v23, v22;
	v23 =	vmul.f32 v12, v63;
	v20 =	vadd.f32 v59, v55  }
0x305: {  	s5 =	simm.s32 $0x0;
	v61 =	vsub.f32 $1.000000000e+00, v2;
	v1 =	vmul.f32 v27, v48;
	v27 =	vld.idx.msk [tilespmem:v4+s3+$0x0], $0xffff;
	v25 =	vmul.f32 v25, v57  }
0x306: {  	s26 =	sand.u32 $0x400, s5;
	s7 =	sand.u32 $0x380, s5;
	v58 =	vsub.f32 $1.000000000e+00, v13;
	v28 =	vmul.f32 v13, v28;
	v4 =	vmul.f32 v20, v52;
	v20 =	vld.idx.msk [tilespmem:v7+s3+$0x0], $0xffff  }
0x307: {  	s12 =	sor.u32 s7, s26;
	v63 =	vsub.f32 $1.000000000e+00, v6;
	v7 =	vmul.f32 v22, v61;
	v22 =	vld.idx.msk [tilespmem:v16+s3+$0x0], $0xffff;
	v25 =	vadd.f32 v25, v23  }
0x308: {  	s21 =	sadd.s32 $0x13A00, s12;
	v40 =	vmul.f32 v58, v51;
	v16 =	vshll.u32 v31, $0x10;
	v23 =	vld.idx.msk [tilespmem:v14+s3+$0x0], $0xffff;
	v31 =	vmul.f32 v60, v58  }
0x309: {  	s15 =	simm.s32 $0x0;
	s4 =	simm.s32 $0x12A80;
	s7 =	simm.s32 $0x0;
	[tilespmem:s21+$0x70] =	vst v56;
	v32 =	vmul.f32 v46, v62;
	v41 =	vsub.f32 $1.000000000e+00, v16;
	v14 =	vmul.f32 v25, v63;
	v25 =	vld.idx.msk [tilespmem:v17+s3+$0x0], $0xffff  }
.LBB2_36:
0x30a: {  	v33 =	vld [tilespmem:s4+$0xFFFFF870];
	v8 =	vmul.f32 v8, v27;
	v27 =	vadd.f32 v31, v28  }
0x30b: {  	v10 =	vmul.f32 v10, v18;
	v17 =	vld [tilespmem:s4+$0xFFFFF810];
	v26 =	vadd.f32 v26, v32  }
0x30c: {  	s15 =	sadd.s32 $0x80, s15;
	v11 =	vmul.f32 v11, v20;
	v18 =	vld [tilespmem:s4+$0xFFFFF820];
	v8 =	vadd.f32 v29, v8;
	v27 =	vmul.f32 v27, v41  }
0x30d: {  	p0 =	slt.u32 s15, $0x780;
	v10 =	vadd.f32 v30, v10;
	v9 =	vmul.f32 v9, v22;
	v20 =	vld [tilespmem:s4+$0xFFFFF830];
	v19 =	vmul.f32 v19, v26  }
0x30e: {  	v11 =	vadd.f32 v37, v11;
	v12 =	vmul.f32 v12, v23;
	v22 =	vld [tilespmem:s4+$0xFFFFF840];
	v8 =	vmul.f32 v24, v8  }
0x30f: {  	v9 =	vadd.f32 v35, v9;
	v13 =	vmul.f32 v13, v25;
	v23 =	vld [tilespmem:s4+$0xFFFFF850];
	v24 =	vadd.s32 $0x1, v33  }
0x310: {  	v30 =	vadd.s32 $0x108, v33;
	v26 =	vadd.s32 $0x1, v17;
	v29 =	vadd.s32 $0x108, v17;
	v25 =	vld [tilespmem:s4+$0xFFFFF860]  }
0x311: {  	v32 =	vadd.s32 $0x109, v33;
	v41 =	vadd.s32 $0x109, v17;
	v28 =	vld [tilespmem:s4+$0xFFFFF800];
	v42 =	vadd.s32 $0x1, v18  }
0x312: {  	v43 =	vadd.s32 $0x108, v18;
	v44 =	vadd.s32 $0x109, v18;
	v45 =	vadd.s32 $0x1, v20;
	v46 =	vld [tilespmem:s4+$0x70]  }
0x313: {  	v47 =	vadd.s32 $0x108, v20;
	v48 =	vadd.s32 $0x109, v20;
	v49 =	vadd.s32 $0x1, v22;
	v33 =	vld.idx.msk [tilespmem:v33+s3+$0x0], $0xffff  }
0x314: {  	v50 =	vadd.s32 $0x108, v22;
	v37 =	vadd.s32 $0x109, v22;
	v39 =	vadd.s32 $0x1, v23;
	v24 =	vld.idx.msk [tilespmem:v24+s3+$0x0], $0xffff  }
0x315: {  	v36 =	vadd.s32 $0x108, v23;
	v35 =	vadd.s32 $0x109, v23;
	v31 =	vadd.s32 $0x1, v25;
	v30 =	vld.idx.msk [tilespmem:v30+s3+$0x0], $0xffff  }
0x316: {  	v51 =	vadd.s32 $0x1, v28;
	v52 =	vadd.s32 $0x108, v28;
	v53 =	vadd.s32 $0x109, v28;
	v54 =	vld.idx.msk [tilespmem:v32+s3+$0x0], $0xffff  }
0x317: {  	v12 =	vadd.f32 v38, v12;
	v34 =	vadd.s32 $0x108, v25;
	v32 =	vadd.s32 $0x109, v25;
	v55 =	vld [tilespmem:s4+$0x0]  }
0x318: {  	v57 =	vmul.f32 v3, v10;
	v3 =	vadd.f32 v40, v13;
	v56 =	vand.u32 $0xFFFF0000, v46;
	v38 =	vld [tilespmem:s4+$0x10]  }
0x319: {  	v58 =	vmul.f32 v5, v11;
	v59 =	vmul.f32 v2, v9;
	v10 =	vsub.f32 $1.000000000e+00, v56;
	v40 =	vld [tilespmem:s4+$0x20]  }
0x31a: {  	v5 =	vadd.f32 v15, v19;
	v60 =	vmul.f32 v6, v12;
	v61 =	vmul.f32 v16, v3;
	v2 =	vld [tilespmem:s4+$0x30]  }
0x31b: {  	v11 =	vadd.f32 v21, v8;
	v3 =	vmul.f32 v56, v33;
	v9 =	vmul.f32 v10, v24;
	v6 =	vld [tilespmem:s4+$0x40]  }
0x31c: {  	v12 =	vshll.u32 v46, $0x10;
	v13 =	vmul.f32 v56, v30;
	v16 =	vmul.f32 v54, v10;
	v15 =	vld [tilespmem:s4+$0x50];
	[tilespmem:s12+$0x13A00] =	vst v5  }
0x31d: {  	v33 =	vand.u32 $0xFFFF0000, v55;
	v5 =	vsub.f32 $1.000000000e+00, v12;
	v8 =	vand.u32 $0xFFFF0000, v38;
	v21 =	vld [tilespmem:s4+$0x60];
	[tilespmem:s21+$0x10] =	vst v11  }
0x31e: {  	v3 =	vadd.f32 v9, v3;
	v13 =	vadd.f32 v16, v13;
	v24 =	vld.idx.msk [tilespmem:v51+s3+$0x0], $0xffff;
	v10 =	vand.u32 $0xFFFF0000, v40  }
0x31f: {  	v30 =	vsub.f32 $1.000000000e+00, v33;
	v46 =	vsub.f32 $1.000000000e+00, v8;
	v16 =	vld.idx.msk [tilespmem:v52+s3+$0x0], $0xffff;
	v11 =	vand.u32 $0xFFFF0000, v2  }
0x320: {  	s5 =	sadd.s32 $0x40, s5;
	s7 =	sadd.s32 $0x400, s7;
	v3 =	vmul.f32 v12, v3;
	v5 =	vmul.f32 v13, v5;
	v51 =	vld.idx.msk [tilespmem:v53+s3+$0x0], $0xffff;
	v9 =	vand.u32 $0xFFFF0000, v6  }
0x321: {  	s22 =	sand.u32 $0x380, s5;
	s12 =	sand.u32 $0x400, s7;
	v53 =	vsub.f32 $1.000000000e+00, v10;
	v54 =	vsub.f32 $1.000000000e+00, v11;
	v52 =	vld.idx.msk [tilespmem:v26+s3+$0x0], $0xffff;
	v12 =	vand.u32 $0xFFFF0000, v15  }
0x322: {  	s12 =	sor.u32 s22, s12;
	v62 =	vsub.f32 $1.000000000e+00, v9;
	v5 =	vadd.f32 v5, v3;
	v56 =	vld.idx.msk [tilespmem:v29+s3+$0x0], $0xffff;
	v13 =	vand.u32 $0xFFFF0000, v21  }
0x323: {  	v19 =	vshll.u32 v55, $0x10;
	s22 =	sadd.s32 $0x13A00, s12;
	v55 =	vsub.f32 $1.000000000e+00, v12;
	v41 =	vld.idx.msk [tilespmem:v41+s3+$0x0], $0xffff;
	v63 =	vsub.f32 $1.000000000e+00, v13  }
0x324: {  	v3 =	vshll.u32 v40, $0x10;
	v26 =	vmul.f32 v30, v24;
	v24 =	vshll.u32 v38, $0x10;
	v38 =	vld.idx.msk [tilespmem:v42+s3+$0x0], $0xffff;
	[tilespmem:s22+$0x70] =	vst v5  }
0x325: {  	v40 =	vmul.f32 v33, v16;
	v5 =	vshll.u32 v2, $0x10;
	v2 =	vshll.u32 v6, $0x10;
	v42 =	vld.idx.msk [tilespmem:v43+s3+$0x0], $0xffff  }
0x326: {  	v6 =	vshll.u32 v15, $0x10;
	v16 =	vshll.u32 v21, $0x10;
	v30 =	vmul.f32 v51, v30;
	v43 =	vld.idx.msk [tilespmem:v44+s3+$0x0], $0xffff  }
0x327: {  	v15 =	vsub.f32 $1.000000000e+00, v19;
	v21 =	vsub.f32 $1.000000000e+00, v24;
	v29 =	vmul.f32 v46, v52;
	v44 =	vld.idx.msk [tilespmem:v45+s3+$0x0], $0xffff  }
0x328: {  	v51 =	vsub.f32 $1.000000000e+00, v3;
	v40 =	vadd.f32 v30, v40;
	v45 =	vmul.f32 v8, v56;
	v47 =	vld.idx.msk [tilespmem:v47+s3+$0x0], $0xffff  }
0x329: {  	v52 =	vsub.f32 $1.000000000e+00, v5;
	v56 =	vsub.f32 $1.000000000e+00, v2;
	v46 =	vmul.f32 v41, v46;
	v48 =	vld.idx.msk [tilespmem:v48+s3+$0x0], $0xffff  }
0x32a: {  	v41 =	vsub.f32 $1.000000000e+00, v16;
	v30 =	vmul.f32 v53, v38;
	v38 =	vld.idx.msk [tilespmem:v49+s3+$0x0], $0xffff;
	v49 =	vsub.f32 $1.000000000e+00, v6  }
0x32b: {  	v15 =	vmul.f32 v40, v15;
	v40 =	vadd.f32 v46, v45;
	v42 =	vmul.f32 v10, v42;
	v45 =	vld.idx.msk [tilespmem:v50+s3+$0x0], $0xffff  }
0x32c: {  	v1 =	vadd.f32 v1, v57;
	v4 =	vadd.f32 v4, v58;
	v43 =	vmul.f32 v43, v53;
	v46 =	vld.idx.msk [tilespmem:v37+s3+$0x0], $0xffff  }
0x32d: {  	v7 =	vadd.f32 v7, v59;
	v21 =	vmul.f32 v40, v21;
	v37 =	vmul.f32 v54, v44;
	v39 =	vld.idx.msk [tilespmem:v39+s3+$0x0], $0xffff  }
0x32e: {  	v14 =	vadd.f32 v14, v60;
	v40 =	vadd.f32 v43, v42;
	v42 =	vmul.f32 v11, v47;
	v36 =	vld.idx.msk [tilespmem:v36+s3+$0x0], $0xffff  }
0x32f: {  	v27 =	vadd.f32 v27, v61;
	v43 =	vmul.f32 v48, v54;
	v44 =	vld.idx.msk [tilespmem:v35+s3+$0x0], $0xffff;
	[tilespmem:s21+$0x20] =	vst v1  }
0x330: {  	v1 =	vmul.f32 v40, v51;
	v35 =	vmul.f32 v62, v38;
	v31 =	vld.idx.msk [tilespmem:v31+s3+$0x0], $0xffff;
	[tilespmem:s21+$0x30] =	vst v4  }
0x331: {  	v4 =	vadd.f32 v43, v42;
	v40 =	vmul.f32 v9, v45;
	v34 =	vld.idx.msk [tilespmem:v34+s3+$0x0], $0xffff;
	[tilespmem:s21+$0x40] =	vst v7  }
0x332: {  	v7 =	vmul.f32 v46, v62;
	v32 =	vld.idx.msk [tilespmem:v32+s3+$0x0], $0xffff;
	[tilespmem:s21+$0x50] =	vst v14  }
0x333: {  	v4 =	vmul.f32 v4, v52;
	v38 =	vmul.f32 v55, v39;
	v14 =	vld.idx.msk [tilespmem:v28+s3+$0x0], $0xffff;
	[tilespmem:s21+$0x60] =	vst v27;
	s21 =	smov.u32 s22  }
0x334: {  	v7 =	vadd.f32 v7, v40;
	v27 =	vld.idx.msk [tilespmem:v17+s3+$0x0], $0xffff;
	v17 =	vmul.f32 v12, v36  }
.Ltmp21:
0x335: {  	v28 =	vmul.f32 v44, v55;
	v18 =	vld.idx.msk [tilespmem:v18+s3+$0x0], $0xffff;
	(pc) =	sbr.rel @p0 .LBB2_36-.Ltmp21, $4  }
0x336: {  	v7 =	vmul.f32 v7, v56;
	v40 =	vmul.f32 v63, v31;
	v20 =	vld.idx.msk [tilespmem:v20+s3+$0x0], $0xffff  }
0x337: {  	v17 =	vadd.f32 v28, v17;
	v28 =	vmul.f32 v13, v34;
	v22 =	vld.idx.msk [tilespmem:v22+s3+$0x0], $0xffff  }
0x338: {  	v31 =	vmul.f32 v32, v63;
	v23 =	vld.idx.msk [tilespmem:v23+s3+$0x0], $0xffff  }
0x339: {  	s4 =	sadd.s32 $0x80, s4;
	v32 =	vmul.f32 v33, v14;
	v14 =	vmul.f32 v17, v49;
	v25 =	vld.idx.msk [tilespmem:v25+s3+$0x0], $0xffff  }
0x33a: {  	v8 =	vmul.f32 v8, v27  }
0x33b: {  	v10 =	vmul.f32 v10, v18;
	v17 =	vadd.f32 v26, v32  }
0x33c: {  	v11 =	vmul.f32 v11, v20;
	v8 =	vadd.f32 v29, v8  }
0x33d: {  	v10 =	vadd.f32 v30, v10;
	v17 =	vmul.f32 v19, v17  }
0x33e: {  	v11 =	vadd.f32 v37, v11;
	v8 =	vmul.f32 v24, v8  }
0x33f: {  	v9 =	vmul.f32 v9, v22;
	v3 =	vmul.f32 v3, v10;
	v10 =	vadd.f32 v15, v17  }
0x340: {  	v12 =	vmul.f32 v12, v23;
	v5 =	vmul.f32 v5, v11;
	v8 =	vadd.f32 v21, v8  }
0x341: {  	v9 =	vadd.f32 v35, v9;
	v13 =	vmul.f32 v13, v25;
	v1 =	vadd.f32 v1, v3;
	[tilespmem:s12+$0x13A00] =	vst v10  }
0x342: {  	v12 =	vadd.f32 v38, v12;
	v4 =	vadd.f32 v4, v5;
	[tilespmem:s21+$0x10] =	vst v8  }
0x343: {  	v18 =	vadd.f32 v31, v28;
	v11 =	vadd.f32 v40, v13;
	v2 =	vmul.f32 v2, v9;
	[tilespmem:s21+$0x20] =	vst v1  }
0x344: {  	v3 =	vmul.f32 v6, v12;
	[tilespmem:s21+$0x30] =	vst v4  }
0x345: {  	v5 =	vmul.f32 v18, v41;
	v6 =	vmul.f32 v16, v11;
	v2 =	vadd.f32 v7, v2;
	s4 =	rddreg [dreg:$0xb]  }
0x346: {  	v1 =	vadd.f32 v14, v3;
	s18 =	sadd.s32 s4, s18  }
0x347: {  	v3 =	vadd.f32 v5, v6;
	[tilespmem:s21+$0x40] =	vst v2;
	s4 =	sor.u32 s18, s28  }
0x348: {  	s5 =	simm.s32 $0x13A00;
	[tilespmem:s21+$0x50] =	vst v1;
	s4 =	sshrl.u32 s4, $0x3  }
0x349: {  	s15 =	simm.s32 $0x12A00;
	[tilespmem:s21+$0x60] =	vst v3;
	s21 =	simm.s32 $0x0;
	s4 =	sadd.s32 s1, s4  }
0x34a: {  	[hbm4b:s4+s21] =	stream.linear.scatter [tilespmem:s5], [sflag:$0x4], $0x800, $0x38;
	[tilespmem:$0x17200] =	vst v63  }
0x34b: {  	v1 =	vld [tilespmem:s15+$0xFFFFF870]  }
0x34c: {  	v3 =	vld [tilespmem:s15+$0xFFFFF810]  }
0x34d: {  	v18 =	vld [tilespmem:s15+$0xFFFFF820]  }
0x34e: {  	v7 =	vld [tilespmem:s15+$0xFFFFF830]  }
0x34f: {  	v16 =	vld [tilespmem:s15+$0xFFFFF840]  }
0x350: {  	v14 =	vld [tilespmem:s15+$0xFFFFF850]  }
0x351: {  	v17 =	vld [tilespmem:s15+$0xFFFFF860]  }
0x352: {  	v19 =	vld [tilespmem:s15+$0xFFFFF800]  }
0x353: {  	v6 =	vld [tilespmem:s15+$0x70]  }
0x354: {  	v15 =	vld [tilespmem:s15+$0x0]  }
0x355: {  	v21 =	vld [tilespmem:s15+$0x10]  }
0x356: {  	v22 =	vld [tilespmem:s15+$0x20];
	v2 =	vadd.s32 $0x1, v1  }
0x357: {  	v23 =	vld [tilespmem:s15+$0x30];
	v4 =	vadd.s32 $0x108, v1  }
0x358: {  	v24 =	vld [tilespmem:s15+$0x40];
	v5 =	vadd.s32 $0x109, v1  }
0x359: {  	v28 =	vld [tilespmem:s15+$0x50];
	v8 =	vadd.s32 $0x1, v19  }
0x35a: {  	v10 =	vadd.s32 $0x108, v19;
	v1 =	vld.idx.msk [tilespmem:v1+s29+$0x0], $0xffff  }
0x35b: {  	v13 =	vadd.s32 $0x109, v19;
	v2 =	vld.idx.msk [tilespmem:v2+s29+$0x0], $0xffff  }
0x35c: {  	v9 =	vadd.s32 $0x1, v3;
	v4 =	vld.idx.msk [tilespmem:v4+s29+$0x0], $0xffff  }
0x35d: {  	v11 =	vadd.s32 $0x108, v3;
	v5 =	vld.idx.msk [tilespmem:v5+s29+$0x0], $0xffff  }
0x35e: {  	v12 =	vadd.s32 $0x109, v3;
	v62 =	vld.idx.msk [tilespmem:v8+s29+$0x0], $0xffff  }
0x35f: {  	v20 =	vadd.s32 $0x1, v18;
	v63 =	vld.idx.msk [tilespmem:v10+s29+$0x0], $0xffff  }
0x360: {  	v25 =	vadd.s32 $0x108, v18;
	v42 =	vld.idx.msk [tilespmem:v13+s29+$0x0], $0xffff  }
0x361: {  	v26 =	vadd.s32 $0x109, v18;
	v27 =	vadd.s32 $0x1, v7;
	v44 =	vld.idx.msk [tilespmem:v9+s29+$0x0], $0xffff  }
0x362: {  	v29 =	vadd.s32 $0x108, v7;
	v30 =	vadd.s32 $0x109, v7;
	v32 =	vadd.s32 $0x1, v16;
	v61 =	vld.idx.msk [tilespmem:v11+s29+$0x0], $0xffff  }
0x363: {  	v33 =	vadd.s32 $0x108, v16;
	v34 =	vand.u32 $0xFFFF0000, v6;
	v36 =	vadd.s32 $0x109, v16;
	v47 =	vld.idx.msk [tilespmem:v12+s29+$0x0], $0xffff  }
0x364: {  	v37 =	vadd.s32 $0x1, v14;
	v39 =	vadd.s32 $0x108, v14;
	v40 =	vadd.s32 $0x109, v14;
	v48 =	vld.idx.msk [tilespmem:v20+s29+$0x0], $0xffff  }
0x365: {  	v60 =	vadd.s32 $0x1, v17;
	v43 =	vadd.s32 $0x108, v17;
	v6 =	vshll.u32 v6, $0x10;
	v50 =	vld.idx.msk [tilespmem:v25+s29+$0x0], $0xffff  }
0x366: {  	v45 =	vadd.s32 $0x109, v17;
	v46 =	vand.u32 $0xFFFF0000, v15;
	v8 =	vsub.f32 $1.000000000e+00, v34;
	v26 =	vld.idx.msk [tilespmem:v26+s29+$0x0], $0xffff  }
0x367: {  	v13 =	vsub.f32 $1.000000000e+00, v6;
	v10 =	vand.u32 $0xFFFF0000, v22;
	v11 =	vand.u32 $0xFFFF0000, v23;
	v53 =	vld.idx.msk [tilespmem:v27+s29+$0x0], $0xffff  }
0x368: {  	v9 =	vand.u32 $0xFFFF0000, v24;
	v12 =	vand.u32 $0xFFFF0000, v28;
	v55 =	vld.idx.msk [tilespmem:v29+s29+$0x0], $0xffff;
	v20 =	vshll.u32 v15, $0x10  }
0x369: {  	v25 =	vshll.u32 v21, $0x10;
	v32 =	vld.idx.msk [tilespmem:v32+s29+$0x0], $0xffff;
	v51 =	vsub.f32 $1.000000000e+00, v10;
	v52 =	vsub.f32 $1.000000000e+00, v11  }
0x36a: {  	v54 =	vsub.f32 $1.000000000e+00, v9;
	v1 =	vmul.f32 v34, v1;
	v2 =	vmul.f32 v8, v2  }
0x36b: {  	v31 =	vld [tilespmem:s15+$0x60];
	v57 =	vsub.f32 $1.000000000e+00, v12;
	v4 =	vmul.f32 v34, v4;
	v5 =	vmul.f32 v5, v8  }
0x36c: {  	v8 =	vand.u32 $0xFFFF0000, v21;
	v34 =	vld.idx.msk [tilespmem:v37+s29+$0x0], $0xffff;
	v26 =	vmul.f32 v26, v51;
	v37 =	vmul.f32 v52, v53  }
0x36d: {  	v55 =	vmul.f32 v11, v55;
	v49 =	vsub.f32 $1.000000000e+00, v8;
	v1 =	vadd.f32 v2, v1  }
0x36e: {  	v35 =	vmul.f32 v54, v32;
	v2 =	vadd.f32 v5, v4;
	v5 =	vsub.f32 $1.000000000e+00, v46  }
0x36f: {  	v21 =	vsub.f32 $1.000000000e+00, v20;
	v29 =	vmul.f32 v49, v44;
	v1 =	vmul.f32 v6, v1  }
0x370: {  	v18 =	vld.idx.msk [tilespmem:v18+s29+$0x0], $0xffff;
	v4 =	vshll.u32 v22, $0x10;
	v2 =	vmul.f32 v2, v13;
	v27 =	vmul.f32 v5, v62  }
0x371: {  	v22 =	vld.idx.msk [tilespmem:v33+s29+$0x0], $0xffff;
	v13 =	vand.u32 $0xFFFF0000, v31;
	v6 =	vmul.f32 v46, v63;
	v15 =	vmul.f32 v42, v5  }
0x372: {  	v5 =	vshll.u32 v23, $0x10;
	v62 =	vmul.f32 v47, v49;
	v56 =	vadd.f32 v2, v1;
	v1 =	vld.idx.msk [tilespmem:v30+s29+$0x0], $0xffff  }
0x373: {  	v23 =	vld.idx.msk [tilespmem:v36+s29+$0x0], $0xffff;
	v2 =	vshll.u32 v24, $0x10;
	v15 =	vadd.f32 v15, v6;
	v24 =	vmul.f32 v8, v61  }
0x374: {  	v63 =	vld.idx.msk [tilespmem:v39+s29+$0x0], $0xffff;
	v49 =	vmul.f32 v10, v50;
	v58 =	vsub.f32 $1.000000000e+00, v13;
	v38 =	vmul.f32 v57, v34  }
0x375: {  	v6 =	vshll.u32 v28, $0x10;
	v15 =	vmul.f32 v15, v21;
	v21 =	vadd.f32 v62, v24;
	v24 =	vld.idx.msk [tilespmem:v40+s29+$0x0], $0xffff  }
0x376: {  	v50 =	vld.idx.msk [tilespmem:v60+s29+$0x0], $0xffff;
	v28 =	vsub.f32 $1.000000000e+00, v25;
	v30 =	vmul.f32 v51, v48;
	v48 =	vsub.f32 $1.000000000e+00, v4  }
0x377: {  	v60 =	vld.idx.msk [tilespmem:v45+s29+$0x0], $0xffff;
	v26 =	vadd.f32 v26, v49;
	v22 =	vmul.f32 v9, v22;
	v59 =	vmul.f32 v1, v52  }
0x378: {  	v51 =	vsub.f32 $1.000000000e+00, v5;
	v23 =	vmul.f32 v23, v54;
	v21 =	vmul.f32 v21, v28;
	v28 =	vld.idx.msk [tilespmem:v43+s29+$0x0], $0xffff  }
0x379: {  	v61 =	vsub.f32 $1.000000000e+00, v2;
	v62 =	vld.idx.msk [tilespmem:v19+s29+$0x0], $0xffff;
	v1 =	vmul.f32 v26, v48;
	v19 =	vadd.f32 v59, v55  }
0x37a: {  	v26 =	vld.idx.msk [tilespmem:v3+s29+$0x0], $0xffff;
	v22 =	vadd.f32 v23, v22;
	v23 =	vmul.f32 v12, v63;
	v24 =	vmul.f32 v24, v57  }
0x37b: {  	s22 =	sand.u32 $0x400, s21;
	s26 =	sand.u32 $0x380, s21;
	v40 =	vmul.f32 v58, v50;
	v3 =	vmul.f32 v19, v51;
	v19 =	vld.idx.msk [tilespmem:v7+s29+$0x0], $0xffff  }
0x37c: {  	s12 =	sor.u32 s26, s22;
	v63 =	vsub.f32 $1.000000000e+00, v6;
	v7 =	vmul.f32 v22, v61;
	v22 =	vld.idx.msk [tilespmem:v16+s29+$0x0], $0xffff;
	v24 =	vadd.f32 v24, v23  }
0x37d: {  	s5 =	sadd.s32 $0x14A00, s12;
	v16 =	vshll.u32 v31, $0x10;
	v28 =	vmul.f32 v13, v28;
	v23 =	vld.idx.msk [tilespmem:v14+s29+$0x0], $0xffff;
	v31 =	vmul.f32 v60, v58  }
0x37e: {  	s7 =	simm.s32 $0x0;
	s4 =	simm.s32 $0x12A80;
	s15 =	simm.s32 $0x0;
	[tilespmem:s5+$0x70] =	vst v56;
	v32 =	vmul.f32 v46, v62;
	v41 =	vsub.f32 $1.000000000e+00, v16;
	v14 =	vmul.f32 v24, v63;
	v24 =	vld.idx.msk [tilespmem:v17+s29+$0x0], $0xffff  }
.LBB2_38:
0x37f: {  	v33 =	vld [tilespmem:s4+$0xFFFFF870];
	v8 =	vmul.f32 v8, v26;
	v26 =	vadd.f32 v31, v28  }
0x380: {  	v10 =	vmul.f32 v10, v18;
	v17 =	vld [tilespmem:s4+$0xFFFFF810];
	v27 =	vadd.f32 v27, v32  }
0x381: {  	s15 =	sadd.s32 $0x80, s15;
	v11 =	vmul.f32 v11, v19;
	v18 =	vld [tilespmem:s4+$0xFFFFF820];
	v8 =	vadd.f32 v29, v8;
	v26 =	vmul.f32 v26, v41  }
0x382: {  	p0 =	slt.u32 s15, $0x780;
	v10 =	vadd.f32 v30, v10;
	v9 =	vmul.f32 v9, v22;
	v19 =	vld [tilespmem:s4+$0xFFFFF830];
	v20 =	vmul.f32 v20, v27  }
0x383: {  	v11 =	vadd.f32 v37, v11;
	v12 =	vmul.f32 v12, v23;
	v22 =	vld [tilespmem:s4+$0xFFFFF840];
	v8 =	vmul.f32 v25, v8  }
0x384: {  	v9 =	vadd.f32 v35, v9;
	v13 =	vmul.f32 v13, v24;
	v23 =	vld [tilespmem:s4+$0xFFFFF850];
	v25 =	vadd.s32 $0x1, v33  }
0x385: {  	v30 =	vadd.s32 $0x108, v33;
	v27 =	vadd.s32 $0x1, v17;
	v29 =	vadd.s32 $0x108, v17;
	v24 =	vld [tilespmem:s4+$0xFFFFF860]  }
0x386: {  	v32 =	vadd.s32 $0x109, v33;
	v41 =	vadd.s32 $0x109, v17;
	v28 =	vld [tilespmem:s4+$0xFFFFF800];
	v42 =	vadd.s32 $0x1, v18  }
0x387: {  	v43 =	vadd.s32 $0x108, v18;
	v44 =	vadd.s32 $0x109, v18;
	v45 =	vadd.s32 $0x1, v19;
	v46 =	vld [tilespmem:s4+$0x70]  }
0x388: {  	v47 =	vadd.s32 $0x108, v19;
	v48 =	vadd.s32 $0x109, v19;
	v49 =	vadd.s32 $0x1, v22;
	v33 =	vld.idx.msk [tilespmem:v33+s29+$0x0], $0xffff  }
0x389: {  	v50 =	vadd.s32 $0x108, v22;
	v37 =	vadd.s32 $0x109, v22;
	v39 =	vadd.s32 $0x1, v23;
	v25 =	vld.idx.msk [tilespmem:v25+s29+$0x0], $0xffff  }
0x38a: {  	v36 =	vadd.s32 $0x108, v23;
	v35 =	vadd.s32 $0x109, v23;
	v31 =	vadd.s32 $0x1, v24;
	v30 =	vld.idx.msk [tilespmem:v30+s29+$0x0], $0xffff  }
0x38b: {  	v51 =	vadd.s32 $0x1, v28;
	v52 =	vadd.s32 $0x108, v28;
	v53 =	vadd.s32 $0x109, v28;
	v54 =	vld.idx.msk [tilespmem:v32+s29+$0x0], $0xffff  }
0x38c: {  	v12 =	vadd.f32 v38, v12;
	v34 =	vadd.s32 $0x108, v24;
	v32 =	vadd.s32 $0x109, v24;
	v55 =	vld [tilespmem:s4+$0x0]  }
0x38d: {  	v57 =	vmul.f32 v4, v10;
	v4 =	vadd.f32 v40, v13;
	v56 =	vand.u32 $0xFFFF0000, v46;
	v38 =	vld [tilespmem:s4+$0x10]  }
0x38e: {  	v58 =	vmul.f32 v5, v11;
	v59 =	vmul.f32 v2, v9;
	v10 =	vsub.f32 $1.000000000e+00, v56;
	v40 =	vld [tilespmem:s4+$0x20]  }
0x38f: {  	v5 =	vadd.f32 v15, v20;
	v60 =	vmul.f32 v6, v12;
	v61 =	vmul.f32 v16, v4;
	v2 =	vld [tilespmem:s4+$0x30]  }
0x390: {  	v11 =	vadd.f32 v21, v8;
	v4 =	vmul.f32 v56, v33;
	v9 =	vmul.f32 v10, v25;
	v6 =	vld [tilespmem:s4+$0x40]  }
0x391: {  	v12 =	vshll.u32 v46, $0x10;
	v13 =	vmul.f32 v56, v30;
	v16 =	vmul.f32 v54, v10;
	v15 =	vld [tilespmem:s4+$0x50];
	[tilespmem:s12+$0x14A00] =	vst v5  }
0x392: {  	v33 =	vand.u32 $0xFFFF0000, v55;
	v5 =	vsub.f32 $1.000000000e+00, v12;
	v8 =	vand.u32 $0xFFFF0000, v38;
	v21 =	vld [tilespmem:s4+$0x60];
	[tilespmem:s5+$0x10] =	vst v11  }
0x393: {  	v4 =	vadd.f32 v9, v4;
	v13 =	vadd.f32 v16, v13;
	v25 =	vld.idx.msk [tilespmem:v51+s29+$0x0], $0xffff;
	v10 =	vand.u32 $0xFFFF0000, v40  }
0x394: {  	v30 =	vsub.f32 $1.000000000e+00, v33;
	v46 =	vsub.f32 $1.000000000e+00, v8;
	v16 =	vld.idx.msk [tilespmem:v52+s29+$0x0], $0xffff;
	v11 =	vand.u32 $0xFFFF0000, v2  }
0x395: {  	s21 =	sadd.s32 $0x40, s21;
	s7 =	sadd.s32 $0x400, s7;
	v4 =	vmul.f32 v12, v4;
	v5 =	vmul.f32 v13, v5;
	v51 =	vld.idx.msk [tilespmem:v53+s29+$0x0], $0xffff;
	v9 =	vand.u32 $0xFFFF0000, v6  }
0x396: {  	s22 =	sand.u32 $0x380, s21;
	s12 =	sand.u32 $0x400, s7;
	v53 =	vsub.f32 $1.000000000e+00, v10;
	v54 =	vsub.f32 $1.000000000e+00, v11;
	v52 =	vld.idx.msk [tilespmem:v27+s29+$0x0], $0xffff;
	v12 =	vand.u32 $0xFFFF0000, v15  }
0x397: {  	s12 =	sor.u32 s22, s12;
	v62 =	vsub.f32 $1.000000000e+00, v9;
	v5 =	vadd.f32 v5, v4;
	v56 =	vld.idx.msk [tilespmem:v29+s29+$0x0], $0xffff;
	v13 =	vand.u32 $0xFFFF0000, v21  }
0x398: {  	v20 =	vshll.u32 v55, $0x10;
	s22 =	sadd.s32 $0x14A00, s12;
	v55 =	vsub.f32 $1.000000000e+00, v12;
	v41 =	vld.idx.msk [tilespmem:v41+s29+$0x0], $0xffff;
	v63 =	vsub.f32 $1.000000000e+00, v13  }
0x399: {  	v4 =	vshll.u32 v40, $0x10;
	v27 =	vmul.f32 v30, v25;
	v25 =	vshll.u32 v38, $0x10;
	v38 =	vld.idx.msk [tilespmem:v42+s29+$0x0], $0xffff;
	[tilespmem:s22+$0x70] =	vst v5  }
0x39a: {  	v40 =	vmul.f32 v33, v16;
	v5 =	vshll.u32 v2, $0x10;
	v2 =	vshll.u32 v6, $0x10;
	v42 =	vld.idx.msk [tilespmem:v43+s29+$0x0], $0xffff  }
0x39b: {  	v6 =	vshll.u32 v15, $0x10;
	v16 =	vshll.u32 v21, $0x10;
	v30 =	vmul.f32 v51, v30;
	v43 =	vld.idx.msk [tilespmem:v44+s29+$0x0], $0xffff  }
0x39c: {  	v15 =	vsub.f32 $1.000000000e+00, v20;
	v21 =	vsub.f32 $1.000000000e+00, v25;
	v29 =	vmul.f32 v46, v52;
	v44 =	vld.idx.msk [tilespmem:v45+s29+$0x0], $0xffff  }
0x39d: {  	v51 =	vsub.f32 $1.000000000e+00, v4;
	v40 =	vadd.f32 v30, v40;
	v45 =	vmul.f32 v8, v56;
	v47 =	vld.idx.msk [tilespmem:v47+s29+$0x0], $0xffff  }
0x39e: {  	v52 =	vsub.f32 $1.000000000e+00, v5;
	v56 =	vsub.f32 $1.000000000e+00, v2;
	v46 =	vmul.f32 v41, v46;
	v48 =	vld.idx.msk [tilespmem:v48+s29+$0x0], $0xffff  }
0x39f: {  	v41 =	vsub.f32 $1.000000000e+00, v16;
	v30 =	vmul.f32 v53, v38;
	v38 =	vld.idx.msk [tilespmem:v49+s29+$0x0], $0xffff;
	v49 =	vsub.f32 $1.000000000e+00, v6  }
0x3a0: {  	v15 =	vmul.f32 v40, v15;
	v40 =	vadd.f32 v46, v45;
	v42 =	vmul.f32 v10, v42;
	v45 =	vld.idx.msk [tilespmem:v50+s29+$0x0], $0xffff  }
0x3a1: {  	v1 =	vadd.f32 v1, v57;
	v3 =	vadd.f32 v3, v58;
	v43 =	vmul.f32 v43, v53;
	v46 =	vld.idx.msk [tilespmem:v37+s29+$0x0], $0xffff  }
0x3a2: {  	v7 =	vadd.f32 v7, v59;
	v21 =	vmul.f32 v40, v21;
	v37 =	vmul.f32 v54, v44;
	v39 =	vld.idx.msk [tilespmem:v39+s29+$0x0], $0xffff  }
0x3a3: {  	v14 =	vadd.f32 v14, v60;
	v40 =	vadd.f32 v43, v42;
	v42 =	vmul.f32 v11, v47;
	v36 =	vld.idx.msk [tilespmem:v36+s29+$0x0], $0xffff  }
0x3a4: {  	v26 =	vadd.f32 v26, v61;
	v43 =	vmul.f32 v48, v54;
	v44 =	vld.idx.msk [tilespmem:v35+s29+$0x0], $0xffff;
	[tilespmem:s5+$0x20] =	vst v1  }
0x3a5: {  	v1 =	vmul.f32 v40, v51;
	v35 =	vmul.f32 v62, v38;
	v31 =	vld.idx.msk [tilespmem:v31+s29+$0x0], $0xffff;
	[tilespmem:s5+$0x30] =	vst v3  }
0x3a6: {  	v3 =	vadd.f32 v43, v42;
	v40 =	vmul.f32 v9, v45;
	v34 =	vld.idx.msk [tilespmem:v34+s29+$0x0], $0xffff;
	[tilespmem:s5+$0x40] =	vst v7  }
0x3a7: {  	v7 =	vmul.f32 v46, v62;
	v32 =	vld.idx.msk [tilespmem:v32+s29+$0x0], $0xffff;
	[tilespmem:s5+$0x50] =	vst v14  }
0x3a8: {  	v3 =	vmul.f32 v3, v52;
	v38 =	vmul.f32 v55, v39;
	v14 =	vld.idx.msk [tilespmem:v28+s29+$0x0], $0xffff;
	[tilespmem:s5+$0x60] =	vst v26;
	s5 =	smov.u32 s22  }
0x3a9: {  	v7 =	vadd.f32 v7, v40;
	v26 =	vld.idx.msk [tilespmem:v17+s29+$0x0], $0xffff;
	v17 =	vmul.f32 v12, v36  }
.Ltmp22:
0x3aa: {  	v28 =	vmul.f32 v44, v55;
	v18 =	vld.idx.msk [tilespmem:v18+s29+$0x0], $0xffff;
	(pc) =	sbr.rel @p0 .LBB2_38-.Ltmp22, $4  }
0x3ab: {  	v7 =	vmul.f32 v7, v56;
	v40 =	vmul.f32 v63, v31;
	v19 =	vld.idx.msk [tilespmem:v19+s29+$0x0], $0xffff  }
0x3ac: {  	v17 =	vadd.f32 v28, v17;
	v28 =	vmul.f32 v13, v34;
	v22 =	vld.idx.msk [tilespmem:v22+s29+$0x0], $0xffff  }
0x3ad: {  	v31 =	vmul.f32 v32, v63;
	v23 =	vld.idx.msk [tilespmem:v23+s29+$0x0], $0xffff  }
0x3ae: {  	s4 =	sadd.s32 $0x80, s4;
	v32 =	vmul.f32 v33, v14;
	v14 =	vmul.f32 v17, v49;
	v24 =	vld.idx.msk [tilespmem:v24+s29+$0x0], $0xffff  }
0x3af: {  	v8 =	vmul.f32 v8, v26  }
0x3b0: {  	v10 =	vmul.f32 v10, v18;
	v17 =	vadd.f32 v27, v32;
	v11 =	vmul.f32 v11, v19  }
0x3b1: {  	v18 =	vadd.f32 v31, v28;
	v8 =	vadd.f32 v29, v8;
	v9 =	vmul.f32 v9, v22  }
0x3b2: {  	v10 =	vadd.f32 v30, v10;
	v17 =	vmul.f32 v20, v17;
	v11 =	vadd.f32 v37, v11  }
0x3b3: {  	v12 =	vmul.f32 v12, v23;
	v8 =	vmul.f32 v25, v8;
	v9 =	vadd.f32 v35, v9  }
0x3b4: {  	v13 =	vmul.f32 v13, v24;
	v4 =	vmul.f32 v4, v10;
	v10 =	vadd.f32 v15, v17  }
0x3b5: {  	v12 =	vadd.f32 v38, v12;
	v5 =	vmul.f32 v5, v11;
	v8 =	vadd.f32 v21, v8  }
0x3b6: {  	v11 =	vadd.f32 v40, v13;
	v2 =	vmul.f32 v2, v9;
	v1 =	vadd.f32 v1, v4;
	[tilespmem:s12+$0x14A00] =	vst v10  }
0x3b7: {  	v4 =	vmul.f32 v6, v12;
	v3 =	vadd.f32 v3, v5;
	[tilespmem:s5+$0x10] =	vst v8  }
0x3b8: {  	v5 =	vmul.f32 v18, v41;
	v6 =	vmul.f32 v16, v11;
	v2 =	vadd.f32 v7, v2;
	[tilespmem:s5+$0x20] =	vst v1  }
0x3b9: {  	v1 =	vadd.f32 v14, v4;
	[tilespmem:s5+$0x30] =	vst v3  }
0x3ba: {  	s4 =	sor.u32 s18, s30;
	v3 =	vadd.f32 v5, v6;
	[tilespmem:s5+$0x40] =	vst v2  }
0x3bb: {  	s21 =	simm.s32 $0x0;
	s4 =	sshrl.u32 s4, $0x3;
	[tilespmem:s5+$0x50] =	vst v1  }
0x3bc: {  	s15 =	simm.s32 $0x12A00;
	s4 =	sadd.s32 s1, s4;
	s12 =	simm.s32 $0x14A00;
	[tilespmem:s5+$0x60] =	vst v3  }
0x3bd: {  	[hbm4b:s4+s21] =	stream.linear.scatter [tilespmem:s12], [sflag:$0x4], $0x800, $0x38;
	[tilespmem:$0x17200] =	vst v63  }
0x3be: {  	v1 =	vld [tilespmem:s15+$0xFFFFF870]  }
0x3bf: {  	v3 =	vld [tilespmem:s15+$0xFFFFF810]  }
0x3c0: {  	v18 =	vld [tilespmem:s15+$0xFFFFF820]  }
0x3c1: {  	v7 =	vld [tilespmem:s15+$0xFFFFF830]  }
0x3c2: {  	v16 =	vld [tilespmem:s15+$0xFFFFF840]  }
0x3c3: {  	v14 =	vld [tilespmem:s15+$0xFFFFF850]  }
0x3c4: {  	v17 =	vld [tilespmem:s15+$0xFFFFF860]  }
0x3c5: {  	v19 =	vld [tilespmem:s15+$0xFFFFF800]  }
0x3c6: {  	v6 =	vld [tilespmem:s15+$0x70]  }
0x3c7: {  	v15 =	vld [tilespmem:s15+$0x0]  }
0x3c8: {  	v21 =	vld [tilespmem:s15+$0x10]  }
0x3c9: {  	v22 =	vld [tilespmem:s15+$0x20];
	v2 =	vadd.s32 $0x1, v1  }
0x3ca: {  	v23 =	vld [tilespmem:s15+$0x30];
	v4 =	vadd.s32 $0x108, v1  }
0x3cb: {  	v24 =	vld [tilespmem:s15+$0x40];
	v5 =	vadd.s32 $0x109, v1  }
0x3cc: {  	v28 =	vld [tilespmem:s15+$0x50];
	v8 =	vadd.s32 $0x1, v19  }
0x3cd: {  	v10 =	vadd.s32 $0x108, v19;
	v1 =	vld.idx.msk [tilespmem:v1+s31+$0x0], $0xffff  }
0x3ce: {  	v13 =	vadd.s32 $0x109, v19;
	v2 =	vld.idx.msk [tilespmem:v2+s31+$0x0], $0xffff  }
0x3cf: {  	v9 =	vadd.s32 $0x1, v3;
	v4 =	vld.idx.msk [tilespmem:v4+s31+$0x0], $0xffff  }
0x3d0: {  	v11 =	vadd.s32 $0x108, v3;
	v5 =	vld.idx.msk [tilespmem:v5+s31+$0x0], $0xffff  }
0x3d1: {  	v12 =	vadd.s32 $0x109, v3;
	v62 =	vld.idx.msk [tilespmem:v8+s31+$0x0], $0xffff  }
0x3d2: {  	v20 =	vadd.s32 $0x1, v18;
	v63 =	vld.idx.msk [tilespmem:v10+s31+$0x0], $0xffff  }
0x3d3: {  	v25 =	vadd.s32 $0x108, v18;
	v42 =	vld.idx.msk [tilespmem:v13+s31+$0x0], $0xffff  }
0x3d4: {  	v26 =	vadd.s32 $0x109, v18;
	v27 =	vadd.s32 $0x1, v7;
	v44 =	vld.idx.msk [tilespmem:v9+s31+$0x0], $0xffff  }
0x3d5: {  	v29 =	vadd.s32 $0x108, v7;
	v30 =	vadd.s32 $0x109, v7;
	v32 =	vadd.s32 $0x1, v16;
	v61 =	vld.idx.msk [tilespmem:v11+s31+$0x0], $0xffff  }
0x3d6: {  	v33 =	vadd.s32 $0x108, v16;
	v34 =	vand.u32 $0xFFFF0000, v6;
	v36 =	vadd.s32 $0x109, v16;
	v47 =	vld.idx.msk [tilespmem:v12+s31+$0x0], $0xffff  }
0x3d7: {  	v37 =	vadd.s32 $0x1, v14;
	v39 =	vadd.s32 $0x108, v14;
	v40 =	vadd.s32 $0x109, v14;
	v48 =	vld.idx.msk [tilespmem:v20+s31+$0x0], $0xffff  }
0x3d8: {  	v60 =	vadd.s32 $0x1, v17;
	v43 =	vadd.s32 $0x108, v17;
	v6 =	vshll.u32 v6, $0x10;
	v50 =	vld.idx.msk [tilespmem:v25+s31+$0x0], $0xffff  }
0x3d9: {  	v45 =	vadd.s32 $0x109, v17;
	v46 =	vand.u32 $0xFFFF0000, v15;
	v8 =	vsub.f32 $1.000000000e+00, v34;
	v26 =	vld.idx.msk [tilespmem:v26+s31+$0x0], $0xffff  }
0x3da: {  	v13 =	vsub.f32 $1.000000000e+00, v6;
	v10 =	vand.u32 $0xFFFF0000, v22;
	v11 =	vand.u32 $0xFFFF0000, v23;
	v53 =	vld.idx.msk [tilespmem:v27+s31+$0x0], $0xffff  }
0x3db: {  	v9 =	vand.u32 $0xFFFF0000, v24;
	v12 =	vand.u32 $0xFFFF0000, v28;
	v55 =	vld.idx.msk [tilespmem:v29+s31+$0x0], $0xffff;
	v20 =	vshll.u32 v15, $0x10  }
0x3dc: {  	v25 =	vshll.u32 v21, $0x10;
	v32 =	vld.idx.msk [tilespmem:v32+s31+$0x0], $0xffff;
	v51 =	vsub.f32 $1.000000000e+00, v10;
	v52 =	vsub.f32 $1.000000000e+00, v11  }
0x3dd: {  	v54 =	vsub.f32 $1.000000000e+00, v9;
	v1 =	vmul.f32 v34, v1;
	v2 =	vmul.f32 v8, v2  }
0x3de: {  	v31 =	vld [tilespmem:s15+$0x60];
	v57 =	vsub.f32 $1.000000000e+00, v12;
	v4 =	vmul.f32 v34, v4;
	v5 =	vmul.f32 v5, v8  }
0x3df: {  	v8 =	vand.u32 $0xFFFF0000, v21;
	v34 =	vld.idx.msk [tilespmem:v37+s31+$0x0], $0xffff;
	v26 =	vmul.f32 v26, v51;
	v37 =	vmul.f32 v52, v53  }
0x3e0: {  	v55 =	vmul.f32 v11, v55;
	v49 =	vsub.f32 $1.000000000e+00, v8;
	v1 =	vadd.f32 v2, v1  }
0x3e1: {  	v35 =	vmul.f32 v54, v32;
	v2 =	vadd.f32 v5, v4;
	v5 =	vsub.f32 $1.000000000e+00, v46  }
0x3e2: {  	v21 =	vsub.f32 $1.000000000e+00, v20;
	v29 =	vmul.f32 v49, v44;
	v1 =	vmul.f32 v6, v1  }
0x3e3: {  	v18 =	vld.idx.msk [tilespmem:v18+s31+$0x0], $0xffff;
	v4 =	vshll.u32 v22, $0x10;
	v2 =	vmul.f32 v2, v13;
	v27 =	vmul.f32 v5, v62  }
0x3e4: {  	v22 =	vld.idx.msk [tilespmem:v33+s31+$0x0], $0xffff;
	v13 =	vand.u32 $0xFFFF0000, v31;
	v6 =	vmul.f32 v46, v63;
	v15 =	vmul.f32 v42, v5  }
0x3e5: {  	v5 =	vshll.u32 v23, $0x10;
	v62 =	vmul.f32 v47, v49;
	v56 =	vadd.f32 v2, v1;
	v1 =	vld.idx.msk [tilespmem:v30+s31+$0x0], $0xffff  }
0x3e6: {  	v23 =	vld.idx.msk [tilespmem:v36+s31+$0x0], $0xffff;
	v2 =	vshll.u32 v24, $0x10;
	v15 =	vadd.f32 v15, v6;
	v24 =	vmul.f32 v8, v61  }
0x3e7: {  	v63 =	vld.idx.msk [tilespmem:v39+s31+$0x0], $0xffff;
	v49 =	vmul.f32 v10, v50;
	v58 =	vsub.f32 $1.000000000e+00, v13;
	v38 =	vmul.f32 v57, v34  }
0x3e8: {  	v6 =	vshll.u32 v28, $0x10;
	v15 =	vmul.f32 v15, v21;
	v21 =	vadd.f32 v62, v24;
	v24 =	vld.idx.msk [tilespmem:v40+s31+$0x0], $0xffff  }
0x3e9: {  	v50 =	vld.idx.msk [tilespmem:v60+s31+$0x0], $0xffff;
	v28 =	vsub.f32 $1.000000000e+00, v25;
	v30 =	vmul.f32 v51, v48;
	v48 =	vsub.f32 $1.000000000e+00, v4  }
0x3ea: {  	v60 =	vld.idx.msk [tilespmem:v45+s31+$0x0], $0xffff;
	v26 =	vadd.f32 v26, v49;
	v22 =	vmul.f32 v9, v22;
	v59 =	vmul.f32 v1, v52  }
0x3eb: {  	v51 =	vsub.f32 $1.000000000e+00, v5;
	v23 =	vmul.f32 v23, v54;
	v21 =	vmul.f32 v21, v28;
	v28 =	vld.idx.msk [tilespmem:v43+s31+$0x0], $0xffff  }
0x3ec: {  	v61 =	vsub.f32 $1.000000000e+00, v2;
	v62 =	vld.idx.msk [tilespmem:v19+s31+$0x0], $0xffff;
	v1 =	vmul.f32 v26, v48;
	v19 =	vadd.f32 v59, v55  }
0x3ed: {  	v26 =	vld.idx.msk [tilespmem:v3+s31+$0x0], $0xffff;
	v22 =	vadd.f32 v23, v22;
	v23 =	vmul.f32 v12, v63;
	v24 =	vmul.f32 v24, v57  }
0x3ee: {  	s22 =	sand.u32 $0x400, s21;
	s26 =	sand.u32 $0x380, s21;
	v40 =	vmul.f32 v58, v50;
	v3 =	vmul.f32 v19, v51;
	v19 =	vld.idx.msk [tilespmem:v7+s31+$0x0], $0xffff  }
0x3ef: {  	s12 =	sor.u32 s26, s22;
	v63 =	vsub.f32 $1.000000000e+00, v6;
	v7 =	vmul.f32 v22, v61;
	v22 =	vld.idx.msk [tilespmem:v16+s31+$0x0], $0xffff;
	v24 =	vadd.f32 v24, v23  }
0x3f0: {  	s5 =	sadd.s32 $0x15A00, s12;
	v16 =	vshll.u32 v31, $0x10;
	v28 =	vmul.f32 v13, v28;
	v23 =	vld.idx.msk [tilespmem:v14+s31+$0x0], $0xffff;
	v31 =	vmul.f32 v60, v58  }
0x3f1: {  	s7 =	simm.s32 $0x0;
	s4 =	simm.s32 $0x12A80;
	s15 =	simm.s32 $0x0;
	[tilespmem:s5+$0x70] =	vst v56;
	v32 =	vmul.f32 v46, v62;
	v41 =	vsub.f32 $1.000000000e+00, v16;
	v14 =	vmul.f32 v24, v63;
	v24 =	vld.idx.msk [tilespmem:v17+s31+$0x0], $0xffff  }
.LBB2_40:
0x3f2: {  	v33 =	vld [tilespmem:s4+$0xFFFFF870];
	v8 =	vmul.f32 v8, v26;
	v26 =	vadd.f32 v31, v28  }
0x3f3: {  	v10 =	vmul.f32 v10, v18;
	v17 =	vld [tilespmem:s4+$0xFFFFF810];
	v27 =	vadd.f32 v27, v32  }
0x3f4: {  	s15 =	sadd.s32 $0x80, s15;
	v11 =	vmul.f32 v11, v19;
	v18 =	vld [tilespmem:s4+$0xFFFFF820];
	v8 =	vadd.f32 v29, v8;
	v26 =	vmul.f32 v26, v41  }
0x3f5: {  	p0 =	slt.u32 s15, $0x780;
	v10 =	vadd.f32 v30, v10;
	v9 =	vmul.f32 v9, v22;
	v19 =	vld [tilespmem:s4+$0xFFFFF830];
	v20 =	vmul.f32 v20, v27  }
0x3f6: {  	v11 =	vadd.f32 v37, v11;
	v12 =	vmul.f32 v12, v23;
	v22 =	vld [tilespmem:s4+$0xFFFFF840];
	v8 =	vmul.f32 v25, v8  }
0x3f7: {  	v9 =	vadd.f32 v35, v9;
	v13 =	vmul.f32 v13, v24;
	v23 =	vld [tilespmem:s4+$0xFFFFF850];
	v25 =	vadd.s32 $0x1, v33  }
0x3f8: {  	v30 =	vadd.s32 $0x108, v33;
	v27 =	vadd.s32 $0x1, v17;
	v29 =	vadd.s32 $0x108, v17;
	v24 =	vld [tilespmem:s4+$0xFFFFF860]  }
0x3f9: {  	v32 =	vadd.s32 $0x109, v33;
	v41 =	vadd.s32 $0x109, v17;
	v28 =	vld [tilespmem:s4+$0xFFFFF800];
	v42 =	vadd.s32 $0x1, v18  }
0x3fa: {  	v43 =	vadd.s32 $0x108, v18;
	v44 =	vadd.s32 $0x109, v18;
	v45 =	vadd.s32 $0x1, v19;
	v46 =	vld [tilespmem:s4+$0x70]  }
0x3fb: {  	v47 =	vadd.s32 $0x108, v19;
	v48 =	vadd.s32 $0x109, v19;
	v49 =	vadd.s32 $0x1, v22;
	v33 =	vld.idx.msk [tilespmem:v33+s31+$0x0], $0xffff  }
0x3fc: {  	v50 =	vadd.s32 $0x108, v22;
	v37 =	vadd.s32 $0x109, v22;
	v39 =	vadd.s32 $0x1, v23;
	v25 =	vld.idx.msk [tilespmem:v25+s31+$0x0], $0xffff  }
0x3fd: {  	v36 =	vadd.s32 $0x108, v23;
	v35 =	vadd.s32 $0x109, v23;
	v31 =	vadd.s32 $0x1, v24;
	v30 =	vld.idx.msk [tilespmem:v30+s31+$0x0], $0xffff  }
0x3fe: {  	v51 =	vadd.s32 $0x1, v28;
	v52 =	vadd.s32 $0x108, v28;
	v53 =	vadd.s32 $0x109, v28;
	v54 =	vld.idx.msk [tilespmem:v32+s31+$0x0], $0xffff  }
0x3ff: {  	v12 =	vadd.f32 v38, v12;
	v34 =	vadd.s32 $0x108, v24;
	v32 =	vadd.s32 $0x109, v24;
	v55 =	vld [tilespmem:s4+$0x0]  }
0x400: {  	v57 =	vmul.f32 v4, v10;
	v4 =	vadd.f32 v40, v13;
	v56 =	vand.u32 $0xFFFF0000, v46;
	v38 =	vld [tilespmem:s4+$0x10]  }
0x401: {  	v58 =	vmul.f32 v5, v11;
	v59 =	vmul.f32 v2, v9;
	v10 =	vsub.f32 $1.000000000e+00, v56;
	v40 =	vld [tilespmem:s4+$0x20]  }
0x402: {  	v5 =	vadd.f32 v15, v20;
	v60 =	vmul.f32 v6, v12;
	v61 =	vmul.f32 v16, v4;
	v2 =	vld [tilespmem:s4+$0x30]  }
0x403: {  	v11 =	vadd.f32 v21, v8;
	v4 =	vmul.f32 v56, v33;
	v9 =	vmul.f32 v10, v25;
	v6 =	vld [tilespmem:s4+$0x40]  }
0x404: {  	v12 =	vshll.u32 v46, $0x10;
	v13 =	vmul.f32 v56, v30;
	v16 =	vmul.f32 v54, v10;
	v15 =	vld [tilespmem:s4+$0x50];
	[tilespmem:s12+$0x15A00] =	vst v5  }
0x405: {  	v33 =	vand.u32 $0xFFFF0000, v55;
	v5 =	vsub.f32 $1.000000000e+00, v12;
	v8 =	vand.u32 $0xFFFF0000, v38;
	v21 =	vld [tilespmem:s4+$0x60];
	[tilespmem:s5+$0x10] =	vst v11  }
0x406: {  	v4 =	vadd.f32 v9, v4;
	v13 =	vadd.f32 v16, v13;
	v25 =	vld.idx.msk [tilespmem:v51+s31+$0x0], $0xffff;
	v10 =	vand.u32 $0xFFFF0000, v40  }
0x407: {  	v30 =	vsub.f32 $1.000000000e+00, v33;
	v46 =	vsub.f32 $1.000000000e+00, v8;
	v16 =	vld.idx.msk [tilespmem:v52+s31+$0x0], $0xffff;
	v11 =	vand.u32 $0xFFFF0000, v2  }
0x408: {  	s21 =	sadd.s32 $0x40, s21;
	s7 =	sadd.s32 $0x400, s7;
	v4 =	vmul.f32 v12, v4;
	v5 =	vmul.f32 v13, v5;
	v51 =	vld.idx.msk [tilespmem:v53+s31+$0x0], $0xffff;
	v9 =	vand.u32 $0xFFFF0000, v6  }
0x409: {  	s22 =	sand.u32 $0x380, s21;
	s12 =	sand.u32 $0x400, s7;
	v53 =	vsub.f32 $1.000000000e+00, v10;
	v54 =	vsub.f32 $1.000000000e+00, v11;
	v52 =	vld.idx.msk [tilespmem:v27+s31+$0x0], $0xffff;
	v12 =	vand.u32 $0xFFFF0000, v15  }
0x40a: {  	s12 =	sor.u32 s22, s12;
	v62 =	vsub.f32 $1.000000000e+00, v9;
	v5 =	vadd.f32 v5, v4;
	v56 =	vld.idx.msk [tilespmem:v29+s31+$0x0], $0xffff;
	v13 =	vand.u32 $0xFFFF0000, v21  }
0x40b: {  	v20 =	vshll.u32 v55, $0x10;
	s22 =	sadd.s32 $0x15A00, s12;
	v55 =	vsub.f32 $1.000000000e+00, v12;
	v41 =	vld.idx.msk [tilespmem:v41+s31+$0x0], $0xffff;
	v63 =	vsub.f32 $1.000000000e+00, v13  }
0x40c: {  	v4 =	vshll.u32 v40, $0x10;
	v27 =	vmul.f32 v30, v25;
	v25 =	vshll.u32 v38, $0x10;
	v38 =	vld.idx.msk [tilespmem:v42+s31+$0x0], $0xffff;
	[tilespmem:s22+$0x70] =	vst v5  }
0x40d: {  	v40 =	vmul.f32 v33, v16;
	v5 =	vshll.u32 v2, $0x10;
	v2 =	vshll.u32 v6, $0x10;
	v42 =	vld.idx.msk [tilespmem:v43+s31+$0x0], $0xffff  }
0x40e: {  	v6 =	vshll.u32 v15, $0x10;
	v16 =	vshll.u32 v21, $0x10;
	v30 =	vmul.f32 v51, v30;
	v43 =	vld.idx.msk [tilespmem:v44+s31+$0x0], $0xffff  }
0x40f: {  	v15 =	vsub.f32 $1.000000000e+00, v20;
	v21 =	vsub.f32 $1.000000000e+00, v25;
	v29 =	vmul.f32 v46, v52;
	v44 =	vld.idx.msk [tilespmem:v45+s31+$0x0], $0xffff  }
0x410: {  	v51 =	vsub.f32 $1.000000000e+00, v4;
	v40 =	vadd.f32 v30, v40;
	v45 =	vmul.f32 v8, v56;
	v47 =	vld.idx.msk [tilespmem:v47+s31+$0x0], $0xffff  }
0x411: {  	v52 =	vsub.f32 $1.000000000e+00, v5;
	v56 =	vsub.f32 $1.000000000e+00, v2;
	v46 =	vmul.f32 v41, v46;
	v48 =	vld.idx.msk [tilespmem:v48+s31+$0x0], $0xffff  }
0x412: {  	v41 =	vsub.f32 $1.000000000e+00, v16;
	v30 =	vmul.f32 v53, v38;
	v38 =	vld.idx.msk [tilespmem:v49+s31+$0x0], $0xffff;
	v49 =	vsub.f32 $1.000000000e+00, v6  }
0x413: {  	v15 =	vmul.f32 v40, v15;
	v40 =	vadd.f32 v46, v45;
	v42 =	vmul.f32 v10, v42;
	v45 =	vld.idx.msk [tilespmem:v50+s31+$0x0], $0xffff  }
0x414: {  	v1 =	vadd.f32 v1, v57;
	v3 =	vadd.f32 v3, v58;
	v43 =	vmul.f32 v43, v53;
	v46 =	vld.idx.msk [tilespmem:v37+s31+$0x0], $0xffff  }
0x415: {  	v7 =	vadd.f32 v7, v59;
	v21 =	vmul.f32 v40, v21;
	v37 =	vmul.f32 v54, v44;
	v39 =	vld.idx.msk [tilespmem:v39+s31+$0x0], $0xffff  }
0x416: {  	v14 =	vadd.f32 v14, v60;
	v40 =	vadd.f32 v43, v42;
	v42 =	vmul.f32 v11, v47;
	v36 =	vld.idx.msk [tilespmem:v36+s31+$0x0], $0xffff  }
0x417: {  	v26 =	vadd.f32 v26, v61;
	v43 =	vmul.f32 v48, v54;
	v44 =	vld.idx.msk [tilespmem:v35+s31+$0x0], $0xffff;
	[tilespmem:s5+$0x20] =	vst v1  }
0x418: {  	v1 =	vmul.f32 v40, v51;
	v35 =	vmul.f32 v62, v38;
	v31 =	vld.idx.msk [tilespmem:v31+s31+$0x0], $0xffff;
	[tilespmem:s5+$0x30] =	vst v3  }
0x419: {  	v3 =	vadd.f32 v43, v42;
	v40 =	vmul.f32 v9, v45;
	v34 =	vld.idx.msk [tilespmem:v34+s31+$0x0], $0xffff;
	[tilespmem:s5+$0x40] =	vst v7  }
0x41a: {  	v7 =	vmul.f32 v46, v62;
	v32 =	vld.idx.msk [tilespmem:v32+s31+$0x0], $0xffff;
	[tilespmem:s5+$0x50] =	vst v14  }
0x41b: {  	v3 =	vmul.f32 v3, v52;
	v38 =	vmul.f32 v55, v39;
	v14 =	vld.idx.msk [tilespmem:v28+s31+$0x0], $0xffff;
	[tilespmem:s5+$0x60] =	vst v26;
	s5 =	smov.u32 s22  }
0x41c: {  	v7 =	vadd.f32 v7, v40;
	v26 =	vld.idx.msk [tilespmem:v17+s31+$0x0], $0xffff;
	v17 =	vmul.f32 v12, v36  }
.Ltmp23:
0x41d: {  	v28 =	vmul.f32 v44, v55;
	v18 =	vld.idx.msk [tilespmem:v18+s31+$0x0], $0xffff;
	(pc) =	sbr.rel @p0 .LBB2_40-.Ltmp23, $4  }
0x41e: {  	v7 =	vmul.f32 v7, v56;
	v40 =	vmul.f32 v63, v31;
	v19 =	vld.idx.msk [tilespmem:v19+s31+$0x0], $0xffff  }
0x41f: {  	v17 =	vadd.f32 v28, v17;
	v28 =	vmul.f32 v13, v34;
	v22 =	vld.idx.msk [tilespmem:v22+s31+$0x0], $0xffff  }
0x420: {  	v31 =	vmul.f32 v32, v63;
	v23 =	vld.idx.msk [tilespmem:v23+s31+$0x0], $0xffff  }
0x421: {  	s4 =	sadd.s32 $0x80, s4;
	v32 =	vmul.f32 v33, v14;
	v14 =	vmul.f32 v17, v49;
	v24 =	vld.idx.msk [tilespmem:v24+s31+$0x0], $0xffff  }
0x422: {  	v8 =	vmul.f32 v8, v26  }
0x423: {  	v10 =	vmul.f32 v10, v18;
	v17 =	vadd.f32 v27, v32;
	v11 =	vmul.f32 v11, v19  }
0x424: {  	v18 =	vadd.f32 v31, v28;
	v8 =	vadd.f32 v29, v8;
	v9 =	vmul.f32 v9, v22  }
0x425: {  	v10 =	vadd.f32 v30, v10;
	v17 =	vmul.f32 v20, v17;
	v11 =	vadd.f32 v37, v11  }
0x426: {  	v12 =	vmul.f32 v12, v23;
	v8 =	vmul.f32 v25, v8;
	v9 =	vadd.f32 v35, v9  }
0x427: {  	v13 =	vmul.f32 v13, v24;
	v4 =	vmul.f32 v4, v10;
	v10 =	vadd.f32 v15, v17  }
0x428: {  	v12 =	vadd.f32 v38, v12;
	v5 =	vmul.f32 v5, v11;
	v8 =	vadd.f32 v21, v8  }
0x429: {  	v11 =	vadd.f32 v40, v13;
	v2 =	vmul.f32 v2, v9;
	v1 =	vadd.f32 v1, v4;
	[tilespmem:s12+$0x15A00] =	vst v10  }
0x42a: {  	v4 =	vmul.f32 v6, v12;
	v3 =	vadd.f32 v3, v5;
	[tilespmem:s5+$0x10] =	vst v8  }
0x42b: {  	v5 =	vmul.f32 v18, v41;
	v6 =	vmul.f32 v16, v11;
	v2 =	vadd.f32 v7, v2;
	[tilespmem:s5+$0x20] =	vst v1  }
0x42c: {  	v1 =	vadd.f32 v14, v4;
	[tilespmem:s5+$0x30] =	vst v3  }
0x42d: {  	s4 =	sor.u32 s18, s0;
	v3 =	vadd.f32 v5, v6;
	[tilespmem:s5+$0x40] =	vst v2  }
0x42e: {  	s21 =	simm.s32 $0x0;
	s4 =	sshrl.u32 s4, $0x3;
	[tilespmem:s5+$0x50] =	vst v1  }
0x42f: {  	s15 =	simm.s32 $0x12A00;
	s4 =	sadd.s32 s1, s4;
	s12 =	simm.s32 $0x15A00;
	[tilespmem:s5+$0x60] =	vst v3  }
0x430: {  	[hbm4b:s4+s21] =	stream.linear.scatter [tilespmem:s12], [sflag:$0x4], $0x800, $0x38;
	[tilespmem:$0x17200] =	vst v63  }
0x431: {  	v1 =	vld [tilespmem:s15+$0xFFFFF870]  }
0x432: {  	v3 =	vld [tilespmem:s15+$0xFFFFF810]  }
0x433: {  	v18 =	vld [tilespmem:s15+$0xFFFFF820]  }
0x434: {  	v7 =	vld [tilespmem:s15+$0xFFFFF830]  }
0x435: {  	v16 =	vld [tilespmem:s15+$0xFFFFF840]  }
0x436: {  	v14 =	vld [tilespmem:s15+$0xFFFFF850]  }
0x437: {  	v17 =	vld [tilespmem:s15+$0xFFFFF860]  }
0x438: {  	v19 =	vld [tilespmem:s15+$0xFFFFF800]  }
0x439: {  	v6 =	vld [tilespmem:s15+$0x70]  }
0x43a: {  	v15 =	vld [tilespmem:s15+$0x0]  }
0x43b: {  	v21 =	vld [tilespmem:s15+$0x10]  }
0x43c: {  	v22 =	vld [tilespmem:s15+$0x20];
	v2 =	vadd.s32 $0x1, v1  }
0x43d: {  	v23 =	vld [tilespmem:s15+$0x30];
	v4 =	vadd.s32 $0x108, v1  }
0x43e: {  	v24 =	vld [tilespmem:s15+$0x40];
	v5 =	vadd.s32 $0x109, v1  }
0x43f: {  	v28 =	vld [tilespmem:s15+$0x50];
	v8 =	vadd.s32 $0x1, v19  }
0x440: {  	v10 =	vadd.s32 $0x108, v19;
	v1 =	vld.idx.msk [tilespmem:v1+s2+$0x0], $0xffff  }
0x441: {  	v13 =	vadd.s32 $0x109, v19;
	v2 =	vld.idx.msk [tilespmem:v2+s2+$0x0], $0xffff  }
0x442: {  	v9 =	vadd.s32 $0x1, v3;
	v4 =	vld.idx.msk [tilespmem:v4+s2+$0x0], $0xffff  }
0x443: {  	v11 =	vadd.s32 $0x108, v3;
	v5 =	vld.idx.msk [tilespmem:v5+s2+$0x0], $0xffff  }
0x444: {  	v12 =	vadd.s32 $0x109, v3;
	v62 =	vld.idx.msk [tilespmem:v8+s2+$0x0], $0xffff  }
0x445: {  	v20 =	vadd.s32 $0x1, v18;
	v63 =	vld.idx.msk [tilespmem:v10+s2+$0x0], $0xffff  }
0x446: {  	v25 =	vadd.s32 $0x108, v18;
	v42 =	vld.idx.msk [tilespmem:v13+s2+$0x0], $0xffff  }
0x447: {  	v26 =	vadd.s32 $0x109, v18;
	v27 =	vadd.s32 $0x1, v7;
	v44 =	vld.idx.msk [tilespmem:v9+s2+$0x0], $0xffff  }
0x448: {  	v29 =	vadd.s32 $0x108, v7;
	v30 =	vadd.s32 $0x109, v7;
	v32 =	vadd.s32 $0x1, v16;
	v61 =	vld.idx.msk [tilespmem:v11+s2+$0x0], $0xffff  }
0x449: {  	v33 =	vadd.s32 $0x108, v16;
	v34 =	vand.u32 $0xFFFF0000, v6;
	v36 =	vadd.s32 $0x109, v16;
	v47 =	vld.idx.msk [tilespmem:v12+s2+$0x0], $0xffff  }
0x44a: {  	v37 =	vadd.s32 $0x1, v14;
	v39 =	vadd.s32 $0x108, v14;
	v40 =	vadd.s32 $0x109, v14;
	v48 =	vld.idx.msk [tilespmem:v20+s2+$0x0], $0xffff  }
0x44b: {  	v60 =	vadd.s32 $0x1, v17;
	v43 =	vadd.s32 $0x108, v17;
	v6 =	vshll.u32 v6, $0x10;
	v50 =	vld.idx.msk [tilespmem:v25+s2+$0x0], $0xffff  }
0x44c: {  	v45 =	vadd.s32 $0x109, v17;
	v46 =	vand.u32 $0xFFFF0000, v15;
	v8 =	vsub.f32 $1.000000000e+00, v34;
	v26 =	vld.idx.msk [tilespmem:v26+s2+$0x0], $0xffff  }
0x44d: {  	v13 =	vsub.f32 $1.000000000e+00, v6;
	v10 =	vand.u32 $0xFFFF0000, v22;
	v11 =	vand.u32 $0xFFFF0000, v23;
	v53 =	vld.idx.msk [tilespmem:v27+s2+$0x0], $0xffff  }
0x44e: {  	v9 =	vand.u32 $0xFFFF0000, v24;
	v12 =	vand.u32 $0xFFFF0000, v28;
	v55 =	vld.idx.msk [tilespmem:v29+s2+$0x0], $0xffff;
	v20 =	vshll.u32 v15, $0x10  }
0x44f: {  	v25 =	vshll.u32 v21, $0x10;
	v32 =	vld.idx.msk [tilespmem:v32+s2+$0x0], $0xffff;
	v51 =	vsub.f32 $1.000000000e+00, v10;
	v52 =	vsub.f32 $1.000000000e+00, v11  }
0x450: {  	v54 =	vsub.f32 $1.000000000e+00, v9;
	v1 =	vmul.f32 v34, v1;
	v2 =	vmul.f32 v8, v2  }
0x451: {  	v31 =	vld [tilespmem:s15+$0x60];
	v57 =	vsub.f32 $1.000000000e+00, v12;
	v4 =	vmul.f32 v34, v4;
	v5 =	vmul.f32 v5, v8  }
0x452: {  	v8 =	vand.u32 $0xFFFF0000, v21;
	v34 =	vld.idx.msk [tilespmem:v37+s2+$0x0], $0xffff;
	v26 =	vmul.f32 v26, v51;
	v37 =	vmul.f32 v52, v53  }
0x453: {  	v55 =	vmul.f32 v11, v55;
	v49 =	vsub.f32 $1.000000000e+00, v8;
	v1 =	vadd.f32 v2, v1  }
0x454: {  	v35 =	vmul.f32 v54, v32;
	v2 =	vadd.f32 v5, v4;
	v5 =	vsub.f32 $1.000000000e+00, v46  }
0x455: {  	v21 =	vsub.f32 $1.000000000e+00, v20;
	v29 =	vmul.f32 v49, v44;
	v1 =	vmul.f32 v6, v1  }
0x456: {  	v18 =	vld.idx.msk [tilespmem:v18+s2+$0x0], $0xffff;
	v4 =	vshll.u32 v22, $0x10;
	v2 =	vmul.f32 v2, v13;
	v27 =	vmul.f32 v5, v62  }
0x457: {  	v22 =	vld.idx.msk [tilespmem:v33+s2+$0x0], $0xffff;
	v13 =	vand.u32 $0xFFFF0000, v31;
	v6 =	vmul.f32 v46, v63;
	v15 =	vmul.f32 v42, v5  }
0x458: {  	v5 =	vshll.u32 v23, $0x10;
	v62 =	vmul.f32 v47, v49;
	v56 =	vadd.f32 v2, v1;
	v1 =	vld.idx.msk [tilespmem:v30+s2+$0x0], $0xffff  }
0x459: {  	v23 =	vld.idx.msk [tilespmem:v36+s2+$0x0], $0xffff;
	v2 =	vshll.u32 v24, $0x10;
	v15 =	vadd.f32 v15, v6;
	v24 =	vmul.f32 v8, v61  }
0x45a: {  	v63 =	vld.idx.msk [tilespmem:v39+s2+$0x0], $0xffff;
	v49 =	vmul.f32 v10, v50;
	v58 =	vsub.f32 $1.000000000e+00, v13;
	v38 =	vmul.f32 v57, v34  }
0x45b: {  	v6 =	vshll.u32 v28, $0x10;
	v15 =	vmul.f32 v15, v21;
	v21 =	vadd.f32 v62, v24;
	v24 =	vld.idx.msk [tilespmem:v40+s2+$0x0], $0xffff  }
0x45c: {  	v50 =	vld.idx.msk [tilespmem:v60+s2+$0x0], $0xffff;
	v28 =	vsub.f32 $1.000000000e+00, v25;
	v30 =	vmul.f32 v51, v48;
	v48 =	vsub.f32 $1.000000000e+00, v4  }
0x45d: {  	v60 =	vld.idx.msk [tilespmem:v45+s2+$0x0], $0xffff;
	v26 =	vadd.f32 v26, v49;
	v22 =	vmul.f32 v9, v22;
	v59 =	vmul.f32 v1, v52  }
0x45e: {  	v51 =	vsub.f32 $1.000000000e+00, v5;
	v23 =	vmul.f32 v23, v54;
	v21 =	vmul.f32 v21, v28;
	v28 =	vld.idx.msk [tilespmem:v43+s2+$0x0], $0xffff  }
0x45f: {  	v61 =	vsub.f32 $1.000000000e+00, v2;
	v62 =	vld.idx.msk [tilespmem:v19+s2+$0x0], $0xffff;
	v1 =	vmul.f32 v26, v48;
	v19 =	vadd.f32 v59, v55  }
0x460: {  	v26 =	vld.idx.msk [tilespmem:v3+s2+$0x0], $0xffff;
	v22 =	vadd.f32 v23, v22;
	v23 =	vmul.f32 v12, v63;
	v24 =	vmul.f32 v24, v57  }
0x461: {  	s22 =	sand.u32 $0x400, s21;
	s26 =	sand.u32 $0x380, s21;
	v40 =	vmul.f32 v58, v50;
	v3 =	vmul.f32 v19, v51;
	v19 =	vld.idx.msk [tilespmem:v7+s2+$0x0], $0xffff  }
0x462: {  	s12 =	sor.u32 s26, s22;
	v63 =	vsub.f32 $1.000000000e+00, v6;
	v7 =	vmul.f32 v22, v61;
	v22 =	vld.idx.msk [tilespmem:v16+s2+$0x0], $0xffff;
	v24 =	vadd.f32 v24, v23  }
0x463: {  	s5 =	sadd.s32 $0x16A00, s12;
	v16 =	vshll.u32 v31, $0x10;
	v28 =	vmul.f32 v13, v28;
	v23 =	vld.idx.msk [tilespmem:v14+s2+$0x0], $0xffff;
	v31 =	vmul.f32 v60, v58  }
0x464: {  	s7 =	simm.s32 $0x0;
	s4 =	simm.s32 $0x12A80;
	s15 =	simm.s32 $0x0;
	[tilespmem:s5+$0x70] =	vst v56;
	v32 =	vmul.f32 v46, v62;
	v41 =	vsub.f32 $1.000000000e+00, v16;
	v14 =	vmul.f32 v24, v63;
	v24 =	vld.idx.msk [tilespmem:v17+s2+$0x0], $0xffff  }
.LBB2_42:
0x465: {  	v33 =	vld [tilespmem:s4+$0xFFFFF870];
	v8 =	vmul.f32 v8, v26;
	v26 =	vadd.f32 v31, v28  }
0x466: {  	v10 =	vmul.f32 v10, v18;
	v17 =	vld [tilespmem:s4+$0xFFFFF810];
	v27 =	vadd.f32 v27, v32  }
0x467: {  	s15 =	sadd.s32 $0x80, s15;
	v11 =	vmul.f32 v11, v19;
	v18 =	vld [tilespmem:s4+$0xFFFFF820];
	v8 =	vadd.f32 v29, v8;
	v26 =	vmul.f32 v26, v41  }
0x468: {  	p0 =	slt.u32 s15, $0x780;
	v10 =	vadd.f32 v30, v10;
	v9 =	vmul.f32 v9, v22;
	v19 =	vld [tilespmem:s4+$0xFFFFF830];
	v20 =	vmul.f32 v20, v27  }
0x469: {  	v11 =	vadd.f32 v37, v11;
	v12 =	vmul.f32 v12, v23;
	v22 =	vld [tilespmem:s4+$0xFFFFF840];
	v8 =	vmul.f32 v25, v8  }
0x46a: {  	v9 =	vadd.f32 v35, v9;
	v13 =	vmul.f32 v13, v24;
	v23 =	vld [tilespmem:s4+$0xFFFFF850];
	v25 =	vadd.s32 $0x1, v33  }
0x46b: {  	v30 =	vadd.s32 $0x108, v33;
	v27 =	vadd.s32 $0x1, v17;
	v29 =	vadd.s32 $0x108, v17;
	v24 =	vld [tilespmem:s4+$0xFFFFF860]  }
0x46c: {  	v32 =	vadd.s32 $0x109, v33;
	v41 =	vadd.s32 $0x109, v17;
	v28 =	vld [tilespmem:s4+$0xFFFFF800];
	v42 =	vadd.s32 $0x1, v18  }
0x46d: {  	v43 =	vadd.s32 $0x108, v18;
	v44 =	vadd.s32 $0x109, v18;
	v45 =	vadd.s32 $0x1, v19;
	v46 =	vld [tilespmem:s4+$0x70]  }
0x46e: {  	v47 =	vadd.s32 $0x108, v19;
	v48 =	vadd.s32 $0x109, v19;
	v49 =	vadd.s32 $0x1, v22;
	v33 =	vld.idx.msk [tilespmem:v33+s2+$0x0], $0xffff  }
0x46f: {  	v50 =	vadd.s32 $0x108, v22;
	v37 =	vadd.s32 $0x109, v22;
	v39 =	vadd.s32 $0x1, v23;
	v25 =	vld.idx.msk [tilespmem:v25+s2+$0x0], $0xffff  }
0x470: {  	v36 =	vadd.s32 $0x108, v23;
	v35 =	vadd.s32 $0x109, v23;
	v31 =	vadd.s32 $0x1, v24;
	v30 =	vld.idx.msk [tilespmem:v30+s2+$0x0], $0xffff  }
0x471: {  	v51 =	vadd.s32 $0x1, v28;
	v52 =	vadd.s32 $0x108, v28;
	v53 =	vadd.s32 $0x109, v28;
	v54 =	vld.idx.msk [tilespmem:v32+s2+$0x0], $0xffff  }
0x472: {  	v12 =	vadd.f32 v38, v12;
	v34 =	vadd.s32 $0x108, v24;
	v32 =	vadd.s32 $0x109, v24;
	v55 =	vld [tilespmem:s4+$0x0]  }
0x473: {  	v57 =	vmul.f32 v4, v10;
	v4 =	vadd.f32 v40, v13;
	v56 =	vand.u32 $0xFFFF0000, v46;
	v38 =	vld [tilespmem:s4+$0x10]  }
0x474: {  	v58 =	vmul.f32 v5, v11;
	v59 =	vmul.f32 v2, v9;
	v10 =	vsub.f32 $1.000000000e+00, v56;
	v40 =	vld [tilespmem:s4+$0x20]  }
0x475: {  	v5 =	vadd.f32 v15, v20;
	v60 =	vmul.f32 v6, v12;
	v61 =	vmul.f32 v16, v4;
	v2 =	vld [tilespmem:s4+$0x30]  }
0x476: {  	v11 =	vadd.f32 v21, v8;
	v4 =	vmul.f32 v56, v33;
	v9 =	vmul.f32 v10, v25;
	v6 =	vld [tilespmem:s4+$0x40]  }
0x477: {  	v12 =	vshll.u32 v46, $0x10;
	v13 =	vmul.f32 v56, v30;
	v16 =	vmul.f32 v54, v10;
	v15 =	vld [tilespmem:s4+$0x50];
	[tilespmem:s12+$0x16A00] =	vst v5  }
0x478: {  	v33 =	vand.u32 $0xFFFF0000, v55;
	v5 =	vsub.f32 $1.000000000e+00, v12;
	v8 =	vand.u32 $0xFFFF0000, v38;
	v21 =	vld [tilespmem:s4+$0x60];
	[tilespmem:s5+$0x10] =	vst v11  }
0x479: {  	v4 =	vadd.f32 v9, v4;
	v13 =	vadd.f32 v16, v13;
	v25 =	vld.idx.msk [tilespmem:v51+s2+$0x0], $0xffff;
	v10 =	vand.u32 $0xFFFF0000, v40  }
0x47a: {  	v30 =	vsub.f32 $1.000000000e+00, v33;
	v46 =	vsub.f32 $1.000000000e+00, v8;
	v16 =	vld.idx.msk [tilespmem:v52+s2+$0x0], $0xffff;
	v11 =	vand.u32 $0xFFFF0000, v2  }
0x47b: {  	s21 =	sadd.s32 $0x40, s21;
	s7 =	sadd.s32 $0x400, s7;
	v4 =	vmul.f32 v12, v4;
	v5 =	vmul.f32 v13, v5;
	v51 =	vld.idx.msk [tilespmem:v53+s2+$0x0], $0xffff;
	v9 =	vand.u32 $0xFFFF0000, v6  }
0x47c: {  	s22 =	sand.u32 $0x380, s21;
	s12 =	sand.u32 $0x400, s7;
	v53 =	vsub.f32 $1.000000000e+00, v10;
	v54 =	vsub.f32 $1.000000000e+00, v11;
	v52 =	vld.idx.msk [tilespmem:v27+s2+$0x0], $0xffff;
	v12 =	vand.u32 $0xFFFF0000, v15  }
0x47d: {  	s12 =	sor.u32 s22, s12;
	v62 =	vsub.f32 $1.000000000e+00, v9;
	v5 =	vadd.f32 v5, v4;
	v56 =	vld.idx.msk [tilespmem:v29+s2+$0x0], $0xffff;
	v13 =	vand.u32 $0xFFFF0000, v21  }
0x47e: {  	v20 =	vshll.u32 v55, $0x10;
	s22 =	sadd.s32 $0x16A00, s12;
	v55 =	vsub.f32 $1.000000000e+00, v12;
	v41 =	vld.idx.msk [tilespmem:v41+s2+$0x0], $0xffff;
	v63 =	vsub.f32 $1.000000000e+00, v13  }
0x47f: {  	v4 =	vshll.u32 v40, $0x10;
	v27 =	vmul.f32 v30, v25;
	v25 =	vshll.u32 v38, $0x10;
	v38 =	vld.idx.msk [tilespmem:v42+s2+$0x0], $0xffff;
	[tilespmem:s22+$0x70] =	vst v5  }
0x480: {  	v40 =	vmul.f32 v33, v16;
	v5 =	vshll.u32 v2, $0x10;
	v2 =	vshll.u32 v6, $0x10;
	v42 =	vld.idx.msk [tilespmem:v43+s2+$0x0], $0xffff  }
0x481: {  	v6 =	vshll.u32 v15, $0x10;
	v16 =	vshll.u32 v21, $0x10;
	v30 =	vmul.f32 v51, v30;
	v43 =	vld.idx.msk [tilespmem:v44+s2+$0x0], $0xffff  }
0x482: {  	v15 =	vsub.f32 $1.000000000e+00, v20;
	v21 =	vsub.f32 $1.000000000e+00, v25;
	v29 =	vmul.f32 v46, v52;
	v44 =	vld.idx.msk [tilespmem:v45+s2+$0x0], $0xffff  }
0x483: {  	v51 =	vsub.f32 $1.000000000e+00, v4;
	v40 =	vadd.f32 v30, v40;
	v45 =	vmul.f32 v8, v56;
	v47 =	vld.idx.msk [tilespmem:v47+s2+$0x0], $0xffff  }
0x484: {  	v52 =	vsub.f32 $1.000000000e+00, v5;
	v56 =	vsub.f32 $1.000000000e+00, v2;
	v46 =	vmul.f32 v41, v46;
	v48 =	vld.idx.msk [tilespmem:v48+s2+$0x0], $0xffff  }
0x485: {  	v41 =	vsub.f32 $1.000000000e+00, v16;
	v30 =	vmul.f32 v53, v38;
	v38 =	vld.idx.msk [tilespmem:v49+s2+$0x0], $0xffff;
	v49 =	vsub.f32 $1.000000000e+00, v6  }
0x486: {  	v15 =	vmul.f32 v40, v15;
	v40 =	vadd.f32 v46, v45;
	v42 =	vmul.f32 v10, v42;
	v45 =	vld.idx.msk [tilespmem:v50+s2+$0x0], $0xffff  }
0x487: {  	v1 =	vadd.f32 v1, v57;
	v3 =	vadd.f32 v3, v58;
	v43 =	vmul.f32 v43, v53;
	v46 =	vld.idx.msk [tilespmem:v37+s2+$0x0], $0xffff  }
0x488: {  	v7 =	vadd.f32 v7, v59;
	v21 =	vmul.f32 v40, v21;
	v37 =	vmul.f32 v54, v44;
	v39 =	vld.idx.msk [tilespmem:v39+s2+$0x0], $0xffff  }
0x489: {  	v14 =	vadd.f32 v14, v60;
	v40 =	vadd.f32 v43, v42;
	v42 =	vmul.f32 v11, v47;
	v36 =	vld.idx.msk [tilespmem:v36+s2+$0x0], $0xffff  }
0x48a: {  	v26 =	vadd.f32 v26, v61;
	v43 =	vmul.f32 v48, v54;
	v44 =	vld.idx.msk [tilespmem:v35+s2+$0x0], $0xffff;
	[tilespmem:s5+$0x20] =	vst v1  }
0x48b: {  	v1 =	vmul.f32 v40, v51;
	v35 =	vmul.f32 v62, v38;
	v31 =	vld.idx.msk [tilespmem:v31+s2+$0x0], $0xffff;
	[tilespmem:s5+$0x30] =	vst v3  }
0x48c: {  	v3 =	vadd.f32 v43, v42;
	v40 =	vmul.f32 v9, v45;
	v34 =	vld.idx.msk [tilespmem:v34+s2+$0x0], $0xffff;
	[tilespmem:s5+$0x40] =	vst v7  }
0x48d: {  	v7 =	vmul.f32 v46, v62;
	v32 =	vld.idx.msk [tilespmem:v32+s2+$0x0], $0xffff;
	[tilespmem:s5+$0x50] =	vst v14  }
0x48e: {  	v3 =	vmul.f32 v3, v52;
	v38 =	vmul.f32 v55, v39;
	v14 =	vld.idx.msk [tilespmem:v28+s2+$0x0], $0xffff;
	[tilespmem:s5+$0x60] =	vst v26;
	s5 =	smov.u32 s22  }
0x48f: {  	v7 =	vadd.f32 v7, v40;
	v26 =	vld.idx.msk [tilespmem:v17+s2+$0x0], $0xffff;
	v17 =	vmul.f32 v12, v36  }
.Ltmp24:
0x490: {  	v28 =	vmul.f32 v44, v55;
	v18 =	vld.idx.msk [tilespmem:v18+s2+$0x0], $0xffff;
	(pc) =	sbr.rel @p0 .LBB2_42-.Ltmp24, $4  }
0x491: {  	v7 =	vmul.f32 v7, v56;
	v40 =	vmul.f32 v63, v31;
	v19 =	vld.idx.msk [tilespmem:v19+s2+$0x0], $0xffff  }
0x492: {  	v17 =	vadd.f32 v28, v17;
	v28 =	vmul.f32 v13, v34;
	v22 =	vld.idx.msk [tilespmem:v22+s2+$0x0], $0xffff  }
0x493: {  	v31 =	vmul.f32 v32, v63;
	v23 =	vld.idx.msk [tilespmem:v23+s2+$0x0], $0xffff  }
0x494: {  	s4 =	sadd.s32 $0x80, s4;
	v32 =	vmul.f32 v33, v14;
	v14 =	vmul.f32 v17, v49;
	v24 =	vld.idx.msk [tilespmem:v24+s2+$0x0], $0xffff  }
0x495: {  	v8 =	vmul.f32 v8, v26  }
0x496: {  	v10 =	vmul.f32 v10, v18;
	v17 =	vadd.f32 v27, v32;
	v11 =	vmul.f32 v11, v19  }
0x497: {  	v58 =	vadd.f32 v31, v28;
	v8 =	vadd.f32 v29, v8;
	v9 =	vmul.f32 v9, v22  }
0x498: {  	v10 =	vadd.f32 v30, v10;
	v17 =	vmul.f32 v20, v17;
	v11 =	vadd.f32 v37, v11  }
0x499: {  	v12 =	vmul.f32 v12, v23;
	v8 =	vmul.f32 v25, v8;
	v9 =	vadd.f32 v35, v9  }
0x49a: {  	v13 =	vmul.f32 v13, v24;
	v4 =	vmul.f32 v4, v10;
	v59 =	vadd.f32 v15, v17  }
0x49b: {  	v12 =	vadd.f32 v38, v12;
	v5 =	vmul.f32 v5, v11;
	v8 =	vadd.f32 v21, v8  }
0x49c: {  	v60 =	vadd.f32 v40, v13;
	v2 =	vmul.f32 v2, v9;
	v1 =	vadd.f32 v1, v4;
	[tilespmem:s12+$0x16A00] =	vst v59  }
0x49d: {  	v61 =	vmul.f32 v6, v12;
	v3 =	vadd.f32 v3, v5;
	[tilespmem:s5+$0x10] =	vst v8  }
0x49e: {  	p0 =	seq.s32 s16, $0xF;
	v62 =	vmul.f32 v58, v41;
	v63 =	vmul.f32 v16, v60;
	v2 =	vadd.f32 v7, v2;
	[tilespmem:s5+$0x20] =	vst v1  }
.Ltmp25:
0x49f: {  	v1 =	vadd.f32 v14, v61;
	[tilespmem:s5+$0x30] =	vst v3;
	(pc) =	sbr.rel @p0 .LBB2_45-.Ltmp25, $4  }
0x4a0: {  	s4 =	sor.u32 s18, s11;
	v3 =	vadd.f32 v62, v63;
	[tilespmem:s5+$0x40] =	vst v2  }
0x4a1: {  	s4 =	sshrl.u32 s4, $0x3;
	[tilespmem:s5+$0x50] =	vst v1  }
0x4a2: {  	s26 =	simm.s32 $0x16A00;
	s4 =	sadd.s32 s1, s4;
	[tilespmem:s5+$0x60] =	vst v3  }
0x4a3: {  	[hbm4b:s4+s3] =	stream.linear.scatter [tilespmem:s26], [sflag:$0x4], $0x800, $0x38;
	[tilespmem:$0x17200] =	vst v63  }
0x4a4: {  	s5 =	rddreg [dreg:$0x6]  }
0x4a5: {  	s4 =	sadd.s32 $0x3, s17;
	s7 =	rddreg [dreg:$0x3]  }
.Ltmp26:
0x4a6: {  	s5 =	sadd.s32 s5, s4;
	s4 =	sshll.u32 s4, $0x4;
	(pc) =	sbr.rel .LBB2_23-.Ltmp26, $4  }
0x4a7: {  	s22 =	simm.s32 $0x80;
	s5 =	sshll.u32 s5, $0x9;
	s4 =	sand.u32 $0x70, s4  }
0x4a8: {  	s26 =	simm.s32 $0x400;
	s5 =	sand.u32 $0x1F000, s5;
	s4 =	sadd.s32 s7, s4  }
0x4a9: {  	s12 =	simm.s32 $0x12200;
	s16 =	sadd.s32 $0x1, s16;
	s4 =	sadd.s32 s5, s4  }
0x4aa: {  	[tilespmem:s12], [sflag:$0x2] =	stream.strided.gather [hbm4b:s4+s22], $0x1000, s26, s22, $0x38;
	[tilespmem:$0x17200] =	vst v63  }
.LBB2_47:
0x4ab: {  	_ =	sfence.sel $0x180000  }
0x4ac: {  	[bflag:$0x0] =	sbarrier.arrive $0xFFFF  }
0x4ad: {  	_ =	strace $0x9000004D  }
0x4ae: {  	s0 =	stileid.u32;
	[bflag:$0x2] =	sbarrier.arrive $0xFFFF  }
0x4af: {  	p0 =	sne.s32 s0, $0x0;
	s0 =	rddreg [dreg:$0x2]  }
0x4b0: {  	s0 =	sadd.s32 @!p0 $0x100000, s0  }
0x4b1: {  	[sflag:s0] =	ssyncadd.tile.s32 @!p0 $0x1;
	_ =	shalt  }
.Lfunc_end2:
_tile_overlayer_lowered:
.L_overlay_start_2:
0x4b2: {  	(tag) =	ssettag $0x2  }
0x4b3: {  	s0 =	rddreg [dreg:$0x0];
	s2 =	stileid.u32  }
0x4b4: {  	s1 =	rddreg [dreg:$0x1];
	p0 =	sne.s32 s2, $0x0  }
0x4b5: {  	s3 =	rddreg [dreg:$0x2];
	[bflag:$0x3] =	sbarrier.arrive $0xFFFF;
	s2 =	simm.s32 @!p0 $0x1C06  }
0x4b6: {  	[timem:s3], [sflag:s2] =	dma.local @!p0 [hbm:s0], s1  }
0x4b7: {  	s0 =	simm.s32 @!p0 $0x6  }
0x4b8: {  	_ =	swait.ge @!p0 [sflag:s0], s1  }
0x4b9: {  	s1 =	ssub.s32 @!p0 $0x0, s1;
	[sflag:s0] =	ssyncset.done @!p0 $0x0  }
0x4ba: {  	[sflag:s0] =	ssyncadd.s32 @!p0 s1  }
0x4bb: {  	[bflag:$0x3] =	sbarrier.arrive $0xFFFF  }
0x4bc: {  	_ =	shalt  }

// kernel: sparse-core-data-format-call.1.cloned.1.call-start
scs
called_computation.1_lowered:
.L_overlay_start_0:
0x0: {  	s2 =	sld [smem:$0x3FD9]  }
0x1: {  	s3 =	sld [smem:$0x3FFE];
	_ =	sdelay $0x1  }
0x2: {  	s1 =	srdreg.scid  }
0x3: {  	s0 =	sand.u32 $0x1, s1  }
0x4: {  	s18 =	sshll.u32 s0, $0xA;
	s2 =	sadd.s32 s3, s2  }
0x5: {  	s2 =	sadd.s32 s2, s18  }
0x6: {  	[smem:$0x3FC6] =	sst s2  }
0x7: {  	_ = 	snop  }
0x8: {  	s2 =	sld [smem:$0x3FC9];
	(tm) =	ssettm $0x1  }
0x9: {  	s19 =	sld [smem:$0x3FFB];
	_ =	sdelay $0x3  }
0xa: {  	_ =	strace s19  }
0xb: {  	s3 =	sld [smem:$0x3FFC];
	_ =	sdelay $0x3  }
0xc: {  	_ =	strace s3  }
0xd: {  	s3 =	sld [smem:$0x3FFD];
	_ =	sdelay $0x3  }
0xe: {  	_ =	strace s3  }
0xf: {  	_ =	strace $0x8FFFFFFF  }
0x10: {  	s20 =	sld [smem:$0x3FDB];
	_ =	sdelay $0x1  }
0x11: {  	s4 =	simm.s32 $_scs_section_size  }
0x12: {  	s5 =	simm.s32 $_size__tile_overlayer_lowered;
	s6 =	simm.s32 $_tile_overlayer_lowered  }
0x13: {  	s23 =	simm.s32 $0x1BFF;
	s22 =	sshll.u32 s6, $0x1;
	s3 =	sadd.s32 s4, s20  }
0x14: {  	s7 =	simm.s32 $0x0;
	s21 =	sshll.u32 s5, $0x1;
	s5 =	sadd.s32 s22, s3  }
0x15: {  	[timem:s7], [sflag:s23] =	dma.local [hbm:s5], s21  }
0x16: {  	_ =	swait.ge [sflag:s23], s21  }
0x17: {  	s4 =	ssub.s32 $0x0, s21;
	[sflag:s23] =	ssyncset.done $0x0  }
0x18: {  	[sflag:s23] =	ssyncadd.s32 s4;
	_ =	sdelay $0x1  }
0x19: {  	s24 =	simm.s32 $0x1B8B  }
0x1a: {  	_ =	swait.ge [sflag:s24], $0x1  }
0x1b: {  	[sflag:s24] =	ssyncset.done $0x0  }
0x1c: {  	s26 =	simm.s32 $0x1B8E;
	s25 =	sld [smem:$0x3FFE];
	[sflag:s24] =	ssyncadd.s32 $0xFFFFFFFF  }
0x1d: {  	s27 =	simm.s32 $execute0_lowered;
	[smem:$0x3FD2] =	sst s26  }
0x1e: {  	s5 =	sshll.u32 s27, $0x1;
	_ =	strace $0x80000046;
	[dreg:$0x1] =	wrdreg $0xFFFFFFFF  }
0x1f: {  	s28 =	simm.s32 $_size_execute0_lowered;
	s3 =	sadd.s32 s3, s5;
	[dreg:$0x0] =	wrdreg $0x0  }
0x20: {  	s5 =	sshll.u32 s28, $0x1;
	[dreg:$0x2] =	wrdreg s3  }
0x21: {  	[dreg:$0x3] =	wrdreg s5  }
0x22: {  	[dreg:$0x4] =	wrdreg $0xC0  }
0x23: {  	_ =	task [dreg:s7], $0x5FFFF  }
0x24: {  	[dreg:$0x1] =	wrdreg $0xFFFFFFFF  }
0x25: {  	[dreg:$0x0] =	wrdreg $0x60  }
0x26: {  	[dreg:$0x2] =	wrdreg s2  }
0x27: {  	[dreg:$0x3] =	wrdreg s25  }
0x28: {  	[dreg:$0x4] =	wrdreg $0xA  }
0x29: {  	_ =	task.clear_ibuf [dreg:s7], $0x5FFFF;
	_ =	strace $0x90000046  }
0x2a: {  	s29 =	simm.s32 $0xA;
	_ =	strace $0x80000048  }
0x2b: {  	_ =	swait.ge [sflag:s29], $0x1  }
0x2c: {  	[sflag:s29] =	ssyncadd.s32 $0xFFFFFFFF  }
0x2d: {  	_ =	strace $0x90000048  }
0x2e: {  	_ =	sfence  }
0x2f: {  	s30 =	sld [smem:$0x0];
	_ =	sdelay $0x2  }
0x30: {  	s31 =	sshll.u32 s1, $0xD;
	s1 =	sshrl.u32 s1, $0x2  }
0x31: {  	s3 =	sand.u32 $0x4000, s31;
	s1 =	sadd.s32 s1, s30  }
0x32: {  	s0 =	sor.u32 s3, s0;
	s1 =	sshll.u32 s1, $0x11  }
0x33: {  	s0 =	sor.u32 s1, s0  }
0x34: {  	s0 =	sadd.s32 $0x8F2B, s0  }
0x35: {  	[sflag:s0] =	ssyncadd.remote.s32 $0x1  }
0x36: {  	_ =	sfence.sel $0xFFFF  }
0x37: {  	[dreg:$0x0] =	wrdreg $0xFFFFFFFF;
	(pc) =	sbr.abs _section_cstart, $3  }
0x38: {  	[dreg:$0x1] =	wrdreg $0xFFFFFFFF  }
0x39: {  	_ =	task.clear_ibuf [dreg:s7], $0x2FFFF;
	_ =	strace $0x9FFFFFFF  }
0x3a: {  	(tm) =	ssettm $0x7FFFFFFF  }
0x3b: {  	_ =	shalt  }
tec
execute0_lowered:
.L_overlay_start_1:
0x0: {  	(tag) =	ssettag $0x1  }
0x1: {  	s0 =	srdreg.scid  }
0x2: {  	s1 =	sshll.u32 s0, $0x4  }
0x3: {  	s2 =	rddreg [dreg:$0x0];
	s0 =	stileid.u32;
	s1 =	sand.u32 $0x10, s1  }
0x4: {  	s4 =	rddreg [dreg:$0x1];
	s7 =	simm.s32 $0x1;
	s1 =	sor.u32 s0, s1  }
0x5: {  	s8 =	simm.s32 $0x2;
	s9 =	simm.s32 $0x0;
	s3 =	sshll.u32 s1, $0x1  }
0x6: {  	s12 =	simm.s32 $0x0;
	s11 =	simm.s32 $0x0;
	s6 =	ssub.s32 $0x400, s3  }
.Ltmp0:
0x7: {  	s4 =	sadd.s32 $0xE00, s4;
	s5 =	sand.u32 $0x3E, s6;
	(pc) =	sbr.rel .LBB1_1-.Ltmp0, $4  }
0x8: {  	s1 =	rddreg [dreg:$0x2];
	_ =	strace $0x80000047;
	p0 =	sne.s32 s5, $0x0  }
0x9: {  	s6 =	sshrl.u32 s6, $0x6;
	s5 =	simm.s32 $0x1;
	s7 =	simm.s32 @!p0 $0x0  }
0xa: {  	s10 =	smov.u32 s3;
	[sflag:s5] =	ssyncpa.u1 $0x0;
	s6 =	sadd.s32 s7, s6  }
0xb: {  	[sflag:s8] =	ssyncpa.u1 $0x0;
	s8 =	simm.s32 $0x0;
	s7 =	sadd.s32 $0x1, s6  }
.LBB1_9:
0xc: {  	s14 =	sadd.s32 $0x40, s10  }
0xd: {  	p1 =	sgt.s32 s14, $0x3FF  }
0xe: {  	s14 =	smov.u32 @p1 s3;
	p1 =	sne.s32 s11, s7  }
.Ltmp1:
0xf: {  	p0 =	slt.u32 s11, $0x2;
	(pc) =	sbr.rel @!p1 .LBB1_10-.Ltmp1, $4  }
0x10: {  	s13 =	simm.s32 @!p0 $0x2  }
0x11: {  	s15 =	sadd.s32 $0x1, s11;
	_ =	swait.ge @!p0 [sflag:s13], $0x4000  }
0x12: {  	s12 =	smov.u32 s10;
	s9 =	sadd.s32 $0x4000, s9;
	[sflag:s13] =	ssyncset.done @!p0 $0x0  }
0x13: {  	s11 =	smov.u32 s15;
	s10 =	smov.u32 s14;
	[sflag:s13] =	ssyncadd.s32 @!p0 $0xFFFFC000  }
.LBB1_1:
0x14: {  	p0 =	sge.u32 s11, s6  }
0x15: {  	s13 =	sxor.u32 @!p0 $0xFFFFFFFF, s11  }
0x16: {  	s31 =	sadd.s32 $0xFFFFFFFF, s11;
	s14 =	sshll.u32 @!p0 s10, $0xA;
	s13 =	sshll.u32 @!p0 s13, $0xE  }
0x17: {  	s15 =	simm.s32 @!p0 $0x0;
	s14 =	sadd.s32 @!p0 s2, s14;
	s13 =	sand.u32 @!p0 $0x4000, s13  }
0x18: {  	[tilespmem:s13], [sflag:$0x1] =	stream.linear.gather @!p0 [hbm4b:s14+s15], $0x4000, $0x38;
	[tilespmem:$0x10000] =	vst v63  }
0x19: {  	p0 =	sge.u32 s31, s6  }
.Ltmp2:
0x1a: {  	_ = 	snop;
	(pc) =	sbr.rel @p0 .LBB1_9-.Ltmp2, $1  }
0x1b: {  	_ =	sdelay $0x3  }
0x1c: {  	s13 =	sshll.u32 s9, $0x2  }
0x1d: {  	_ =	swait.ge [sflag:s5], $0x4000;
	s14 =	sshll.u32 s11, $0xE;
	s16 =	simm.s32 $0x0  }
0x1e: {  	p1 =	por $0x1, $0x1;
	s13 =	sand.u32 $0x10000, s13;
	[sflag:s5] =	ssyncset.done $0x0  }
0x1f: {  	s14 =	sand.u32 $0x4000, s14;
	s15 =	sshrl.u32 s13, $0x2;
	[sflag:s5] =	ssyncadd.s32 $0xFFFFC000  }
0x20: {  	s13 =	sor.u32 $0x8000, s14;
	s14 =	sadd.s32 $0x8040, s15;
	s15 =	sadd.s32 $0x40, s15  }
.LBB1_3:
0x21: {  	s16 =	sshll.u32 s16, $0x2  }
0x22: {  	p0 =	por p1, p1;
	s17 =	sshra.s32 s16, $0x2  }
0x23: {  	s18 =	simm.s32 $0x0;
	s16 =	sadd.s32 s17, s14;
	s17 =	sadd.s32 s17, s15  }
.LBB1_4:
0x24: {  	v0 =	vmov s17;
	_ =	sdelay $0x3  }
0x25: {  	s20 =	simm.s32 $0x0  }
0x26: {  	v6 =	vld.idx.msk [tilespmem:v0+s20+$0x30 ss:$0x1], $0xffff  }
0x27: {  	v7 =	vld.idx.msk [tilespmem:v0+s20+$0xFFFFFFC0 ss:$0x1], $0xffff  }
0x28: {  	v5 =	vld.idx.msk [tilespmem:v0+s20+$0xFFFFFFD0 ss:$0x1], $0xffff  }
0x29: {  	v4 =	vld.idx.msk [tilespmem:v0+s20+$0xFFFFFFE0 ss:$0x1], $0xffff  }
0x2a: {  	v3 =	vld.idx.msk [tilespmem:v0+s20+$0xFFFFFFF0 ss:$0x1], $0xffff  }
0x2b: {  	v1 =	vld.idx.msk [tilespmem:v0+s20+$0x0 ss:$0x1], $0xffff  }
0x2c: {  	v2 =	vld.idx.msk [tilespmem:v0+s20+$0x10 ss:$0x1], $0xffff;
	[tilespmem:s16+$0x30] =	vst v6  }
0x2d: {  	s19 =	simm.s32 $0x80;
	s21 =	simm.s32 $0x400;
	[tilespmem:s16+$0xFFFFFFC0] =	vst v7;
	v6 =	vld.idx.msk [tilespmem:v0+s20+$0x20 ss:$0x1], $0xffff;
	s20 =	smov.u32 s16  }
.LBB1_5:
0x2e: {  	p1 =	sne.s32 s21, $0xE00;
	v7 =	vld.idx.msk [tilespmem:v0+s19+$0x30 ss:$0x1], $0xffff;
	[tilespmem:s20+$0xFFFFFFD0] =	vst v5  }
0x2f: {  	v8 =	vld.idx.msk [tilespmem:v0+s19+$0xFFFFFFC0 ss:$0x1], $0xffff;
	[tilespmem:s20+$0xFFFFFFE0] =	vst v4  }
0x30: {  	v5 =	vld.idx.msk [tilespmem:v0+s19+$0xFFFFFFD0 ss:$0x1], $0xffff;
	[tilespmem:s20+$0xFFFFFFF0] =	vst v3  }
.Ltmp3:
0x31: {  	v4 =	vld.idx.msk [tilespmem:v0+s19+$0xFFFFFFE0 ss:$0x1], $0xffff;
	[tilespmem:s20+$0x0] =	vst v1;
	(pc) =	sbr.rel @p1 .LBB1_5-.Ltmp3, $4  }
0x32: {  	v3 =	vld.idx.msk [tilespmem:v0+s19+$0xFFFFFFF0 ss:$0x1], $0xffff;
	[tilespmem:s20+$0x10] =	vst v2  }
0x33: {  	v1 =	vld.idx.msk [tilespmem:v0+s19+$0x0 ss:$0x1], $0xffff;
	[tilespmem:s20+$0x20] =	vst v6;
	s20 =	sadd.s32 $0x400, s20  }
0x34: {  	v2 =	vld.idx.msk [tilespmem:v0+s19+$0x10 ss:$0x1], $0xffff;
	[tilespmem:s20+$0x30] =	vst v7  }
0x35: {  	[tilespmem:s20+$0xFFFFFFC0] =	vst v8;
	v6 =	vld.idx.msk [tilespmem:v0+s19+$0x20 ss:$0x1], $0xffff;
	s19 =	sshra.s32 s21, $0x2;
	s21 =	sadd.s32 $0x200, s21  }
0x36: {  	_ =	sdelay $0x2  }
0x37: {  	[tilespmem:s20+$0xFFFFFFD0] =	vst v5  }
0x38: {  	v56 =	vld.idx.msk [tilespmem:v0+s19+$0x30 ss:$0x1], $0xffff;
	[tilespmem:s20+$0xFFFFFFE0] =	vst v4  }
0x39: {  	v57 =	vld.idx.msk [tilespmem:v0+s19+$0xFFFFFFC0 ss:$0x1], $0xffff;
	[tilespmem:s20+$0xFFFFFFF0] =	vst v3  }
0x3a: {  	v58 =	vld.idx.msk [tilespmem:v0+s19+$0xFFFFFFD0 ss:$0x1], $0xffff;
	[tilespmem:s20+$0x0] =	vst v1  }
0x3b: {  	v59 =	vld.idx.msk [tilespmem:v0+s19+$0xFFFFFFE0 ss:$0x1], $0xffff;
	[tilespmem:s20+$0x10] =	vst v2  }
0x3c: {  	v60 =	vld.idx.msk [tilespmem:v0+s19+$0xFFFFFFF0 ss:$0x1], $0xffff;
	s31 =	sadd.s32 $0x400, s20;
	[tilespmem:s20+$0x20] =	vst v6  }
0x3d: {  	v61 =	vld.idx.msk [tilespmem:v0+s19+$0x0 ss:$0x1], $0xffff;
	[tilespmem:s31+$0x30] =	vst v56  }
0x3e: {  	v62 =	vld.idx.msk [tilespmem:v0+s19+$0x10 ss:$0x1], $0xffff;
	s18 =	sadd.s32 $0x1, s18;
	[tilespmem:s31+$0xFFFFFFC0] =	vst v57  }
0x3f: {  	v63 =	vld.idx.msk [tilespmem:v0+s19+$0x20 ss:$0x1], $0xffff;
	p1 =	sne.s32 s18, $0x8;
	[tilespmem:s31+$0xFFFFFFD0] =	vst v58  }
.Ltmp4:
0x40: {  	[tilespmem:s31+$0xFFFFFFE0] =	vst v59;
	(pc) =	sbr.rel @p1 .LBB1_4-.Ltmp4, $4  }
0x41: {  	[tilespmem:s31+$0xFFFFFFF0] =	vst v60  }
0x42: {  	[tilespmem:s31+$0x0] =	vst v61  }
0x43: {  	[tilespmem:s31+$0x10] =	vst v62  }
0x44: {  	s16 =	sadd.s32 $0x80, s16;
	s17 =	sadd.s32 $0x400, s17;
	[tilespmem:s31+$0x20] =	vst v63  }
.Ltmp5:
0x45: {  	(pc) =	sbr.rel @p0 .LBB1_3-.Ltmp5, $2  }
0x46: {  	_ =	sdelay $0x2  }
0x47: {  	s16 =	simm.s32 $0x2000;
	p1 =	por $0x0, $0x0  }
.Ltmp6:
0x48: {  	(pc) =	sbr.rel .LBB1_9-.Ltmp6, $4  }
0x49: {  	_ = 	snop  }
0x4a: {  	s12 =	sshll.u32 s12, $0xA  }
0x4b: {  	s12 =	sadd.s32 s4, s12  }
0x4c: {  	[hbm4b:s12+s8] =	stream.linear.scatter [tilespmem:s13], [sflag:$0x2], $0x4000, $0x38;
	[tilespmem:$0x10000] =	vst v63  }
.LBB1_10:
0x4d: {  	_ =	sfence.sel $0x180000  }
0x4e: {  	s2 =	simm.s32 $0x1;
	[bflag:$0x0] =	sbarrier.arrive $0xFFFF  }
0x4f: {  	s31 =	simm.s32 $0x2;
	[sflag:s2] =	ssyncpa.u1 $0x1  }
0x50: {  	[sflag:s31] =	ssyncpa.u1 $0x1  }
0x51: {  	p0 =	sne.s32 s0, $0x0;
	_ =	strace $0x90000047  }
0x52: {  	s0 =	sadd.s32 @!p0 $0x100000, s1;
	[bflag:$0x2] =	sbarrier.arrive $0xFFFF  }
0x53: {  	[sflag:s0] =	ssyncadd.tile.s32 @!p0 $0x1;
	_ =	shalt  }
.Lfunc_end1:
_tile_overlayer_lowered:
.L_overlay_start_2:
0x54: {  	(tag) =	ssettag $0x2  }
0x55: {  	s0 =	rddreg [dreg:$0x0];
	s2 =	stileid.u32  }
0x56: {  	s1 =	rddreg [dreg:$0x1];
	p0 =	sne.s32 s2, $0x0  }
0x57: {  	s3 =	rddreg [dreg:$0x2];
	[bflag:$0x3] =	sbarrier.arrive $0xFFFF;
	s2 =	simm.s32 @!p0 $0x1C01  }
0x58: {  	[timem:s3], [sflag:s2] =	dma.local @!p0 [hbm:s0], s1  }
0x59: {  	s0 =	simm.s32 @!p0 $0x1  }
0x5a: {  	_ =	swait.ge @!p0 [sflag:s0], s1  }
0x5b: {  	s1 =	ssub.s32 @!p0 $0x0, s1;
	[sflag:s0] =	ssyncset.done @!p0 $0x0  }
0x5c: {  	[sflag:s0] =	ssyncadd.s32 @!p0 s1  }
0x5d: {  	[bflag:$0x3] =	sbarrier.arrive $0xFFFF  }
0x5e: {  	_ =	shalt  }

// kernel: sparse-core-data-format-call.cloned.1.call-start
scs
called_computation_lowered:
.L_overlay_start_0:
0x0: {  	s2 =	sld [smem:$0x3FD9]  }
0x1: {  	s3 =	sld [smem:$0x3FFE];
	_ =	sdelay $0x1  }
0x2: {  	s1 =	srdreg.scid  }
0x3: {  	s0 =	sand.u32 $0x1, s1  }
0x4: {  	s18 =	sshll.u32 s0, $0xA;
	s2 =	sadd.s32 s3, s2  }
0x5: {  	s2 =	sadd.s32 s2, s18  }
0x6: {  	[smem:$0x3FC6] =	sst s2  }
0x7: {  	_ = 	snop  }
0x8: {  	s19 =	sld [smem:$0x3FC8];
	(tm) =	ssettm $0x1  }
0x9: {  	s20 =	sld [smem:$0x3FFB];
	_ =	sdelay $0x3  }
0xa: {  	_ =	strace s20  }
0xb: {  	s2 =	sld [smem:$0x3FFC];
	_ =	sdelay $0x3  }
0xc: {  	_ =	strace s2  }
0xd: {  	s2 =	sld [smem:$0x3FFD];
	_ =	sdelay $0x3  }
0xe: {  	_ =	strace s2  }
0xf: {  	_ =	strace $0x8FFFFFFF  }
0x10: {  	s21 =	sld [smem:$0x3FDB];
	_ =	sdelay $0x1  }
0x11: {  	s4 =	simm.s32 $_scs_section_size  }
0x12: {  	s5 =	simm.s32 $_size__tile_overlayer_lowered;
	s6 =	simm.s32 $_tile_overlayer_lowered  }
0x13: {  	s7 =	simm.s32 $0x1BFF;
	s22 =	sshll.u32 s6, $0x1;
	s4 =	sadd.s32 s4, s21  }
0x14: {  	s23 =	simm.s32 $0x0;
	s5 =	sshll.u32 s5, $0x1;
	s6 =	sadd.s32 s22, s4  }
0x15: {  	[timem:s23], [sflag:s7] =	dma.local [hbm:s6], s5  }
0x16: {  	_ =	swait.ge [sflag:s7], s5  }
0x17: {  	s5 =	ssub.s32 $0x0, s5;
	[sflag:s7] =	ssyncset.done $0x0  }
0x18: {  	[sflag:s7] =	ssyncadd.s32 s5;
	_ =	sdelay $0x1  }
0x19: {  	s24 =	simm.s32 $0x1B8B  }
0x1a: {  	_ =	swait.ge [sflag:s24], $0x1  }
0x1b: {  	[sflag:s24] =	ssyncset.done $0x0  }
0x1c: {  	[sflag:s24] =	ssyncadd.s32 $0xFFFFFFFF  }
0x1d: {  	s5 =	sld [smem:$0x0]  }
0x1e: {  	s6 =	sand.u32 $0xFFFFFFFE, s1  }
0x1f: {  	p0 =	sne.s32 s1, s6  }
0x20: {  	s6 =	sshll.u32 @p0 s6, $0xE  }
0x21: {  	s6 =	sadd.s32 @p0 $0x11B8D, s6;
	s7 =	sshll.u32 @p0 s5, $0x11  }
0x22: {  	s6 =	sor.u32 @p0 s7, s6  }
0x23: {  	[sflag:s6] =	ssyncadd.remote.s32 @p0 $0x1;
	_ =	sdelay $0x1  }
0x24: {  	s6 =	simm.s32 @p0 $0x1B8D  }
0x25: {  	_ =	swait.eq @p0 [sflag:s6], $0x1  }
0x26: {  	[sflag:s6] =	ssyncadd.s32 @p0 $0xFFFFFFFF  }
0x27: {  	s7 =	sshll.u32 @!p0 s1, $0xE  }
0x28: {  	s7 =	sor.u32 @!p0 $0x4000, s7;
	s6 =	simm.s32 @!p0 $0x1B8D  }
0x29: {  	s5 =	sshll.u32 @!p0 s5, $0x11;
	s7 =	sadd.s32 @!p0 $0x11B8D, s7;
	_ =	swait.eq @!p0 [sflag:s6], $0x1  }
0x2a: {  	s5 =	sor.u32 @!p0 s5, s7;
	[sflag:s6] =	ssyncadd.s32 @!p0 $0xFFFFFFFF  }
0x2b: {  	s26 =	simm.s32 $0x1B8E;
	s25 =	sld [smem:$0x3FFE];
	[sflag:s5] =	ssyncadd.remote.s32 @!p0 $0x1  }
0x2c: {  	s27 =	simm.s32 $execute0_lowered;
	[smem:$0x3FD2] =	sst s26  }
0x2d: {  	s6 =	sshll.u32 s27, $0x1;
	_ =	strace $0x80000049;
	[dreg:$0x1] =	wrdreg $0xFFFFFFFF  }
0x2e: {  	s28 =	simm.s32 $_size_execute0_lowered;
	s4 =	sadd.s32 s4, s6;
	[dreg:$0x0] =	wrdreg $0x0  }
0x2f: {  	s6 =	sshll.u32 s28, $0x1;
	[dreg:$0x2] =	wrdreg s4  }
0x30: {  	[dreg:$0x3] =	wrdreg s6  }
0x31: {  	[dreg:$0x4] =	wrdreg $0xC0  }
0x32: {  	_ =	task [dreg:s23], $0x5FFFF  }
0x33: {  	[dreg:$0x1] =	wrdreg $0xFFFFFFFF  }
0x34: {  	[dreg:$0x0] =	wrdreg $0x60  }
0x35: {  	[dreg:$0x2] =	wrdreg s19  }
0x36: {  	[dreg:$0x3] =	wrdreg s25  }
0x37: {  	[dreg:$0x4] =	wrdreg $0x9  }
0x38: {  	_ =	task.clear_ibuf [dreg:s23], $0x5FFFF;
	_ =	strace $0x90000049  }
0x39: {  	s29 =	simm.s32 $0x9;
	_ =	strace $0x8000004B  }
0x3a: {  	_ =	swait.ge [sflag:s29], $0x1  }
0x3b: {  	[sflag:s29] =	ssyncadd.s32 $0xFFFFFFFF  }
0x3c: {  	_ =	strace $0x9000004B  }
0x3d: {  	_ =	sfence  }
0x3e: {  	s30 =	sld [smem:$0x0];
	_ =	sdelay $0x2  }
0x3f: {  	s31 =	sshll.u32 s1, $0xD;
	s1 =	sshrl.u32 s1, $0x2  }
0x40: {  	s4 =	sand.u32 $0x4000, s31;
	s1 =	sadd.s32 s1, s30  }
0x41: {  	s0 =	sor.u32 s4, s0;
	s1 =	sshll.u32 s1, $0x11  }
0x42: {  	s0 =	sor.u32 s1, s0  }
0x43: {  	s0 =	sadd.s32 $0x8F2B, s0  }
0x44: {  	[sflag:s0] =	ssyncadd.remote.s32 $0x1  }
0x45: {  	_ =	sfence.sel $0xFFFF  }
0x46: {  	[dreg:$0x0] =	wrdreg $0xFFFFFFFF;
	(pc) =	sbr.abs _section_cstart, $3  }
0x47: {  	[dreg:$0x1] =	wrdreg $0xFFFFFFFF  }
0x48: {  	_ =	task.clear_ibuf [dreg:s23], $0x2FFFF;
	_ =	strace $0x9FFFFFFF  }
0x49: {  	(tm) =	ssettm $0x7FFFFFFF  }
tec
execute0_lowered:
.L_overlay_start_1:
0x0: {  	(tag) =	ssettag $0x1  }
0x1: {  	s0 =	srdreg.scid  }
0x2: {  	s1 =	sshll.u32 s0, $0x4  }
0x3: {  	s2 =	rddreg [dreg:$0x0];
	s0 =	stileid.u32;
	s1 =	sand.u32 $0x10, s1  }
0x4: {  	s4 =	rddreg [dreg:$0x1];
	s7 =	simm.s32 $0x1;
	s1 =	sor.u32 s0, s1  }
0x5: {  	s8 =	simm.s32 $0x2;
	s9 =	simm.s32 $0x0;
	s3 =	sshll.u32 s1, $0x2  }
0x6: {  	s12 =	simm.s32 $0x0;
	s11 =	simm.s32 $0x0;
	s6 =	ssub.s32 $0x2000, s3  }
.Ltmp0:
0x7: {  	s4 =	sadd.s32 $0x100E00, s4;
	s5 =	sand.u32 $0x7C, s6;
	(pc) =	sbr.rel .LBB1_1-.Ltmp0, $4  }
0x8: {  	s1 =	rddreg [dreg:$0x2];
	_ =	strace $0x8000004A;
	p0 =	sne.s32 s5, $0x0  }
0x9: {  	s6 =	sshrl.u32 s6, $0x7;
	s5 =	simm.s32 $0x1;
	s7 =	simm.s32 @!p0 $0x0  }
0xa: {  	s10 =	smov.u32 s3;
	[sflag:s5] =	ssyncpa.u1 $0x0;
	s6 =	sadd.s32 s7, s6  }
0xb: {  	[sflag:s8] =	ssyncpa.u1 $0x0;
	s8 =	simm.s32 $0x0;
	s7 =	sadd.s32 $0x1, s6  }
.LBB1_9:
0xc: {  	s14 =	sadd.s32 $0x80, s10  }
0xd: {  	p1 =	sgt.s32 s14, $0x1FFF  }
0xe: {  	s14 =	smov.u32 @p1 s3;
	p1 =	sne.s32 s11, s7  }
.Ltmp1:
0xf: {  	p0 =	slt.u32 s11, $0x2;
	(pc) =	sbr.rel @!p1 .LBB1_10-.Ltmp1, $4  }
0x10: {  	s13 =	simm.s32 @!p0 $0x2  }
0x11: {  	s15 =	sadd.s32 $0x1, s11;
	_ =	swait.ge @!p0 [sflag:s13], $0x4000  }
0x12: {  	s12 =	smov.u32 s10;
	s9 =	sadd.s32 $0x4000, s9;
	[sflag:s13] =	ssyncset.done @!p0 $0x0  }
0x13: {  	s11 =	smov.u32 s15;
	s10 =	smov.u32 s14;
	[sflag:s13] =	ssyncadd.s32 @!p0 $0xFFFFC000  }
.LBB1_1:
0x14: {  	p0 =	sge.u32 s11, s6  }
0x15: {  	s13 =	sxor.u32 @!p0 $0xFFFFFFFF, s11  }
0x16: {  	s31 =	sadd.s32 $0xFFFFFFFF, s11;
	s14 =	sshll.u32 @!p0 s10, $0x9;
	s13 =	sshll.u32 @!p0 s13, $0xE  }
0x17: {  	s15 =	simm.s32 @!p0 $0x0;
	s14 =	sadd.s32 @!p0 s2, s14;
	s13 =	sand.u32 @!p0 $0x4000, s13  }
0x18: {  	[tilespmem:s13], [sflag:$0x1] =	stream.linear.gather @!p0 [hbm4b:s14+s15], $0x4000, $0x38;
	[tilespmem:$0x10000] =	vst v63  }
0x19: {  	p0 =	sge.u32 s31, s6  }
.Ltmp2:
0x1a: {  	_ = 	snop;
	(pc) =	sbr.rel @p0 .LBB1_9-.Ltmp2, $1  }
0x1b: {  	_ =	sdelay $0x3  }
0x1c: {  	s14 =	sand.u32 $0x4000, s9  }
0x1d: {  	_ =	swait.ge [sflag:s5], $0x4000;
	s15 =	sshll.u32 s11, $0xE;
	s16 =	simm.s32 $0x0  }
0x1e: {  	s13 =	sor.u32 $0x40, s14;
	[sflag:s5] =	ssyncset.done $0x0;
	s15 =	sand.u32 $0x4000, s15  }
0x1f: {  	s14 =	sor.u32 $0x8040, s14;
	[sflag:s5] =	ssyncadd.s32 $0xFFFFC000;
	s15 =	sor.u32 $0x8000, s15  }
.LBB1_3:
0x20: {  	s17 =	smov.u32 s14;
	s18 =	smov.u32 s13;
	s19 =	simm.s32 $0x0  }
.LBB1_4:
0x21: {  	v0 =	vmov s17;
	v2 =	vld [tilespmem:s18+$0x30]  }
0x22: {  	v4 =	vld [tilespmem:s18+$0xFFFFFFD0]  }
0x23: {  	v6 =	vld [tilespmem:s18+$0xFFFFFFE0]  }
0x24: {  	v7 =	vld [tilespmem:s18+$0xFFFFFFF0]  }
0x25: {  	s20 =	simm.s32 $0x0;
	v1 =	vld [tilespmem:s18+$0x0]  }
0x26: {  	v3 =	vld [tilespmem:s18+$0x10];
	[tilespmem:v0+s20+$0x30 ss:$0x1] =	vst.idx.msk $0xffff, v2  }
0x27: {  	v5 =	vld [tilespmem:s18+$0x20];
	[tilespmem:v0+s20+$0xFFFFFFD0 ss:$0x1] =	vst.idx.msk $0xffff, v4  }
0x28: {  	s21 =	sadd.s32 $0x80, s18;
	v2 =	vld [tilespmem:s18+$0xFFFFFFC0];
	[tilespmem:v0+s20+$0xFFFFFFE0 ss:$0x1] =	vst.idx.msk $0xffff, v6  }
0x29: {  	s22 =	simm.s32 $0x800;
	s23 =	simm.s32 $0x1000;
	v4 =	vld [tilespmem:s21+$0x30];
	[tilespmem:v0+s20+$0xFFFFFFF0 ss:$0x1] =	vst.idx.msk $0xffff, v7  }
.LBB1_5:
0x2a: {  	p0 =	sne.s32 s23, $0x3800;
	v6 =	vld [tilespmem:s21+$0xFFFFFFD0];
	[tilespmem:v0+s20+$0x0 ss:$0x1] =	vst.idx.msk $0xffff, v1  }
0x2b: {  	v7 =	vld [tilespmem:s21+$0xFFFFFFE0];
	[tilespmem:v0+s20+$0x10 ss:$0x1] =	vst.idx.msk $0xffff, v3  }
0x2c: {  	v8 =	vld [tilespmem:s21+$0xFFFFFFF0];
	[tilespmem:v0+s20+$0x20 ss:$0x1] =	vst.idx.msk $0xffff, v5  }
.Ltmp3:
0x2d: {  	v1 =	vld [tilespmem:s21+$0x0];
	[tilespmem:v0+s20+$0xFFFFFFC0 ss:$0x1] =	vst.idx.msk $0xffff, v2;
	s20 =	sshra.s32 s22, $0x2;
	s22 =	smov.u32 s23;
	(pc) =	sbr.rel @p0 .LBB1_5-.Ltmp3, $4  }
0x2e: {  	v3 =	vld [tilespmem:s21+$0x10];
	[tilespmem:v0+s20+$0x30 ss:$0x1] =	vst.idx.msk $0xffff, v4  }
0x2f: {  	[tilespmem:v0+s20+$0xFFFFFFD0 ss:$0x1] =	vst.idx.msk $0xffff, v6;
	v5 =	vld [tilespmem:s21+$0x20]  }
0x30: {  	v2 =	vld [tilespmem:s21+$0xFFFFFFC0];
	[tilespmem:v0+s20+$0xFFFFFFE0 ss:$0x1] =	vst.idx.msk $0xffff, v7;
	s21 =	sadd.s32 $0x80, s21  }
0x31: {  	s23 =	sadd.s32 $0x800, s23;
	v4 =	vld [tilespmem:s21+$0x30];
	[tilespmem:v0+s20+$0xFFFFFFF0 ss:$0x1] =	vst.idx.msk $0xffff, v8  }
0x32: {  	_ =	sdelay $0x3  }
0x33: {  	v6 =	vld [tilespmem:s21+$0xFFFFFFD0];
	[tilespmem:v0+s20+$0x0 ss:$0x1] =	vst.idx.msk $0xffff, v1  }
0x34: {  	v58 =	vld [tilespmem:s21+$0xFFFFFFE0];
	[tilespmem:v0+s20+$0x10 ss:$0x1] =	vst.idx.msk $0xffff, v3  }
0x35: {  	v59 =	vld [tilespmem:s21+$0xFFFFFFF0];
	[tilespmem:v0+s20+$0x20 ss:$0x1] =	vst.idx.msk $0xffff, v5  }
0x36: {  	s22 =	sshra.s32 s22, $0x2;
	v60 =	vld [tilespmem:s21+$0x0];
	[tilespmem:v0+s20+$0xFFFFFFC0 ss:$0x1] =	vst.idx.msk $0xffff, v2  }
0x37: {  	v61 =	vld [tilespmem:s21+$0x10];
	[tilespmem:v0+s22+$0x30 ss:$0x1] =	vst.idx.msk $0xffff, v4  }
0x38: {  	v62 =	vld [tilespmem:s21+$0x20];
	s19 =	sadd.s32 $0x1, s19;
	[tilespmem:v0+s22+$0xFFFFFFD0 ss:$0x1] =	vst.idx.msk $0xffff, v6  }
0x39: {  	v63 =	vld [tilespmem:s21+$0xFFFFFFC0];
	p0 =	sne.s32 s19, $0x4;
	[tilespmem:v0+s22+$0xFFFFFFE0 ss:$0x1] =	vst.idx.msk $0xffff, v58  }
.Ltmp4:
0x3a: {  	[tilespmem:v0+s22+$0xFFFFFFF0 ss:$0x1] =	vst.idx.msk $0xffff, v59;
	(pc) =	sbr.rel @p0 .LBB1_4-.Ltmp4, $4  }
0x3b: {  	[tilespmem:v0+s22+$0x0 ss:$0x1] =	vst.idx.msk $0xffff, v60  }
0x3c: {  	[tilespmem:v0+s22+$0x10 ss:$0x1] =	vst.idx.msk $0xffff, v61  }
0x3d: {  	[tilespmem:v0+s22+$0x20 ss:$0x1] =	vst.idx.msk $0xffff, v62  }
0x3e: {  	s18 =	sadd.s32 $0x400, s18;
	s17 =	sadd.s32 $0x80, s17;
	[tilespmem:v0+s22+$0xFFFFFFC0 ss:$0x1] =	vst.idx.msk $0xffff, v63  }
0x3f: {  	s16 =	sadd.s32 $0x1, s16  }
0x40: {  	p0 =	sne.s32 s16, $0x4  }
.Ltmp5:
0x41: {  	_ = 	snop;
	(pc) =	sbr.rel @p0 .LBB1_3-.Ltmp5, $2  }
0x42: {  	_ =	sdelay $0x2  }
0x43: {  	s13 =	sadd.s32 $0x1000, s13;
	s14 =	sadd.s32 $0x1000, s14  }
.Ltmp6:
0x44: {  	(pc) =	sbr.rel .LBB1_9-.Ltmp6, $4  }
0x45: {  	_ = 	snop  }
0x46: {  	s12 =	sshll.u32 s12, $0x9  }
0x47: {  	s12 =	sadd.s32 s4, s12  }
0x48: {  	[hbm4b:s12+s8] =	stream.linear.scatter [tilespmem:s15], [sflag:$0x2], $0x4000, $0x38;
	[tilespmem:$0x10000] =	vst v63  }
.LBB1_10:
0x49: {  	_ =	sfence.sel $0x180000  }
0x4a: {  	s2 =	simm.s32 $0x1;
	[bflag:$0x0] =	sbarrier.arrive $0xFFFF  }
0x4b: {  	s31 =	simm.s32 $0x2;
	[sflag:s2] =	ssyncpa.u1 $0x1  }
0x4c: {  	[sflag:s31] =	ssyncpa.u1 $0x1  }
0x4d: {  	p0 =	sne.s32 s0, $0x0;
	_ =	strace $0x9000004A  }
0x4e: {  	s0 =	sadd.s32 @!p0 $0x100000, s1;
	[bflag:$0x2] =	sbarrier.arrive $0xFFFF  }
0x4f: {  	[sflag:s0] =	ssyncadd.tile.s32 @!p0 $0x1;
	_ =	shalt  }
.Lfunc_end1:
_tile_overlayer_lowered:
.L_overlay_start_2:
0x50: {  	(tag) =	ssettag $0x2  }
0x51: {  	s0 =	rddreg [dreg:$0x0];
	s2 =	stileid.u32  }
0x52: {  	s1 =	rddreg [dreg:$0x1];
	p0 =	sne.s32 s2, $0x0  }
0x53: {  	s3 =	rddreg [dreg:$0x2];
	[bflag:$0x3] =	sbarrier.arrive $0xFFFF;
	s2 =	simm.s32 @!p0 $0x1C01  }
0x54: {  	[timem:s3], [sflag:s2] =	dma.local @!p0 [hbm:s0], s1  }
0x55: {  	s0 =	simm.s32 @!p0 $0x1  }
0x56: {  	_ =	swait.ge @!p0 [sflag:s0], s1  }
0x57: {  	s1 =	ssub.s32 @!p0 $0x0, s1;
	[sflag:s0] =	ssyncset.done @!p0 $0x0  }
0x58: {  	[sflag:s0] =	ssyncadd.s32 @!p0 s1  }
0x59: {  	[bflag:$0x3] =	sbarrier.arrive $0xFFFF  }
0x5a: {  	_ =	shalt  }

</sc_bundles>
